<compile_context>
chip_gen: v7x
topology: tpu7x:2x2x1
jax: 0.10.2.dev20260603
libtpu: 0.0.44.dev20260713+nightly
codegen_flags: <defaults>
</compile_context>

<pallas_src>
import functools

import numpy as np
import jax
import jax.numpy as jnp
from jax import lax
from jax.experimental import pallas as pl
from jax.experimental.pallas import tpu as pltpu
from jax.experimental.pallas import tpu_sc as plsc

B, N, D = 4, 8192, 768
BLK = 1024
L = 16
NCH = N // L
SHIFT = 21
NBINS = 512
CAND = 512
IDS_PAD = 288


def _mask_ratio_const() -> float:
    rs = np.random.RandomState(42)
    lo, hi, loc, scale = 0.7, 1.0, 1.0, 0.25
    v = rs.normal(loc, scale)
    while not (lo <= v <= hi):
        v = rs.normal(loc, scale)
    return float(v)


NUM_KEEP = int(np.round((1.0 - _mask_ratio_const()) * N))



def _vsort_at(ck, cv, i):
    ks, vs = plsc.sort_key_val(ck[pl.ds(i * L, L)], cv[pl.ds(i * L, L)])
    ck[pl.ds(i * L, L)] = ks
    cv[pl.ds(i * L, L)] = vs


def _cmp_exchange(ck, cv, ia, ib):
    ka = ck[pl.ds(ia * L, L)]
    va = cv[pl.ds(ia * L, L)]
    kb = ck[pl.ds(ib * L, L)]
    vb = cv[pl.ds(ib * L, L)]
    sel = ka <= kb
    ck[pl.ds(ia * L, L)] = jnp.minimum(ka, kb)
    ck[pl.ds(ib * L, L)] = jnp.maximum(ka, kb)
    cv[pl.ds(ia * L, L)] = jnp.where(sel, va, vb)
    cv[pl.ds(ib * L, L)] = jnp.where(sel, vb, va)


def _select_row(u_v, hist_v, ck_v, cv_v):
    lanes = lax.iota(jnp.int32, L)
    ones = jnp.ones((L,), jnp.int32)
    lane_base = lanes * NBINS

    def z(i, _):
        hist_v[pl.ds(i * L, L)] = jnp.zeros((L,), jnp.int32)
        return 0
    lax.fori_loop(0, NBINS, z, 0)

    def h(k, _):
        bits = plsc.bitcast(u_v[pl.ds(k * L, L)], jnp.int32)
        bn = lax.shift_right_logical(bits, SHIFT)
        plsc.addupdate_scatter(hist_v, [lane_base + bn], ones)
        return 0
    lax.fori_loop(0, NCH, h, 0)

    def t(j, carry):
        run, nb = carry
        def tl(l, a):
            return a + hist_v[pl.ds(l * NBINS + j * L, L)]
        acc = lax.fori_loop(0, L, tl, jnp.zeros((L,), jnp.int32))
        cum = plsc.cumsum(acc) + run
        nb = nb + jnp.sum(jnp.where(cum < NUM_KEEP, 1, 0).astype(jnp.int32))
        return cum[L - 1], nb
    _, bstar = lax.fori_loop(0, NBINS // L, t, (jnp.int32(0), jnp.int32(0)))

    inf16 = jnp.full((L,), jnp.inf, jnp.float32)
    def pf(i, _):
        ck_v[pl.ds(i * L, L)] = inf16
        cv_v[pl.ds(i * L, L)] = jnp.zeros((L,), jnp.int32)
        return 0
    lax.fori_loop(0, CAND // L, pf, 0)

    def cp(k, wp):
        v = u_v[pl.ds(k * L, L)]
        bits = plsc.bitcast(v, jnp.int32)
        bn = lax.shift_right_logical(bits, SHIFT)
        pred = bn <= bstar
        pi = jnp.where(pred, 1, 0).astype(jnp.int32)
        pos = wp + plsc.cumsum(pi) - 1
        plsc.store_scatter(ck_v, [pos], v, mask=pred)
        plsc.store_scatter(cv_v, [pos], lanes + k * L, mask=pred)
        return wp + plsc.all_reduce_population_count(pred)[0]
    lax.fori_loop(0, NCH, cp, jnp.int32(0))

    nv = CAND // L

    def s0(i, _):
        _vsort_at(ck_v, cv_v, i)
        return 0
    lax.fori_loop(0, nv, s0, 0)

    m = 1
    while m < nv:
        npairs = nv // (2 * m)
        half = (m + 1) // 2

        def rev_body(t_, _, m=m, half=half):
            p = t_ // half
            i = t_ % half
            base = p * 2 * m + m
            j1 = base + i
            j2 = base + m - 1 - i
            a = ck_v[pl.ds(j1 * L, L)]
            av = cv_v[pl.ds(j1 * L, L)]
            bk = ck_v[pl.ds(j2 * L, L)]
            bv = cv_v[pl.ds(j2 * L, L)]
            ck_v[pl.ds(j1 * L, L)] = jnp.flip(bk, axis=0)
            cv_v[pl.ds(j1 * L, L)] = jnp.flip(bv, axis=0)
            ck_v[pl.ds(j2 * L, L)] = jnp.flip(a, axis=0)
            cv_v[pl.ds(j2 * L, L)] = jnp.flip(av, axis=0)
            return 0
        lax.fori_loop(0, npairs * half, rev_body, 0)

        j = m
        while j >= 1:
            def ex_body(t_, _, m=m, j=j):
                p = t_ // m
                q = t_ % m
                i = (q // j) * 2 * j + (q % j)
                base = p * 2 * m
                _cmp_exchange(ck_v, cv_v, base + i, base + i + j)
                return 0
            lax.fori_loop(0, npairs * m, ex_body, 0)
            j //= 2

        def sl(i, _):
            _vsort_at(ck_v, cv_v, i)
            return 0
        lax.fori_loop(0, nv, sl, 0)
        m *= 2


NW = 32
SPW = 40
SPB = (NW // B) * SPW


def _sel_body(u_hbm, ids_hbm, ids2_hbm, u_v, hist_v, ck_v, cv_v, ids_v, ids2_v):
    c = lax.axis_index("c")
    s = lax.axis_index("s")
    b = 2 * c + s

    @pl.when(s < 2)
    def _():
        pltpu.sync_copy(u_hbm.at[b], u_v)
        _select_row(u_v, hist_v, ck_v, cv_v)

        for i in range(IDS_PAD // L):
            ids_v[pl.ds(i * L, L)] = cv_v[pl.ds(i * L, L)]

        base = b * N
        lanes = lax.iota(jnp.int32, L)
        _lv = cv_v[pl.ds(((NUM_KEEP - 1) // L) * L, L)]
        last = _lv[(NUM_KEEP - 1) % L] + base
        for i in range(IDS_PAD // L):
            v = cv_v[pl.ds(i * L, L)] + base
            nvalid = NUM_KEEP - i * L
            if nvalid >= L:
                ids2_v[pl.ds(i * L, L)] = v
            else:
                ids2_v[pl.ds(i * L, L)] = jnp.where(lanes < nvalid, v, last)
        lastv = jnp.zeros((L,), jnp.int32) + last
        for i in range(IDS_PAD // L, SPB // L):
            ids2_v[pl.ds(i * L, L)] = lastv

        pltpu.sync_copy(ids_v, ids_hbm.at[b])
        pltpu.sync_copy(ids2_v, ids2_hbm.at[pl.ds(b * SPB, SPB)])


@functools.cache
def _make_selection():
    mesh = plsc.VectorSubcoreMesh(core_axis_name="c", subcore_axis_name="s",
                                  num_cores=2, num_subcores=16)
    return pl.kernel(
        _sel_body,
        out_type=(
            jax.ShapeDtypeStruct((B, IDS_PAD), jnp.int32),
            jax.ShapeDtypeStruct((B * SPB,), jnp.int32),
        ),
        mesh=mesh,
        scratch_types=(
            pltpu.VMEM((N,), jnp.float32),
            pltpu.VMEM((NBINS * L,), jnp.int32),
            pltpu.VMEM((CAND,), jnp.float32),
            pltpu.VMEM((CAND,), jnp.int32),
            pltpu.VMEM((IDS_PAD,), jnp.int32),
            pltpu.VMEM((SPB,), jnp.int32),
        ),
        compiler_params=pltpu.CompilerParams(needs_layout_passes=False),
    )


def _scat_body(ids2_hbm, x_hbm, out_ref, idx_v, rows_v, sem):
    c = lax.axis_index("c")
    s = lax.axis_index("s")
    w = c * 16 + s
    pltpu.sync_copy(ids2_hbm.at[pl.ds(w * SPW, SPW)], idx_v)
    pltpu.async_copy(x_hbm.at[idx_v], rows_v, sem).wait()
    pltpu.sync_copy(rows_v, out_ref.at[idx_v])


@functools.cache
def _make_scatter():
    mesh = plsc.VectorSubcoreMesh(core_axis_name="c", subcore_axis_name="s",
                                  num_cores=2, num_subcores=16)
    return pl.kernel(
        _scat_body,
        out_type=(),
        mesh=mesh,
        scratch_types=(
            pltpu.VMEM((SPW,), jnp.int32),
            pltpu.VMEM((SPW, D), jnp.float32),
            pltpu.SemaphoreType.DMA,
        ),
        compiler_params=pltpu.CompilerParams(needs_layout_passes=False),
    )



def _fill_body(tok_ref, o_ref):
    tok = tok_ref[...]
    o_ref[...] = jnp.broadcast_to(tok[None], o_ref.shape)


def _fill(mask_token):
    return pl.pallas_call(
        _fill_body,
        grid=(B, N // BLK),
        in_specs=[pl.BlockSpec((1, D), lambda b, j: (0, 0))],
        out_specs=pl.BlockSpec((1, BLK, D), lambda b, j: (b, j, 0)),
        out_shape=jax.ShapeDtypeStruct((B, N, D), jnp.float32),
    )(mask_token)


def kernel(x, mask_token):
    u = jax.random.uniform(jax.random.key(123), (B, N, 1), dtype=x.dtype)
    ids_pad, ids2 = _make_selection()(u[:, :, 0])
    prev_ids = ids_pad[:, :NUM_KEEP, None]
    filled = _fill(mask_token)
    out_ref = jax.new_ref(filled.reshape(B * N, D))
    _make_scatter()(ids2, x.reshape(B * N, D), out_ref)
    out = out_ref[...].reshape(B, N, D)
    return (out, prev_ids)

# --- scband reference (transcript-rebuilt; emitter-appended) ---
"""Pipeline reference for scband-mask-embed-22789096472862 (READ-ONLY COPY).

The authoritative reference and input builder live on the scoring server;
editing this copy changes nothing except your own understanding.
"""

import jax, jax.numpy as jnp
import numpy as np


def _sample_mask_ratio():
    # Faithful truncnorm(a=(0.7-1)/0.25, b=(1.0-1)/0.25, loc=1, scale=0.25) sample
    # via deterministic rejection sampling (same distribution as scipy truncnorm).
    rs = np.random.RandomState(42)
    lo, hi, loc, scale = 0.7, 1.0, 1.0, 0.25
    v = rs.normal(loc, scale)
    while not (lo <= v <= hi):
        v = rs.normal(loc, scale)
    return float(v)


def setup_inputs(seed: int = 0) -> dict:
    key = jax.random.key(seed)
    k1, k2 = jax.random.split(key)
    x = jax.random.normal(k1, (4, 8192, 768), dtype=jnp.float32)
    # learned parameter: mask_token, init normal std=0.02 (bos_token unused in forward)
    mask_token = jax.random.normal(k2, (1, 768), dtype=jnp.float32) * 0.02
    return {"x": x, "mask_token": mask_token}


def reference(x, mask_token):
    # Training-path forward of MaskEmbed:
    #   u_dist = rand(B, N, 1); mask_ratio ~ truncnorm; keep ids = argsort(u_dist)[:, :round((1-r)*N)]
    #   mask = ones scattered to 0 at kept ids; out = x*(1-mask) + mask_token*mask
    B, N, D = x.shape
    u_dist = jax.random.uniform(jax.random.key(123), (B, N, 1), dtype=x.dtype)
    mask_ratio = _sample_mask_ratio()
    num_keep = int(np.round((1.0 - mask_ratio) * N))
    prev_ids = jnp.argsort(u_dist, axis=1)[:, :num_keep]  # [B, num_keep, 1]
    mask = jnp.ones((B, N, 1), dtype=x.dtype)
    b_idx = jnp.arange(B)[:, None]
    mask = mask.at[b_idx, prev_ids[:, :, 0], 0].set(0.0)
    out = x * (1.0 - mask) + mask_token * mask
    return (out, prev_ids)

if __name__ == "__main__":
    import jax
    _d = setup_inputs()
    print(jax.jit(kernel)(*tuple(_d.values())))

</pallas_src>

<mosaic_0001>
#map = affine_map<(d0, d1) -> (0)>
#map1 = affine_map<(d0, d1) -> (0, 0)>
module attributes {stable_mosaic.version = 14 : i64} {
  func.func @new_body(%arg0: i32, %arg1: i32, %arg2: memref<1280xi32, #tpu.memory_space<hbm>>, %arg3: memref<32768x768xf32, #tpu.memory_space<hbm>>, %arg4: memref<32768x768xf32, #tpu.memory_space<hbm>>, %arg5: memref<32768x768xf32, #tpu.memory_space<hbm>>, %arg6: memref<40xi32, #tpu.memory_space<vmem>>, %arg7: memref<40x768xf32, #tpu.memory_space<vmem>>, %arg8: memref<!tpu.dma_semaphore, #tpu.memory_space<semaphore_mem>>) attributes {dimension_semantics = [#tpu.dimension_semantics<core_parallel>, #tpu.dimension_semantics<subcore_parallel>], iteration_bounds = array<i64: 2, 16>, scalar_prefetch = 0 : i64, scratch_operands = 3 : i64, tpu.core_type = #tpu.core_type<sc_vector_subcore>, window_params = [{transform_indices = #map}, {transform_indices = #map1}, {transform_indices = #map1}, {transform_indices = #map1}]} {
    %mul3A = arith.constant 16 : i32
    %mul3A_0 = arith.muli %arg0, %mul3A : i32
    %add3A = arith.addi %mul3A_0, %arg1 : i32
    %mul3A_1 = arith.constant 40 : i32
    %mul3A_2 = arith.muli %add3A, %mul3A_1 : i32
    "tpu.region"() ({
      %run_scoped3A = tpu.sem_alloc : memref<!tpu.dma_semaphore, #tpu.memory_space<semaphore_mem>>
      %dma_start3A_7 = tpu.memref_slice %arg2[%mul3A_2] : memref<1280xi32, #tpu.memory_space<hbm>> -> memref<40xi32, #tpu.memory_space<hbm>>
      %dma_start3A_8 = tpu.memref_slice %arg2[%mul3A_2] : memref<1280xi32, #tpu.memory_space<hbm>> -> memref<40xi32, #tpu.memory_space<hbm>>
      tpu.enqueue_dma source(%dma_start3A_8 : memref<40xi32, #tpu.memory_space<hbm>>) target(%arg6 : memref<40xi32, #tpu.memory_space<vmem>>) target_semaphore(%run_scoped3A : memref<!tpu.dma_semaphore, #tpu.memory_space<semaphore_mem>>)
      %dma_wait3A_9 = tpu.memref_slice %arg2[%mul3A_2] : memref<1280xi32, #tpu.memory_space<hbm>> -> memref<40xi32, #tpu.memory_space<hbm>>
      %dma_wait3A_10 = tpu.memref_slice %arg2[%mul3A_2] : memref<1280xi32, #tpu.memory_space<hbm>> -> memref<40xi32, #tpu.memory_space<hbm>>
      tpu.wait_dma2 semaphore(%run_scoped3A : memref<!tpu.dma_semaphore, #tpu.memory_space<semaphore_mem>>) src(%dma_wait3A_10 : memref<40xi32, #tpu.memory_space<hbm>>) dst(%arg6 : memref<40xi32, #tpu.memory_space<vmem>>)
      tpu.yield
    }) : () -> ()
    %dma_start3A = arith.constant 0 : i32
    %dma_start3A_3 = arith.constant 0 : i32
    %dma_start3A_4 = tpu.memref_slice %arg3[%dma_start3A, %dma_start3A_3] : memref<32768x768xf32, #tpu.memory_space<hbm>> -> memref<32768x768xf32, #tpu.memory_space<hbm>>
    tpu.enqueue_indirect_dma source(%dma_start3A_4 : memref<32768x768xf32, #tpu.memory_space<hbm>>) target(%arg7 : memref<40x768xf32, #tpu.memory_space<vmem>>) offsets(%arg6 : memref<40xi32, #tpu.memory_space<vmem>>) semaphore(%arg8 : memref<!tpu.dma_semaphore, #tpu.memory_space<semaphore_mem>>)
    %dma_wait3A = arith.constant 0 : i32
    %dma_wait3A_5 = arith.constant 0 : i32
    %dma_wait3A_6 = tpu.memref_slice %arg3[%dma_wait3A, %dma_wait3A_5] : memref<32768x768xf32, #tpu.memory_space<hbm>> -> memref<32768x768xf32, #tpu.memory_space<hbm>>
    tpu.wait_indirect_dma semaphore(%arg8 : memref<!tpu.dma_semaphore, #tpu.memory_space<semaphore_mem>>) src(%dma_wait3A_6 : memref<32768x768xf32, #tpu.memory_space<hbm>>) dst(%arg7 : memref<40x768xf32, #tpu.memory_space<vmem>>)
    "tpu.region"() ({
      %run_scoped3A = tpu.sem_alloc : memref<!tpu.dma_semaphore, #tpu.memory_space<semaphore_mem>>
      %dma_start3A_7 = arith.constant 0 : i32
      %dma_start3A_8 = arith.constant 0 : i32
      %dma_start3A_9 = tpu.memref_slice %arg4[%dma_start3A_7, %dma_start3A_8] : memref<32768x768xf32, #tpu.memory_space<hbm>> -> memref<32768x768xf32, #tpu.memory_space<hbm>>
      tpu.enqueue_indirect_dma source(%arg7 : memref<40x768xf32, #tpu.memory_space<vmem>>) target(%dma_start3A_9 : memref<32768x768xf32, #tpu.memory_space<hbm>>) offsets(%arg6 : memref<40xi32, #tpu.memory_space<vmem>>) semaphore(%run_scoped3A : memref<!tpu.dma_semaphore, #tpu.memory_space<semaphore_mem>>)
      %dma_wait3A_10 = arith.constant 0 : i32
      %dma_wait3A_11 = arith.constant 0 : i32
      %dma_wait3A_12 = tpu.memref_slice %arg4[%dma_wait3A_10, %dma_wait3A_11] : memref<32768x768xf32, #tpu.memory_space<hbm>> -> memref<32768x768xf32, #tpu.memory_space<hbm>>
      tpu.wait_indirect_dma semaphore(%run_scoped3A : memref<!tpu.dma_semaphore, #tpu.memory_space<semaphore_mem>>) src(%arg7 : memref<40x768xf32, #tpu.memory_space<vmem>>) dst(%dma_wait3A_12 : memref<32768x768xf32, #tpu.memory_space<hbm>>)
      tpu.yield
    }) : () -> ()
    return
  }
}

#map = affine_map<(d0, d1) -> (0, 0)>
#map1 = affine_map<(d0, d1) -> (0)>
module attributes {stable_mosaic.version = 14 : i64} {
  func.func @_sel_body(%arg0: i32, %arg1: i32, %arg2: memref<4x8192xf32, #tpu.memory_space<hbm>>, %arg3: memref<4x288xi32, #tpu.memory_space<hbm>>, %arg4: memref<1280xi32, #tpu.memory_space<hbm>>, %arg5: memref<8192xf32, #tpu.memory_space<vmem>>, %arg6: memref<8192xi32, #tpu.memory_space<vmem>>, %arg7: memref<512xf32, #tpu.memory_space<vmem>>, %arg8: memref<512xi32, #tpu.memory_space<vmem>>, %arg9: memref<288xi32, #tpu.memory_space<vmem>>, %arg10: memref<320xi32, #tpu.memory_space<vmem>>) attributes {dimension_semantics = [#tpu.dimension_semantics<core_parallel>, #tpu.dimension_semantics<subcore_parallel>], iteration_bounds = array<i64: 2, 16>, scalar_prefetch = 0 : i64, scratch_operands = 6 : i64, tpu.core_type = #tpu.core_type<sc_vector_subcore>, window_params = [{transform_indices = #map}, {transform_indices = #map}, {transform_indices = #map1}]} {
    %mul3A = arith.constant 2 : i32
    %mul3A_0 = arith.muli %mul3A, %arg0 : i32
    %add3A = arith.addi %mul3A_0, %arg1 : i32
    %lt3A = arith.constant 2 : i32
    %lt3A_1 = arith.cmpi slt, %arg1, %lt3A : i32
    %convert_element_type3A = arith.extui %lt3A_1 : i1 to i32
    %cond3A = arith.constant 0 : i32
    %cond3A_2 = arith.cmpi ne, %convert_element_type3A, %cond3A : i32
    scf.if %cond3A_2 {
      "tpu.region"() ({
        %run_scoped3A = tpu.sem_alloc : memref<!tpu.dma_semaphore, #tpu.memory_space<semaphore_mem>>
        %dma_start3A = arith.constant 0 : i32
        %dma_start3A_424 = tpu.memref_slice %arg2[%add3A, %dma_start3A] : memref<4x8192xf32, #tpu.memory_space<hbm>> -> memref<1x8192xf32, #tpu.memory_space<hbm>>
        %dma_start3A_425 = tpu.memref_squeeze %dma_start3A_424 : memref<1x8192xf32, #tpu.memory_space<hbm>> -> memref<8192xf32, #tpu.memory_space<hbm>>
        %dma_start3A_426 = arith.constant 0 : i32
        %dma_start3A_427 = tpu.memref_slice %arg2[%add3A, %dma_start3A_426] : memref<4x8192xf32, #tpu.memory_space<hbm>> -> memref<1x8192xf32, #tpu.memory_space<hbm>>
        %dma_start3A_428 = tpu.memref_squeeze %dma_start3A_427 : memref<1x8192xf32, #tpu.memory_space<hbm>> -> memref<8192xf32, #tpu.memory_space<hbm>>
        tpu.enqueue_dma source(%dma_start3A_428 : memref<8192xf32, #tpu.memory_space<hbm>>) target(%arg5 : memref<8192xf32, #tpu.memory_space<vmem>>) target_semaphore(%run_scoped3A : memref<!tpu.dma_semaphore, #tpu.memory_space<semaphore_mem>>)
        %dma_wait3A = arith.constant 0 : i32
        %dma_wait3A_429 = tpu.memref_slice %arg2[%add3A, %dma_wait3A] : memref<4x8192xf32, #tpu.memory_space<hbm>> -> memref<1x8192xf32, #tpu.memory_space<hbm>>
        %dma_wait3A_430 = tpu.memref_squeeze %dma_wait3A_429 : memref<1x8192xf32, #tpu.memory_space<hbm>> -> memref<8192xf32, #tpu.memory_space<hbm>>
        %dma_wait3A_431 = arith.constant 0 : i32
        %dma_wait3A_432 = tpu.memref_slice %arg2[%add3A, %dma_wait3A_431] : memref<4x8192xf32, #tpu.memory_space<hbm>> -> memref<1x8192xf32, #tpu.memory_space<hbm>>
        %dma_wait3A_433 = tpu.memref_squeeze %dma_wait3A_432 : memref<1x8192xf32, #tpu.memory_space<hbm>> -> memref<8192xf32, #tpu.memory_space<hbm>>
        tpu.wait_dma2 semaphore(%run_scoped3A : memref<!tpu.dma_semaphore, #tpu.memory_space<semaphore_mem>>) src(%dma_wait3A_433 : memref<8192xf32, #tpu.memory_space<hbm>>) dst(%arg5 : memref<8192xf32, #tpu.memory_space<vmem>>)
        tpu.yield
      }) : () -> ()
      %iota3A = tpu.iota {dimensions = array<i32: 0>} : vector<16xi32>
      %broadcast_in_dim3A = arith.constant 1 : i32
      %broadcast_in_dim3A_3 = vector.broadcast %broadcast_in_dim3A : i32 to vector<16xi32>
      %mul3A_4 = arith.constant 512 : i32
      %mul3A_5 = vector.broadcast %mul3A_4 : i32 to vector<16xi32>
      %mul3A_6 = arith.muli %iota3A, %mul3A_5 : vector<16xi32>
      %scan3A = arith.constant 0 : i32
      %scan3A_7 = arith.constant 0 : i32
      %scan3A_8 = arith.constant 512 : i32
      %scan3A_9 = arith.addi %scan3A_7, %scan3A_8 : i32
      %scan3A_10 = arith.constant 1 : i32
      %scan3A_11 = scf.for %scan3A_424 = %scan3A_7 to %scan3A_9 step %scan3A_10 iter_args(%scan3A_425 = %scan3A) -> (i32)  : i32 {
        %broadcast_in_dim3A_426 = arith.constant 0 : i32
        %broadcast_in_dim3A_427 = vector.broadcast %broadcast_in_dim3A_426 : i32 to vector<16xi32>
        %mul3A_428 = arith.constant 16 : i32
        %mul3A_429 = arith.muli %scan3A_424, %mul3A_428 : i32
        %swap3A_430 = arith.index_cast %mul3A_429 : i32 to index
        %swap3A_431 = tpu.vector_load %arg6[%swap3A_430] {strides = array<i32>} : memref<8192xi32, #tpu.memory_space<vmem>>, vector<16xi32>,
        tpu.vector_store %arg6[%swap3A_430], %broadcast_in_dim3A_427 {strides = array<i32>} : memref<8192xi32, #tpu.memory_space<vmem>>, vector<16xi32>,
        %scan3A_432 = arith.constant 0 : i32
        scf.yield %scan3A_432 : i32
      }
      %scan3A_12 = arith.constant 512 : i32
      %scan3A_13 = arith.constant 0 : i32
      %scan3A_14 = arith.constant 0 : i32
      %scan3A_15 = arith.constant 512 : i32
      %scan3A_16 = arith.addi %scan3A_14, %scan3A_15 : i32
      %scan3A_17 = arith.constant 1 : i32
      %scan3A_18 = scf.for %scan3A_424 = %scan3A_14 to %scan3A_16 step %scan3A_17 iter_args(%scan3A_425 = %scan3A_13) -> (i32)  : i32 {
        %mul3A_426 = arith.constant 16 : i32
        %mul3A_427 = arith.muli %scan3A_424, %mul3A_426 : i32
        %get3A_428 = arith.index_cast %mul3A_427 : i32 to index
        %get3A_429 = tpu.vector_load %arg5[%get3A_428] {strides = array<i32>} : memref<8192xf32, #tpu.memory_space<vmem>>, vector<16xf32>,
        %bitcast3A = vector.bitcast %get3A_429 : vector<16xf32> to vector<16xi32>
        %shift_right_logical3A = arith.constant 21 : i32
        %shift_right_logical3A_430 = vector.broadcast %shift_right_logical3A : i32 to vector<16xi32>
        %shift_right_logical3A_431 = arith.shrui %bitcast3A, %shift_right_logical3A_430 : vector<16xi32>
        %add3A_432 = arith.addi %mul3A_6, %shift_right_logical3A_431 : vector<16xi32>
        tpu.vector_store_idx %arg6[%add3A_432], %broadcast_in_dim3A_3 {add = true} : memref<8192xi32, #tpu.memory_space<vmem>>[vector<16xi32>], vector<16xi32>,
        %scan3A_433 = arith.constant 0 : i32
        scf.yield %scan3A_433 : i32
      }
      %scan3A_19 = arith.constant 512 : i32
      %scan3A_20 = arith.constant 0 : i32
      %scan3A_21 = arith.constant 0 : i32
      %scan3A_22 = arith.constant 0 : i32
      %scan3A_23 = arith.constant 32 : i32
      %scan3A_24 = arith.addi %scan3A_22, %scan3A_23 : i32
      %scan3A_25 = arith.constant 1 : i32
      %scan3A_26:2 = scf.for %scan3A_424 = %scan3A_22 to %scan3A_24 step %scan3A_25 iter_args(%scan3A_425 = %scan3A_20, %scan3A_426 = %scan3A_21) -> (i32, i32)  : i32 {
        %broadcast_in_dim3A_427 = arith.constant 0 : i32
        %broadcast_in_dim3A_428 = vector.broadcast %broadcast_in_dim3A_427 : i32 to vector<16xi32>
        %scan3A_429 = arith.constant 0 : i32
        %scan3A_430 = arith.constant 16 : i32
        %scan3A_431 = arith.addi %scan3A_429, %scan3A_430 : i32
        %scan3A_432 = arith.constant 1 : i32
        %scan3A_433 = scf.for %scan3A_452 = %scan3A_429 to %scan3A_431 step %scan3A_432 iter_args(%scan3A_453 = %broadcast_in_dim3A_428) -> (vector<16xi32>)  : i32 {
          %mul3A_454 = arith.constant 512 : i32
          %mul3A_455 = arith.muli %scan3A_452, %mul3A_454 : i32
          %mul3A_456 = arith.constant 16 : i32
          %mul3A_457 = arith.muli %scan3A_424, %mul3A_456 : i32
          %add3A_458 = arith.addi %mul3A_455, %mul3A_457 : i32
          %get3A_459 = arith.index_cast %add3A_458 : i32 to index
          %get3A_460 = tpu.vector_load %arg6[%get3A_459] {strides = array<i32>} : memref<8192xi32, #tpu.memory_space<vmem>>, vector<16xi32>,
          %add3A_461 = arith.addi %scan3A_453, %get3A_460 : vector<16xi32>
          scf.yield %add3A_461 : vector<16xi32>
        }
        %scan3A_434 = arith.constant 16 : i32
        %broadcast_in_dim3A_435 = arith.constant true
        %broadcast_in_dim3A_436 = vector.broadcast %broadcast_in_dim3A_435 : i1 to vector<16xi1>
        %masked_cumsum3A = tpu.scan <sum>, %scan3A_433 masked %broadcast_in_dim3A_436 : vector<16xi32>, vector<16xi1> -> vector<16xi32>
        %add3A_437 = vector.broadcast %scan3A_425 : i32 to vector<16xi32>
        %add3A_438 = arith.addi %masked_cumsum3A, %add3A_437 : vector<16xi32>
        %lt3A_439 = arith.constant 283 : i32
        %lt3A_440 = vector.broadcast %lt3A_439 : i32 to vector<16xi32>
        %lt3A_441 = arith.cmpi slt, %add3A_438, %lt3A_440 : vector<16xi32>
        %jit3A = arith.constant 1 : i32
        %jit3A_442 = arith.constant 0 : i32
        %broadcast_in_dim3A_443 = vector.broadcast %jit3A : i32 to vector<16xi32>
        %broadcast_in_dim3A_444 = vector.broadcast %jit3A_442 : i32 to vector<16xi32>
        %select_n3A_445 = arith.select %lt3A_441, %broadcast_in_dim3A_443, %broadcast_in_dim3A_444 : vector<16xi1>, vector<16xi32>
        %reduce_sum3A = arith.constant true
        %reduce_sum3A_446 = vector.broadcast %reduce_sum3A : i1 to vector<16xi1>
        %reduce_sum3A_447 = tpu.scan <sum>, %select_n3A_445 masked %reduce_sum3A_446 : vector<16xi32>, vector<16xi1> -> vector<16xi32>
        %reduce_sum3A_448 = vector.extract %reduce_sum3A_447[15] : i32 from vector<16xi32>
        %add3A_449 = arith.addi %scan3A_426, %reduce_sum3A_448 : i32
        %slice3A_450 = vector.extract_strided_slice %add3A_438 {offsets = [15], sizes = [1], strides = [1]} : vector<16xi32> to vector<1xi32>
        %squeeze3A_451 = vector.extract %slice3A_450[0] : i32 from vector<1xi32>
        scf.yield %squeeze3A_451, %add3A_449 : i32, i32
      }
      %scan3A_27 = arith.constant 32 : i32
      %broadcast_in_dim3A_28 = arith.constant 0x7F800000 : f32
      %broadcast_in_dim3A_29 = vector.broadcast %broadcast_in_dim3A_28 : f32 to vector<16xf32>
      %scan3A_30 = arith.constant 0 : i32
      %scan3A_31 = arith.constant 0 : i32
      %scan3A_32 = arith.constant 32 : i32
      %scan3A_33 = arith.addi %scan3A_31, %scan3A_32 : i32
      %scan3A_34 = arith.constant 1 : i32
      %scan3A_35 = scf.for %scan3A_424 = %scan3A_31 to %scan3A_33 step %scan3A_34 iter_args(%scan3A_425 = %scan3A_30) -> (i32)  : i32 {
        %mul3A_426 = arith.constant 16 : i32
        %mul3A_427 = arith.muli %scan3A_424, %mul3A_426 : i32
        %swap3A_428 = arith.index_cast %mul3A_427 : i32 to index
        %swap3A_429 = tpu.vector_load %arg7[%swap3A_428] {strides = array<i32>} : memref<512xf32, #tpu.memory_space<vmem>>, vector<16xf32>,
        tpu.vector_store %arg7[%swap3A_428], %broadcast_in_dim3A_29 {strides = array<i32>} : memref<512xf32, #tpu.memory_space<vmem>>, vector<16xf32>,
        %broadcast_in_dim3A_430 = arith.constant 0 : i32
        %broadcast_in_dim3A_431 = vector.broadcast %broadcast_in_dim3A_430 : i32 to vector<16xi32>
        %mul3A_432 = arith.constant 16 : i32
        %mul3A_433 = arith.muli %scan3A_424, %mul3A_432 : i32
        %swap3A_434 = arith.index_cast %mul3A_433 : i32 to index
        %swap3A_435 = tpu.vector_load %arg8[%swap3A_434] {strides = array<i32>} : memref<512xi32, #tpu.memory_space<vmem>>, vector<16xi32>,
        tpu.vector_store %arg8[%swap3A_434], %broadcast_in_dim3A_431 {strides = array<i32>} : memref<512xi32, #tpu.memory_space<vmem>>, vector<16xi32>,
        %scan3A_436 = arith.constant 0 : i32
        scf.yield %scan3A_436 : i32
      }
      %scan3A_36 = arith.constant 32 : i32
      %scan3A_37 = arith.constant 0 : i32
      %scan3A_38 = arith.constant 0 : i32
      %scan3A_39 = arith.constant 512 : i32
      %scan3A_40 = arith.addi %scan3A_38, %scan3A_39 : i32
      %scan3A_41 = arith.constant 1 : i32
      %scan3A_42 = scf.for %scan3A_424 = %scan3A_38 to %scan3A_40 step %scan3A_41 iter_args(%scan3A_425 = %scan3A_37) -> (i32)  : i32 {
        %mul3A_426 = arith.constant 16 : i32
        %mul3A_427 = arith.muli %scan3A_424, %mul3A_426 : i32
        %get3A_428 = arith.index_cast %mul3A_427 : i32 to index
        %get3A_429 = tpu.vector_load %arg5[%get3A_428] {strides = array<i32>} : memref<8192xf32, #tpu.memory_space<vmem>>, vector<16xf32>,
        %bitcast3A = vector.bitcast %get3A_429 : vector<16xf32> to vector<16xi32>
        %shift_right_logical3A = arith.constant 21 : i32
        %shift_right_logical3A_430 = vector.broadcast %shift_right_logical3A : i32 to vector<16xi32>
        %shift_right_logical3A_431 = arith.shrui %bitcast3A, %shift_right_logical3A_430 : vector<16xi32>
        %le3A = vector.broadcast %scan3A_26#1 : i32 to vector<16xi32>
        %le3A_432 = arith.cmpi sle, %shift_right_logical3A_431, %le3A : vector<16xi32>
        %jit3A = arith.constant 1 : i32
        %jit3A_433 = arith.constant 0 : i32
        %broadcast_in_dim3A_434 = vector.broadcast %jit3A : i32 to vector<16xi32>
        %broadcast_in_dim3A_435 = vector.broadcast %jit3A_433 : i32 to vector<16xi32>
        %select_n3A_436 = arith.select %le3A_432, %broadcast_in_dim3A_434, %broadcast_in_dim3A_435 : vector<16xi1>, vector<16xi32>
        %broadcast_in_dim3A_437 = arith.constant true
        %broadcast_in_dim3A_438 = vector.broadcast %broadcast_in_dim3A_437 : i1 to vector<16xi1>
        %masked_cumsum3A = tpu.scan <sum>, %select_n3A_436 masked %broadcast_in_dim3A_438 : vector<16xi32>, vector<16xi1> -> vector<16xi32>
        %add3A_439 = vector.broadcast %scan3A_425 : i32 to vector<16xi32>
        %add3A_440 = arith.addi %add3A_439, %masked_cumsum3A : vector<16xi32>
        %sub3A = arith.constant 1 : i32
        %sub3A_441 = vector.broadcast %sub3A : i32 to vector<16xi32>
        %sub3A_442 = arith.subi %add3A_440, %sub3A_441 : vector<16xi32>
        tpu.vector_store_idx %arg7[%sub3A_442], %get3A_429 masked %le3A_432 : memref<512xf32, #tpu.memory_space<vmem>>[vector<16xi32>], vector<16xf32>, vector<16xi1>
        %mul3A_443 = arith.constant 16 : i32
        %mul3A_444 = arith.muli %scan3A_424, %mul3A_443 : i32
        %add3A_445 = vector.broadcast %mul3A_444 : i32 to vector<16xi32>
        %add3A_446 = arith.addi %iota3A, %add3A_445 : vector<16xi32>
        tpu.vector_store_idx %arg8[%sub3A_442], %add3A_446 masked %le3A_432 : memref<512xi32, #tpu.memory_space<vmem>>[vector<16xi32>], vector<16xi32>, vector<16xi1>
        %all_reduce_population_count3A = tpu.all_reduce %le3A_432 {dim = 0 : i64, kind = #tpu.reduction_kind<sum>} : vector<16xi1> -> vector<16xi32>
        %slice3A_447 = vector.extract_strided_slice %all_reduce_population_count3A {offsets = [0], sizes = [1], strides = [1]} : vector<16xi32> to vector<1xi32>
        %squeeze3A_448 = vector.extract %slice3A_447[0] : i32 from vector<1xi32>
        %add3A_449 = arith.addi %scan3A_425, %squeeze3A_448 : i32
        scf.yield %add3A_449 : i32
      }
      %scan3A_43 = arith.constant 512 : i32
      %scan3A_44 = arith.constant 0 : i32
      %scan3A_45 = arith.constant 0 : i32
      %scan3A_46 = arith.constant 32 : i32
      %scan3A_47 = arith.addi %scan3A_45, %scan3A_46 : i32
      %scan3A_48 = arith.constant 1 : i32
      %scan3A_49 = scf.for %scan3A_424 = %scan3A_45 to %scan3A_47 step %scan3A_48 iter_args(%scan3A_425 = %scan3A_44) -> (i32)  : i32 {
        %mul3A_426 = arith.constant 16 : i32
        %mul3A_427 = arith.muli %scan3A_424, %mul3A_426 : i32
        %get3A_428 = arith.index_cast %mul3A_427 : i32 to index
        %get3A_429 = tpu.vector_load %arg7[%get3A_428] {strides = array<i32>} : memref<512xf32, #tpu.memory_space<vmem>>, vector<16xf32>,
        %mul3A_430 = arith.constant 16 : i32
        %mul3A_431 = arith.muli %scan3A_424, %mul3A_430 : i32
        %get3A_432 = arith.index_cast %mul3A_431 : i32 to index
        %get3A_433 = tpu.vector_load %arg8[%get3A_432] {strides = array<i32>} : memref<512xi32, #tpu.memory_space<vmem>>, vector<16xi32>,
        %masked_sort3A = arith.constant dense<true> : vector<16xi1>
        %masked_sort3A_434, %masked_sort3A_435, %masked_sort3A_436 = tpu.sort %get3A_429, %get3A_433 masked %masked_sort3A : (vector<16xf32>, vector<16xi32>, vector<16xi1>) -> (vector<16xi1>, vector<16xf32>, vector<16xi32>)
        %mul3A_437 = arith.constant 16 : i32
        %mul3A_438 = arith.muli %scan3A_424, %mul3A_437 : i32
        %swap3A_439 = arith.index_cast %mul3A_438 : i32 to index
        %swap3A_440 = tpu.vector_load %arg7[%swap3A_439] {strides = array<i32>} : memref<512xf32, #tpu.memory_space<vmem>>, vector<16xf32>,
        tpu.vector_store %arg7[%swap3A_439], %masked_sort3A_435 {strides = array<i32>} : memref<512xf32, #tpu.memory_space<vmem>>, vector<16xf32>,
        %mul3A_441 = arith.constant 16 : i32
        %mul3A_442 = arith.muli %scan3A_424, %mul3A_441 : i32
        %swap3A_443 = arith.index_cast %mul3A_442 : i32 to index
        %swap3A_444 = tpu.vector_load %arg8[%swap3A_443] {strides = array<i32>} : memref<512xi32, #tpu.memory_space<vmem>>, vector<16xi32>,
        tpu.vector_store %arg8[%swap3A_443], %masked_sort3A_436 {strides = array<i32>} : memref<512xi32, #tpu.memory_space<vmem>>, vector<16xi32>,
        %scan3A_445 = arith.constant 0 : i32
        scf.yield %scan3A_445 : i32
      }
      %scan3A_50 = arith.constant 32 : i32
      %scan3A_51 = arith.constant 0 : i32
      %scan3A_52 = arith.constant 0 : i32
      %scan3A_53 = arith.constant 16 : i32
      %scan3A_54 = arith.addi %scan3A_52, %scan3A_53 : i32
      %scan3A_55 = arith.constant 1 : i32
      %scan3A_56 = scf.for %scan3A_424 = %scan3A_52 to %scan3A_54 step %scan3A_55 iter_args(%scan3A_425 = %scan3A_51) -> (i32)  : i32 {
        %jit3A = arith.constant 1 : i32
        %div3A = arith.divsi %scan3A_424, %jit3A : i32
        %sign3A = arith.constant 0 : i32
        %sign3A_426 = arith.cmpi sgt, %scan3A_424, %sign3A : i32
        %sign3A_427 = arith.extui %sign3A_426 : i1 to i32
        %sign3A_428 = arith.constant 0 : i32
        %sign3A_429 = arith.cmpi slt, %scan3A_424, %sign3A_428 : i32
        %sign3A_430 = arith.extui %sign3A_429 : i1 to i32
        %sign3A_431 = arith.subi %sign3A_427, %sign3A_430 : i32
        %sign3A_432 = arith.constant 0 : i32
        %sign3A_433 = arith.cmpi sgt, %jit3A, %sign3A_432 : i32
        %sign3A_434 = arith.extui %sign3A_433 : i1 to i32
        %sign3A_435 = arith.constant 0 : i32
        %sign3A_436 = arith.cmpi slt, %jit3A, %sign3A_435 : i32
        %sign3A_437 = arith.extui %sign3A_436 : i1 to i32
        %sign3A_438 = arith.subi %sign3A_434, %sign3A_437 : i32
        %ne3A = arith.cmpi ne, %sign3A_431, %sign3A_438 : i32
        %rem3A = arith.remsi %scan3A_424, %jit3A : i32
        %ne3A_439 = arith.constant 0 : i32
        %ne3A_440 = arith.cmpi ne, %rem3A, %ne3A_439 : i32
        %and3A = arith.andi %ne3A, %ne3A_440 : i1
        %sub3A = arith.constant 1 : i32
        %sub3A_441 = arith.subi %div3A, %sub3A : i32
        %select_n3A_442 = arith.select %and3A, %sub3A_441, %div3A : i32
        %jit3A_443 = arith.constant 1 : i32
        %eq3A = arith.constant 0 : i32
        %eq3A_444 = arith.cmpi eq, %jit3A_443, %eq3A : i32
        %jit3A_445 = arith.constant 1 : i32
        %select_n3A_446 = arith.select %eq3A_444, %jit3A_445, %jit3A_443 : i32
        %rem3A_447 = arith.remsi %scan3A_424, %select_n3A_446 : i32
        %ne3A_448 = arith.constant 0 : i32
        %ne3A_449 = arith.cmpi ne, %rem3A_447, %ne3A_448 : i32
        %lt3A_450 = arith.constant 0 : i32
        %lt3A_451 = arith.cmpi slt, %rem3A_447, %lt3A_450 : i32
        %lt3A_452 = arith.constant 0 : i32
        %lt3A_453 = arith.cmpi slt, %select_n3A_446, %lt3A_452 : i32
        %ne3A_454 = arith.xori %lt3A_451, %lt3A_453 : i1
        %and3A_455 = arith.andi %ne3A_454, %ne3A_449 : i1
        %add3A_456 = arith.addi %rem3A_447, %select_n3A_446 : i32
        %select_n3A_457 = arith.select %and3A_455, %add3A_456, %rem3A_447 : i32
        %mul3A_458 = arith.constant 2 : i32
        %mul3A_459 = arith.muli %select_n3A_442, %mul3A_458 : i32
        %mul3A_460 = arith.constant 1 : i32
        %mul3A_461 = arith.muli %mul3A_459, %mul3A_460 : i32
        %add3A_462 = arith.constant 1 : i32
        %add3A_463 = arith.addi %mul3A_461, %add3A_462 : i32
        %add3A_464 = arith.addi %add3A_463, %select_n3A_457 : i32
        %add3A_465 = arith.constant 1 : i32
        %add3A_466 = arith.addi %add3A_463, %add3A_465 : i32
        %sub3A_467 = arith.constant 1 : i32
        %sub3A_468 = arith.subi %add3A_466, %sub3A_467 : i32
        %sub3A_469 = arith.subi %sub3A_468, %select_n3A_457 : i32
        %mul3A_470 = arith.constant 16 : i32
        %mul3A_471 = arith.muli %add3A_464, %mul3A_470 : i32
        %get3A_472 = arith.index_cast %mul3A_471 : i32 to index
        %get3A_473 = tpu.vector_load %arg7[%get3A_472] {strides = array<i32>} : memref<512xf32, #tpu.memory_space<vmem>>, vector<16xf32>,
        %mul3A_474 = arith.constant 16 : i32
        %mul3A_475 = arith.muli %add3A_464, %mul3A_474 : i32
        %get3A_476 = arith.index_cast %mul3A_475 : i32 to index
        %get3A_477 = tpu.vector_load %arg8[%get3A_476] {strides = array<i32>} : memref<512xi32, #tpu.memory_space<vmem>>, vector<16xi32>,
        %mul3A_478 = arith.constant 16 : i32
        %mul3A_479 = arith.muli %sub3A_469, %mul3A_478 : i32
        %get3A_480 = arith.index_cast %mul3A_479 : i32 to index
        %get3A_481 = tpu.vector_load %arg7[%get3A_480] {strides = array<i32>} : memref<512xf32, #tpu.memory_space<vmem>>, vector<16xf32>,
        %mul3A_482 = arith.constant 16 : i32
        %mul3A_483 = arith.muli %sub3A_469, %mul3A_482 : i32
        %get3A_484 = arith.index_cast %mul3A_483 : i32 to index
        %get3A_485 = tpu.vector_load %arg8[%get3A_484] {strides = array<i32>} : memref<512xi32, #tpu.memory_space<vmem>>, vector<16xi32>,
        %rev3A = arith.constant 15 : i32
        %rev3A_486 = vector.broadcast %rev3A : i32 to vector<16xi32>
        %rev3A_487 = tpu.iota {dimensions = array<i32: 0>} : vector<16xi32>
        %rev3A_488 = arith.subi %rev3A_486, %rev3A_487 : vector<16xi32>
        %rev3A_489 = tpu.dynamic_gather %get3A_481[%rev3A_488] in [0] : vector<16xf32>, vector<16xi32> -> vector<16xf32>
        %mul3A_490 = arith.constant 16 : i32
        %mul3A_491 = arith.muli %add3A_464, %mul3A_490 : i32
        %swap3A_492 = arith.index_cast %mul3A_491 : i32 to index
        %swap3A_493 = tpu.vector_load %arg7[%swap3A_492] {strides = array<i32>} : memref<512xf32, #tpu.memory_space<vmem>>, vector<16xf32>,
        tpu.vector_store %arg7[%swap3A_492], %rev3A_489 {strides = array<i32>} : memref<512xf32, #tpu.memory_space<vmem>>, vector<16xf32>,
        %rev3A_494 = arith.constant 15 : i32
        %rev3A_495 = vector.broadcast %rev3A_494 : i32 to vector<16xi32>
        %rev3A_496 = tpu.iota {dimensions = array<i32: 0>} : vector<16xi32>
        %rev3A_497 = arith.subi %rev3A_495, %rev3A_496 : vector<16xi32>
        %rev3A_498 = tpu.dynamic_gather %get3A_485[%rev3A_497] in [0] : vector<16xi32>, vector<16xi32> -> vector<16xi32>
        %mul3A_499 = arith.constant 16 : i32
        %mul3A_500 = arith.muli %add3A_464, %mul3A_499 : i32
        %swap3A_501 = arith.index_cast %mul3A_500 : i32 to index
        %swap3A_502 = tpu.vector_load %arg8[%swap3A_501] {strides = array<i32>} : memref<512xi32, #tpu.memory_space<vmem>>, vector<16xi32>,
        tpu.vector_store %arg8[%swap3A_501], %rev3A_498 {strides = array<i32>} : memref<512xi32, #tpu.memory_space<vmem>>, vector<16xi32>,
        %rev3A_503 = arith.constant 15 : i32
        %rev3A_504 = vector.broadcast %rev3A_503 : i32 to vector<16xi32>
        %rev3A_505 = tpu.iota {dimensions = array<i32: 0>} : vector<16xi32>
        %rev3A_506 = arith.subi %rev3A_504, %rev3A_505 : vector<16xi32>
        %rev3A_507 = tpu.dynamic_gather %get3A_473[%rev3A_506] in [0] : vector<16xf32>, vector<16xi32> -> vector<16xf32>
        %mul3A_508 = arith.constant 16 : i32
        %mul3A_509 = arith.muli %sub3A_469, %mul3A_508 : i32
        %swap3A_510 = arith.index_cast %mul3A_509 : i32 to index
        %swap3A_511 = tpu.vector_load %arg7[%swap3A_510] {strides = array<i32>} : memref<512xf32, #tpu.memory_space<vmem>>, vector<16xf32>,
        tpu.vector_store %arg7[%swap3A_510], %rev3A_507 {strides = array<i32>} : memref<512xf32, #tpu.memory_space<vmem>>, vector<16xf32>,
        %rev3A_512 = arith.constant 15 : i32
        %rev3A_513 = vector.broadcast %rev3A_512 : i32 to vector<16xi32>
        %rev3A_514 = tpu.iota {dimensions = array<i32: 0>} : vector<16xi32>
        %rev3A_515 = arith.subi %rev3A_513, %rev3A_514 : vector<16xi32>
        %rev3A_516 = tpu.dynamic_gather %get3A_477[%rev3A_515] in [0] : vector<16xi32>, vector<16xi32> -> vector<16xi32>
        %mul3A_517 = arith.constant 16 : i32
        %mul3A_518 = arith.muli %sub3A_469, %mul3A_517 : i32
        %swap3A_519 = arith.index_cast %mul3A_518 : i32 to index
        %swap3A_520 = tpu.vector_load %arg8[%swap3A_519] {strides = array<i32>} : memref<512xi32, #tpu.memory_space<vmem>>, vector<16xi32>,
        tpu.vector_store %arg8[%swap3A_519], %rev3A_516 {strides = array<i32>} : memref<512xi32, #tpu.memory_space<vmem>>, vector<16xi32>,
        %scan3A_521 = arith.constant 0 : i32
        scf.yield %scan3A_521 : i32
      }
      %scan3A_57 = arith.constant 16 : i32
      %scan3A_58 = arith.constant 0 : i32
      %scan3A_59 = arith.constant 0 : i32
      %scan3A_60 = arith.constant 16 : i32
      %scan3A_61 = arith.addi %scan3A_59, %scan3A_60 : i32
      %scan3A_62 = arith.constant 1 : i32
      %scan3A_63 = scf.for %scan3A_424 = %scan3A_59 to %scan3A_61 step %scan3A_62 iter_args(%scan3A_425 = %scan3A_58) -> (i32)  : i32 {
        %jit3A = arith.constant 1 : i32
        %div3A = arith.divsi %scan3A_424, %jit3A : i32
        %sign3A = arith.constant 0 : i32
        %sign3A_426 = arith.cmpi sgt, %scan3A_424, %sign3A : i32
        %sign3A_427 = arith.extui %sign3A_426 : i1 to i32
        %sign3A_428 = arith.constant 0 : i32
        %sign3A_429 = arith.cmpi slt, %scan3A_424, %sign3A_428 : i32
        %sign3A_430 = arith.extui %sign3A_429 : i1 to i32
        %sign3A_431 = arith.subi %sign3A_427, %sign3A_430 : i32
        %sign3A_432 = arith.constant 0 : i32
        %sign3A_433 = arith.cmpi sgt, %jit3A, %sign3A_432 : i32
        %sign3A_434 = arith.extui %sign3A_433 : i1 to i32
        %sign3A_435 = arith.constant 0 : i32
        %sign3A_436 = arith.cmpi slt, %jit3A, %sign3A_435 : i32
        %sign3A_437 = arith.extui %sign3A_436 : i1 to i32
        %sign3A_438 = arith.subi %sign3A_434, %sign3A_437 : i32
        %ne3A = arith.cmpi ne, %sign3A_431, %sign3A_438 : i32
        %rem3A = arith.remsi %scan3A_424, %jit3A : i32
        %ne3A_439 = arith.constant 0 : i32
        %ne3A_440 = arith.cmpi ne, %rem3A, %ne3A_439 : i32
        %and3A = arith.andi %ne3A, %ne3A_440 : i1
        %sub3A = arith.constant 1 : i32
        %sub3A_441 = arith.subi %div3A, %sub3A : i32
        %select_n3A_442 = arith.select %and3A, %sub3A_441, %div3A : i32
        %jit3A_443 = arith.constant 1 : i32
        %eq3A = arith.constant 0 : i32
        %eq3A_444 = arith.cmpi eq, %jit3A_443, %eq3A : i32
        %jit3A_445 = arith.constant 1 : i32
        %select_n3A_446 = arith.select %eq3A_444, %jit3A_445, %jit3A_443 : i32
        %rem3A_447 = arith.remsi %scan3A_424, %select_n3A_446 : i32
        %ne3A_448 = arith.constant 0 : i32
        %ne3A_449 = arith.cmpi ne, %rem3A_447, %ne3A_448 : i32
        %lt3A_450 = arith.constant 0 : i32
        %lt3A_451 = arith.cmpi slt, %rem3A_447, %lt3A_450 : i32
        %lt3A_452 = arith.constant 0 : i32
        %lt3A_453 = arith.cmpi slt, %select_n3A_446, %lt3A_452 : i32
        %ne3A_454 = arith.xori %lt3A_451, %lt3A_453 : i1
        %and3A_455 = arith.andi %ne3A_454, %ne3A_449 : i1
        %add3A_456 = arith.addi %rem3A_447, %select_n3A_446 : i32
        %select_n3A_457 = arith.select %and3A_455, %add3A_456, %rem3A_447 : i32
        %jit3A_458 = arith.constant 1 : i32
        %div3A_459 = arith.divsi %select_n3A_457, %jit3A_458 : i32
        %sign3A_460 = arith.constant 0 : i32
        %sign3A_461 = arith.cmpi sgt, %select_n3A_457, %sign3A_460 : i32
        %sign3A_462 = arith.extui %sign3A_461 : i1 to i32
        %sign3A_463 = arith.constant 0 : i32
        %sign3A_464 = arith.cmpi slt, %select_n3A_457, %sign3A_463 : i32
        %sign3A_465 = arith.extui %sign3A_464 : i1 to i32
        %sign3A_466 = arith.subi %sign3A_462, %sign3A_465 : i32
        %sign3A_467 = arith.constant 0 : i32
        %sign3A_468 = arith.cmpi sgt, %jit3A_458, %sign3A_467 : i32
        %sign3A_469 = arith.extui %sign3A_468 : i1 to i32
        %sign3A_470 = arith.constant 0 : i32
        %sign3A_471 = arith.cmpi slt, %jit3A_458, %sign3A_470 : i32
        %sign3A_472 = arith.extui %sign3A_471 : i1 to i32
        %sign3A_473 = arith.subi %sign3A_469, %sign3A_472 : i32
        %ne3A_474 = arith.cmpi ne, %sign3A_466, %sign3A_473 : i32
        %rem3A_475 = arith.remsi %select_n3A_457, %jit3A_458 : i32
        %ne3A_476 = arith.constant 0 : i32
        %ne3A_477 = arith.cmpi ne, %rem3A_475, %ne3A_476 : i32
        %and3A_478 = arith.andi %ne3A_474, %ne3A_477 : i1
        %sub3A_479 = arith.constant 1 : i32
        %sub3A_480 = arith.subi %div3A_459, %sub3A_479 : i32
        %select_n3A_481 = arith.select %and3A_478, %sub3A_480, %div3A_459 : i32
        %mul3A_482 = arith.constant 2 : i32
        %mul3A_483 = arith.muli %select_n3A_481, %mul3A_482 : i32
        %mul3A_484 = arith.constant 1 : i32
        %mul3A_485 = arith.muli %mul3A_483, %mul3A_484 : i32
        %jit3A_486 = arith.constant 1 : i32
        %eq3A_487 = arith.constant 0 : i32
        %eq3A_488 = arith.cmpi eq, %jit3A_486, %eq3A_487 : i32
        %jit3A_489 = arith.constant 1 : i32
        %select_n3A_490 = arith.select %eq3A_488, %jit3A_489, %jit3A_486 : i32
        %rem3A_491 = arith.remsi %select_n3A_457, %select_n3A_490 : i32
        %ne3A_492 = arith.constant 0 : i32
        %ne3A_493 = arith.cmpi ne, %rem3A_491, %ne3A_492 : i32
        %lt3A_494 = arith.constant 0 : i32
        %lt3A_495 = arith.cmpi slt, %rem3A_491, %lt3A_494 : i32
        %lt3A_496 = arith.constant 0 : i32
        %lt3A_497 = arith.cmpi slt, %select_n3A_490, %lt3A_496 : i32
        %ne3A_498 = arith.xori %lt3A_495, %lt3A_497 : i1
        %and3A_499 = arith.andi %ne3A_498, %ne3A_493 : i1
        %add3A_500 = arith.addi %rem3A_491, %select_n3A_490 : i32
        %select_n3A_501 = arith.select %and3A_499, %add3A_500, %rem3A_491 : i32
        %add3A_502 = arith.addi %mul3A_485, %select_n3A_501 : i32
        %mul3A_503 = arith.constant 2 : i32
        %mul3A_504 = arith.muli %select_n3A_442, %mul3A_503 : i32
        %mul3A_505 = arith.constant 1 : i32
        %mul3A_506 = arith.muli %mul3A_504, %mul3A_505 : i32
        %add3A_507 = arith.addi %mul3A_506, %add3A_502 : i32
        %add3A_508 = arith.addi %mul3A_506, %add3A_502 : i32
        %add3A_509 = arith.constant 1 : i32
        %add3A_510 = arith.addi %add3A_508, %add3A_509 : i32
        %mul3A_511 = arith.constant 16 : i32
        %mul3A_512 = arith.muli %add3A_507, %mul3A_511 : i32
        %get3A_513 = arith.index_cast %mul3A_512 : i32 to index
        %get3A_514 = tpu.vector_load %arg7[%get3A_513] {strides = array<i32>} : memref<512xf32, #tpu.memory_space<vmem>>, vector<16xf32>,
        %mul3A_515 = arith.constant 16 : i32
        %mul3A_516 = arith.muli %add3A_507, %mul3A_515 : i32
        %get3A_517 = arith.index_cast %mul3A_516 : i32 to index
        %get3A_518 = tpu.vector_load %arg8[%get3A_517] {strides = array<i32>} : memref<512xi32, #tpu.memory_space<vmem>>, vector<16xi32>,
        %mul3A_519 = arith.constant 16 : i32
        %mul3A_520 = arith.muli %add3A_510, %mul3A_519 : i32
        %get3A_521 = arith.index_cast %mul3A_520 : i32 to index
        %get3A_522 = tpu.vector_load %arg7[%get3A_521] {strides = array<i32>} : memref<512xf32, #tpu.memory_space<vmem>>, vector<16xf32>,
        %mul3A_523 = arith.constant 16 : i32
        %mul3A_524 = arith.muli %add3A_510, %mul3A_523 : i32
        %get3A_525 = arith.index_cast %mul3A_524 : i32 to index
        %get3A_526 = tpu.vector_load %arg8[%get3A_525] {strides = array<i32>} : memref<512xi32, #tpu.memory_space<vmem>>, vector<16xi32>,
        %le3A = arith.cmpf ole, %get3A_514, %get3A_522 : vector<16xf32>
        %min3A = arith.minimumf %get3A_514, %get3A_522 : vector<16xf32>
        %mul3A_527 = arith.constant 16 : i32
        %mul3A_528 = arith.muli %add3A_507, %mul3A_527 : i32
        %swap3A_529 = arith.index_cast %mul3A_528 : i32 to index
        %swap3A_530 = tpu.vector_load %arg7[%swap3A_529] {strides = array<i32>} : memref<512xf32, #tpu.memory_space<vmem>>, vector<16xf32>,
        tpu.vector_store %arg7[%swap3A_529], %min3A {strides = array<i32>} : memref<512xf32, #tpu.memory_space<vmem>>, vector<16xf32>,
        %max3A = arith.maximumf %get3A_514, %get3A_522 : vector<16xf32>
        %mul3A_531 = arith.constant 16 : i32
        %mul3A_532 = arith.muli %add3A_510, %mul3A_531 : i32
        %swap3A_533 = arith.index_cast %mul3A_532 : i32 to index
        %swap3A_534 = tpu.vector_load %arg7[%swap3A_533] {strides = array<i32>} : memref<512xf32, #tpu.memory_space<vmem>>, vector<16xf32>,
        tpu.vector_store %arg7[%swap3A_533], %max3A {strides = array<i32>} : memref<512xf32, #tpu.memory_space<vmem>>, vector<16xf32>,
        %select_n3A_535 = arith.select %le3A, %get3A_518, %get3A_526 : vector<16xi1>, vector<16xi32>
        %mul3A_536 = arith.constant 16 : i32
        %mul3A_537 = arith.muli %add3A_507, %mul3A_536 : i32
        %swap3A_538 = arith.index_cast %mul3A_537 : i32 to index
        %swap3A_539 = tpu.vector_load %arg8[%swap3A_538] {strides = array<i32>} : memref<512xi32, #tpu.memory_space<vmem>>, vector<16xi32>,
        tpu.vector_store %arg8[%swap3A_538], %select_n3A_535 {strides = array<i32>} : memref<512xi32, #tpu.memory_space<vmem>>, vector<16xi32>,
        %select_n3A_540 = arith.select %le3A, %get3A_526, %get3A_518 : vector<16xi1>, vector<16xi32>
        %mul3A_541 = arith.constant 16 : i32
        %mul3A_542 = arith.muli %add3A_510, %mul3A_541 : i32
        %swap3A_543 = arith.index_cast %mul3A_542 : i32 to index
        %swap3A_544 = tpu.vector_load %arg8[%swap3A_543] {strides = array<i32>} : memref<512xi32, #tpu.memory_space<vmem>>, vector<16xi32>,
        tpu.vector_store %arg8[%swap3A_543], %select_n3A_540 {strides = array<i32>} : memref<512xi32, #tpu.memory_space<vmem>>, vector<16xi32>,
        %scan3A_545 = arith.constant 0 : i32
        scf.yield %scan3A_545 : i32
      }
      %scan3A_64 = arith.constant 16 : i32
      %scan3A_65 = arith.constant 0 : i32
      %scan3A_66 = arith.constant 0 : i32
      %scan3A_67 = arith.constant 32 : i32
      %scan3A_68 = arith.addi %scan3A_66, %scan3A_67 : i32
      %scan3A_69 = arith.constant 1 : i32
      %scan3A_70 = scf.for %scan3A_424 = %scan3A_66 to %scan3A_68 step %scan3A_69 iter_args(%scan3A_425 = %scan3A_65) -> (i32)  : i32 {
        %mul3A_426 = arith.constant 16 : i32
        %mul3A_427 = arith.muli %scan3A_424, %mul3A_426 : i32
        %get3A_428 = arith.index_cast %mul3A_427 : i32 to index
        %get3A_429 = tpu.vector_load %arg7[%get3A_428] {strides = array<i32>} : memref<512xf32, #tpu.memory_space<vmem>>, vector<16xf32>,
        %mul3A_430 = arith.constant 16 : i32
        %mul3A_431 = arith.muli %scan3A_424, %mul3A_430 : i32
        %get3A_432 = arith.index_cast %mul3A_431 : i32 to index
        %get3A_433 = tpu.vector_load %arg8[%get3A_432] {strides = array<i32>} : memref<512xi32, #tpu.memory_space<vmem>>, vector<16xi32>,
        %masked_sort3A = arith.constant dense<true> : vector<16xi1>
        %masked_sort3A_434, %masked_sort3A_435, %masked_sort3A_436 = tpu.sort %get3A_429, %get3A_433 masked %masked_sort3A : (vector<16xf32>, vector<16xi32>, vector<16xi1>) -> (vector<16xi1>, vector<16xf32>, vector<16xi32>)
        %mul3A_437 = arith.constant 16 : i32
        %mul3A_438 = arith.muli %scan3A_424, %mul3A_437 : i32
        %swap3A_439 = arith.index_cast %mul3A_438 : i32 to index
        %swap3A_440 = tpu.vector_load %arg7[%swap3A_439] {strides = array<i32>} : memref<512xf32, #tpu.memory_space<vmem>>, vector<16xf32>,
        tpu.vector_store %arg7[%swap3A_439], %masked_sort3A_435 {strides = array<i32>} : memref<512xf32, #tpu.memory_space<vmem>>, vector<16xf32>,
        %mul3A_441 = arith.constant 16 : i32
        %mul3A_442 = arith.muli %scan3A_424, %mul3A_441 : i32
        %swap3A_443 = arith.index_cast %mul3A_442 : i32 to index
        %swap3A_444 = tpu.vector_load %arg8[%swap3A_443] {strides = array<i32>} : memref<512xi32, #tpu.memory_space<vmem>>, vector<16xi32>,
        tpu.vector_store %arg8[%swap3A_443], %masked_sort3A_436 {strides = array<i32>} : memref<512xi32, #tpu.memory_space<vmem>>, vector<16xi32>,
        %scan3A_445 = arith.constant 0 : i32
        scf.yield %scan3A_445 : i32
      }
      %scan3A_71 = arith.constant 32 : i32
      %scan3A_72 = arith.constant 0 : i32
      %scan3A_73 = arith.constant 0 : i32
      %scan3A_74 = arith.constant 8 : i32
      %scan3A_75 = arith.addi %scan3A_73, %scan3A_74 : i32
      %scan3A_76 = arith.constant 1 : i32
      %scan3A_77 = scf.for %scan3A_424 = %scan3A_73 to %scan3A_75 step %scan3A_76 iter_args(%scan3A_425 = %scan3A_72) -> (i32)  : i32 {
        %jit3A = arith.constant 1 : i32
        %div3A = arith.divsi %scan3A_424, %jit3A : i32
        %sign3A = arith.constant 0 : i32
        %sign3A_426 = arith.cmpi sgt, %scan3A_424, %sign3A : i32
        %sign3A_427 = arith.extui %sign3A_426 : i1 to i32
        %sign3A_428 = arith.constant 0 : i32
        %sign3A_429 = arith.cmpi slt, %scan3A_424, %sign3A_428 : i32
        %sign3A_430 = arith.extui %sign3A_429 : i1 to i32
        %sign3A_431 = arith.subi %sign3A_427, %sign3A_430 : i32
        %sign3A_432 = arith.constant 0 : i32
        %sign3A_433 = arith.cmpi sgt, %jit3A, %sign3A_432 : i32
        %sign3A_434 = arith.extui %sign3A_433 : i1 to i32
        %sign3A_435 = arith.constant 0 : i32
        %sign3A_436 = arith.cmpi slt, %jit3A, %sign3A_435 : i32
        %sign3A_437 = arith.extui %sign3A_436 : i1 to i32
        %sign3A_438 = arith.subi %sign3A_434, %sign3A_437 : i32
        %ne3A = arith.cmpi ne, %sign3A_431, %sign3A_438 : i32
        %rem3A = arith.remsi %scan3A_424, %jit3A : i32
        %ne3A_439 = arith.constant 0 : i32
        %ne3A_440 = arith.cmpi ne, %rem3A, %ne3A_439 : i32
        %and3A = arith.andi %ne3A, %ne3A_440 : i1
        %sub3A = arith.constant 1 : i32
        %sub3A_441 = arith.subi %div3A, %sub3A : i32
        %select_n3A_442 = arith.select %and3A, %sub3A_441, %div3A : i32
        %jit3A_443 = arith.constant 1 : i32
        %eq3A = arith.constant 0 : i32
        %eq3A_444 = arith.cmpi eq, %jit3A_443, %eq3A : i32
        %jit3A_445 = arith.constant 1 : i32
        %select_n3A_446 = arith.select %eq3A_444, %jit3A_445, %jit3A_443 : i32
        %rem3A_447 = arith.remsi %scan3A_424, %select_n3A_446 : i32
        %ne3A_448 = arith.constant 0 : i32
        %ne3A_449 = arith.cmpi ne, %rem3A_447, %ne3A_448 : i32
        %lt3A_450 = arith.constant 0 : i32
        %lt3A_451 = arith.cmpi slt, %rem3A_447, %lt3A_450 : i32
        %lt3A_452 = arith.constant 0 : i32
        %lt3A_453 = arith.cmpi slt, %select_n3A_446, %lt3A_452 : i32
        %ne3A_454 = arith.xori %lt3A_451, %lt3A_453 : i1
        %and3A_455 = arith.andi %ne3A_454, %ne3A_449 : i1
        %add3A_456 = arith.addi %rem3A_447, %select_n3A_446 : i32
        %select_n3A_457 = arith.select %and3A_455, %add3A_456, %rem3A_447 : i32
        %mul3A_458 = arith.constant 2 : i32
        %mul3A_459 = arith.muli %select_n3A_442, %mul3A_458 : i32
        %mul3A_460 = arith.constant 2 : i32
        %mul3A_461 = arith.muli %mul3A_459, %mul3A_460 : i32
        %add3A_462 = arith.constant 2 : i32
        %add3A_463 = arith.addi %mul3A_461, %add3A_462 : i32
        %add3A_464 = arith.addi %add3A_463, %select_n3A_457 : i32
        %add3A_465 = arith.constant 2 : i32
        %add3A_466 = arith.addi %add3A_463, %add3A_465 : i32
        %sub3A_467 = arith.constant 1 : i32
        %sub3A_468 = arith.subi %add3A_466, %sub3A_467 : i32
        %sub3A_469 = arith.subi %sub3A_468, %select_n3A_457 : i32
        %mul3A_470 = arith.constant 16 : i32
        %mul3A_471 = arith.muli %add3A_464, %mul3A_470 : i32
        %get3A_472 = arith.index_cast %mul3A_471 : i32 to index
        %get3A_473 = tpu.vector_load %arg7[%get3A_472] {strides = array<i32>} : memref<512xf32, #tpu.memory_space<vmem>>, vector<16xf32>,
        %mul3A_474 = arith.constant 16 : i32
        %mul3A_475 = arith.muli %add3A_464, %mul3A_474 : i32
        %get3A_476 = arith.index_cast %mul3A_475 : i32 to index
        %get3A_477 = tpu.vector_load %arg8[%get3A_476] {strides = array<i32>} : memref<512xi32, #tpu.memory_space<vmem>>, vector<16xi32>,
        %mul3A_478 = arith.constant 16 : i32
        %mul3A_479 = arith.muli %sub3A_469, %mul3A_478 : i32
        %get3A_480 = arith.index_cast %mul3A_479 : i32 to index
        %get3A_481 = tpu.vector_load %arg7[%get3A_480] {strides = array<i32>} : memref<512xf32, #tpu.memory_space<vmem>>, vector<16xf32>,
        %mul3A_482 = arith.constant 16 : i32
        %mul3A_483 = arith.muli %sub3A_469, %mul3A_482 : i32
        %get3A_484 = arith.index_cast %mul3A_483 : i32 to index
        %get3A_485 = tpu.vector_load %arg8[%get3A_484] {strides = array<i32>} : memref<512xi32, #tpu.memory_space<vmem>>, vector<16xi32>,
        %rev3A = arith.constant 15 : i32
        %rev3A_486 = vector.broadcast %rev3A : i32 to vector<16xi32>
        %rev3A_487 = tpu.iota {dimensions = array<i32: 0>} : vector<16xi32>
        %rev3A_488 = arith.subi %rev3A_486, %rev3A_487 : vector<16xi32>
        %rev3A_489 = tpu.dynamic_gather %get3A_481[%rev3A_488] in [0] : vector<16xf32>, vector<16xi32> -> vector<16xf32>
        %mul3A_490 = arith.constant 16 : i32
        %mul3A_491 = arith.muli %add3A_464, %mul3A_490 : i32
        %swap3A_492 = arith.index_cast %mul3A_491 : i32 to index
        %swap3A_493 = tpu.vector_load %arg7[%swap3A_492] {strides = array<i32>} : memref<512xf32, #tpu.memory_space<vmem>>, vector<16xf32>,
        tpu.vector_store %arg7[%swap3A_492], %rev3A_489 {strides = array<i32>} : memref<512xf32, #tpu.memory_space<vmem>>, vector<16xf32>,
        %rev3A_494 = arith.constant 15 : i32
        %rev3A_495 = vector.broadcast %rev3A_494 : i32 to vector<16xi32>
        %rev3A_496 = tpu.iota {dimensions = array<i32: 0>} : vector<16xi32>
        %rev3A_497 = arith.subi %rev3A_495, %rev3A_496 : vector<16xi32>
        %rev3A_498 = tpu.dynamic_gather %get3A_485[%rev3A_497] in [0] : vector<16xi32>, vector<16xi32> -> vector<16xi32>
        %mul3A_499 = arith.constant 16 : i32
        %mul3A_500 = arith.muli %add3A_464, %mul3A_499 : i32
        %swap3A_501 = arith.index_cast %mul3A_500 : i32 to index
        %swap3A_502 = tpu.vector_load %arg8[%swap3A_501] {strides = array<i32>} : memref<512xi32, #tpu.memory_space<vmem>>, vector<16xi32>,
        tpu.vector_store %arg8[%swap3A_501], %rev3A_498 {strides = array<i32>} : memref<512xi32, #tpu.memory_space<vmem>>, vector<16xi32>,
        %rev3A_503 = arith.constant 15 : i32
        %rev3A_504 = vector.broadcast %rev3A_503 : i32 to vector<16xi32>
        %rev3A_505 = tpu.iota {dimensions = array<i32: 0>} : vector<16xi32>
        %rev3A_506 = arith.subi %rev3A_504, %rev3A_505 : vector<16xi32>
        %rev3A_507 = tpu.dynamic_gather %get3A_473[%rev3A_506] in [0] : vector<16xf32>, vector<16xi32> -> vector<16xf32>
        %mul3A_508 = arith.constant 16 : i32
        %mul3A_509 = arith.muli %sub3A_469, %mul3A_508 : i32
        %swap3A_510 = arith.index_cast %mul3A_509 : i32 to index
        %swap3A_511 = tpu.vector_load %arg7[%swap3A_510] {strides = array<i32>} : memref<512xf32, #tpu.memory_space<vmem>>, vector<16xf32>,
        tpu.vector_store %arg7[%swap3A_510], %rev3A_507 {strides = array<i32>} : memref<512xf32, #tpu.memory_space<vmem>>, vector<16xf32>,
        %rev3A_512 = arith.constant 15 : i32
        %rev3A_513 = vector.broadcast %rev3A_512 : i32 to vector<16xi32>
        %rev3A_514 = tpu.iota {dimensions = array<i32: 0>} : vector<16xi32>
        %rev3A_515 = arith.subi %rev3A_513, %rev3A_514 : vector<16xi32>
        %rev3A_516 = tpu.dynamic_gather %get3A_477[%rev3A_515] in [0] : vector<16xi32>, vector<16xi32> -> vector<16xi32>
        %mul3A_517 = arith.constant 16 : i32
        %mul3A_518 = arith.muli %sub3A_469, %mul3A_517 : i32
        %swap3A_519 = arith.index_cast %mul3A_518 : i32 to index
        %swap3A_520 = tpu.vector_load %arg8[%swap3A_519] {strides = array<i32>} : memref<512xi32, #tpu.memory_space<vmem>>, vector<16xi32>,
        tpu.vector_store %arg8[%swap3A_519], %rev3A_516 {strides = array<i32>} : memref<512xi32, #tpu.memory_space<vmem>>, vector<16xi32>,
        %scan3A_521 = arith.constant 0 : i32
        scf.yield %scan3A_521 : i32
      }
      %scan3A_78 = arith.constant 8 : i32
      %scan3A_79 = arith.constant 0 : i32
      %scan3A_80 = arith.constant 0 : i32
      %scan3A_81 = arith.constant 16 : i32
      %scan3A_82 = arith.addi %scan3A_80, %scan3A_81 : i32
      %scan3A_83 = arith.constant 1 : i32
      %scan3A_84 = scf.for %scan3A_424 = %scan3A_80 to %scan3A_82 step %scan3A_83 iter_args(%scan3A_425 = %scan3A_79) -> (i32)  : i32 {
        %jit3A = arith.constant 2 : i32
        %div3A = arith.divsi %scan3A_424, %jit3A : i32
        %sign3A = arith.constant 0 : i32
        %sign3A_426 = arith.cmpi sgt, %scan3A_424, %sign3A : i32
        %sign3A_427 = arith.extui %sign3A_426 : i1 to i32
        %sign3A_428 = arith.constant 0 : i32
        %sign3A_429 = arith.cmpi slt, %scan3A_424, %sign3A_428 : i32
        %sign3A_430 = arith.extui %sign3A_429 : i1 to i32
        %sign3A_431 = arith.subi %sign3A_427, %sign3A_430 : i32
        %sign3A_432 = arith.constant 0 : i32
        %sign3A_433 = arith.cmpi sgt, %jit3A, %sign3A_432 : i32
        %sign3A_434 = arith.extui %sign3A_433 : i1 to i32
        %sign3A_435 = arith.constant 0 : i32
        %sign3A_436 = arith.cmpi slt, %jit3A, %sign3A_435 : i32
        %sign3A_437 = arith.extui %sign3A_436 : i1 to i32
        %sign3A_438 = arith.subi %sign3A_434, %sign3A_437 : i32
        %ne3A = arith.cmpi ne, %sign3A_431, %sign3A_438 : i32
        %rem3A = arith.remsi %scan3A_424, %jit3A : i32
        %ne3A_439 = arith.constant 0 : i32
        %ne3A_440 = arith.cmpi ne, %rem3A, %ne3A_439 : i32
        %and3A = arith.andi %ne3A, %ne3A_440 : i1
        %sub3A = arith.constant 1 : i32
        %sub3A_441 = arith.subi %div3A, %sub3A : i32
        %select_n3A_442 = arith.select %and3A, %sub3A_441, %div3A : i32
        %jit3A_443 = arith.constant 2 : i32
        %eq3A = arith.constant 0 : i32
        %eq3A_444 = arith.cmpi eq, %jit3A_443, %eq3A : i32
        %jit3A_445 = arith.constant 1 : i32
        %select_n3A_446 = arith.select %eq3A_444, %jit3A_445, %jit3A_443 : i32
        %rem3A_447 = arith.remsi %scan3A_424, %select_n3A_446 : i32
        %ne3A_448 = arith.constant 0 : i32
        %ne3A_449 = arith.cmpi ne, %rem3A_447, %ne3A_448 : i32
        %lt3A_450 = arith.constant 0 : i32
        %lt3A_451 = arith.cmpi slt, %rem3A_447, %lt3A_450 : i32
        %lt3A_452 = arith.constant 0 : i32
        %lt3A_453 = arith.cmpi slt, %select_n3A_446, %lt3A_452 : i32
        %ne3A_454 = arith.xori %lt3A_451, %lt3A_453 : i1
        %and3A_455 = arith.andi %ne3A_454, %ne3A_449 : i1
        %add3A_456 = arith.addi %rem3A_447, %select_n3A_446 : i32
        %select_n3A_457 = arith.select %and3A_455, %add3A_456, %rem3A_447 : i32
        %jit3A_458 = arith.constant 2 : i32
        %div3A_459 = arith.divsi %select_n3A_457, %jit3A_458 : i32
        %sign3A_460 = arith.constant 0 : i32
        %sign3A_461 = arith.cmpi sgt, %select_n3A_457, %sign3A_460 : i32
        %sign3A_462 = arith.extui %sign3A_461 : i1 to i32
        %sign3A_463 = arith.constant 0 : i32
        %sign3A_464 = arith.cmpi slt, %select_n3A_457, %sign3A_463 : i32
        %sign3A_465 = arith.extui %sign3A_464 : i1 to i32
        %sign3A_466 = arith.subi %sign3A_462, %sign3A_465 : i32
        %sign3A_467 = arith.constant 0 : i32
        %sign3A_468 = arith.cmpi sgt, %jit3A_458, %sign3A_467 : i32
        %sign3A_469 = arith.extui %sign3A_468 : i1 to i32
        %sign3A_470 = arith.constant 0 : i32
        %sign3A_471 = arith.cmpi slt, %jit3A_458, %sign3A_470 : i32
        %sign3A_472 = arith.extui %sign3A_471 : i1 to i32
        %sign3A_473 = arith.subi %sign3A_469, %sign3A_472 : i32
        %ne3A_474 = arith.cmpi ne, %sign3A_466, %sign3A_473 : i32
        %rem3A_475 = arith.remsi %select_n3A_457, %jit3A_458 : i32
        %ne3A_476 = arith.constant 0 : i32
        %ne3A_477 = arith.cmpi ne, %rem3A_475, %ne3A_476 : i32
        %and3A_478 = arith.andi %ne3A_474, %ne3A_477 : i1
        %sub3A_479 = arith.constant 1 : i32
        %sub3A_480 = arith.subi %div3A_459, %sub3A_479 : i32
        %select_n3A_481 = arith.select %and3A_478, %sub3A_480, %div3A_459 : i32
        %mul3A_482 = arith.constant 2 : i32
        %mul3A_483 = arith.muli %select_n3A_481, %mul3A_482 : i32
        %mul3A_484 = arith.constant 2 : i32
        %mul3A_485 = arith.muli %mul3A_483, %mul3A_484 : i32
        %jit3A_486 = arith.constant 2 : i32
        %eq3A_487 = arith.constant 0 : i32
        %eq3A_488 = arith.cmpi eq, %jit3A_486, %eq3A_487 : i32
        %jit3A_489 = arith.constant 1 : i32
        %select_n3A_490 = arith.select %eq3A_488, %jit3A_489, %jit3A_486 : i32
        %rem3A_491 = arith.remsi %select_n3A_457, %select_n3A_490 : i32
        %ne3A_492 = arith.constant 0 : i32
        %ne3A_493 = arith.cmpi ne, %rem3A_491, %ne3A_492 : i32
        %lt3A_494 = arith.constant 0 : i32
        %lt3A_495 = arith.cmpi slt, %rem3A_491, %lt3A_494 : i32
        %lt3A_496 = arith.constant 0 : i32
        %lt3A_497 = arith.cmpi slt, %select_n3A_490, %lt3A_496 : i32
        %ne3A_498 = arith.xori %lt3A_495, %lt3A_497 : i1
        %and3A_499 = arith.andi %ne3A_498, %ne3A_493 : i1
        %add3A_500 = arith.addi %rem3A_491, %select_n3A_490 : i32
        %select_n3A_501 = arith.select %and3A_499, %add3A_500, %rem3A_491 : i32
        %add3A_502 = arith.addi %mul3A_485, %select_n3A_501 : i32
        %mul3A_503 = arith.constant 2 : i32
        %mul3A_504 = arith.muli %select_n3A_442, %mul3A_503 : i32
        %mul3A_505 = arith.constant 2 : i32
        %mul3A_506 = arith.muli %mul3A_504, %mul3A_505 : i32
        %add3A_507 = arith.addi %mul3A_506, %add3A_502 : i32
        %add3A_508 = arith.addi %mul3A_506, %add3A_502 : i32
        %add3A_509 = arith.constant 2 : i32
        %add3A_510 = arith.addi %add3A_508, %add3A_509 : i32
        %mul3A_511 = arith.constant 16 : i32
        %mul3A_512 = arith.muli %add3A_507, %mul3A_511 : i32
        %get3A_513 = arith.index_cast %mul3A_512 : i32 to index
        %get3A_514 = tpu.vector_load %arg7[%get3A_513] {strides = array<i32>} : memref<512xf32, #tpu.memory_space<vmem>>, vector<16xf32>,
        %mul3A_515 = arith.constant 16 : i32
        %mul3A_516 = arith.muli %add3A_507, %mul3A_515 : i32
        %get3A_517 = arith.index_cast %mul3A_516 : i32 to index
        %get3A_518 = tpu.vector_load %arg8[%get3A_517] {strides = array<i32>} : memref<512xi32, #tpu.memory_space<vmem>>, vector<16xi32>,
        %mul3A_519 = arith.constant 16 : i32
        %mul3A_520 = arith.muli %add3A_510, %mul3A_519 : i32
        %get3A_521 = arith.index_cast %mul3A_520 : i32 to index
        %get3A_522 = tpu.vector_load %arg7[%get3A_521] {strides = array<i32>} : memref<512xf32, #tpu.memory_space<vmem>>, vector<16xf32>,
        %mul3A_523 = arith.constant 16 : i32
        %mul3A_524 = arith.muli %add3A_510, %mul3A_523 : i32
        %get3A_525 = arith.index_cast %mul3A_524 : i32 to index
        %get3A_526 = tpu.vector_load %arg8[%get3A_525] {strides = array<i32>} : memref<512xi32, #tpu.memory_space<vmem>>, vector<16xi32>,
        %le3A = arith.cmpf ole, %get3A_514, %get3A_522 : vector<16xf32>
        %min3A = arith.minimumf %get3A_514, %get3A_522 : vector<16xf32>
        %mul3A_527 = arith.constant 16 : i32
        %mul3A_528 = arith.muli %add3A_507, %mul3A_527 : i32
        %swap3A_529 = arith.index_cast %mul3A_528 : i32 to index
        %swap3A_530 = tpu.vector_load %arg7[%swap3A_529] {strides = array<i32>} : memref<512xf32, #tpu.memory_space<vmem>>, vector<16xf32>,
        tpu.vector_store %arg7[%swap3A_529], %min3A {strides = array<i32>} : memref<512xf32, #tpu.memory_space<vmem>>, vector<16xf32>,
        %max3A = arith.maximumf %get3A_514, %get3A_522 : vector<16xf32>
        %mul3A_531 = arith.constant 16 : i32
        %mul3A_532 = arith.muli %add3A_510, %mul3A_531 : i32
        %swap3A_533 = arith.index_cast %mul3A_532 : i32 to index
        %swap3A_534 = tpu.vector_load %arg7[%swap3A_533] {strides = array<i32>} : memref<512xf32, #tpu.memory_space<vmem>>, vector<16xf32>,
        tpu.vector_store %arg7[%swap3A_533], %max3A {strides = array<i32>} : memref<512xf32, #tpu.memory_space<vmem>>, vector<16xf32>,
        %select_n3A_535 = arith.select %le3A, %get3A_518, %get3A_526 : vector<16xi1>, vector<16xi32>
        %mul3A_536 = arith.constant 16 : i32
        %mul3A_537 = arith.muli %add3A_507, %mul3A_536 : i32
        %swap3A_538 = arith.index_cast %mul3A_537 : i32 to index
        %swap3A_539 = tpu.vector_load %arg8[%swap3A_538] {strides = array<i32>} : memref<512xi32, #tpu.memory_space<vmem>>, vector<16xi32>,
        tpu.vector_store %arg8[%swap3A_538], %select_n3A_535 {strides = array<i32>} : memref<512xi32, #tpu.memory_space<vmem>>, vector<16xi32>,
        %select_n3A_540 = arith.select %le3A, %get3A_526, %get3A_518 : vector<16xi1>, vector<16xi32>
        %mul3A_541 = arith.constant 16 : i32
        %mul3A_542 = arith.muli %add3A_510, %mul3A_541 : i32
        %swap3A_543 = arith.index_cast %mul3A_542 : i32 to index
        %swap3A_544 = tpu.vector_load %arg8[%swap3A_543] {strides = array<i32>} : memref<512xi32, #tpu.memory_space<vmem>>, vector<16xi32>,
        tpu.vector_store %arg8[%swap3A_543], %select_n3A_540 {strides = array<i32>} : memref<512xi32, #tpu.memory_space<vmem>>, vector<16xi32>,
        %scan3A_545 = arith.constant 0 : i32
        scf.yield %scan3A_545 : i32
      }
      %scan3A_85 = arith.constant 16 : i32
      %scan3A_86 = arith.constant 0 : i32
      %scan3A_87 = arith.constant 0 : i32
      %scan3A_88 = arith.constant 16 : i32
      %scan3A_89 = arith.addi %scan3A_87, %scan3A_88 : i32
      %scan3A_90 = arith.constant 1 : i32
      %scan3A_91 = scf.for %scan3A_424 = %scan3A_87 to %scan3A_89 step %scan3A_90 iter_args(%scan3A_425 = %scan3A_86) -> (i32)  : i32 {
        %jit3A = arith.constant 2 : i32
        %div3A = arith.divsi %scan3A_424, %jit3A : i32
        %sign3A = arith.constant 0 : i32
        %sign3A_426 = arith.cmpi sgt, %scan3A_424, %sign3A : i32
        %sign3A_427 = arith.extui %sign3A_426 : i1 to i32
        %sign3A_428 = arith.constant 0 : i32
        %sign3A_429 = arith.cmpi slt, %scan3A_424, %sign3A_428 : i32
        %sign3A_430 = arith.extui %sign3A_429 : i1 to i32
        %sign3A_431 = arith.subi %sign3A_427, %sign3A_430 : i32
        %sign3A_432 = arith.constant 0 : i32
        %sign3A_433 = arith.cmpi sgt, %jit3A, %sign3A_432 : i32
        %sign3A_434 = arith.extui %sign3A_433 : i1 to i32
        %sign3A_435 = arith.constant 0 : i32
        %sign3A_436 = arith.cmpi slt, %jit3A, %sign3A_435 : i32
        %sign3A_437 = arith.extui %sign3A_436 : i1 to i32
        %sign3A_438 = arith.subi %sign3A_434, %sign3A_437 : i32
        %ne3A = arith.cmpi ne, %sign3A_431, %sign3A_438 : i32
        %rem3A = arith.remsi %scan3A_424, %jit3A : i32
        %ne3A_439 = arith.constant 0 : i32
        %ne3A_440 = arith.cmpi ne, %rem3A, %ne3A_439 : i32
        %and3A = arith.andi %ne3A, %ne3A_440 : i1
        %sub3A = arith.constant 1 : i32
        %sub3A_441 = arith.subi %div3A, %sub3A : i32
        %select_n3A_442 = arith.select %and3A, %sub3A_441, %div3A : i32
        %jit3A_443 = arith.constant 2 : i32
        %eq3A = arith.constant 0 : i32
        %eq3A_444 = arith.cmpi eq, %jit3A_443, %eq3A : i32
        %jit3A_445 = arith.constant 1 : i32
        %select_n3A_446 = arith.select %eq3A_444, %jit3A_445, %jit3A_443 : i32
        %rem3A_447 = arith.remsi %scan3A_424, %select_n3A_446 : i32
        %ne3A_448 = arith.constant 0 : i32
        %ne3A_449 = arith.cmpi ne, %rem3A_447, %ne3A_448 : i32
        %lt3A_450 = arith.constant 0 : i32
        %lt3A_451 = arith.cmpi slt, %rem3A_447, %lt3A_450 : i32
        %lt3A_452 = arith.constant 0 : i32
        %lt3A_453 = arith.cmpi slt, %select_n3A_446, %lt3A_452 : i32
        %ne3A_454 = arith.xori %lt3A_451, %lt3A_453 : i1
        %and3A_455 = arith.andi %ne3A_454, %ne3A_449 : i1
        %add3A_456 = arith.addi %rem3A_447, %select_n3A_446 : i32
        %select_n3A_457 = arith.select %and3A_455, %add3A_456, %rem3A_447 : i32
        %jit3A_458 = arith.constant 1 : i32
        %div3A_459 = arith.divsi %select_n3A_457, %jit3A_458 : i32
        %sign3A_460 = arith.constant 0 : i32
        %sign3A_461 = arith.cmpi sgt, %select_n3A_457, %sign3A_460 : i32
        %sign3A_462 = arith.extui %sign3A_461 : i1 to i32
        %sign3A_463 = arith.constant 0 : i32
        %sign3A_464 = arith.cmpi slt, %select_n3A_457, %sign3A_463 : i32
        %sign3A_465 = arith.extui %sign3A_464 : i1 to i32
        %sign3A_466 = arith.subi %sign3A_462, %sign3A_465 : i32
        %sign3A_467 = arith.constant 0 : i32
        %sign3A_468 = arith.cmpi sgt, %jit3A_458, %sign3A_467 : i32
        %sign3A_469 = arith.extui %sign3A_468 : i1 to i32
        %sign3A_470 = arith.constant 0 : i32
        %sign3A_471 = arith.cmpi slt, %jit3A_458, %sign3A_470 : i32
        %sign3A_472 = arith.extui %sign3A_471 : i1 to i32
        %sign3A_473 = arith.subi %sign3A_469, %sign3A_472 : i32
        %ne3A_474 = arith.cmpi ne, %sign3A_466, %sign3A_473 : i32
        %rem3A_475 = arith.remsi %select_n3A_457, %jit3A_458 : i32
        %ne3A_476 = arith.constant 0 : i32
        %ne3A_477 = arith.cmpi ne, %rem3A_475, %ne3A_476 : i32
        %and3A_478 = arith.andi %ne3A_474, %ne3A_477 : i1
        %sub3A_479 = arith.constant 1 : i32
        %sub3A_480 = arith.subi %div3A_459, %sub3A_479 : i32
        %select_n3A_481 = arith.select %and3A_478, %sub3A_480, %div3A_459 : i32
        %mul3A_482 = arith.constant 2 : i32
        %mul3A_483 = arith.muli %select_n3A_481, %mul3A_482 : i32
        %mul3A_484 = arith.constant 1 : i32
        %mul3A_485 = arith.muli %mul3A_483, %mul3A_484 : i32
        %jit3A_486 = arith.constant 1 : i32
        %eq3A_487 = arith.constant 0 : i32
        %eq3A_488 = arith.cmpi eq, %jit3A_486, %eq3A_487 : i32
        %jit3A_489 = arith.constant 1 : i32
        %select_n3A_490 = arith.select %eq3A_488, %jit3A_489, %jit3A_486 : i32
        %rem3A_491 = arith.remsi %select_n3A_457, %select_n3A_490 : i32
        %ne3A_492 = arith.constant 0 : i32
        %ne3A_493 = arith.cmpi ne, %rem3A_491, %ne3A_492 : i32
        %lt3A_494 = arith.constant 0 : i32
        %lt3A_495 = arith.cmpi slt, %rem3A_491, %lt3A_494 : i32
        %lt3A_496 = arith.constant 0 : i32
        %lt3A_497 = arith.cmpi slt, %select_n3A_490, %lt3A_496 : i32
        %ne3A_498 = arith.xori %lt3A_495, %lt3A_497 : i1
        %and3A_499 = arith.andi %ne3A_498, %ne3A_493 : i1
        %add3A_500 = arith.addi %rem3A_491, %select_n3A_490 : i32
        %select_n3A_501 = arith.select %and3A_499, %add3A_500, %rem3A_491 : i32
        %add3A_502 = arith.addi %mul3A_485, %select_n3A_501 : i32
        %mul3A_503 = arith.constant 2 : i32
        %mul3A_504 = arith.muli %select_n3A_442, %mul3A_503 : i32
        %mul3A_505 = arith.constant 2 : i32
        %mul3A_506 = arith.muli %mul3A_504, %mul3A_505 : i32
        %add3A_507 = arith.addi %mul3A_506, %add3A_502 : i32
        %add3A_508 = arith.addi %mul3A_506, %add3A_502 : i32
        %add3A_509 = arith.constant 1 : i32
        %add3A_510 = arith.addi %add3A_508, %add3A_509 : i32
        %mul3A_511 = arith.constant 16 : i32
        %mul3A_512 = arith.muli %add3A_507, %mul3A_511 : i32
        %get3A_513 = arith.index_cast %mul3A_512 : i32 to index
        %get3A_514 = tpu.vector_load %arg7[%get3A_513] {strides = array<i32>} : memref<512xf32, #tpu.memory_space<vmem>>, vector<16xf32>,
        %mul3A_515 = arith.constant 16 : i32
        %mul3A_516 = arith.muli %add3A_507, %mul3A_515 : i32
        %get3A_517 = arith.index_cast %mul3A_516 : i32 to index
        %get3A_518 = tpu.vector_load %arg8[%get3A_517] {strides = array<i32>} : memref<512xi32, #tpu.memory_space<vmem>>, vector<16xi32>,
        %mul3A_519 = arith.constant 16 : i32
        %mul3A_520 = arith.muli %add3A_510, %mul3A_519 : i32
        %get3A_521 = arith.index_cast %mul3A_520 : i32 to index
        %get3A_522 = tpu.vector_load %arg7[%get3A_521] {strides = array<i32>} : memref<512xf32, #tpu.memory_space<vmem>>, vector<16xf32>,
        %mul3A_523 = arith.constant 16 : i32
        %mul3A_524 = arith.muli %add3A_510, %mul3A_523 : i32
        %get3A_525 = arith.index_cast %mul3A_524 : i32 to index
        %get3A_526 = tpu.vector_load %arg8[%get3A_525] {strides = array<i32>} : memref<512xi32, #tpu.memory_space<vmem>>, vector<16xi32>,
        %le3A = arith.cmpf ole, %get3A_514, %get3A_522 : vector<16xf32>
        %min3A = arith.minimumf %get3A_514, %get3A_522 : vector<16xf32>
        %mul3A_527 = arith.constant 16 : i32
        %mul3A_528 = arith.muli %add3A_507, %mul3A_527 : i32
        %swap3A_529 = arith.index_cast %mul3A_528 : i32 to index
        %swap3A_530 = tpu.vector_load %arg7[%swap3A_529] {strides = array<i32>} : memref<512xf32, #tpu.memory_space<vmem>>, vector<16xf32>,
        tpu.vector_store %arg7[%swap3A_529], %min3A {strides = array<i32>} : memref<512xf32, #tpu.memory_space<vmem>>, vector<16xf32>,
        %max3A = arith.maximumf %get3A_514, %get3A_522 : vector<16xf32>
        %mul3A_531 = arith.constant 16 : i32
        %mul3A_532 = arith.muli %add3A_510, %mul3A_531 : i32
        %swap3A_533 = arith.index_cast %mul3A_532 : i32 to index
        %swap3A_534 = tpu.vector_load %arg7[%swap3A_533] {strides = array<i32>} : memref<512xf32, #tpu.memory_space<vmem>>, vector<16xf32>,
        tpu.vector_store %arg7[%swap3A_533], %max3A {strides = array<i32>} : memref<512xf32, #tpu.memory_space<vmem>>, vector<16xf32>,
        %select_n3A_535 = arith.select %le3A, %get3A_518, %get3A_526 : vector<16xi1>, vector<16xi32>
        %mul3A_536 = arith.constant 16 : i32
        %mul3A_537 = arith.muli %add3A_507, %mul3A_536 : i32
        %swap3A_538 = arith.index_cast %mul3A_537 : i32 to index
        %swap3A_539 = tpu.vector_load %arg8[%swap3A_538] {strides = array<i32>} : memref<512xi32, #tpu.memory_space<vmem>>, vector<16xi32>,
        tpu.vector_store %arg8[%swap3A_538], %select_n3A_535 {strides = array<i32>} : memref<512xi32, #tpu.memory_space<vmem>>, vector<16xi32>,
        %select_n3A_540 = arith.select %le3A, %get3A_526, %get3A_518 : vector<16xi1>, vector<16xi32>
        %mul3A_541 = arith.constant 16 : i32
        %mul3A_542 = arith.muli %add3A_510, %mul3A_541 : i32
        %swap3A_543 = arith.index_cast %mul3A_542 : i32 to index
        %swap3A_544 = tpu.vector_load %arg8[%swap3A_543] {strides = array<i32>} : memref<512xi32, #tpu.memory_space<vmem>>, vector<16xi32>,
        tpu.vector_store %arg8[%swap3A_543], %select_n3A_540 {strides = array<i32>} : memref<512xi32, #tpu.memory_space<vmem>>, vector<16xi32>,
        %scan3A_545 = arith.constant 0 : i32
        scf.yield %scan3A_545 : i32
      }
      %scan3A_92 = arith.constant 16 : i32
      %scan3A_93 = arith.constant 0 : i32
      %scan3A_94 = arith.constant 0 : i32
      %scan3A_95 = arith.constant 32 : i32
      %scan3A_96 = arith.addi %scan3A_94, %scan3A_95 : i32
      %scan3A_97 = arith.constant 1 : i32
      %scan3A_98 = scf.for %scan3A_424 = %scan3A_94 to %scan3A_96 step %scan3A_97 iter_args(%scan3A_425 = %scan3A_93) -> (i32)  : i32 {
        %mul3A_426 = arith.constant 16 : i32
        %mul3A_427 = arith.muli %scan3A_424, %mul3A_426 : i32
        %get3A_428 = arith.index_cast %mul3A_427 : i32 to index
        %get3A_429 = tpu.vector_load %arg7[%get3A_428] {strides = array<i32>} : memref<512xf32, #tpu.memory_space<vmem>>, vector<16xf32>,
        %mul3A_430 = arith.constant 16 : i32
        %mul3A_431 = arith.muli %scan3A_424, %mul3A_430 : i32
        %get3A_432 = arith.index_cast %mul3A_431 : i32 to index
        %get3A_433 = tpu.vector_load %arg8[%get3A_432] {strides = array<i32>} : memref<512xi32, #tpu.memory_space<vmem>>, vector<16xi32>,
        %masked_sort3A = arith.constant dense<true> : vector<16xi1>
        %masked_sort3A_434, %masked_sort3A_435, %masked_sort3A_436 = tpu.sort %get3A_429, %get3A_433 masked %masked_sort3A : (vector<16xf32>, vector<16xi32>, vector<16xi1>) -> (vector<16xi1>, vector<16xf32>, vector<16xi32>)
        %mul3A_437 = arith.constant 16 : i32
        %mul3A_438 = arith.muli %scan3A_424, %mul3A_437 : i32
        %swap3A_439 = arith.index_cast %mul3A_438 : i32 to index
        %swap3A_440 = tpu.vector_load %arg7[%swap3A_439] {strides = array<i32>} : memref<512xf32, #tpu.memory_space<vmem>>, vector<16xf32>,
        tpu.vector_store %arg7[%swap3A_439], %masked_sort3A_435 {strides = array<i32>} : memref<512xf32, #tpu.memory_space<vmem>>, vector<16xf32>,
        %mul3A_441 = arith.constant 16 : i32
        %mul3A_442 = arith.muli %scan3A_424, %mul3A_441 : i32
        %swap3A_443 = arith.index_cast %mul3A_442 : i32 to index
        %swap3A_444 = tpu.vector_load %arg8[%swap3A_443] {strides = array<i32>} : memref<512xi32, #tpu.memory_space<vmem>>, vector<16xi32>,
        tpu.vector_store %arg8[%swap3A_443], %masked_sort3A_436 {strides = array<i32>} : memref<512xi32, #tpu.memory_space<vmem>>, vector<16xi32>,
        %scan3A_445 = arith.constant 0 : i32
        scf.yield %scan3A_445 : i32
      }
      %scan3A_99 = arith.constant 32 : i32
      %scan3A_100 = arith.constant 0 : i32
      %scan3A_101 = arith.constant 0 : i32
      %scan3A_102 = arith.constant 8 : i32
      %scan3A_103 = arith.addi %scan3A_101, %scan3A_102 : i32
      %scan3A_104 = arith.constant 1 : i32
      %scan3A_105 = scf.for %scan3A_424 = %scan3A_101 to %scan3A_103 step %scan3A_104 iter_args(%scan3A_425 = %scan3A_100) -> (i32)  : i32 {
        %jit3A = arith.constant 2 : i32
        %div3A = arith.divsi %scan3A_424, %jit3A : i32
        %sign3A = arith.constant 0 : i32
        %sign3A_426 = arith.cmpi sgt, %scan3A_424, %sign3A : i32
        %sign3A_427 = arith.extui %sign3A_426 : i1 to i32
        %sign3A_428 = arith.constant 0 : i32
        %sign3A_429 = arith.cmpi slt, %scan3A_424, %sign3A_428 : i32
        %sign3A_430 = arith.extui %sign3A_429 : i1 to i32
        %sign3A_431 = arith.subi %sign3A_427, %sign3A_430 : i32
        %sign3A_432 = arith.constant 0 : i32
        %sign3A_433 = arith.cmpi sgt, %jit3A, %sign3A_432 : i32
        %sign3A_434 = arith.extui %sign3A_433 : i1 to i32
        %sign3A_435 = arith.constant 0 : i32
        %sign3A_436 = arith.cmpi slt, %jit3A, %sign3A_435 : i32
        %sign3A_437 = arith.extui %sign3A_436 : i1 to i32
        %sign3A_438 = arith.subi %sign3A_434, %sign3A_437 : i32
        %ne3A = arith.cmpi ne, %sign3A_431, %sign3A_438 : i32
        %rem3A = arith.remsi %scan3A_424, %jit3A : i32
        %ne3A_439 = arith.constant 0 : i32
        %ne3A_440 = arith.cmpi ne, %rem3A, %ne3A_439 : i32
        %and3A = arith.andi %ne3A, %ne3A_440 : i1
        %sub3A = arith.constant 1 : i32
        %sub3A_441 = arith.subi %div3A, %sub3A : i32
        %select_n3A_442 = arith.select %and3A, %sub3A_441, %div3A : i32
        %jit3A_443 = arith.constant 2 : i32
        %eq3A = arith.constant 0 : i32
        %eq3A_444 = arith.cmpi eq, %jit3A_443, %eq3A : i32
        %jit3A_445 = arith.constant 1 : i32
        %select_n3A_446 = arith.select %eq3A_444, %jit3A_445, %jit3A_443 : i32
        %rem3A_447 = arith.remsi %scan3A_424, %select_n3A_446 : i32
        %ne3A_448 = arith.constant 0 : i32
        %ne3A_449 = arith.cmpi ne, %rem3A_447, %ne3A_448 : i32
        %lt3A_450 = arith.constant 0 : i32
        %lt3A_451 = arith.cmpi slt, %rem3A_447, %lt3A_450 : i32
        %lt3A_452 = arith.constant 0 : i32
        %lt3A_453 = arith.cmpi slt, %select_n3A_446, %lt3A_452 : i32
        %ne3A_454 = arith.xori %lt3A_451, %lt3A_453 : i1
        %and3A_455 = arith.andi %ne3A_454, %ne3A_449 : i1
        %add3A_456 = arith.addi %rem3A_447, %select_n3A_446 : i32
        %select_n3A_457 = arith.select %and3A_455, %add3A_456, %rem3A_447 : i32
        %mul3A_458 = arith.constant 2 : i32
        %mul3A_459 = arith.muli %select_n3A_442, %mul3A_458 : i32
        %mul3A_460 = arith.constant 4 : i32
        %mul3A_461 = arith.muli %mul3A_459, %mul3A_460 : i32
        %add3A_462 = arith.constant 4 : i32
        %add3A_463 = arith.addi %mul3A_461, %add3A_462 : i32
        %add3A_464 = arith.addi %add3A_463, %select_n3A_457 : i32
        %add3A_465 = arith.constant 4 : i32
        %add3A_466 = arith.addi %add3A_463, %add3A_465 : i32
        %sub3A_467 = arith.constant 1 : i32
        %sub3A_468 = arith.subi %add3A_466, %sub3A_467 : i32
        %sub3A_469 = arith.subi %sub3A_468, %select_n3A_457 : i32
        %mul3A_470 = arith.constant 16 : i32
        %mul3A_471 = arith.muli %add3A_464, %mul3A_470 : i32
        %get3A_472 = arith.index_cast %mul3A_471 : i32 to index
        %get3A_473 = tpu.vector_load %arg7[%get3A_472] {strides = array<i32>} : memref<512xf32, #tpu.memory_space<vmem>>, vector<16xf32>,
        %mul3A_474 = arith.constant 16 : i32
        %mul3A_475 = arith.muli %add3A_464, %mul3A_474 : i32
        %get3A_476 = arith.index_cast %mul3A_475 : i32 to index
        %get3A_477 = tpu.vector_load %arg8[%get3A_476] {strides = array<i32>} : memref<512xi32, #tpu.memory_space<vmem>>, vector<16xi32>,
        %mul3A_478 = arith.constant 16 : i32
        %mul3A_479 = arith.muli %sub3A_469, %mul3A_478 : i32
        %get3A_480 = arith.index_cast %mul3A_479 : i32 to index
        %get3A_481 = tpu.vector_load %arg7[%get3A_480] {strides = array<i32>} : memref<512xf32, #tpu.memory_space<vmem>>, vector<16xf32>,
        %mul3A_482 = arith.constant 16 : i32
        %mul3A_483 = arith.muli %sub3A_469, %mul3A_482 : i32
        %get3A_484 = arith.index_cast %mul3A_483 : i32 to index
        %get3A_485 = tpu.vector_load %arg8[%get3A_484] {strides = array<i32>} : memref<512xi32, #tpu.memory_space<vmem>>, vector<16xi32>,
        %rev3A = arith.constant 15 : i32
        %rev3A_486 = vector.broadcast %rev3A : i32 to vector<16xi32>
        %rev3A_487 = tpu.iota {dimensions = array<i32: 0>} : vector<16xi32>
        %rev3A_488 = arith.subi %rev3A_486, %rev3A_487 : vector<16xi32>
        %rev3A_489 = tpu.dynamic_gather %get3A_481[%rev3A_488] in [0] : vector<16xf32>, vector<16xi32> -> vector<16xf32>
        %mul3A_490 = arith.constant 16 : i32
        %mul3A_491 = arith.muli %add3A_464, %mul3A_490 : i32
        %swap3A_492 = arith.index_cast %mul3A_491 : i32 to index
        %swap3A_493 = tpu.vector_load %arg7[%swap3A_492] {strides = array<i32>} : memref<512xf32, #tpu.memory_space<vmem>>, vector<16xf32>,
        tpu.vector_store %arg7[%swap3A_492], %rev3A_489 {strides = array<i32>} : memref<512xf32, #tpu.memory_space<vmem>>, vector<16xf32>,
        %rev3A_494 = arith.constant 15 : i32
        %rev3A_495 = vector.broadcast %rev3A_494 : i32 to vector<16xi32>
        %rev3A_496 = tpu.iota {dimensions = array<i32: 0>} : vector<16xi32>
        %rev3A_497 = arith.subi %rev3A_495, %rev3A_496 : vector<16xi32>
        %rev3A_498 = tpu.dynamic_gather %get3A_485[%rev3A_497] in [0] : vector<16xi32>, vector<16xi32> -> vector<16xi32>
        %mul3A_499 = arith.constant 16 : i32
        %mul3A_500 = arith.muli %add3A_464, %mul3A_499 : i32
        %swap3A_501 = arith.index_cast %mul3A_500 : i32 to index
        %swap3A_502 = tpu.vector_load %arg8[%swap3A_501] {strides = array<i32>} : memref<512xi32, #tpu.memory_space<vmem>>, vector<16xi32>,
        tpu.vector_store %arg8[%swap3A_501], %rev3A_498 {strides = array<i32>} : memref<512xi32, #tpu.memory_space<vmem>>, vector<16xi32>,
        %rev3A_503 = arith.constant 15 : i32
        %rev3A_504 = vector.broadcast %rev3A_503 : i32 to vector<16xi32>
        %rev3A_505 = tpu.iota {dimensions = array<i32: 0>} : vector<16xi32>
        %rev3A_506 = arith.subi %rev3A_504, %rev3A_505 : vector<16xi32>
        %rev3A_507 = tpu.dynamic_gather %get3A_473[%rev3A_506] in [0] : vector<16xf32>, vector<16xi32> -> vector<16xf32>
        %mul3A_508 = arith.constant 16 : i32
        %mul3A_509 = arith.muli %sub3A_469, %mul3A_508 : i32
        %swap3A_510 = arith.index_cast %mul3A_509 : i32 to index
        %swap3A_511 = tpu.vector_load %arg7[%swap3A_510] {strides = array<i32>} : memref<512xf32, #tpu.memory_space<vmem>>, vector<16xf32>,
        tpu.vector_store %arg7[%swap3A_510], %rev3A_507 {strides = array<i32>} : memref<512xf32, #tpu.memory_space<vmem>>, vector<16xf32>,
        %rev3A_512 = arith.constant 15 : i32
        %rev3A_513 = vector.broadcast %rev3A_512 : i32 to vector<16xi32>
        %rev3A_514 = tpu.iota {dimensions = array<i32: 0>} : vector<16xi32>
        %rev3A_515 = arith.subi %rev3A_513, %rev3A_514 : vector<16xi32>
        %rev3A_516 = tpu.dynamic_gather %get3A_477[%rev3A_515] in [0] : vector<16xi32>, vector<16xi32> -> vector<16xi32>
        %mul3A_517 = arith.constant 16 : i32
        %mul3A_518 = arith.muli %sub3A_469, %mul3A_517 : i32
        %swap3A_519 = arith.index_cast %mul3A_518 : i32 to index
        %swap3A_520 = tpu.vector_load %arg8[%swap3A_519] {strides = array<i32>} : memref<512xi32, #tpu.memory_space<vmem>>, vector<16xi32>,
        tpu.vector_store %arg8[%swap3A_519], %rev3A_516 {strides = array<i32>} : memref<512xi32, #tpu.memory_space<vmem>>, vector<16xi32>,
        %scan3A_521 = arith.constant 0 : i32
        scf.yield %scan3A_521 : i32
      }
      %scan3A_106 = arith.constant 8 : i32
      %scan3A_107 = arith.constant 0 : i32
      %scan3A_108 = arith.constant 0 : i32
      %scan3A_109 = arith.constant 16 : i32
      %scan3A_110 = arith.addi %scan3A_108, %scan3A_109 : i32
      %scan3A_111 = arith.constant 1 : i32
      %scan3A_112 = scf.for %scan3A_424 = %scan3A_108 to %scan3A_110 step %scan3A_111 iter_args(%scan3A_425 = %scan3A_107) -> (i32)  : i32 {
        %jit3A = arith.constant 4 : i32
        %div3A = arith.divsi %scan3A_424, %jit3A : i32
        %sign3A = arith.constant 0 : i32
        %sign3A_426 = arith.cmpi sgt, %scan3A_424, %sign3A : i32
        %sign3A_427 = arith.extui %sign3A_426 : i1 to i32
        %sign3A_428 = arith.constant 0 : i32
        %sign3A_429 = arith.cmpi slt, %scan3A_424, %sign3A_428 : i32
        %sign3A_430 = arith.extui %sign3A_429 : i1 to i32
        %sign3A_431 = arith.subi %sign3A_427, %sign3A_430 : i32
        %sign3A_432 = arith.constant 0 : i32
        %sign3A_433 = arith.cmpi sgt, %jit3A, %sign3A_432 : i32
        %sign3A_434 = arith.extui %sign3A_433 : i1 to i32
        %sign3A_435 = arith.constant 0 : i32
        %sign3A_436 = arith.cmpi slt, %jit3A, %sign3A_435 : i32
        %sign3A_437 = arith.extui %sign3A_436 : i1 to i32
        %sign3A_438 = arith.subi %sign3A_434, %sign3A_437 : i32
        %ne3A = arith.cmpi ne, %sign3A_431, %sign3A_438 : i32
        %rem3A = arith.remsi %scan3A_424, %jit3A : i32
        %ne3A_439 = arith.constant 0 : i32
        %ne3A_440 = arith.cmpi ne, %rem3A, %ne3A_439 : i32
        %and3A = arith.andi %ne3A, %ne3A_440 : i1
        %sub3A = arith.constant 1 : i32
        %sub3A_441 = arith.subi %div3A, %sub3A : i32
        %select_n3A_442 = arith.select %and3A, %sub3A_441, %div3A : i32
        %jit3A_443 = arith.constant 4 : i32
        %eq3A = arith.constant 0 : i32
        %eq3A_444 = arith.cmpi eq, %jit3A_443, %eq3A : i32
        %jit3A_445 = arith.constant 1 : i32
        %select_n3A_446 = arith.select %eq3A_444, %jit3A_445, %jit3A_443 : i32
        %rem3A_447 = arith.remsi %scan3A_424, %select_n3A_446 : i32
        %ne3A_448 = arith.constant 0 : i32
        %ne3A_449 = arith.cmpi ne, %rem3A_447, %ne3A_448 : i32
        %lt3A_450 = arith.constant 0 : i32
        %lt3A_451 = arith.cmpi slt, %rem3A_447, %lt3A_450 : i32
        %lt3A_452 = arith.constant 0 : i32
        %lt3A_453 = arith.cmpi slt, %select_n3A_446, %lt3A_452 : i32
        %ne3A_454 = arith.xori %lt3A_451, %lt3A_453 : i1
        %and3A_455 = arith.andi %ne3A_454, %ne3A_449 : i1
        %add3A_456 = arith.addi %rem3A_447, %select_n3A_446 : i32
        %select_n3A_457 = arith.select %and3A_455, %add3A_456, %rem3A_447 : i32
        %jit3A_458 = arith.constant 4 : i32
        %div3A_459 = arith.divsi %select_n3A_457, %jit3A_458 : i32
        %sign3A_460 = arith.constant 0 : i32
        %sign3A_461 = arith.cmpi sgt, %select_n3A_457, %sign3A_460 : i32
        %sign3A_462 = arith.extui %sign3A_461 : i1 to i32
        %sign3A_463 = arith.constant 0 : i32
        %sign3A_464 = arith.cmpi slt, %select_n3A_457, %sign3A_463 : i32
        %sign3A_465 = arith.extui %sign3A_464 : i1 to i32
        %sign3A_466 = arith.subi %sign3A_462, %sign3A_465 : i32
        %sign3A_467 = arith.constant 0 : i32
        %sign3A_468 = arith.cmpi sgt, %jit3A_458, %sign3A_467 : i32
        %sign3A_469 = arith.extui %sign3A_468 : i1 to i32
        %sign3A_470 = arith.constant 0 : i32
        %sign3A_471 = arith.cmpi slt, %jit3A_458, %sign3A_470 : i32
        %sign3A_472 = arith.extui %sign3A_471 : i1 to i32
        %sign3A_473 = arith.subi %sign3A_469, %sign3A_472 : i32
        %ne3A_474 = arith.cmpi ne, %sign3A_466, %sign3A_473 : i32
        %rem3A_475 = arith.remsi %select_n3A_457, %jit3A_458 : i32
        %ne3A_476 = arith.constant 0 : i32
        %ne3A_477 = arith.cmpi ne, %rem3A_475, %ne3A_476 : i32
        %and3A_478 = arith.andi %ne3A_474, %ne3A_477 : i1
        %sub3A_479 = arith.constant 1 : i32
        %sub3A_480 = arith.subi %div3A_459, %sub3A_479 : i32
        %select_n3A_481 = arith.select %and3A_478, %sub3A_480, %div3A_459 : i32
        %mul3A_482 = arith.constant 2 : i32
        %mul3A_483 = arith.muli %select_n3A_481, %mul3A_482 : i32
        %mul3A_484 = arith.constant 4 : i32
        %mul3A_485 = arith.muli %mul3A_483, %mul3A_484 : i32
        %jit3A_486 = arith.constant 4 : i32
        %eq3A_487 = arith.constant 0 : i32
        %eq3A_488 = arith.cmpi eq, %jit3A_486, %eq3A_487 : i32
        %jit3A_489 = arith.constant 1 : i32
        %select_n3A_490 = arith.select %eq3A_488, %jit3A_489, %jit3A_486 : i32
        %rem3A_491 = arith.remsi %select_n3A_457, %select_n3A_490 : i32
        %ne3A_492 = arith.constant 0 : i32
        %ne3A_493 = arith.cmpi ne, %rem3A_491, %ne3A_492 : i32
        %lt3A_494 = arith.constant 0 : i32
        %lt3A_495 = arith.cmpi slt, %rem3A_491, %lt3A_494 : i32
        %lt3A_496 = arith.constant 0 : i32
        %lt3A_497 = arith.cmpi slt, %select_n3A_490, %lt3A_496 : i32
        %ne3A_498 = arith.xori %lt3A_495, %lt3A_497 : i1
        %and3A_499 = arith.andi %ne3A_498, %ne3A_493 : i1
        %add3A_500 = arith.addi %rem3A_491, %select_n3A_490 : i32
        %select_n3A_501 = arith.select %and3A_499, %add3A_500, %rem3A_491 : i32
        %add3A_502 = arith.addi %mul3A_485, %select_n3A_501 : i32
        %mul3A_503 = arith.constant 2 : i32
        %mul3A_504 = arith.muli %select_n3A_442, %mul3A_503 : i32
        %mul3A_505 = arith.constant 4 : i32
        %mul3A_506 = arith.muli %mul3A_504, %mul3A_505 : i32
        %add3A_507 = arith.addi %mul3A_506, %add3A_502 : i32
        %add3A_508 = arith.addi %mul3A_506, %add3A_502 : i32
        %add3A_509 = arith.constant 4 : i32
        %add3A_510 = arith.addi %add3A_508, %add3A_509 : i32
        %mul3A_511 = arith.constant 16 : i32
        %mul3A_512 = arith.muli %add3A_507, %mul3A_511 : i32
        %get3A_513 = arith.index_cast %mul3A_512 : i32 to index
        %get3A_514 = tpu.vector_load %arg7[%get3A_513] {strides = array<i32>} : memref<512xf32, #tpu.memory_space<vmem>>, vector<16xf32>,
        %mul3A_515 = arith.constant 16 : i32
        %mul3A_516 = arith.muli %add3A_507, %mul3A_515 : i32
        %get3A_517 = arith.index_cast %mul3A_516 : i32 to index
        %get3A_518 = tpu.vector_load %arg8[%get3A_517] {strides = array<i32>} : memref<512xi32, #tpu.memory_space<vmem>>, vector<16xi32>,
        %mul3A_519 = arith.constant 16 : i32
        %mul3A_520 = arith.muli %add3A_510, %mul3A_519 : i32
        %get3A_521 = arith.index_cast %mul3A_520 : i32 to index
        %get3A_522 = tpu.vector_load %arg7[%get3A_521] {strides = array<i32>} : memref<512xf32, #tpu.memory_space<vmem>>, vector<16xf32>,
        %mul3A_523 = arith.constant 16 : i32
        %mul3A_524 = arith.muli %add3A_510, %mul3A_523 : i32
        %get3A_525 = arith.index_cast %mul3A_524 : i32 to index
        %get3A_526 = tpu.vector_load %arg8[%get3A_525] {strides = array<i32>} : memref<512xi32, #tpu.memory_space<vmem>>, vector<16xi32>,
        %le3A = arith.cmpf ole, %get3A_514, %get3A_522 : vector<16xf32>
        %min3A = arith.minimumf %get3A_514, %get3A_522 : vector<16xf32>
        %mul3A_527 = arith.constant 16 : i32
        %mul3A_528 = arith.muli %add3A_507, %mul3A_527 : i32
        %swap3A_529 = arith.index_cast %mul3A_528 : i32 to index
        %swap3A_530 = tpu.vector_load %arg7[%swap3A_529] {strides = array<i32>} : memref<512xf32, #tpu.memory_space<vmem>>, vector<16xf32>,
        tpu.vector_store %arg7[%swap3A_529], %min3A {strides = array<i32>} : memref<512xf32, #tpu.memory_space<vmem>>, vector<16xf32>,
        %max3A = arith.maximumf %get3A_514, %get3A_522 : vector<16xf32>
        %mul3A_531 = arith.constant 16 : i32
        %mul3A_532 = arith.muli %add3A_510, %mul3A_531 : i32
        %swap3A_533 = arith.index_cast %mul3A_532 : i32 to index
        %swap3A_534 = tpu.vector_load %arg7[%swap3A_533] {strides = array<i32>} : memref<512xf32, #tpu.memory_space<vmem>>, vector<16xf32>,
        tpu.vector_store %arg7[%swap3A_533], %max3A {strides = array<i32>} : memref<512xf32, #tpu.memory_space<vmem>>, vector<16xf32>,
        %select_n3A_535 = arith.select %le3A, %get3A_518, %get3A_526 : vector<16xi1>, vector<16xi32>
        %mul3A_536 = arith.constant 16 : i32
        %mul3A_537 = arith.muli %add3A_507, %mul3A_536 : i32
        %swap3A_538 = arith.index_cast %mul3A_537 : i32 to index
        %swap3A_539 = tpu.vector_load %arg8[%swap3A_538] {strides = array<i32>} : memref<512xi32, #tpu.memory_space<vmem>>, vector<16xi32>,
        tpu.vector_store %arg8[%swap3A_538], %select_n3A_535 {strides = array<i32>} : memref<512xi32, #tpu.memory_space<vmem>>, vector<16xi32>,
        %select_n3A_540 = arith.select %le3A, %get3A_526, %get3A_518 : vector<16xi1>, vector<16xi32>
        %mul3A_541 = arith.constant 16 : i32
        %mul3A_542 = arith.muli %add3A_510, %mul3A_541 : i32
        %swap3A_543 = arith.index_cast %mul3A_542 : i32 to index
        %swap3A_544 = tpu.vector_load %arg8[%swap3A_543] {strides = array<i32>} : memref<512xi32, #tpu.memory_space<vmem>>, vector<16xi32>,
        tpu.vector_store %arg8[%swap3A_543], %select_n3A_540 {strides = array<i32>} : memref<512xi32, #tpu.memory_space<vmem>>, vector<16xi32>,
        %scan3A_545 = arith.constant 0 : i32
        scf.yield %scan3A_545 : i32
      }
      %scan3A_113 = arith.constant 16 : i32
      %scan3A_114 = arith.constant 0 : i32
      %scan3A_115 = arith.constant 0 : i32
      %scan3A_116 = arith.constant 16 : i32
      %scan3A_117 = arith.addi %scan3A_115, %scan3A_116 : i32
      %scan3A_118 = arith.constant 1 : i32
      %scan3A_119 = scf.for %scan3A_424 = %scan3A_115 to %scan3A_117 step %scan3A_118 iter_args(%scan3A_425 = %scan3A_114) -> (i32)  : i32 {
        %jit3A = arith.constant 4 : i32
        %div3A = arith.divsi %scan3A_424, %jit3A : i32
        %sign3A = arith.constant 0 : i32
        %sign3A_426 = arith.cmpi sgt, %scan3A_424, %sign3A : i32
        %sign3A_427 = arith.extui %sign3A_426 : i1 to i32
        %sign3A_428 = arith.constant 0 : i32
        %sign3A_429 = arith.cmpi slt, %scan3A_424, %sign3A_428 : i32
        %sign3A_430 = arith.extui %sign3A_429 : i1 to i32
        %sign3A_431 = arith.subi %sign3A_427, %sign3A_430 : i32
        %sign3A_432 = arith.constant 0 : i32
        %sign3A_433 = arith.cmpi sgt, %jit3A, %sign3A_432 : i32
        %sign3A_434 = arith.extui %sign3A_433 : i1 to i32
        %sign3A_435 = arith.constant 0 : i32
        %sign3A_436 = arith.cmpi slt, %jit3A, %sign3A_435 : i32
        %sign3A_437 = arith.extui %sign3A_436 : i1 to i32
        %sign3A_438 = arith.subi %sign3A_434, %sign3A_437 : i32
        %ne3A = arith.cmpi ne, %sign3A_431, %sign3A_438 : i32
        %rem3A = arith.remsi %scan3A_424, %jit3A : i32
        %ne3A_439 = arith.constant 0 : i32
        %ne3A_440 = arith.cmpi ne, %rem3A, %ne3A_439 : i32
        %and3A = arith.andi %ne3A, %ne3A_440 : i1
        %sub3A = arith.constant 1 : i32
        %sub3A_441 = arith.subi %div3A, %sub3A : i32
        %select_n3A_442 = arith.select %and3A, %sub3A_441, %div3A : i32
        %jit3A_443 = arith.constant 4 : i32
        %eq3A = arith.constant 0 : i32
        %eq3A_444 = arith.cmpi eq, %jit3A_443, %eq3A : i32
        %jit3A_445 = arith.constant 1 : i32
        %select_n3A_446 = arith.select %eq3A_444, %jit3A_445, %jit3A_443 : i32
        %rem3A_447 = arith.remsi %scan3A_424, %select_n3A_446 : i32
        %ne3A_448 = arith.constant 0 : i32
        %ne3A_449 = arith.cmpi ne, %rem3A_447, %ne3A_448 : i32
        %lt3A_450 = arith.constant 0 : i32
        %lt3A_451 = arith.cmpi slt, %rem3A_447, %lt3A_450 : i32
        %lt3A_452 = arith.constant 0 : i32
        %lt3A_453 = arith.cmpi slt, %select_n3A_446, %lt3A_452 : i32
        %ne3A_454 = arith.xori %lt3A_451, %lt3A_453 : i1
        %and3A_455 = arith.andi %ne3A_454, %ne3A_449 : i1
        %add3A_456 = arith.addi %rem3A_447, %select_n3A_446 : i32
        %select_n3A_457 = arith.select %and3A_455, %add3A_456, %rem3A_447 : i32
        %jit3A_458 = arith.constant 2 : i32
        %div3A_459 = arith.divsi %select_n3A_457, %jit3A_458 : i32
        %sign3A_460 = arith.constant 0 : i32
        %sign3A_461 = arith.cmpi sgt, %select_n3A_457, %sign3A_460 : i32
        %sign3A_462 = arith.extui %sign3A_461 : i1 to i32
        %sign3A_463 = arith.constant 0 : i32
        %sign3A_464 = arith.cmpi slt, %select_n3A_457, %sign3A_463 : i32
        %sign3A_465 = arith.extui %sign3A_464 : i1 to i32
        %sign3A_466 = arith.subi %sign3A_462, %sign3A_465 : i32
        %sign3A_467 = arith.constant 0 : i32
        %sign3A_468 = arith.cmpi sgt, %jit3A_458, %sign3A_467 : i32
        %sign3A_469 = arith.extui %sign3A_468 : i1 to i32
        %sign3A_470 = arith.constant 0 : i32
        %sign3A_471 = arith.cmpi slt, %jit3A_458, %sign3A_470 : i32
        %sign3A_472 = arith.extui %sign3A_471 : i1 to i32
        %sign3A_473 = arith.subi %sign3A_469, %sign3A_472 : i32
        %ne3A_474 = arith.cmpi ne, %sign3A_466, %sign3A_473 : i32
        %rem3A_475 = arith.remsi %select_n3A_457, %jit3A_458 : i32
        %ne3A_476 = arith.constant 0 : i32
        %ne3A_477 = arith.cmpi ne, %rem3A_475, %ne3A_476 : i32
        %and3A_478 = arith.andi %ne3A_474, %ne3A_477 : i1
        %sub3A_479 = arith.constant 1 : i32
        %sub3A_480 = arith.subi %div3A_459, %sub3A_479 : i32
        %select_n3A_481 = arith.select %and3A_478, %sub3A_480, %div3A_459 : i32
        %mul3A_482 = arith.constant 2 : i32
        %mul3A_483 = arith.muli %select_n3A_481, %mul3A_482 : i32
        %mul3A_484 = arith.constant 2 : i32
        %mul3A_485 = arith.muli %mul3A_483, %mul3A_484 : i32
        %jit3A_486 = arith.constant 2 : i32
        %eq3A_487 = arith.constant 0 : i32
        %eq3A_488 = arith.cmpi eq, %jit3A_486, %eq3A_487 : i32
        %jit3A_489 = arith.constant 1 : i32
        %select_n3A_490 = arith.select %eq3A_488, %jit3A_489, %jit3A_486 : i32
        %rem3A_491 = arith.remsi %select_n3A_457, %select_n3A_490 : i32
        %ne3A_492 = arith.constant 0 : i32
        %ne3A_493 = arith.cmpi ne, %rem3A_491, %ne3A_492 : i32
        %lt3A_494 = arith.constant 0 : i32
        %lt3A_495 = arith.cmpi slt, %rem3A_491, %lt3A_494 : i32
        %lt3A_496 = arith.constant 0 : i32
        %lt3A_497 = arith.cmpi slt, %select_n3A_490, %lt3A_496 : i32
        %ne3A_498 = arith.xori %lt3A_495, %lt3A_497 : i1
        %and3A_499 = arith.andi %ne3A_498, %ne3A_493 : i1
        %add3A_500 = arith.addi %rem3A_491, %select_n3A_490 : i32
        %select_n3A_501 = arith.select %and3A_499, %add3A_500, %rem3A_491 : i32
        %add3A_502 = arith.addi %mul3A_485, %select_n3A_501 : i32
        %mul3A_503 = arith.constant 2 : i32
        %mul3A_504 = arith.muli %select_n3A_442, %mul3A_503 : i32
        %mul3A_505 = arith.constant 4 : i32
        %mul3A_506 = arith.muli %mul3A_504, %mul3A_505 : i32
        %add3A_507 = arith.addi %mul3A_506, %add3A_502 : i32
        %add3A_508 = arith.addi %mul3A_506, %add3A_502 : i32
        %add3A_509 = arith.constant 2 : i32
        %add3A_510 = arith.addi %add3A_508, %add3A_509 : i32
        %mul3A_511 = arith.constant 16 : i32
        %mul3A_512 = arith.muli %add3A_507, %mul3A_511 : i32
        %get3A_513 = arith.index_cast %mul3A_512 : i32 to index
        %get3A_514 = tpu.vector_load %arg7[%get3A_513] {strides = array<i32>} : memref<512xf32, #tpu.memory_space<vmem>>, vector<16xf32>,
        %mul3A_515 = arith.constant 16 : i32
        %mul3A_516 = arith.muli %add3A_507, %mul3A_515 : i32
        %get3A_517 = arith.index_cast %mul3A_516 : i32 to index
        %get3A_518 = tpu.vector_load %arg8[%get3A_517] {strides = array<i32>} : memref<512xi32, #tpu.memory_space<vmem>>, vector<16xi32>,
        %mul3A_519 = arith.constant 16 : i32
        %mul3A_520 = arith.muli %add3A_510, %mul3A_519 : i32
        %get3A_521 = arith.index_cast %mul3A_520 : i32 to index
        %get3A_522 = tpu.vector_load %arg7[%get3A_521] {strides = array<i32>} : memref<512xf32, #tpu.memory_space<vmem>>, vector<16xf32>,
        %mul3A_523 = arith.constant 16 : i32
        %mul3A_524 = arith.muli %add3A_510, %mul3A_523 : i32
        %get3A_525 = arith.index_cast %mul3A_524 : i32 to index
        %get3A_526 = tpu.vector_load %arg8[%get3A_525] {strides = array<i32>} : memref<512xi32, #tpu.memory_space<vmem>>, vector<16xi32>,
        %le3A = arith.cmpf ole, %get3A_514, %get3A_522 : vector<16xf32>
        %min3A = arith.minimumf %get3A_514, %get3A_522 : vector<16xf32>
        %mul3A_527 = arith.constant 16 : i32
        %mul3A_528 = arith.muli %add3A_507, %mul3A_527 : i32
        %swap3A_529 = arith.index_cast %mul3A_528 : i32 to index
        %swap3A_530 = tpu.vector_load %arg7[%swap3A_529] {strides = array<i32>} : memref<512xf32, #tpu.memory_space<vmem>>, vector<16xf32>,
        tpu.vector_store %arg7[%swap3A_529], %min3A {strides = array<i32>} : memref<512xf32, #tpu.memory_space<vmem>>, vector<16xf32>,
        %max3A = arith.maximumf %get3A_514, %get3A_522 : vector<16xf32>
        %mul3A_531 = arith.constant 16 : i32
        %mul3A_532 = arith.muli %add3A_510, %mul3A_531 : i32
        %swap3A_533 = arith.index_cast %mul3A_532 : i32 to index
        %swap3A_534 = tpu.vector_load %arg7[%swap3A_533] {strides = array<i32>} : memref<512xf32, #tpu.memory_space<vmem>>, vector<16xf32>,
        tpu.vector_store %arg7[%swap3A_533], %max3A {strides = array<i32>} : memref<512xf32, #tpu.memory_space<vmem>>, vector<16xf32>,
        %select_n3A_535 = arith.select %le3A, %get3A_518, %get3A_526 : vector<16xi1>, vector<16xi32>
        %mul3A_536 = arith.constant 16 : i32
        %mul3A_537 = arith.muli %add3A_507, %mul3A_536 : i32
        %swap3A_538 = arith.index_cast %mul3A_537 : i32 to index
        %swap3A_539 = tpu.vector_load %arg8[%swap3A_538] {strides = array<i32>} : memref<512xi32, #tpu.memory_space<vmem>>, vector<16xi32>,
        tpu.vector_store %arg8[%swap3A_538], %select_n3A_535 {strides = array<i32>} : memref<512xi32, #tpu.memory_space<vmem>>, vector<16xi32>,
        %select_n3A_540 = arith.select %le3A, %get3A_526, %get3A_518 : vector<16xi1>, vector<16xi32>
        %mul3A_541 = arith.constant 16 : i32
        %mul3A_542 = arith.muli %add3A_510, %mul3A_541 : i32
        %swap3A_543 = arith.index_cast %mul3A_542 : i32 to index
        %swap3A_544 = tpu.vector_load %arg8[%swap3A_543] {strides = array<i32>} : memref<512xi32, #tpu.memory_space<vmem>>, vector<16xi32>,
        tpu.vector_store %arg8[%swap3A_543], %select_n3A_540 {strides = array<i32>} : memref<512xi32, #tpu.memory_space<vmem>>, vector<16xi32>,
        %scan3A_545 = arith.constant 0 : i32
        scf.yield %scan3A_545 : i32
      }
      %scan3A_120 = arith.constant 16 : i32
      %scan3A_121 = arith.constant 0 : i32
      %scan3A_122 = arith.constant 0 : i32
      %scan3A_123 = arith.constant 16 : i32
      %scan3A_124 = arith.addi %scan3A_122, %scan3A_123 : i32
      %scan3A_125 = arith.constant 1 : i32
      %scan3A_126 = scf.for %scan3A_424 = %scan3A_122 to %scan3A_124 step %scan3A_125 iter_args(%scan3A_425 = %scan3A_121) -> (i32)  : i32 {
        %jit3A = arith.constant 4 : i32
        %div3A = arith.divsi %scan3A_424, %jit3A : i32
        %sign3A = arith.constant 0 : i32
        %sign3A_426 = arith.cmpi sgt, %scan3A_424, %sign3A : i32
        %sign3A_427 = arith.extui %sign3A_426 : i1 to i32
        %sign3A_428 = arith.constant 0 : i32
        %sign3A_429 = arith.cmpi slt, %scan3A_424, %sign3A_428 : i32
        %sign3A_430 = arith.extui %sign3A_429 : i1 to i32
        %sign3A_431 = arith.subi %sign3A_427, %sign3A_430 : i32
        %sign3A_432 = arith.constant 0 : i32
        %sign3A_433 = arith.cmpi sgt, %jit3A, %sign3A_432 : i32
        %sign3A_434 = arith.extui %sign3A_433 : i1 to i32
        %sign3A_435 = arith.constant 0 : i32
        %sign3A_436 = arith.cmpi slt, %jit3A, %sign3A_435 : i32
        %sign3A_437 = arith.extui %sign3A_436 : i1 to i32
        %sign3A_438 = arith.subi %sign3A_434, %sign3A_437 : i32
        %ne3A = arith.cmpi ne, %sign3A_431, %sign3A_438 : i32
        %rem3A = arith.remsi %scan3A_424, %jit3A : i32
        %ne3A_439 = arith.constant 0 : i32
        %ne3A_440 = arith.cmpi ne, %rem3A, %ne3A_439 : i32
        %and3A = arith.andi %ne3A, %ne3A_440 : i1
        %sub3A = arith.constant 1 : i32
        %sub3A_441 = arith.subi %div3A, %sub3A : i32
        %select_n3A_442 = arith.select %and3A, %sub3A_441, %div3A : i32
        %jit3A_443 = arith.constant 4 : i32
        %eq3A = arith.constant 0 : i32
        %eq3A_444 = arith.cmpi eq, %jit3A_443, %eq3A : i32
        %jit3A_445 = arith.constant 1 : i32
        %select_n3A_446 = arith.select %eq3A_444, %jit3A_445, %jit3A_443 : i32
        %rem3A_447 = arith.remsi %scan3A_424, %select_n3A_446 : i32
        %ne3A_448 = arith.constant 0 : i32
        %ne3A_449 = arith.cmpi ne, %rem3A_447, %ne3A_448 : i32
        %lt3A_450 = arith.constant 0 : i32
        %lt3A_451 = arith.cmpi slt, %rem3A_447, %lt3A_450 : i32
        %lt3A_452 = arith.constant 0 : i32
        %lt3A_453 = arith.cmpi slt, %select_n3A_446, %lt3A_452 : i32
        %ne3A_454 = arith.xori %lt3A_451, %lt3A_453 : i1
        %and3A_455 = arith.andi %ne3A_454, %ne3A_449 : i1
        %add3A_456 = arith.addi %rem3A_447, %select_n3A_446 : i32
        %select_n3A_457 = arith.select %and3A_455, %add3A_456, %rem3A_447 : i32
        %jit3A_458 = arith.constant 1 : i32
        %div3A_459 = arith.divsi %select_n3A_457, %jit3A_458 : i32
        %sign3A_460 = arith.constant 0 : i32
        %sign3A_461 = arith.cmpi sgt, %select_n3A_457, %sign3A_460 : i32
        %sign3A_462 = arith.extui %sign3A_461 : i1 to i32
        %sign3A_463 = arith.constant 0 : i32
        %sign3A_464 = arith.cmpi slt, %select_n3A_457, %sign3A_463 : i32
        %sign3A_465 = arith.extui %sign3A_464 : i1 to i32
        %sign3A_466 = arith.subi %sign3A_462, %sign3A_465 : i32
        %sign3A_467 = arith.constant 0 : i32
        %sign3A_468 = arith.cmpi sgt, %jit3A_458, %sign3A_467 : i32
        %sign3A_469 = arith.extui %sign3A_468 : i1 to i32
        %sign3A_470 = arith.constant 0 : i32
        %sign3A_471 = arith.cmpi slt, %jit3A_458, %sign3A_470 : i32
        %sign3A_472 = arith.extui %sign3A_471 : i1 to i32
        %sign3A_473 = arith.subi %sign3A_469, %sign3A_472 : i32
        %ne3A_474 = arith.cmpi ne, %sign3A_466, %sign3A_473 : i32
        %rem3A_475 = arith.remsi %select_n3A_457, %jit3A_458 : i32
        %ne3A_476 = arith.constant 0 : i32
        %ne3A_477 = arith.cmpi ne, %rem3A_475, %ne3A_476 : i32
        %and3A_478 = arith.andi %ne3A_474, %ne3A_477 : i1
        %sub3A_479 = arith.constant 1 : i32
        %sub3A_480 = arith.subi %div3A_459, %sub3A_479 : i32
        %select_n3A_481 = arith.select %and3A_478, %sub3A_480, %div3A_459 : i32
        %mul3A_482 = arith.constant 2 : i32
        %mul3A_483 = arith.muli %select_n3A_481, %mul3A_482 : i32
        %mul3A_484 = arith.constant 1 : i32
        %mul3A_485 = arith.muli %mul3A_483, %mul3A_484 : i32
        %jit3A_486 = arith.constant 1 : i32
        %eq3A_487 = arith.constant 0 : i32
        %eq3A_488 = arith.cmpi eq, %jit3A_486, %eq3A_487 : i32
        %jit3A_489 = arith.constant 1 : i32
        %select_n3A_490 = arith.select %eq3A_488, %jit3A_489, %jit3A_486 : i32
        %rem3A_491 = arith.remsi %select_n3A_457, %select_n3A_490 : i32
        %ne3A_492 = arith.constant 0 : i32
        %ne3A_493 = arith.cmpi ne, %rem3A_491, %ne3A_492 : i32
        %lt3A_494 = arith.constant 0 : i32
        %lt3A_495 = arith.cmpi slt, %rem3A_491, %lt3A_494 : i32
        %lt3A_496 = arith.constant 0 : i32
        %lt3A_497 = arith.cmpi slt, %select_n3A_490, %lt3A_496 : i32
        %ne3A_498 = arith.xori %lt3A_495, %lt3A_497 : i1
        %and3A_499 = arith.andi %ne3A_498, %ne3A_493 : i1
        %add3A_500 = arith.addi %rem3A_491, %select_n3A_490 : i32
        %select_n3A_501 = arith.select %and3A_499, %add3A_500, %rem3A_491 : i32
        %add3A_502 = arith.addi %mul3A_485, %select_n3A_501 : i32
        %mul3A_503 = arith.constant 2 : i32
        %mul3A_504 = arith.muli %select_n3A_442, %mul3A_503 : i32
        %mul3A_505 = arith.constant 4 : i32
        %mul3A_506 = arith.muli %mul3A_504, %mul3A_505 : i32
        %add3A_507 = arith.addi %mul3A_506, %add3A_502 : i32
        %add3A_508 = arith.addi %mul3A_506, %add3A_502 : i32
        %add3A_509 = arith.constant 1 : i32
        %add3A_510 = arith.addi %add3A_508, %add3A_509 : i32
        %mul3A_511 = arith.constant 16 : i32
        %mul3A_512 = arith.muli %add3A_507, %mul3A_511 : i32
        %get3A_513 = arith.index_cast %mul3A_512 : i32 to index
        %get3A_514 = tpu.vector_load %arg7[%get3A_513] {strides = array<i32>} : memref<512xf32, #tpu.memory_space<vmem>>, vector<16xf32>,
        %mul3A_515 = arith.constant 16 : i32
        %mul3A_516 = arith.muli %add3A_507, %mul3A_515 : i32
        %get3A_517 = arith.index_cast %mul3A_516 : i32 to index
        %get3A_518 = tpu.vector_load %arg8[%get3A_517] {strides = array<i32>} : memref<512xi32, #tpu.memory_space<vmem>>, vector<16xi32>,
        %mul3A_519 = arith.constant 16 : i32
        %mul3A_520 = arith.muli %add3A_510, %mul3A_519 : i32
        %get3A_521 = arith.index_cast %mul3A_520 : i32 to index
        %get3A_522 = tpu.vector_load %arg7[%get3A_521] {strides = array<i32>} : memref<512xf32, #tpu.memory_space<vmem>>, vector<16xf32>,
        %mul3A_523 = arith.constant 16 : i32
        %mul3A_524 = arith.muli %add3A_510, %mul3A_523 : i32
        %get3A_525 = arith.index_cast %mul3A_524 : i32 to index
        %get3A_526 = tpu.vector_load %arg8[%get3A_525] {strides = array<i32>} : memref<512xi32, #tpu.memory_space<vmem>>, vector<16xi32>,
        %le3A = arith.cmpf ole, %get3A_514, %get3A_522 : vector<16xf32>
        %min3A = arith.minimumf %get3A_514, %get3A_522 : vector<16xf32>
        %mul3A_527 = arith.constant 16 : i32
        %mul3A_528 = arith.muli %add3A_507, %mul3A_527 : i32
        %swap3A_529 = arith.index_cast %mul3A_528 : i32 to index
        %swap3A_530 = tpu.vector_load %arg7[%swap3A_529] {strides = array<i32>} : memref<512xf32, #tpu.memory_space<vmem>>, vector<16xf32>,
        tpu.vector_store %arg7[%swap3A_529], %min3A {strides = array<i32>} : memref<512xf32, #tpu.memory_space<vmem>>, vector<16xf32>,
        %max3A = arith.maximumf %get3A_514, %get3A_522 : vector<16xf32>
        %mul3A_531 = arith.constant 16 : i32
        %mul3A_532 = arith.muli %add3A_510, %mul3A_531 : i32
        %swap3A_533 = arith.index_cast %mul3A_532 : i32 to index
        %swap3A_534 = tpu.vector_load %arg7[%swap3A_533] {strides = array<i32>} : memref<512xf32, #tpu.memory_space<vmem>>, vector<16xf32>,
        tpu.vector_store %arg7[%swap3A_533], %max3A {strides = array<i32>} : memref<512xf32, #tpu.memory_space<vmem>>, vector<16xf32>,
        %select_n3A_535 = arith.select %le3A, %get3A_518, %get3A_526 : vector<16xi1>, vector<16xi32>
        %mul3A_536 = arith.constant 16 : i32
        %mul3A_537 = arith.muli %add3A_507, %mul3A_536 : i32
        %swap3A_538 = arith.index_cast %mul3A_537 : i32 to index
        %swap3A_539 = tpu.vector_load %arg8[%swap3A_538] {strides = array<i32>} : memref<512xi32, #tpu.memory_space<vmem>>, vector<16xi32>,
        tpu.vector_store %arg8[%swap3A_538], %select_n3A_535 {strides = array<i32>} : memref<512xi32, #tpu.memory_space<vmem>>, vector<16xi32>,
        %select_n3A_540 = arith.select %le3A, %get3A_526, %get3A_518 : vector<16xi1>, vector<16xi32>
        %mul3A_541 = arith.constant 16 : i32
        %mul3A_542 = arith.muli %add3A_510, %mul3A_541 : i32
        %swap3A_543 = arith.index_cast %mul3A_542 : i32 to index
        %swap3A_544 = tpu.vector_load %arg8[%swap3A_543] {strides = array<i32>} : memref<512xi32, #tpu.memory_space<vmem>>, vector<16xi32>,
        tpu.vector_store %arg8[%swap3A_543], %select_n3A_540 {strides = array<i32>} : memref<512xi32, #tpu.memory_space<vmem>>, vector<16xi32>,
        %scan3A_545 = arith.constant 0 : i32
        scf.yield %scan3A_545 : i32
      }
      %scan3A_127 = arith.constant 16 : i32
      %scan3A_128 = arith.constant 0 : i32
      %scan3A_129 = arith.constant 0 : i32
      %scan3A_130 = arith.constant 32 : i32
      %scan3A_131 = arith.addi %scan3A_129, %scan3A_130 : i32
      %scan3A_132 = arith.constant 1 : i32
      %scan3A_133 = scf.for %scan3A_424 = %scan3A_129 to %scan3A_131 step %scan3A_132 iter_args(%scan3A_425 = %scan3A_128) -> (i32)  : i32 {
        %mul3A_426 = arith.constant 16 : i32
        %mul3A_427 = arith.muli %scan3A_424, %mul3A_426 : i32
        %get3A_428 = arith.index_cast %mul3A_427 : i32 to index
        %get3A_429 = tpu.vector_load %arg7[%get3A_428] {strides = array<i32>} : memref<512xf32, #tpu.memory_space<vmem>>, vector<16xf32>,
        %mul3A_430 = arith.constant 16 : i32
        %mul3A_431 = arith.muli %scan3A_424, %mul3A_430 : i32
        %get3A_432 = arith.index_cast %mul3A_431 : i32 to index
        %get3A_433 = tpu.vector_load %arg8[%get3A_432] {strides = array<i32>} : memref<512xi32, #tpu.memory_space<vmem>>, vector<16xi32>,
        %masked_sort3A = arith.constant dense<true> : vector<16xi1>
        %masked_sort3A_434, %masked_sort3A_435, %masked_sort3A_436 = tpu.sort %get3A_429, %get3A_433 masked %masked_sort3A : (vector<16xf32>, vector<16xi32>, vector<16xi1>) -> (vector<16xi1>, vector<16xf32>, vector<16xi32>)
        %mul3A_437 = arith.constant 16 : i32
        %mul3A_438 = arith.muli %scan3A_424, %mul3A_437 : i32
        %swap3A_439 = arith.index_cast %mul3A_438 : i32 to index
        %swap3A_440 = tpu.vector_load %arg7[%swap3A_439] {strides = array<i32>} : memref<512xf32, #tpu.memory_space<vmem>>, vector<16xf32>,
        tpu.vector_store %arg7[%swap3A_439], %masked_sort3A_435 {strides = array<i32>} : memref<512xf32, #tpu.memory_space<vmem>>, vector<16xf32>,
        %mul3A_441 = arith.constant 16 : i32
        %mul3A_442 = arith.muli %scan3A_424, %mul3A_441 : i32
        %swap3A_443 = arith.index_cast %mul3A_442 : i32 to index
        %swap3A_444 = tpu.vector_load %arg8[%swap3A_443] {strides = array<i32>} : memref<512xi32, #tpu.memory_space<vmem>>, vector<16xi32>,
        tpu.vector_store %arg8[%swap3A_443], %masked_sort3A_436 {strides = array<i32>} : memref<512xi32, #tpu.memory_space<vmem>>, vector<16xi32>,
        %scan3A_445 = arith.constant 0 : i32
        scf.yield %scan3A_445 : i32
      }
      %scan3A_134 = arith.constant 32 : i32
      %scan3A_135 = arith.constant 0 : i32
      %scan3A_136 = arith.constant 0 : i32
      %scan3A_137 = arith.constant 8 : i32
      %scan3A_138 = arith.addi %scan3A_136, %scan3A_137 : i32
      %scan3A_139 = arith.constant 1 : i32
      %scan3A_140 = scf.for %scan3A_424 = %scan3A_136 to %scan3A_138 step %scan3A_139 iter_args(%scan3A_425 = %scan3A_135) -> (i32)  : i32 {
        %jit3A = arith.constant 4 : i32
        %div3A = arith.divsi %scan3A_424, %jit3A : i32
        %sign3A = arith.constant 0 : i32
        %sign3A_426 = arith.cmpi sgt, %scan3A_424, %sign3A : i32
        %sign3A_427 = arith.extui %sign3A_426 : i1 to i32
        %sign3A_428 = arith.constant 0 : i32
        %sign3A_429 = arith.cmpi slt, %scan3A_424, %sign3A_428 : i32
        %sign3A_430 = arith.extui %sign3A_429 : i1 to i32
        %sign3A_431 = arith.subi %sign3A_427, %sign3A_430 : i32
        %sign3A_432 = arith.constant 0 : i32
        %sign3A_433 = arith.cmpi sgt, %jit3A, %sign3A_432 : i32
        %sign3A_434 = arith.extui %sign3A_433 : i1 to i32
        %sign3A_435 = arith.constant 0 : i32
        %sign3A_436 = arith.cmpi slt, %jit3A, %sign3A_435 : i32
        %sign3A_437 = arith.extui %sign3A_436 : i1 to i32
        %sign3A_438 = arith.subi %sign3A_434, %sign3A_437 : i32
        %ne3A = arith.cmpi ne, %sign3A_431, %sign3A_438 : i32
        %rem3A = arith.remsi %scan3A_424, %jit3A : i32
        %ne3A_439 = arith.constant 0 : i32
        %ne3A_440 = arith.cmpi ne, %rem3A, %ne3A_439 : i32
        %and3A = arith.andi %ne3A, %ne3A_440 : i1
        %sub3A = arith.constant 1 : i32
        %sub3A_441 = arith.subi %div3A, %sub3A : i32
        %select_n3A_442 = arith.select %and3A, %sub3A_441, %div3A : i32
        %jit3A_443 = arith.constant 4 : i32
        %eq3A = arith.constant 0 : i32
        %eq3A_444 = arith.cmpi eq, %jit3A_443, %eq3A : i32
        %jit3A_445 = arith.constant 1 : i32
        %select_n3A_446 = arith.select %eq3A_444, %jit3A_445, %jit3A_443 : i32
        %rem3A_447 = arith.remsi %scan3A_424, %select_n3A_446 : i32
        %ne3A_448 = arith.constant 0 : i32
        %ne3A_449 = arith.cmpi ne, %rem3A_447, %ne3A_448 : i32
        %lt3A_450 = arith.constant 0 : i32
        %lt3A_451 = arith.cmpi slt, %rem3A_447, %lt3A_450 : i32
        %lt3A_452 = arith.constant 0 : i32
        %lt3A_453 = arith.cmpi slt, %select_n3A_446, %lt3A_452 : i32
        %ne3A_454 = arith.xori %lt3A_451, %lt3A_453 : i1
        %and3A_455 = arith.andi %ne3A_454, %ne3A_449 : i1
        %add3A_456 = arith.addi %rem3A_447, %select_n3A_446 : i32
        %select_n3A_457 = arith.select %and3A_455, %add3A_456, %rem3A_447 : i32
        %mul3A_458 = arith.constant 2 : i32
        %mul3A_459 = arith.muli %select_n3A_442, %mul3A_458 : i32
        %mul3A_460 = arith.constant 8 : i32
        %mul3A_461 = arith.muli %mul3A_459, %mul3A_460 : i32
        %add3A_462 = arith.constant 8 : i32
        %add3A_463 = arith.addi %mul3A_461, %add3A_462 : i32
        %add3A_464 = arith.addi %add3A_463, %select_n3A_457 : i32
        %add3A_465 = arith.constant 8 : i32
        %add3A_466 = arith.addi %add3A_463, %add3A_465 : i32
        %sub3A_467 = arith.constant 1 : i32
        %sub3A_468 = arith.subi %add3A_466, %sub3A_467 : i32
        %sub3A_469 = arith.subi %sub3A_468, %select_n3A_457 : i32
        %mul3A_470 = arith.constant 16 : i32
        %mul3A_471 = arith.muli %add3A_464, %mul3A_470 : i32
        %get3A_472 = arith.index_cast %mul3A_471 : i32 to index
        %get3A_473 = tpu.vector_load %arg7[%get3A_472] {strides = array<i32>} : memref<512xf32, #tpu.memory_space<vmem>>, vector<16xf32>,
        %mul3A_474 = arith.constant 16 : i32
        %mul3A_475 = arith.muli %add3A_464, %mul3A_474 : i32
        %get3A_476 = arith.index_cast %mul3A_475 : i32 to index
        %get3A_477 = tpu.vector_load %arg8[%get3A_476] {strides = array<i32>} : memref<512xi32, #tpu.memory_space<vmem>>, vector<16xi32>,
        %mul3A_478 = arith.constant 16 : i32
        %mul3A_479 = arith.muli %sub3A_469, %mul3A_478 : i32
        %get3A_480 = arith.index_cast %mul3A_479 : i32 to index
        %get3A_481 = tpu.vector_load %arg7[%get3A_480] {strides = array<i32>} : memref<512xf32, #tpu.memory_space<vmem>>, vector<16xf32>,
        %mul3A_482 = arith.constant 16 : i32
        %mul3A_483 = arith.muli %sub3A_469, %mul3A_482 : i32
        %get3A_484 = arith.index_cast %mul3A_483 : i32 to index
        %get3A_485 = tpu.vector_load %arg8[%get3A_484] {strides = array<i32>} : memref<512xi32, #tpu.memory_space<vmem>>, vector<16xi32>,
        %rev3A = arith.constant 15 : i32
        %rev3A_486 = vector.broadcast %rev3A : i32 to vector<16xi32>
        %rev3A_487 = tpu.iota {dimensions = array<i32: 0>} : vector<16xi32>
        %rev3A_488 = arith.subi %rev3A_486, %rev3A_487 : vector<16xi32>
        %rev3A_489 = tpu.dynamic_gather %get3A_481[%rev3A_488] in [0] : vector<16xf32>, vector<16xi32> -> vector<16xf32>
        %mul3A_490 = arith.constant 16 : i32
        %mul3A_491 = arith.muli %add3A_464, %mul3A_490 : i32
        %swap3A_492 = arith.index_cast %mul3A_491 : i32 to index
        %swap3A_493 = tpu.vector_load %arg7[%swap3A_492] {strides = array<i32>} : memref<512xf32, #tpu.memory_space<vmem>>, vector<16xf32>,
        tpu.vector_store %arg7[%swap3A_492], %rev3A_489 {strides = array<i32>} : memref<512xf32, #tpu.memory_space<vmem>>, vector<16xf32>,
        %rev3A_494 = arith.constant 15 : i32
        %rev3A_495 = vector.broadcast %rev3A_494 : i32 to vector<16xi32>
        %rev3A_496 = tpu.iota {dimensions = array<i32: 0>} : vector<16xi32>
        %rev3A_497 = arith.subi %rev3A_495, %rev3A_496 : vector<16xi32>
        %rev3A_498 = tpu.dynamic_gather %get3A_485[%rev3A_497] in [0] : vector<16xi32>, vector<16xi32> -> vector<16xi32>
        %mul3A_499 = arith.constant 16 : i32
        %mul3A_500 = arith.muli %add3A_464, %mul3A_499 : i32
        %swap3A_501 = arith.index_cast %mul3A_500 : i32 to index
        %swap3A_502 = tpu.vector_load %arg8[%swap3A_501] {strides = array<i32>} : memref<512xi32, #tpu.memory_space<vmem>>, vector<16xi32>,
        tpu.vector_store %arg8[%swap3A_501], %rev3A_498 {strides = array<i32>} : memref<512xi32, #tpu.memory_space<vmem>>, vector<16xi32>,
        %rev3A_503 = arith.constant 15 : i32
        %rev3A_504 = vector.broadcast %rev3A_503 : i32 to vector<16xi32>
        %rev3A_505 = tpu.iota {dimensions = array<i32: 0>} : vector<16xi32>
        %rev3A_506 = arith.subi %rev3A_504, %rev3A_505 : vector<16xi32>
        %rev3A_507 = tpu.dynamic_gather %get3A_473[%rev3A_506] in [0] : vector<16xf32>, vector<16xi32> -> vector<16xf32>
        %mul3A_508 = arith.constant 16 : i32
        %mul3A_509 = arith.muli %sub3A_469, %mul3A_508 : i32
        %swap3A_510 = arith.index_cast %mul3A_509 : i32 to index
        %swap3A_511 = tpu.vector_load %arg7[%swap3A_510] {strides = array<i32>} : memref<512xf32, #tpu.memory_space<vmem>>, vector<16xf32>,
        tpu.vector_store %arg7[%swap3A_510], %rev3A_507 {strides = array<i32>} : memref<512xf32, #tpu.memory_space<vmem>>, vector<16xf32>,
        %rev3A_512 = arith.constant 15 : i32
        %rev3A_513 = vector.broadcast %rev3A_512 : i32 to vector<16xi32>
        %rev3A_514 = tpu.iota {dimensions = array<i32: 0>} : vector<16xi32>
        %rev3A_515 = arith.subi %rev3A_513, %rev3A_514 : vector<16xi32>
        %rev3A_516 = tpu.dynamic_gather %get3A_477[%rev3A_515] in [0] : vector<16xi32>, vector<16xi32> -> vector<16xi32>
        %mul3A_517 = arith.constant 16 : i32
        %mul3A_518 = arith.muli %sub3A_469, %mul3A_517 : i32
        %swap3A_519 = arith.index_cast %mul3A_518 : i32 to index
        %swap3A_520 = tpu.vector_load %arg8[%swap3A_519] {strides = array<i32>} : memref<512xi32, #tpu.memory_space<vmem>>, vector<16xi32>,
        tpu.vector_store %arg8[%swap3A_519], %rev3A_516 {strides = array<i32>} : memref<512xi32, #tpu.memory_space<vmem>>, vector<16xi32>,
        %scan3A_521 = arith.constant 0 : i32
        scf.yield %scan3A_521 : i32
      }
      %scan3A_141 = arith.constant 8 : i32
      %scan3A_142 = arith.constant 0 : i32
      %scan3A_143 = arith.constant 0 : i32
      %scan3A_144 = arith.constant 16 : i32
      %scan3A_145 = arith.addi %scan3A_143, %scan3A_144 : i32
      %scan3A_146 = arith.constant 1 : i32
      %scan3A_147 = scf.for %scan3A_424 = %scan3A_143 to %scan3A_145 step %scan3A_146 iter_args(%scan3A_425 = %scan3A_142) -> (i32)  : i32 {
        %jit3A = arith.constant 8 : i32
        %div3A = arith.divsi %scan3A_424, %jit3A : i32
        %sign3A = arith.constant 0 : i32
        %sign3A_426 = arith.cmpi sgt, %scan3A_424, %sign3A : i32
        %sign3A_427 = arith.extui %sign3A_426 : i1 to i32
        %sign3A_428 = arith.constant 0 : i32
        %sign3A_429 = arith.cmpi slt, %scan3A_424, %sign3A_428 : i32
        %sign3A_430 = arith.extui %sign3A_429 : i1 to i32
        %sign3A_431 = arith.subi %sign3A_427, %sign3A_430 : i32
        %sign3A_432 = arith.constant 0 : i32
        %sign3A_433 = arith.cmpi sgt, %jit3A, %sign3A_432 : i32
        %sign3A_434 = arith.extui %sign3A_433 : i1 to i32
        %sign3A_435 = arith.constant 0 : i32
        %sign3A_436 = arith.cmpi slt, %jit3A, %sign3A_435 : i32
        %sign3A_437 = arith.extui %sign3A_436 : i1 to i32
        %sign3A_438 = arith.subi %sign3A_434, %sign3A_437 : i32
        %ne3A = arith.cmpi ne, %sign3A_431, %sign3A_438 : i32
        %rem3A = arith.remsi %scan3A_424, %jit3A : i32
        %ne3A_439 = arith.constant 0 : i32
        %ne3A_440 = arith.cmpi ne, %rem3A, %ne3A_439 : i32
        %and3A = arith.andi %ne3A, %ne3A_440 : i1
        %sub3A = arith.constant 1 : i32
        %sub3A_441 = arith.subi %div3A, %sub3A : i32
        %select_n3A_442 = arith.select %and3A, %sub3A_441, %div3A : i32
        %jit3A_443 = arith.constant 8 : i32
        %eq3A = arith.constant 0 : i32
        %eq3A_444 = arith.cmpi eq, %jit3A_443, %eq3A : i32
        %jit3A_445 = arith.constant 1 : i32
        %select_n3A_446 = arith.select %eq3A_444, %jit3A_445, %jit3A_443 : i32
        %rem3A_447 = arith.remsi %scan3A_424, %select_n3A_446 : i32
        %ne3A_448 = arith.constant 0 : i32
        %ne3A_449 = arith.cmpi ne, %rem3A_447, %ne3A_448 : i32
        %lt3A_450 = arith.constant 0 : i32
        %lt3A_451 = arith.cmpi slt, %rem3A_447, %lt3A_450 : i32
        %lt3A_452 = arith.constant 0 : i32
        %lt3A_453 = arith.cmpi slt, %select_n3A_446, %lt3A_452 : i32
        %ne3A_454 = arith.xori %lt3A_451, %lt3A_453 : i1
        %and3A_455 = arith.andi %ne3A_454, %ne3A_449 : i1
        %add3A_456 = arith.addi %rem3A_447, %select_n3A_446 : i32
        %select_n3A_457 = arith.select %and3A_455, %add3A_456, %rem3A_447 : i32
        %jit3A_458 = arith.constant 8 : i32
        %div3A_459 = arith.divsi %select_n3A_457, %jit3A_458 : i32
        %sign3A_460 = arith.constant 0 : i32
        %sign3A_461 = arith.cmpi sgt, %select_n3A_457, %sign3A_460 : i32
        %sign3A_462 = arith.extui %sign3A_461 : i1 to i32
        %sign3A_463 = arith.constant 0 : i32
        %sign3A_464 = arith.cmpi slt, %select_n3A_457, %sign3A_463 : i32
        %sign3A_465 = arith.extui %sign3A_464 : i1 to i32
        %sign3A_466 = arith.subi %sign3A_462, %sign3A_465 : i32
        %sign3A_467 = arith.constant 0 : i32
        %sign3A_468 = arith.cmpi sgt, %jit3A_458, %sign3A_467 : i32
        %sign3A_469 = arith.extui %sign3A_468 : i1 to i32
        %sign3A_470 = arith.constant 0 : i32
        %sign3A_471 = arith.cmpi slt, %jit3A_458, %sign3A_470 : i32
        %sign3A_472 = arith.extui %sign3A_471 : i1 to i32
        %sign3A_473 = arith.subi %sign3A_469, %sign3A_472 : i32
        %ne3A_474 = arith.cmpi ne, %sign3A_466, %sign3A_473 : i32
        %rem3A_475 = arith.remsi %select_n3A_457, %jit3A_458 : i32
        %ne3A_476 = arith.constant 0 : i32
        %ne3A_477 = arith.cmpi ne, %rem3A_475, %ne3A_476 : i32
        %and3A_478 = arith.andi %ne3A_474, %ne3A_477 : i1
        %sub3A_479 = arith.constant 1 : i32
        %sub3A_480 = arith.subi %div3A_459, %sub3A_479 : i32
        %select_n3A_481 = arith.select %and3A_478, %sub3A_480, %div3A_459 : i32
        %mul3A_482 = arith.constant 2 : i32
        %mul3A_483 = arith.muli %select_n3A_481, %mul3A_482 : i32
        %mul3A_484 = arith.constant 8 : i32
        %mul3A_485 = arith.muli %mul3A_483, %mul3A_484 : i32
        %jit3A_486 = arith.constant 8 : i32
        %eq3A_487 = arith.constant 0 : i32
        %eq3A_488 = arith.cmpi eq, %jit3A_486, %eq3A_487 : i32
        %jit3A_489 = arith.constant 1 : i32
        %select_n3A_490 = arith.select %eq3A_488, %jit3A_489, %jit3A_486 : i32
        %rem3A_491 = arith.remsi %select_n3A_457, %select_n3A_490 : i32
        %ne3A_492 = arith.constant 0 : i32
        %ne3A_493 = arith.cmpi ne, %rem3A_491, %ne3A_492 : i32
        %lt3A_494 = arith.constant 0 : i32
        %lt3A_495 = arith.cmpi slt, %rem3A_491, %lt3A_494 : i32
        %lt3A_496 = arith.constant 0 : i32
        %lt3A_497 = arith.cmpi slt, %select_n3A_490, %lt3A_496 : i32
        %ne3A_498 = arith.xori %lt3A_495, %lt3A_497 : i1
        %and3A_499 = arith.andi %ne3A_498, %ne3A_493 : i1
        %add3A_500 = arith.addi %rem3A_491, %select_n3A_490 : i32
        %select_n3A_501 = arith.select %and3A_499, %add3A_500, %rem3A_491 : i32
        %add3A_502 = arith.addi %mul3A_485, %select_n3A_501 : i32
        %mul3A_503 = arith.constant 2 : i32
        %mul3A_504 = arith.muli %select_n3A_442, %mul3A_503 : i32
        %mul3A_505 = arith.constant 8 : i32
        %mul3A_506 = arith.muli %mul3A_504, %mul3A_505 : i32
        %add3A_507 = arith.addi %mul3A_506, %add3A_502 : i32
        %add3A_508 = arith.addi %mul3A_506, %add3A_502 : i32
        %add3A_509 = arith.constant 8 : i32
        %add3A_510 = arith.addi %add3A_508, %add3A_509 : i32
        %mul3A_511 = arith.constant 16 : i32
        %mul3A_512 = arith.muli %add3A_507, %mul3A_511 : i32
        %get3A_513 = arith.index_cast %mul3A_512 : i32 to index
        %get3A_514 = tpu.vector_load %arg7[%get3A_513] {strides = array<i32>} : memref<512xf32, #tpu.memory_space<vmem>>, vector<16xf32>,
        %mul3A_515 = arith.constant 16 : i32
        %mul3A_516 = arith.muli %add3A_507, %mul3A_515 : i32
        %get3A_517 = arith.index_cast %mul3A_516 : i32 to index
        %get3A_518 = tpu.vector_load %arg8[%get3A_517] {strides = array<i32>} : memref<512xi32, #tpu.memory_space<vmem>>, vector<16xi32>,
        %mul3A_519 = arith.constant 16 : i32
        %mul3A_520 = arith.muli %add3A_510, %mul3A_519 : i32
        %get3A_521 = arith.index_cast %mul3A_520 : i32 to index
        %get3A_522 = tpu.vector_load %arg7[%get3A_521] {strides = array<i32>} : memref<512xf32, #tpu.memory_space<vmem>>, vector<16xf32>,
        %mul3A_523 = arith.constant 16 : i32
        %mul3A_524 = arith.muli %add3A_510, %mul3A_523 : i32
        %get3A_525 = arith.index_cast %mul3A_524 : i32 to index
        %get3A_526 = tpu.vector_load %arg8[%get3A_525] {strides = array<i32>} : memref<512xi32, #tpu.memory_space<vmem>>, vector<16xi32>,
        %le3A = arith.cmpf ole, %get3A_514, %get3A_522 : vector<16xf32>
        %min3A = arith.minimumf %get3A_514, %get3A_522 : vector<16xf32>
        %mul3A_527 = arith.constant 16 : i32
        %mul3A_528 = arith.muli %add3A_507, %mul3A_527 : i32
        %swap3A_529 = arith.index_cast %mul3A_528 : i32 to index
        %swap3A_530 = tpu.vector_load %arg7[%swap3A_529] {strides = array<i32>} : memref<512xf32, #tpu.memory_space<vmem>>, vector<16xf32>,
        tpu.vector_store %arg7[%swap3A_529], %min3A {strides = array<i32>} : memref<512xf32, #tpu.memory_space<vmem>>, vector<16xf32>,
        %max3A = arith.maximumf %get3A_514, %get3A_522 : vector<16xf32>
        %mul3A_531 = arith.constant 16 : i32
        %mul3A_532 = arith.muli %add3A_510, %mul3A_531 : i32
        %swap3A_533 = arith.index_cast %mul3A_532 : i32 to index
        %swap3A_534 = tpu.vector_load %arg7[%swap3A_533] {strides = array<i32>} : memref<512xf32, #tpu.memory_space<vmem>>, vector<16xf32>,
        tpu.vector_store %arg7[%swap3A_533], %max3A {strides = array<i32>} : memref<512xf32, #tpu.memory_space<vmem>>, vector<16xf32>,
        %select_n3A_535 = arith.select %le3A, %get3A_518, %get3A_526 : vector<16xi1>, vector<16xi32>
        %mul3A_536 = arith.constant 16 : i32
        %mul3A_537 = arith.muli %add3A_507, %mul3A_536 : i32
        %swap3A_538 = arith.index_cast %mul3A_537 : i32 to index
        %swap3A_539 = tpu.vector_load %arg8[%swap3A_538] {strides = array<i32>} : memref<512xi32, #tpu.memory_space<vmem>>, vector<16xi32>,
        tpu.vector_store %arg8[%swap3A_538], %select_n3A_535 {strides = array<i32>} : memref<512xi32, #tpu.memory_space<vmem>>, vector<16xi32>,
        %select_n3A_540 = arith.select %le3A, %get3A_526, %get3A_518 : vector<16xi1>, vector<16xi32>
        %mul3A_541 = arith.constant 16 : i32
        %mul3A_542 = arith.muli %add3A_510, %mul3A_541 : i32
        %swap3A_543 = arith.index_cast %mul3A_542 : i32 to index
        %swap3A_544 = tpu.vector_load %arg8[%swap3A_543] {strides = array<i32>} : memref<512xi32, #tpu.memory_space<vmem>>, vector<16xi32>,
        tpu.vector_store %arg8[%swap3A_543], %select_n3A_540 {strides = array<i32>} : memref<512xi32, #tpu.memory_space<vmem>>, vector<16xi32>,
        %scan3A_545 = arith.constant 0 : i32
        scf.yield %scan3A_545 : i32
      }
      %scan3A_148 = arith.constant 16 : i32
      %scan3A_149 = arith.constant 0 : i32
      %scan3A_150 = arith.constant 0 : i32
      %scan3A_151 = arith.constant 16 : i32
      %scan3A_152 = arith.addi %scan3A_150, %scan3A_151 : i32
      %scan3A_153 = arith.constant 1 : i32
      %scan3A_154 = scf.for %scan3A_424 = %scan3A_150 to %scan3A_152 step %scan3A_153 iter_args(%scan3A_425 = %scan3A_149) -> (i32)  : i32 {
        %jit3A = arith.constant 8 : i32
        %div3A = arith.divsi %scan3A_424, %jit3A : i32
        %sign3A = arith.constant 0 : i32
        %sign3A_426 = arith.cmpi sgt, %scan3A_424, %sign3A : i32
        %sign3A_427 = arith.extui %sign3A_426 : i1 to i32
        %sign3A_428 = arith.constant 0 : i32
        %sign3A_429 = arith.cmpi slt, %scan3A_424, %sign3A_428 : i32
        %sign3A_430 = arith.extui %sign3A_429 : i1 to i32
        %sign3A_431 = arith.subi %sign3A_427, %sign3A_430 : i32
        %sign3A_432 = arith.constant 0 : i32
        %sign3A_433 = arith.cmpi sgt, %jit3A, %sign3A_432 : i32
        %sign3A_434 = arith.extui %sign3A_433 : i1 to i32
        %sign3A_435 = arith.constant 0 : i32
        %sign3A_436 = arith.cmpi slt, %jit3A, %sign3A_435 : i32
        %sign3A_437 = arith.extui %sign3A_436 : i1 to i32
        %sign3A_438 = arith.subi %sign3A_434, %sign3A_437 : i32
        %ne3A = arith.cmpi ne, %sign3A_431, %sign3A_438 : i32
        %rem3A = arith.remsi %scan3A_424, %jit3A : i32
        %ne3A_439 = arith.constant 0 : i32
        %ne3A_440 = arith.cmpi ne, %rem3A, %ne3A_439 : i32
        %and3A = arith.andi %ne3A, %ne3A_440 : i1
        %sub3A = arith.constant 1 : i32
        %sub3A_441 = arith.subi %div3A, %sub3A : i32
        %select_n3A_442 = arith.select %and3A, %sub3A_441, %div3A : i32
        %jit3A_443 = arith.constant 8 : i32
        %eq3A = arith.constant 0 : i32
        %eq3A_444 = arith.cmpi eq, %jit3A_443, %eq3A : i32
        %jit3A_445 = arith.constant 1 : i32
        %select_n3A_446 = arith.select %eq3A_444, %jit3A_445, %jit3A_443 : i32
        %rem3A_447 = arith.remsi %scan3A_424, %select_n3A_446 : i32
        %ne3A_448 = arith.constant 0 : i32
        %ne3A_449 = arith.cmpi ne, %rem3A_447, %ne3A_448 : i32
        %lt3A_450 = arith.constant 0 : i32
        %lt3A_451 = arith.cmpi slt, %rem3A_447, %lt3A_450 : i32
        %lt3A_452 = arith.constant 0 : i32
        %lt3A_453 = arith.cmpi slt, %select_n3A_446, %lt3A_452 : i32
        %ne3A_454 = arith.xori %lt3A_451, %lt3A_453 : i1
        %and3A_455 = arith.andi %ne3A_454, %ne3A_449 : i1
        %add3A_456 = arith.addi %rem3A_447, %select_n3A_446 : i32
        %select_n3A_457 = arith.select %and3A_455, %add3A_456, %rem3A_447 : i32
        %jit3A_458 = arith.constant 4 : i32
        %div3A_459 = arith.divsi %select_n3A_457, %jit3A_458 : i32
        %sign3A_460 = arith.constant 0 : i32
        %sign3A_461 = arith.cmpi sgt, %select_n3A_457, %sign3A_460 : i32
        %sign3A_462 = arith.extui %sign3A_461 : i1 to i32
        %sign3A_463 = arith.constant 0 : i32
        %sign3A_464 = arith.cmpi slt, %select_n3A_457, %sign3A_463 : i32
        %sign3A_465 = arith.extui %sign3A_464 : i1 to i32
        %sign3A_466 = arith.subi %sign3A_462, %sign3A_465 : i32
        %sign3A_467 = arith.constant 0 : i32
        %sign3A_468 = arith.cmpi sgt, %jit3A_458, %sign3A_467 : i32
        %sign3A_469 = arith.extui %sign3A_468 : i1 to i32
        %sign3A_470 = arith.constant 0 : i32
        %sign3A_471 = arith.cmpi slt, %jit3A_458, %sign3A_470 : i32
        %sign3A_472 = arith.extui %sign3A_471 : i1 to i32
        %sign3A_473 = arith.subi %sign3A_469, %sign3A_472 : i32
        %ne3A_474 = arith.cmpi ne, %sign3A_466, %sign3A_473 : i32
        %rem3A_475 = arith.remsi %select_n3A_457, %jit3A_458 : i32
        %ne3A_476 = arith.constant 0 : i32
        %ne3A_477 = arith.cmpi ne, %rem3A_475, %ne3A_476 : i32
        %and3A_478 = arith.andi %ne3A_474, %ne3A_477 : i1
        %sub3A_479 = arith.constant 1 : i32
        %sub3A_480 = arith.subi %div3A_459, %sub3A_479 : i32
        %select_n3A_481 = arith.select %and3A_478, %sub3A_480, %div3A_459 : i32
        %mul3A_482 = arith.constant 2 : i32
        %mul3A_483 = arith.muli %select_n3A_481, %mul3A_482 : i32
        %mul3A_484 = arith.constant 4 : i32
        %mul3A_485 = arith.muli %mul3A_483, %mul3A_484 : i32
        %jit3A_486 = arith.constant 4 : i32
        %eq3A_487 = arith.constant 0 : i32
        %eq3A_488 = arith.cmpi eq, %jit3A_486, %eq3A_487 : i32
        %jit3A_489 = arith.constant 1 : i32
        %select_n3A_490 = arith.select %eq3A_488, %jit3A_489, %jit3A_486 : i32
        %rem3A_491 = arith.remsi %select_n3A_457, %select_n3A_490 : i32
        %ne3A_492 = arith.constant 0 : i32
        %ne3A_493 = arith.cmpi ne, %rem3A_491, %ne3A_492 : i32
        %lt3A_494 = arith.constant 0 : i32
        %lt3A_495 = arith.cmpi slt, %rem3A_491, %lt3A_494 : i32
        %lt3A_496 = arith.constant 0 : i32
        %lt3A_497 = arith.cmpi slt, %select_n3A_490, %lt3A_496 : i32
        %ne3A_498 = arith.xori %lt3A_495, %lt3A_497 : i1
        %and3A_499 = arith.andi %ne3A_498, %ne3A_493 : i1
        %add3A_500 = arith.addi %rem3A_491, %select_n3A_490 : i32
        %select_n3A_501 = arith.select %and3A_499, %add3A_500, %rem3A_491 : i32
        %add3A_502 = arith.addi %mul3A_485, %select_n3A_501 : i32
        %mul3A_503 = arith.constant 2 : i32
        %mul3A_504 = arith.muli %select_n3A_442, %mul3A_503 : i32
        %mul3A_505 = arith.constant 8 : i32
        %mul3A_506 = arith.muli %mul3A_504, %mul3A_505 : i32
        %add3A_507 = arith.addi %mul3A_506, %add3A_502 : i32
        %add3A_508 = arith.addi %mul3A_506, %add3A_502 : i32
        %add3A_509 = arith.constant 4 : i32
        %add3A_510 = arith.addi %add3A_508, %add3A_509 : i32
        %mul3A_511 = arith.constant 16 : i32
        %mul3A_512 = arith.muli %add3A_507, %mul3A_511 : i32
        %get3A_513 = arith.index_cast %mul3A_512 : i32 to index
        %get3A_514 = tpu.vector_load %arg7[%get3A_513] {strides = array<i32>} : memref<512xf32, #tpu.memory_space<vmem>>, vector<16xf32>,
        %mul3A_515 = arith.constant 16 : i32
        %mul3A_516 = arith.muli %add3A_507, %mul3A_515 : i32
        %get3A_517 = arith.index_cast %mul3A_516 : i32 to index
        %get3A_518 = tpu.vector_load %arg8[%get3A_517] {strides = array<i32>} : memref<512xi32, #tpu.memory_space<vmem>>, vector<16xi32>,
        %mul3A_519 = arith.constant 16 : i32
        %mul3A_520 = arith.muli %add3A_510, %mul3A_519 : i32
        %get3A_521 = arith.index_cast %mul3A_520 : i32 to index
        %get3A_522 = tpu.vector_load %arg7[%get3A_521] {strides = array<i32>} : memref<512xf32, #tpu.memory_space<vmem>>, vector<16xf32>,
        %mul3A_523 = arith.constant 16 : i32
        %mul3A_524 = arith.muli %add3A_510, %mul3A_523 : i32
        %get3A_525 = arith.index_cast %mul3A_524 : i32 to index
        %get3A_526 = tpu.vector_load %arg8[%get3A_525] {strides = array<i32>} : memref<512xi32, #tpu.memory_space<vmem>>, vector<16xi32>,
        %le3A = arith.cmpf ole, %get3A_514, %get3A_522 : vector<16xf32>
        %min3A = arith.minimumf %get3A_514, %get3A_522 : vector<16xf32>
        %mul3A_527 = arith.constant 16 : i32
        %mul3A_528 = arith.muli %add3A_507, %mul3A_527 : i32
        %swap3A_529 = arith.index_cast %mul3A_528 : i32 to index
        %swap3A_530 = tpu.vector_load %arg7[%swap3A_529] {strides = array<i32>} : memref<512xf32, #tpu.memory_space<vmem>>, vector<16xf32>,
        tpu.vector_store %arg7[%swap3A_529], %min3A {strides = array<i32>} : memref<512xf32, #tpu.memory_space<vmem>>, vector<16xf32>,
        %max3A = arith.maximumf %get3A_514, %get3A_522 : vector<16xf32>
        %mul3A_531 = arith.constant 16 : i32
        %mul3A_532 = arith.muli %add3A_510, %mul3A_531 : i32
        %swap3A_533 = arith.index_cast %mul3A_532 : i32 to index
        %swap3A_534 = tpu.vector_load %arg7[%swap3A_533] {strides = array<i32>} : memref<512xf32, #tpu.memory_space<vmem>>, vector<16xf32>,
        tpu.vector_store %arg7[%swap3A_533], %max3A {strides = array<i32>} : memref<512xf32, #tpu.memory_space<vmem>>, vector<16xf32>,
        %select_n3A_535 = arith.select %le3A, %get3A_518, %get3A_526 : vector<16xi1>, vector<16xi32>
        %mul3A_536 = arith.constant 16 : i32
        %mul3A_537 = arith.muli %add3A_507, %mul3A_536 : i32
        %swap3A_538 = arith.index_cast %mul3A_537 : i32 to index
        %swap3A_539 = tpu.vector_load %arg8[%swap3A_538] {strides = array<i32>} : memref<512xi32, #tpu.memory_space<vmem>>, vector<16xi32>,
        tpu.vector_store %arg8[%swap3A_538], %select_n3A_535 {strides = array<i32>} : memref<512xi32, #tpu.memory_space<vmem>>, vector<16xi32>,
        %select_n3A_540 = arith.select %le3A, %get3A_526, %get3A_518 : vector<16xi1>, vector<16xi32>
        %mul3A_541 = arith.constant 16 : i32
        %mul3A_542 = arith.muli %add3A_510, %mul3A_541 : i32
        %swap3A_543 = arith.index_cast %mul3A_542 : i32 to index
        %swap3A_544 = tpu.vector_load %arg8[%swap3A_543] {strides = array<i32>} : memref<512xi32, #tpu.memory_space<vmem>>, vector<16xi32>,
        tpu.vector_store %arg8[%swap3A_543], %select_n3A_540 {strides = array<i32>} : memref<512xi32, #tpu.memory_space<vmem>>, vector<16xi32>,
        %scan3A_545 = arith.constant 0 : i32
        scf.yield %scan3A_545 : i32
      }
      %scan3A_155 = arith.constant 16 : i32
      %scan3A_156 = arith.constant 0 : i32
      %scan3A_157 = arith.constant 0 : i32
      %scan3A_158 = arith.constant 16 : i32
      %scan3A_159 = arith.addi %scan3A_157, %scan3A_158 : i32
      %scan3A_160 = arith.constant 1 : i32
      %scan3A_161 = scf.for %scan3A_424 = %scan3A_157 to %scan3A_159 step %scan3A_160 iter_args(%scan3A_425 = %scan3A_156) -> (i32)  : i32 {
        %jit3A = arith.constant 8 : i32
        %div3A = arith.divsi %scan3A_424, %jit3A : i32
        %sign3A = arith.constant 0 : i32
        %sign3A_426 = arith.cmpi sgt, %scan3A_424, %sign3A : i32
        %sign3A_427 = arith.extui %sign3A_426 : i1 to i32
        %sign3A_428 = arith.constant 0 : i32
        %sign3A_429 = arith.cmpi slt, %scan3A_424, %sign3A_428 : i32
        %sign3A_430 = arith.extui %sign3A_429 : i1 to i32
        %sign3A_431 = arith.subi %sign3A_427, %sign3A_430 : i32
        %sign3A_432 = arith.constant 0 : i32
        %sign3A_433 = arith.cmpi sgt, %jit3A, %sign3A_432 : i32
        %sign3A_434 = arith.extui %sign3A_433 : i1 to i32
        %sign3A_435 = arith.constant 0 : i32
        %sign3A_436 = arith.cmpi slt, %jit3A, %sign3A_435 : i32
        %sign3A_437 = arith.extui %sign3A_436 : i1 to i32
        %sign3A_438 = arith.subi %sign3A_434, %sign3A_437 : i32
        %ne3A = arith.cmpi ne, %sign3A_431, %sign3A_438 : i32
        %rem3A = arith.remsi %scan3A_424, %jit3A : i32
        %ne3A_439 = arith.constant 0 : i32
        %ne3A_440 = arith.cmpi ne, %rem3A, %ne3A_439 : i32
        %and3A = arith.andi %ne3A, %ne3A_440 : i1
        %sub3A = arith.constant 1 : i32
        %sub3A_441 = arith.subi %div3A, %sub3A : i32
        %select_n3A_442 = arith.select %and3A, %sub3A_441, %div3A : i32
        %jit3A_443 = arith.constant 8 : i32
        %eq3A = arith.constant 0 : i32
        %eq3A_444 = arith.cmpi eq, %jit3A_443, %eq3A : i32
        %jit3A_445 = arith.constant 1 : i32
        %select_n3A_446 = arith.select %eq3A_444, %jit3A_445, %jit3A_443 : i32
        %rem3A_447 = arith.remsi %scan3A_424, %select_n3A_446 : i32
        %ne3A_448 = arith.constant 0 : i32
        %ne3A_449 = arith.cmpi ne, %rem3A_447, %ne3A_448 : i32
        %lt3A_450 = arith.constant 0 : i32
        %lt3A_451 = arith.cmpi slt, %rem3A_447, %lt3A_450 : i32
        %lt3A_452 = arith.constant 0 : i32
        %lt3A_453 = arith.cmpi slt, %select_n3A_446, %lt3A_452 : i32
        %ne3A_454 = arith.xori %lt3A_451, %lt3A_453 : i1
        %and3A_455 = arith.andi %ne3A_454, %ne3A_449 : i1
        %add3A_456 = arith.addi %rem3A_447, %select_n3A_446 : i32
        %select_n3A_457 = arith.select %and3A_455, %add3A_456, %rem3A_447 : i32
        %jit3A_458 = arith.constant 2 : i32
        %div3A_459 = arith.divsi %select_n3A_457, %jit3A_458 : i32
        %sign3A_460 = arith.constant 0 : i32
        %sign3A_461 = arith.cmpi sgt, %select_n3A_457, %sign3A_460 : i32
        %sign3A_462 = arith.extui %sign3A_461 : i1 to i32
        %sign3A_463 = arith.constant 0 : i32
        %sign3A_464 = arith.cmpi slt, %select_n3A_457, %sign3A_463 : i32
        %sign3A_465 = arith.extui %sign3A_464 : i1 to i32
        %sign3A_466 = arith.subi %sign3A_462, %sign3A_465 : i32
        %sign3A_467 = arith.constant 0 : i32
        %sign3A_468 = arith.cmpi sgt, %jit3A_458, %sign3A_467 : i32
        %sign3A_469 = arith.extui %sign3A_468 : i1 to i32
        %sign3A_470 = arith.constant 0 : i32
        %sign3A_471 = arith.cmpi slt, %jit3A_458, %sign3A_470 : i32
        %sign3A_472 = arith.extui %sign3A_471 : i1 to i32
        %sign3A_473 = arith.subi %sign3A_469, %sign3A_472 : i32
        %ne3A_474 = arith.cmpi ne, %sign3A_466, %sign3A_473 : i32
        %rem3A_475 = arith.remsi %select_n3A_457, %jit3A_458 : i32
        %ne3A_476 = arith.constant 0 : i32
        %ne3A_477 = arith.cmpi ne, %rem3A_475, %ne3A_476 : i32
        %and3A_478 = arith.andi %ne3A_474, %ne3A_477 : i1
        %sub3A_479 = arith.constant 1 : i32
        %sub3A_480 = arith.subi %div3A_459, %sub3A_479 : i32
        %select_n3A_481 = arith.select %and3A_478, %sub3A_480, %div3A_459 : i32
        %mul3A_482 = arith.constant 2 : i32
        %mul3A_483 = arith.muli %select_n3A_481, %mul3A_482 : i32
        %mul3A_484 = arith.constant 2 : i32
        %mul3A_485 = arith.muli %mul3A_483, %mul3A_484 : i32
        %jit3A_486 = arith.constant 2 : i32
        %eq3A_487 = arith.constant 0 : i32
        %eq3A_488 = arith.cmpi eq, %jit3A_486, %eq3A_487 : i32
        %jit3A_489 = arith.constant 1 : i32
        %select_n3A_490 = arith.select %eq3A_488, %jit3A_489, %jit3A_486 : i32
        %rem3A_491 = arith.remsi %select_n3A_457, %select_n3A_490 : i32
        %ne3A_492 = arith.constant 0 : i32
        %ne3A_493 = arith.cmpi ne, %rem3A_491, %ne3A_492 : i32
        %lt3A_494 = arith.constant 0 : i32
        %lt3A_495 = arith.cmpi slt, %rem3A_491, %lt3A_494 : i32
        %lt3A_496 = arith.constant 0 : i32
        %lt3A_497 = arith.cmpi slt, %select_n3A_490, %lt3A_496 : i32
        %ne3A_498 = arith.xori %lt3A_495, %lt3A_497 : i1
        %and3A_499 = arith.andi %ne3A_498, %ne3A_493 : i1
        %add3A_500 = arith.addi %rem3A_491, %select_n3A_490 : i32
        %select_n3A_501 = arith.select %and3A_499, %add3A_500, %rem3A_491 : i32
        %add3A_502 = arith.addi %mul3A_485, %select_n3A_501 : i32
        %mul3A_503 = arith.constant 2 : i32
        %mul3A_504 = arith.muli %select_n3A_442, %mul3A_503 : i32
        %mul3A_505 = arith.constant 8 : i32
        %mul3A_506 = arith.muli %mul3A_504, %mul3A_505 : i32
        %add3A_507 = arith.addi %mul3A_506, %add3A_502 : i32
        %add3A_508 = arith.addi %mul3A_506, %add3A_502 : i32
        %add3A_509 = arith.constant 2 : i32
        %add3A_510 = arith.addi %add3A_508, %add3A_509 : i32
        %mul3A_511 = arith.constant 16 : i32
        %mul3A_512 = arith.muli %add3A_507, %mul3A_511 : i32
        %get3A_513 = arith.index_cast %mul3A_512 : i32 to index
        %get3A_514 = tpu.vector_load %arg7[%get3A_513] {strides = array<i32>} : memref<512xf32, #tpu.memory_space<vmem>>, vector<16xf32>,
        %mul3A_515 = arith.constant 16 : i32
        %mul3A_516 = arith.muli %add3A_507, %mul3A_515 : i32
        %get3A_517 = arith.index_cast %mul3A_516 : i32 to index
        %get3A_518 = tpu.vector_load %arg8[%get3A_517] {strides = array<i32>} : memref<512xi32, #tpu.memory_space<vmem>>, vector<16xi32>,
        %mul3A_519 = arith.constant 16 : i32
        %mul3A_520 = arith.muli %add3A_510, %mul3A_519 : i32
        %get3A_521 = arith.index_cast %mul3A_520 : i32 to index
        %get3A_522 = tpu.vector_load %arg7[%get3A_521] {strides = array<i32>} : memref<512xf32, #tpu.memory_space<vmem>>, vector<16xf32>,
        %mul3A_523 = arith.constant 16 : i32
        %mul3A_524 = arith.muli %add3A_510, %mul3A_523 : i32
        %get3A_525 = arith.index_cast %mul3A_524 : i32 to index
        %get3A_526 = tpu.vector_load %arg8[%get3A_525] {strides = array<i32>} : memref<512xi32, #tpu.memory_space<vmem>>, vector<16xi32>,
        %le3A = arith.cmpf ole, %get3A_514, %get3A_522 : vector<16xf32>
        %min3A = arith.minimumf %get3A_514, %get3A_522 : vector<16xf32>
        %mul3A_527 = arith.constant 16 : i32
        %mul3A_528 = arith.muli %add3A_507, %mul3A_527 : i32
        %swap3A_529 = arith.index_cast %mul3A_528 : i32 to index
        %swap3A_530 = tpu.vector_load %arg7[%swap3A_529] {strides = array<i32>} : memref<512xf32, #tpu.memory_space<vmem>>, vector<16xf32>,
        tpu.vector_store %arg7[%swap3A_529], %min3A {strides = array<i32>} : memref<512xf32, #tpu.memory_space<vmem>>, vector<16xf32>,
        %max3A = arith.maximumf %get3A_514, %get3A_522 : vector<16xf32>
        %mul3A_531 = arith.constant 16 : i32
        %mul3A_532 = arith.muli %add3A_510, %mul3A_531 : i32
        %swap3A_533 = arith.index_cast %mul3A_532 : i32 to index
        %swap3A_534 = tpu.vector_load %arg7[%swap3A_533] {strides = array<i32>} : memref<512xf32, #tpu.memory_space<vmem>>, vector<16xf32>,
        tpu.vector_store %arg7[%swap3A_533], %max3A {strides = array<i32>} : memref<512xf32, #tpu.memory_space<vmem>>, vector<16xf32>,
        %select_n3A_535 = arith.select %le3A, %get3A_518, %get3A_526 : vector<16xi1>, vector<16xi32>
        %mul3A_536 = arith.constant 16 : i32
        %mul3A_537 = arith.muli %add3A_507, %mul3A_536 : i32
        %swap3A_538 = arith.index_cast %mul3A_537 : i32 to index
        %swap3A_539 = tpu.vector_load %arg8[%swap3A_538] {strides = array<i32>} : memref<512xi32, #tpu.memory_space<vmem>>, vector<16xi32>,
        tpu.vector_store %arg8[%swap3A_538], %select_n3A_535 {strides = array<i32>} : memref<512xi32, #tpu.memory_space<vmem>>, vector<16xi32>,
        %select_n3A_540 = arith.select %le3A, %get3A_526, %get3A_518 : vector<16xi1>, vector<16xi32>
        %mul3A_541 = arith.constant 16 : i32
        %mul3A_542 = arith.muli %add3A_510, %mul3A_541 : i32
        %swap3A_543 = arith.index_cast %mul3A_542 : i32 to index
        %swap3A_544 = tpu.vector_load %arg8[%swap3A_543] {strides = array<i32>} : memref<512xi32, #tpu.memory_space<vmem>>, vector<16xi32>,
        tpu.vector_store %arg8[%swap3A_543], %select_n3A_540 {strides = array<i32>} : memref<512xi32, #tpu.memory_space<vmem>>, vector<16xi32>,
        %scan3A_545 = arith.constant 0 : i32
        scf.yield %scan3A_545 : i32
      }
      %scan3A_162 = arith.constant 16 : i32
      %scan3A_163 = arith.constant 0 : i32
      %scan3A_164 = arith.constant 0 : i32
      %scan3A_165 = arith.constant 16 : i32
      %scan3A_166 = arith.addi %scan3A_164, %scan3A_165 : i32
      %scan3A_167 = arith.constant 1 : i32
      %scan3A_168 = scf.for %scan3A_424 = %scan3A_164 to %scan3A_166 step %scan3A_167 iter_args(%scan3A_425 = %scan3A_163) -> (i32)  : i32 {
        %jit3A = arith.constant 8 : i32
        %div3A = arith.divsi %scan3A_424, %jit3A : i32
        %sign3A = arith.constant 0 : i32
        %sign3A_426 = arith.cmpi sgt, %scan3A_424, %sign3A : i32
        %sign3A_427 = arith.extui %sign3A_426 : i1 to i32
        %sign3A_428 = arith.constant 0 : i32
        %sign3A_429 = arith.cmpi slt, %scan3A_424, %sign3A_428 : i32
        %sign3A_430 = arith.extui %sign3A_429 : i1 to i32
        %sign3A_431 = arith.subi %sign3A_427, %sign3A_430 : i32
        %sign3A_432 = arith.constant 0 : i32
        %sign3A_433 = arith.cmpi sgt, %jit3A, %sign3A_432 : i32
        %sign3A_434 = arith.extui %sign3A_433 : i1 to i32
        %sign3A_435 = arith.constant 0 : i32
        %sign3A_436 = arith.cmpi slt, %jit3A, %sign3A_435 : i32
        %sign3A_437 = arith.extui %sign3A_436 : i1 to i32
        %sign3A_438 = arith.subi %sign3A_434, %sign3A_437 : i32
        %ne3A = arith.cmpi ne, %sign3A_431, %sign3A_438 : i32
        %rem3A = arith.remsi %scan3A_424, %jit3A : i32
        %ne3A_439 = arith.constant 0 : i32
        %ne3A_440 = arith.cmpi ne, %rem3A, %ne3A_439 : i32
        %and3A = arith.andi %ne3A, %ne3A_440 : i1
        %sub3A = arith.constant 1 : i32
        %sub3A_441 = arith.subi %div3A, %sub3A : i32
        %select_n3A_442 = arith.select %and3A, %sub3A_441, %div3A : i32
        %jit3A_443 = arith.constant 8 : i32
        %eq3A = arith.constant 0 : i32
        %eq3A_444 = arith.cmpi eq, %jit3A_443, %eq3A : i32
        %jit3A_445 = arith.constant 1 : i32
        %select_n3A_446 = arith.select %eq3A_444, %jit3A_445, %jit3A_443 : i32
        %rem3A_447 = arith.remsi %scan3A_424, %select_n3A_446 : i32
        %ne3A_448 = arith.constant 0 : i32
        %ne3A_449 = arith.cmpi ne, %rem3A_447, %ne3A_448 : i32
        %lt3A_450 = arith.constant 0 : i32
        %lt3A_451 = arith.cmpi slt, %rem3A_447, %lt3A_450 : i32
        %lt3A_452 = arith.constant 0 : i32
        %lt3A_453 = arith.cmpi slt, %select_n3A_446, %lt3A_452 : i32
        %ne3A_454 = arith.xori %lt3A_451, %lt3A_453 : i1
        %and3A_455 = arith.andi %ne3A_454, %ne3A_449 : i1
        %add3A_456 = arith.addi %rem3A_447, %select_n3A_446 : i32
        %select_n3A_457 = arith.select %and3A_455, %add3A_456, %rem3A_447 : i32
        %jit3A_458 = arith.constant 1 : i32
        %div3A_459 = arith.divsi %select_n3A_457, %jit3A_458 : i32
        %sign3A_460 = arith.constant 0 : i32
        %sign3A_461 = arith.cmpi sgt, %select_n3A_457, %sign3A_460 : i32
        %sign3A_462 = arith.extui %sign3A_461 : i1 to i32
        %sign3A_463 = arith.constant 0 : i32
        %sign3A_464 = arith.cmpi slt, %select_n3A_457, %sign3A_463 : i32
        %sign3A_465 = arith.extui %sign3A_464 : i1 to i32
        %sign3A_466 = arith.subi %sign3A_462, %sign3A_465 : i32
        %sign3A_467 = arith.constant 0 : i32
        %sign3A_468 = arith.cmpi sgt, %jit3A_458, %sign3A_467 : i32
        %sign3A_469 = arith.extui %sign3A_468 : i1 to i32
        %sign3A_470 = arith.constant 0 : i32
        %sign3A_471 = arith.cmpi slt, %jit3A_458, %sign3A_470 : i32
        %sign3A_472 = arith.extui %sign3A_471 : i1 to i32
        %sign3A_473 = arith.subi %sign3A_469, %sign3A_472 : i32
        %ne3A_474 = arith.cmpi ne, %sign3A_466, %sign3A_473 : i32
        %rem3A_475 = arith.remsi %select_n3A_457, %jit3A_458 : i32
        %ne3A_476 = arith.constant 0 : i32
        %ne3A_477 = arith.cmpi ne, %rem3A_475, %ne3A_476 : i32
        %and3A_478 = arith.andi %ne3A_474, %ne3A_477 : i1
        %sub3A_479 = arith.constant 1 : i32
        %sub3A_480 = arith.subi %div3A_459, %sub3A_479 : i32
        %select_n3A_481 = arith.select %and3A_478, %sub3A_480, %div3A_459 : i32
        %mul3A_482 = arith.constant 2 : i32
        %mul3A_483 = arith.muli %select_n3A_481, %mul3A_482 : i32
        %mul3A_484 = arith.constant 1 : i32
        %mul3A_485 = arith.muli %mul3A_483, %mul3A_484 : i32
        %jit3A_486 = arith.constant 1 : i32
        %eq3A_487 = arith.constant 0 : i32
        %eq3A_488 = arith.cmpi eq, %jit3A_486, %eq3A_487 : i32
        %jit3A_489 = arith.constant 1 : i32
        %select_n3A_490 = arith.select %eq3A_488, %jit3A_489, %jit3A_486 : i32
        %rem3A_491 = arith.remsi %select_n3A_457, %select_n3A_490 : i32
        %ne3A_492 = arith.constant 0 : i32
        %ne3A_493 = arith.cmpi ne, %rem3A_491, %ne3A_492 : i32
        %lt3A_494 = arith.constant 0 : i32
        %lt3A_495 = arith.cmpi slt, %rem3A_491, %lt3A_494 : i32
        %lt3A_496 = arith.constant 0 : i32
        %lt3A_497 = arith.cmpi slt, %select_n3A_490, %lt3A_496 : i32
        %ne3A_498 = arith.xori %lt3A_495, %lt3A_497 : i1
        %and3A_499 = arith.andi %ne3A_498, %ne3A_493 : i1
        %add3A_500 = arith.addi %rem3A_491, %select_n3A_490 : i32
        %select_n3A_501 = arith.select %and3A_499, %add3A_500, %rem3A_491 : i32
        %add3A_502 = arith.addi %mul3A_485, %select_n3A_501 : i32
        %mul3A_503 = arith.constant 2 : i32
        %mul3A_504 = arith.muli %select_n3A_442, %mul3A_503 : i32
        %mul3A_505 = arith.constant 8 : i32
        %mul3A_506 = arith.muli %mul3A_504, %mul3A_505 : i32
        %add3A_507 = arith.addi %mul3A_506, %add3A_502 : i32
        %add3A_508 = arith.addi %mul3A_506, %add3A_502 : i32
        %add3A_509 = arith.constant 1 : i32
        %add3A_510 = arith.addi %add3A_508, %add3A_509 : i32
        %mul3A_511 = arith.constant 16 : i32
        %mul3A_512 = arith.muli %add3A_507, %mul3A_511 : i32
        %get3A_513 = arith.index_cast %mul3A_512 : i32 to index
        %get3A_514 = tpu.vector_load %arg7[%get3A_513] {strides = array<i32>} : memref<512xf32, #tpu.memory_space<vmem>>, vector<16xf32>,
        %mul3A_515 = arith.constant 16 : i32
        %mul3A_516 = arith.muli %add3A_507, %mul3A_515 : i32
        %get3A_517 = arith.index_cast %mul3A_516 : i32 to index
        %get3A_518 = tpu.vector_load %arg8[%get3A_517] {strides = array<i32>} : memref<512xi32, #tpu.memory_space<vmem>>, vector<16xi32>,
        %mul3A_519 = arith.constant 16 : i32
        %mul3A_520 = arith.muli %add3A_510, %mul3A_519 : i32
        %get3A_521 = arith.index_cast %mul3A_520 : i32 to index
        %get3A_522 = tpu.vector_load %arg7[%get3A_521] {strides = array<i32>} : memref<512xf32, #tpu.memory_space<vmem>>, vector<16xf32>,
        %mul3A_523 = arith.constant 16 : i32
        %mul3A_524 = arith.muli %add3A_510, %mul3A_523 : i32
        %get3A_525 = arith.index_cast %mul3A_524 : i32 to index
        %get3A_526 = tpu.vector_load %arg8[%get3A_525] {strides = array<i32>} : memref<512xi32, #tpu.memory_space<vmem>>, vector<16xi32>,
        %le3A = arith.cmpf ole, %get3A_514, %get3A_522 : vector<16xf32>
        %min3A = arith.minimumf %get3A_514, %get3A_522 : vector<16xf32>
        %mul3A_527 = arith.constant 16 : i32
        %mul3A_528 = arith.muli %add3A_507, %mul3A_527 : i32
        %swap3A_529 = arith.index_cast %mul3A_528 : i32 to index
        %swap3A_530 = tpu.vector_load %arg7[%swap3A_529] {strides = array<i32>} : memref<512xf32, #tpu.memory_space<vmem>>, vector<16xf32>,
        tpu.vector_store %arg7[%swap3A_529], %min3A {strides = array<i32>} : memref<512xf32, #tpu.memory_space<vmem>>, vector<16xf32>,
        %max3A = arith.maximumf %get3A_514, %get3A_522 : vector<16xf32>
        %mul3A_531 = arith.constant 16 : i32
        %mul3A_532 = arith.muli %add3A_510, %mul3A_531 : i32
        %swap3A_533 = arith.index_cast %mul3A_532 : i32 to index
        %swap3A_534 = tpu.vector_load %arg7[%swap3A_533] {strides = array<i32>} : memref<512xf32, #tpu.memory_space<vmem>>, vector<16xf32>,
        tpu.vector_store %arg7[%swap3A_533], %max3A {strides = array<i32>} : memref<512xf32, #tpu.memory_space<vmem>>, vector<16xf32>,
        %select_n3A_535 = arith.select %le3A, %get3A_518, %get3A_526 : vector<16xi1>, vector<16xi32>
        %mul3A_536 = arith.constant 16 : i32
        %mul3A_537 = arith.muli %add3A_507, %mul3A_536 : i32
        %swap3A_538 = arith.index_cast %mul3A_537 : i32 to index
        %swap3A_539 = tpu.vector_load %arg8[%swap3A_538] {strides = array<i32>} : memref<512xi32, #tpu.memory_space<vmem>>, vector<16xi32>,
        tpu.vector_store %arg8[%swap3A_538], %select_n3A_535 {strides = array<i32>} : memref<512xi32, #tpu.memory_space<vmem>>, vector<16xi32>,
        %select_n3A_540 = arith.select %le3A, %get3A_526, %get3A_518 : vector<16xi1>, vector<16xi32>
        %mul3A_541 = arith.constant 16 : i32
        %mul3A_542 = arith.muli %add3A_510, %mul3A_541 : i32
        %swap3A_543 = arith.index_cast %mul3A_542 : i32 to index
        %swap3A_544 = tpu.vector_load %arg8[%swap3A_543] {strides = array<i32>} : memref<512xi32, #tpu.memory_space<vmem>>, vector<16xi32>,
        tpu.vector_store %arg8[%swap3A_543], %select_n3A_540 {strides = array<i32>} : memref<512xi32, #tpu.memory_space<vmem>>, vector<16xi32>,
        %scan3A_545 = arith.constant 0 : i32
        scf.yield %scan3A_545 : i32
      }
      %scan3A_169 = arith.constant 16 : i32
      %scan3A_170 = arith.constant 0 : i32
      %scan3A_171 = arith.constant 0 : i32
      %scan3A_172 = arith.constant 32 : i32
      %scan3A_173 = arith.addi %scan3A_171, %scan3A_172 : i32
      %scan3A_174 = arith.constant 1 : i32
      %scan3A_175 = scf.for %scan3A_424 = %scan3A_171 to %scan3A_173 step %scan3A_174 iter_args(%scan3A_425 = %scan3A_170) -> (i32)  : i32 {
        %mul3A_426 = arith.constant 16 : i32
        %mul3A_427 = arith.muli %scan3A_424, %mul3A_426 : i32
        %get3A_428 = arith.index_cast %mul3A_427 : i32 to index
        %get3A_429 = tpu.vector_load %arg7[%get3A_428] {strides = array<i32>} : memref<512xf32, #tpu.memory_space<vmem>>, vector<16xf32>,
        %mul3A_430 = arith.constant 16 : i32
        %mul3A_431 = arith.muli %scan3A_424, %mul3A_430 : i32
        %get3A_432 = arith.index_cast %mul3A_431 : i32 to index
        %get3A_433 = tpu.vector_load %arg8[%get3A_432] {strides = array<i32>} : memref<512xi32, #tpu.memory_space<vmem>>, vector<16xi32>,
        %masked_sort3A = arith.constant dense<true> : vector<16xi1>
        %masked_sort3A_434, %masked_sort3A_435, %masked_sort3A_436 = tpu.sort %get3A_429, %get3A_433 masked %masked_sort3A : (vector<16xf32>, vector<16xi32>, vector<16xi1>) -> (vector<16xi1>, vector<16xf32>, vector<16xi32>)
        %mul3A_437 = arith.constant 16 : i32
        %mul3A_438 = arith.muli %scan3A_424, %mul3A_437 : i32
        %swap3A_439 = arith.index_cast %mul3A_438 : i32 to index
        %swap3A_440 = tpu.vector_load %arg7[%swap3A_439] {strides = array<i32>} : memref<512xf32, #tpu.memory_space<vmem>>, vector<16xf32>,
        tpu.vector_store %arg7[%swap3A_439], %masked_sort3A_435 {strides = array<i32>} : memref<512xf32, #tpu.memory_space<vmem>>, vector<16xf32>,
        %mul3A_441 = arith.constant 16 : i32
        %mul3A_442 = arith.muli %scan3A_424, %mul3A_441 : i32
        %swap3A_443 = arith.index_cast %mul3A_442 : i32 to index
        %swap3A_444 = tpu.vector_load %arg8[%swap3A_443] {strides = array<i32>} : memref<512xi32, #tpu.memory_space<vmem>>, vector<16xi32>,
        tpu.vector_store %arg8[%swap3A_443], %masked_sort3A_436 {strides = array<i32>} : memref<512xi32, #tpu.memory_space<vmem>>, vector<16xi32>,
        %scan3A_445 = arith.constant 0 : i32
        scf.yield %scan3A_445 : i32
      }
      %scan3A_176 = arith.constant 32 : i32
      %scan3A_177 = arith.constant 0 : i32
      %scan3A_178 = arith.constant 0 : i32
      %scan3A_179 = arith.constant 8 : i32
      %scan3A_180 = arith.addi %scan3A_178, %scan3A_179 : i32
      %scan3A_181 = arith.constant 1 : i32
      %scan3A_182 = scf.for %scan3A_424 = %scan3A_178 to %scan3A_180 step %scan3A_181 iter_args(%scan3A_425 = %scan3A_177) -> (i32)  : i32 {
        %jit3A = arith.constant 8 : i32
        %div3A = arith.divsi %scan3A_424, %jit3A : i32
        %sign3A = arith.constant 0 : i32
        %sign3A_426 = arith.cmpi sgt, %scan3A_424, %sign3A : i32
        %sign3A_427 = arith.extui %sign3A_426 : i1 to i32
        %sign3A_428 = arith.constant 0 : i32
        %sign3A_429 = arith.cmpi slt, %scan3A_424, %sign3A_428 : i32
        %sign3A_430 = arith.extui %sign3A_429 : i1 to i32
        %sign3A_431 = arith.subi %sign3A_427, %sign3A_430 : i32
        %sign3A_432 = arith.constant 0 : i32
        %sign3A_433 = arith.cmpi sgt, %jit3A, %sign3A_432 : i32
        %sign3A_434 = arith.extui %sign3A_433 : i1 to i32
        %sign3A_435 = arith.constant 0 : i32
        %sign3A_436 = arith.cmpi slt, %jit3A, %sign3A_435 : i32
        %sign3A_437 = arith.extui %sign3A_436 : i1 to i32
        %sign3A_438 = arith.subi %sign3A_434, %sign3A_437 : i32
        %ne3A = arith.cmpi ne, %sign3A_431, %sign3A_438 : i32
        %rem3A = arith.remsi %scan3A_424, %jit3A : i32
        %ne3A_439 = arith.constant 0 : i32
        %ne3A_440 = arith.cmpi ne, %rem3A, %ne3A_439 : i32
        %and3A = arith.andi %ne3A, %ne3A_440 : i1
        %sub3A = arith.constant 1 : i32
        %sub3A_441 = arith.subi %div3A, %sub3A : i32
        %select_n3A_442 = arith.select %and3A, %sub3A_441, %div3A : i32
        %jit3A_443 = arith.constant 8 : i32
        %eq3A = arith.constant 0 : i32
        %eq3A_444 = arith.cmpi eq, %jit3A_443, %eq3A : i32
        %jit3A_445 = arith.constant 1 : i32
        %select_n3A_446 = arith.select %eq3A_444, %jit3A_445, %jit3A_443 : i32
        %rem3A_447 = arith.remsi %scan3A_424, %select_n3A_446 : i32
        %ne3A_448 = arith.constant 0 : i32
        %ne3A_449 = arith.cmpi ne, %rem3A_447, %ne3A_448 : i32
        %lt3A_450 = arith.constant 0 : i32
        %lt3A_451 = arith.cmpi slt, %rem3A_447, %lt3A_450 : i32
        %lt3A_452 = arith.constant 0 : i32
        %lt3A_453 = arith.cmpi slt, %select_n3A_446, %lt3A_452 : i32
        %ne3A_454 = arith.xori %lt3A_451, %lt3A_453 : i1
        %and3A_455 = arith.andi %ne3A_454, %ne3A_449 : i1
        %add3A_456 = arith.addi %rem3A_447, %select_n3A_446 : i32
        %select_n3A_457 = arith.select %and3A_455, %add3A_456, %rem3A_447 : i32
        %mul3A_458 = arith.constant 2 : i32
        %mul3A_459 = arith.muli %select_n3A_442, %mul3A_458 : i32
        %mul3A_460 = arith.constant 16 : i32
        %mul3A_461 = arith.muli %mul3A_459, %mul3A_460 : i32
        %add3A_462 = arith.constant 16 : i32
        %add3A_463 = arith.addi %mul3A_461, %add3A_462 : i32
        %add3A_464 = arith.addi %add3A_463, %select_n3A_457 : i32
        %add3A_465 = arith.constant 16 : i32
        %add3A_466 = arith.addi %add3A_463, %add3A_465 : i32
        %sub3A_467 = arith.constant 1 : i32
        %sub3A_468 = arith.subi %add3A_466, %sub3A_467 : i32
        %sub3A_469 = arith.subi %sub3A_468, %select_n3A_457 : i32
        %mul3A_470 = arith.constant 16 : i32
        %mul3A_471 = arith.muli %add3A_464, %mul3A_470 : i32
        %get3A_472 = arith.index_cast %mul3A_471 : i32 to index
        %get3A_473 = tpu.vector_load %arg7[%get3A_472] {strides = array<i32>} : memref<512xf32, #tpu.memory_space<vmem>>, vector<16xf32>,
        %mul3A_474 = arith.constant 16 : i32
        %mul3A_475 = arith.muli %add3A_464, %mul3A_474 : i32
        %get3A_476 = arith.index_cast %mul3A_475 : i32 to index
        %get3A_477 = tpu.vector_load %arg8[%get3A_476] {strides = array<i32>} : memref<512xi32, #tpu.memory_space<vmem>>, vector<16xi32>,
        %mul3A_478 = arith.constant 16 : i32
        %mul3A_479 = arith.muli %sub3A_469, %mul3A_478 : i32
        %get3A_480 = arith.index_cast %mul3A_479 : i32 to index
        %get3A_481 = tpu.vector_load %arg7[%get3A_480] {strides = array<i32>} : memref<512xf32, #tpu.memory_space<vmem>>, vector<16xf32>,
        %mul3A_482 = arith.constant 16 : i32
        %mul3A_483 = arith.muli %sub3A_469, %mul3A_482 : i32
        %get3A_484 = arith.index_cast %mul3A_483 : i32 to index
        %get3A_485 = tpu.vector_load %arg8[%get3A_484] {strides = array<i32>} : memref<512xi32, #tpu.memory_space<vmem>>, vector<16xi32>,
        %rev3A = arith.constant 15 : i32
        %rev3A_486 = vector.broadcast %rev3A : i32 to vector<16xi32>
        %rev3A_487 = tpu.iota {dimensions = array<i32: 0>} : vector<16xi32>
        %rev3A_488 = arith.subi %rev3A_486, %rev3A_487 : vector<16xi32>
        %rev3A_489 = tpu.dynamic_gather %get3A_481[%rev3A_488] in [0] : vector<16xf32>, vector<16xi32> -> vector<16xf32>
        %mul3A_490 = arith.constant 16 : i32
        %mul3A_491 = arith.muli %add3A_464, %mul3A_490 : i32
        %swap3A_492 = arith.index_cast %mul3A_491 : i32 to index
        %swap3A_493 = tpu.vector_load %arg7[%swap3A_492] {strides = array<i32>} : memref<512xf32, #tpu.memory_space<vmem>>, vector<16xf32>,
        tpu.vector_store %arg7[%swap3A_492], %rev3A_489 {strides = array<i32>} : memref<512xf32, #tpu.memory_space<vmem>>, vector<16xf32>,
        %rev3A_494 = arith.constant 15 : i32
        %rev3A_495 = vector.broadcast %rev3A_494 : i32 to vector<16xi32>
        %rev3A_496 = tpu.iota {dimensions = array<i32: 0>} : vector<16xi32>
        %rev3A_497 = arith.subi %rev3A_495, %rev3A_496 : vector<16xi32>
        %rev3A_498 = tpu.dynamic_gather %get3A_485[%rev3A_497] in [0] : vector<16xi32>, vector<16xi32> -> vector<16xi32>
        %mul3A_499 = arith.constant 16 : i32
        %mul3A_500 = arith.muli %add3A_464, %mul3A_499 : i32
        %swap3A_501 = arith.index_cast %mul3A_500 : i32 to index
        %swap3A_502 = tpu.vector_load %arg8[%swap3A_501] {strides = array<i32>} : memref<512xi32, #tpu.memory_space<vmem>>, vector<16xi32>,
        tpu.vector_store %arg8[%swap3A_501], %rev3A_498 {strides = array<i32>} : memref<512xi32, #tpu.memory_space<vmem>>, vector<16xi32>,
        %rev3A_503 = arith.constant 15 : i32
        %rev3A_504 = vector.broadcast %rev3A_503 : i32 to vector<16xi32>
        %rev3A_505 = tpu.iota {dimensions = array<i32: 0>} : vector<16xi32>
        %rev3A_506 = arith.subi %rev3A_504, %rev3A_505 : vector<16xi32>
        %rev3A_507 = tpu.dynamic_gather %get3A_473[%rev3A_506] in [0] : vector<16xf32>, vector<16xi32> -> vector<16xf32>
        %mul3A_508 = arith.constant 16 : i32
        %mul3A_509 = arith.muli %sub3A_469, %mul3A_508 : i32
        %swap3A_510 = arith.index_cast %mul3A_509 : i32 to index
        %swap3A_511 = tpu.vector_load %arg7[%swap3A_510] {strides = array<i32>} : memref<512xf32, #tpu.memory_space<vmem>>, vector<16xf32>,
        tpu.vector_store %arg7[%swap3A_510], %rev3A_507 {strides = array<i32>} : memref<512xf32, #tpu.memory_space<vmem>>, vector<16xf32>,
        %rev3A_512 = arith.constant 15 : i32
        %rev3A_513 = vector.broadcast %rev3A_512 : i32 to vector<16xi32>
        %rev3A_514 = tpu.iota {dimensions = array<i32: 0>} : vector<16xi32>
        %rev3A_515 = arith.subi %rev3A_513, %rev3A_514 : vector<16xi32>
        %rev3A_516 = tpu.dynamic_gather %get3A_477[%rev3A_515] in [0] : vector<16xi32>, vector<16xi32> -> vector<16xi32>
        %mul3A_517 = arith.constant 16 : i32
        %mul3A_518 = arith.muli %sub3A_469, %mul3A_517 : i32
        %swap3A_519 = arith.index_cast %mul3A_518 : i32 to index
        %swap3A_520 = tpu.vector_load %arg8[%swap3A_519] {strides = array<i32>} : memref<512xi32, #tpu.memory_space<vmem>>, vector<16xi32>,
        tpu.vector_store %arg8[%swap3A_519], %rev3A_516 {strides = array<i32>} : memref<512xi32, #tpu.memory_space<vmem>>, vector<16xi32>,
        %scan3A_521 = arith.constant 0 : i32
        scf.yield %scan3A_521 : i32
      }
      %scan3A_183 = arith.constant 8 : i32
      %scan3A_184 = arith.constant 0 : i32
      %scan3A_185 = arith.constant 0 : i32
      %scan3A_186 = arith.constant 16 : i32
      %scan3A_187 = arith.addi %scan3A_185, %scan3A_186 : i32
      %scan3A_188 = arith.constant 1 : i32
      %scan3A_189 = scf.for %scan3A_424 = %scan3A_185 to %scan3A_187 step %scan3A_188 iter_args(%scan3A_425 = %scan3A_184) -> (i32)  : i32 {
        %jit3A = arith.constant 16 : i32
        %div3A = arith.divsi %scan3A_424, %jit3A : i32
        %sign3A = arith.constant 0 : i32
        %sign3A_426 = arith.cmpi sgt, %scan3A_424, %sign3A : i32
        %sign3A_427 = arith.extui %sign3A_426 : i1 to i32
        %sign3A_428 = arith.constant 0 : i32
        %sign3A_429 = arith.cmpi slt, %scan3A_424, %sign3A_428 : i32
        %sign3A_430 = arith.extui %sign3A_429 : i1 to i32
        %sign3A_431 = arith.subi %sign3A_427, %sign3A_430 : i32
        %sign3A_432 = arith.constant 0 : i32
        %sign3A_433 = arith.cmpi sgt, %jit3A, %sign3A_432 : i32
        %sign3A_434 = arith.extui %sign3A_433 : i1 to i32
        %sign3A_435 = arith.constant 0 : i32
        %sign3A_436 = arith.cmpi slt, %jit3A, %sign3A_435 : i32
        %sign3A_437 = arith.extui %sign3A_436 : i1 to i32
        %sign3A_438 = arith.subi %sign3A_434, %sign3A_437 : i32
        %ne3A = arith.cmpi ne, %sign3A_431, %sign3A_438 : i32
        %rem3A = arith.remsi %scan3A_424, %jit3A : i32
        %ne3A_439 = arith.constant 0 : i32
        %ne3A_440 = arith.cmpi ne, %rem3A, %ne3A_439 : i32
        %and3A = arith.andi %ne3A, %ne3A_440 : i1
        %sub3A = arith.constant 1 : i32
        %sub3A_441 = arith.subi %div3A, %sub3A : i32
        %select_n3A_442 = arith.select %and3A, %sub3A_441, %div3A : i32
        %jit3A_443 = arith.constant 16 : i32
        %eq3A = arith.constant 0 : i32
        %eq3A_444 = arith.cmpi eq, %jit3A_443, %eq3A : i32
        %jit3A_445 = arith.constant 1 : i32
        %select_n3A_446 = arith.select %eq3A_444, %jit3A_445, %jit3A_443 : i32
        %rem3A_447 = arith.remsi %scan3A_424, %select_n3A_446 : i32
        %ne3A_448 = arith.constant 0 : i32
        %ne3A_449 = arith.cmpi ne, %rem3A_447, %ne3A_448 : i32
        %lt3A_450 = arith.constant 0 : i32
        %lt3A_451 = arith.cmpi slt, %rem3A_447, %lt3A_450 : i32
        %lt3A_452 = arith.constant 0 : i32
        %lt3A_453 = arith.cmpi slt, %select_n3A_446, %lt3A_452 : i32
        %ne3A_454 = arith.xori %lt3A_451, %lt3A_453 : i1
        %and3A_455 = arith.andi %ne3A_454, %ne3A_449 : i1
        %add3A_456 = arith.addi %rem3A_447, %select_n3A_446 : i32
        %select_n3A_457 = arith.select %and3A_455, %add3A_456, %rem3A_447 : i32
        %jit3A_458 = arith.constant 16 : i32
        %div3A_459 = arith.divsi %select_n3A_457, %jit3A_458 : i32
        %sign3A_460 = arith.constant 0 : i32
        %sign3A_461 = arith.cmpi sgt, %select_n3A_457, %sign3A_460 : i32
        %sign3A_462 = arith.extui %sign3A_461 : i1 to i32
        %sign3A_463 = arith.constant 0 : i32
        %sign3A_464 = arith.cmpi slt, %select_n3A_457, %sign3A_463 : i32
        %sign3A_465 = arith.extui %sign3A_464 : i1 to i32
        %sign3A_466 = arith.subi %sign3A_462, %sign3A_465 : i32
        %sign3A_467 = arith.constant 0 : i32
        %sign3A_468 = arith.cmpi sgt, %jit3A_458, %sign3A_467 : i32
        %sign3A_469 = arith.extui %sign3A_468 : i1 to i32
        %sign3A_470 = arith.constant 0 : i32
        %sign3A_471 = arith.cmpi slt, %jit3A_458, %sign3A_470 : i32
        %sign3A_472 = arith.extui %sign3A_471 : i1 to i32
        %sign3A_473 = arith.subi %sign3A_469, %sign3A_472 : i32
        %ne3A_474 = arith.cmpi ne, %sign3A_466, %sign3A_473 : i32
        %rem3A_475 = arith.remsi %select_n3A_457, %jit3A_458 : i32
        %ne3A_476 = arith.constant 0 : i32
        %ne3A_477 = arith.cmpi ne, %rem3A_475, %ne3A_476 : i32
        %and3A_478 = arith.andi %ne3A_474, %ne3A_477 : i1
        %sub3A_479 = arith.constant 1 : i32
        %sub3A_480 = arith.subi %div3A_459, %sub3A_479 : i32
        %select_n3A_481 = arith.select %and3A_478, %sub3A_480, %div3A_459 : i32
        %mul3A_482 = arith.constant 2 : i32
        %mul3A_483 = arith.muli %select_n3A_481, %mul3A_482 : i32
        %mul3A_484 = arith.constant 16 : i32
        %mul3A_485 = arith.muli %mul3A_483, %mul3A_484 : i32
        %jit3A_486 = arith.constant 16 : i32
        %eq3A_487 = arith.constant 0 : i32
        %eq3A_488 = arith.cmpi eq, %jit3A_486, %eq3A_487 : i32
        %jit3A_489 = arith.constant 1 : i32
        %select_n3A_490 = arith.select %eq3A_488, %jit3A_489, %jit3A_486 : i32
        %rem3A_491 = arith.remsi %select_n3A_457, %select_n3A_490 : i32
        %ne3A_492 = arith.constant 0 : i32
        %ne3A_493 = arith.cmpi ne, %rem3A_491, %ne3A_492 : i32
        %lt3A_494 = arith.constant 0 : i32
        %lt3A_495 = arith.cmpi slt, %rem3A_491, %lt3A_494 : i32
        %lt3A_496 = arith.constant 0 : i32
        %lt3A_497 = arith.cmpi slt, %select_n3A_490, %lt3A_496 : i32
        %ne3A_498 = arith.xori %lt3A_495, %lt3A_497 : i1
        %and3A_499 = arith.andi %ne3A_498, %ne3A_493 : i1
        %add3A_500 = arith.addi %rem3A_491, %select_n3A_490 : i32
        %select_n3A_501 = arith.select %and3A_499, %add3A_500, %rem3A_491 : i32
        %add3A_502 = arith.addi %mul3A_485, %select_n3A_501 : i32
        %mul3A_503 = arith.constant 2 : i32
        %mul3A_504 = arith.muli %select_n3A_442, %mul3A_503 : i32
        %mul3A_505 = arith.constant 16 : i32
        %mul3A_506 = arith.muli %mul3A_504, %mul3A_505 : i32
        %add3A_507 = arith.addi %mul3A_506, %add3A_502 : i32
        %add3A_508 = arith.addi %mul3A_506, %add3A_502 : i32
        %add3A_509 = arith.constant 16 : i32
        %add3A_510 = arith.addi %add3A_508, %add3A_509 : i32
        %mul3A_511 = arith.constant 16 : i32
        %mul3A_512 = arith.muli %add3A_507, %mul3A_511 : i32
        %get3A_513 = arith.index_cast %mul3A_512 : i32 to index
        %get3A_514 = tpu.vector_load %arg7[%get3A_513] {strides = array<i32>} : memref<512xf32, #tpu.memory_space<vmem>>, vector<16xf32>,
        %mul3A_515 = arith.constant 16 : i32
        %mul3A_516 = arith.muli %add3A_507, %mul3A_515 : i32
        %get3A_517 = arith.index_cast %mul3A_516 : i32 to index
        %get3A_518 = tpu.vector_load %arg8[%get3A_517] {strides = array<i32>} : memref<512xi32, #tpu.memory_space<vmem>>, vector<16xi32>,
        %mul3A_519 = arith.constant 16 : i32
        %mul3A_520 = arith.muli %add3A_510, %mul3A_519 : i32
        %get3A_521 = arith.index_cast %mul3A_520 : i32 to index
        %get3A_522 = tpu.vector_load %arg7[%get3A_521] {strides = array<i32>} : memref<512xf32, #tpu.memory_space<vmem>>, vector<16xf32>,
        %mul3A_523 = arith.constant 16 : i32
        %mul3A_524 = arith.muli %add3A_510, %mul3A_523 : i32
        %get3A_525 = arith.index_cast %mul3A_524 : i32 to index
        %get3A_526 = tpu.vector_load %arg8[%get3A_525] {strides = array<i32>} : memref<512xi32, #tpu.memory_space<vmem>>, vector<16xi32>,
        %le3A = arith.cmpf ole, %get3A_514, %get3A_522 : vector<16xf32>
        %min3A = arith.minimumf %get3A_514, %get3A_522 : vector<16xf32>
        %mul3A_527 = arith.constant 16 : i32
        %mul3A_528 = arith.muli %add3A_507, %mul3A_527 : i32
        %swap3A_529 = arith.index_cast %mul3A_528 : i32 to index
        %swap3A_530 = tpu.vector_load %arg7[%swap3A_529] {strides = array<i32>} : memref<512xf32, #tpu.memory_space<vmem>>, vector<16xf32>,
        tpu.vector_store %arg7[%swap3A_529], %min3A {strides = array<i32>} : memref<512xf32, #tpu.memory_space<vmem>>, vector<16xf32>,
        %max3A = arith.maximumf %get3A_514, %get3A_522 : vector<16xf32>
        %mul3A_531 = arith.constant 16 : i32
        %mul3A_532 = arith.muli %add3A_510, %mul3A_531 : i32
        %swap3A_533 = arith.index_cast %mul3A_532 : i32 to index
        %swap3A_534 = tpu.vector_load %arg7[%swap3A_533] {strides = array<i32>} : memref<512xf32, #tpu.memory_space<vmem>>, vector<16xf32>,
        tpu.vector_store %arg7[%swap3A_533], %max3A {strides = array<i32>} : memref<512xf32, #tpu.memory_space<vmem>>, vector<16xf32>,
        %select_n3A_535 = arith.select %le3A, %get3A_518, %get3A_526 : vector<16xi1>, vector<16xi32>
        %mul3A_536 = arith.constant 16 : i32
        %mul3A_537 = arith.muli %add3A_507, %mul3A_536 : i32
        %swap3A_538 = arith.index_cast %mul3A_537 : i32 to index
        %swap3A_539 = tpu.vector_load %arg8[%swap3A_538] {strides = array<i32>} : memref<512xi32, #tpu.memory_space<vmem>>, vector<16xi32>,
        tpu.vector_store %arg8[%swap3A_538], %select_n3A_535 {strides = array<i32>} : memref<512xi32, #tpu.memory_space<vmem>>, vector<16xi32>,
        %select_n3A_540 = arith.select %le3A, %get3A_526, %get3A_518 : vector<16xi1>, vector<16xi32>
        %mul3A_541 = arith.constant 16 : i32
        %mul3A_542 = arith.muli %add3A_510, %mul3A_541 : i32
        %swap3A_543 = arith.index_cast %mul3A_542 : i32 to index
        %swap3A_544 = tpu.vector_load %arg8[%swap3A_543] {strides = array<i32>} : memref<512xi32, #tpu.memory_space<vmem>>, vector<16xi32>,
        tpu.vector_store %arg8[%swap3A_543], %select_n3A_540 {strides = array<i32>} : memref<512xi32, #tpu.memory_space<vmem>>, vector<16xi32>,
        %scan3A_545 = arith.constant 0 : i32
        scf.yield %scan3A_545 : i32
      }
      %scan3A_190 = arith.constant 16 : i32
      %scan3A_191 = arith.constant 0 : i32
      %scan3A_192 = arith.constant 0 : i32
      %scan3A_193 = arith.constant 16 : i32
      %scan3A_194 = arith.addi %scan3A_192, %scan3A_193 : i32
      %scan3A_195 = arith.constant 1 : i32
      %scan3A_196 = scf.for %scan3A_424 = %scan3A_192 to %scan3A_194 step %scan3A_195 iter_args(%scan3A_425 = %scan3A_191) -> (i32)  : i32 {
        %jit3A = arith.constant 16 : i32
        %div3A = arith.divsi %scan3A_424, %jit3A : i32
        %sign3A = arith.constant 0 : i32
        %sign3A_426 = arith.cmpi sgt, %scan3A_424, %sign3A : i32
        %sign3A_427 = arith.extui %sign3A_426 : i1 to i32
        %sign3A_428 = arith.constant 0 : i32
        %sign3A_429 = arith.cmpi slt, %scan3A_424, %sign3A_428 : i32
        %sign3A_430 = arith.extui %sign3A_429 : i1 to i32
        %sign3A_431 = arith.subi %sign3A_427, %sign3A_430 : i32
        %sign3A_432 = arith.constant 0 : i32
        %sign3A_433 = arith.cmpi sgt, %jit3A, %sign3A_432 : i32
        %sign3A_434 = arith.extui %sign3A_433 : i1 to i32
        %sign3A_435 = arith.constant 0 : i32
        %sign3A_436 = arith.cmpi slt, %jit3A, %sign3A_435 : i32
        %sign3A_437 = arith.extui %sign3A_436 : i1 to i32
        %sign3A_438 = arith.subi %sign3A_434, %sign3A_437 : i32
        %ne3A = arith.cmpi ne, %sign3A_431, %sign3A_438 : i32
        %rem3A = arith.remsi %scan3A_424, %jit3A : i32
        %ne3A_439 = arith.constant 0 : i32
        %ne3A_440 = arith.cmpi ne, %rem3A, %ne3A_439 : i32
        %and3A = arith.andi %ne3A, %ne3A_440 : i1
        %sub3A = arith.constant 1 : i32
        %sub3A_441 = arith.subi %div3A, %sub3A : i32
        %select_n3A_442 = arith.select %and3A, %sub3A_441, %div3A : i32
        %jit3A_443 = arith.constant 16 : i32
        %eq3A = arith.constant 0 : i32
        %eq3A_444 = arith.cmpi eq, %jit3A_443, %eq3A : i32
        %jit3A_445 = arith.constant 1 : i32
        %select_n3A_446 = arith.select %eq3A_444, %jit3A_445, %jit3A_443 : i32
        %rem3A_447 = arith.remsi %scan3A_424, %select_n3A_446 : i32
        %ne3A_448 = arith.constant 0 : i32
        %ne3A_449 = arith.cmpi ne, %rem3A_447, %ne3A_448 : i32
        %lt3A_450 = arith.constant 0 : i32
        %lt3A_451 = arith.cmpi slt, %rem3A_447, %lt3A_450 : i32
        %lt3A_452 = arith.constant 0 : i32
        %lt3A_453 = arith.cmpi slt, %select_n3A_446, %lt3A_452 : i32
        %ne3A_454 = arith.xori %lt3A_451, %lt3A_453 : i1
        %and3A_455 = arith.andi %ne3A_454, %ne3A_449 : i1
        %add3A_456 = arith.addi %rem3A_447, %select_n3A_446 : i32
        %select_n3A_457 = arith.select %and3A_455, %add3A_456, %rem3A_447 : i32
        %jit3A_458 = arith.constant 8 : i32
        %div3A_459 = arith.divsi %select_n3A_457, %jit3A_458 : i32
        %sign3A_460 = arith.constant 0 : i32
        %sign3A_461 = arith.cmpi sgt, %select_n3A_457, %sign3A_460 : i32
        %sign3A_462 = arith.extui %sign3A_461 : i1 to i32
        %sign3A_463 = arith.constant 0 : i32
        %sign3A_464 = arith.cmpi slt, %select_n3A_457, %sign3A_463 : i32
        %sign3A_465 = arith.extui %sign3A_464 : i1 to i32
        %sign3A_466 = arith.subi %sign3A_462, %sign3A_465 : i32
        %sign3A_467 = arith.constant 0 : i32
        %sign3A_468 = arith.cmpi sgt, %jit3A_458, %sign3A_467 : i32
        %sign3A_469 = arith.extui %sign3A_468 : i1 to i32
        %sign3A_470 = arith.constant 0 : i32
        %sign3A_471 = arith.cmpi slt, %jit3A_458, %sign3A_470 : i32
        %sign3A_472 = arith.extui %sign3A_471 : i1 to i32
        %sign3A_473 = arith.subi %sign3A_469, %sign3A_472 : i32
        %ne3A_474 = arith.cmpi ne, %sign3A_466, %sign3A_473 : i32
        %rem3A_475 = arith.remsi %select_n3A_457, %jit3A_458 : i32
        %ne3A_476 = arith.constant 0 : i32
        %ne3A_477 = arith.cmpi ne, %rem3A_475, %ne3A_476 : i32
        %and3A_478 = arith.andi %ne3A_474, %ne3A_477 : i1
        %sub3A_479 = arith.constant 1 : i32
        %sub3A_480 = arith.subi %div3A_459, %sub3A_479 : i32
        %select_n3A_481 = arith.select %and3A_478, %sub3A_480, %div3A_459 : i32
        %mul3A_482 = arith.constant 2 : i32
        %mul3A_483 = arith.muli %select_n3A_481, %mul3A_482 : i32
        %mul3A_484 = arith.constant 8 : i32
        %mul3A_485 = arith.muli %mul3A_483, %mul3A_484 : i32
        %jit3A_486 = arith.constant 8 : i32
        %eq3A_487 = arith.constant 0 : i32
        %eq3A_488 = arith.cmpi eq, %jit3A_486, %eq3A_487 : i32
        %jit3A_489 = arith.constant 1 : i32
        %select_n3A_490 = arith.select %eq3A_488, %jit3A_489, %jit3A_486 : i32
        %rem3A_491 = arith.remsi %select_n3A_457, %select_n3A_490 : i32
        %ne3A_492 = arith.constant 0 : i32
        %ne3A_493 = arith.cmpi ne, %rem3A_491, %ne3A_492 : i32
        %lt3A_494 = arith.constant 0 : i32
        %lt3A_495 = arith.cmpi slt, %rem3A_491, %lt3A_494 : i32
        %lt3A_496 = arith.constant 0 : i32
        %lt3A_497 = arith.cmpi slt, %select_n3A_490, %lt3A_496 : i32
        %ne3A_498 = arith.xori %lt3A_495, %lt3A_497 : i1
        %and3A_499 = arith.andi %ne3A_498, %ne3A_493 : i1
        %add3A_500 = arith.addi %rem3A_491, %select_n3A_490 : i32
        %select_n3A_501 = arith.select %and3A_499, %add3A_500, %rem3A_491 : i32
        %add3A_502 = arith.addi %mul3A_485, %select_n3A_501 : i32
        %mul3A_503 = arith.constant 2 : i32
        %mul3A_504 = arith.muli %select_n3A_442, %mul3A_503 : i32
        %mul3A_505 = arith.constant 16 : i32
        %mul3A_506 = arith.muli %mul3A_504, %mul3A_505 : i32
        %add3A_507 = arith.addi %mul3A_506, %add3A_502 : i32
        %add3A_508 = arith.addi %mul3A_506, %add3A_502 : i32
        %add3A_509 = arith.constant 8 : i32
        %add3A_510 = arith.addi %add3A_508, %add3A_509 : i32
        %mul3A_511 = arith.constant 16 : i32
        %mul3A_512 = arith.muli %add3A_507, %mul3A_511 : i32
        %get3A_513 = arith.index_cast %mul3A_512 : i32 to index
        %get3A_514 = tpu.vector_load %arg7[%get3A_513] {strides = array<i32>} : memref<512xf32, #tpu.memory_space<vmem>>, vector<16xf32>,
        %mul3A_515 = arith.constant 16 : i32
        %mul3A_516 = arith.muli %add3A_507, %mul3A_515 : i32
        %get3A_517 = arith.index_cast %mul3A_516 : i32 to index
        %get3A_518 = tpu.vector_load %arg8[%get3A_517] {strides = array<i32>} : memref<512xi32, #tpu.memory_space<vmem>>, vector<16xi32>,
        %mul3A_519 = arith.constant 16 : i32
        %mul3A_520 = arith.muli %add3A_510, %mul3A_519 : i32
        %get3A_521 = arith.index_cast %mul3A_520 : i32 to index
        %get3A_522 = tpu.vector_load %arg7[%get3A_521] {strides = array<i32>} : memref<512xf32, #tpu.memory_space<vmem>>, vector<16xf32>,
        %mul3A_523 = arith.constant 16 : i32
        %mul3A_524 = arith.muli %add3A_510, %mul3A_523 : i32
        %get3A_525 = arith.index_cast %mul3A_524 : i32 to index
        %get3A_526 = tpu.vector_load %arg8[%get3A_525] {strides = array<i32>} : memref<512xi32, #tpu.memory_space<vmem>>, vector<16xi32>,
        %le3A = arith.cmpf ole, %get3A_514, %get3A_522 : vector<16xf32>
        %min3A = arith.minimumf %get3A_514, %get3A_522 : vector<16xf32>
        %mul3A_527 = arith.constant 16 : i32
        %mul3A_528 = arith.muli %add3A_507, %mul3A_527 : i32
        %swap3A_529 = arith.index_cast %mul3A_528 : i32 to index
        %swap3A_530 = tpu.vector_load %arg7[%swap3A_529] {strides = array<i32>} : memref<512xf32, #tpu.memory_space<vmem>>, vector<16xf32>,
        tpu.vector_store %arg7[%swap3A_529], %min3A {strides = array<i32>} : memref<512xf32, #tpu.memory_space<vmem>>, vector<16xf32>,
        %max3A = arith.maximumf %get3A_514, %get3A_522 : vector<16xf32>
        %mul3A_531 = arith.constant 16 : i32
        %mul3A_532 = arith.muli %add3A_510, %mul3A_531 : i32
        %swap3A_533 = arith.index_cast %mul3A_532 : i32 to index
        %swap3A_534 = tpu.vector_load %arg7[%swap3A_533] {strides = array<i32>} : memref<512xf32, #tpu.memory_space<vmem>>, vector<16xf32>,
        tpu.vector_store %arg7[%swap3A_533], %max3A {strides = array<i32>} : memref<512xf32, #tpu.memory_space<vmem>>, vector<16xf32>,
        %select_n3A_535 = arith.select %le3A, %get3A_518, %get3A_526 : vector<16xi1>, vector<16xi32>
        %mul3A_536 = arith.constant 16 : i32
        %mul3A_537 = arith.muli %add3A_507, %mul3A_536 : i32
        %swap3A_538 = arith.index_cast %mul3A_537 : i32 to index
        %swap3A_539 = tpu.vector_load %arg8[%swap3A_538] {strides = array<i32>} : memref<512xi32, #tpu.memory_space<vmem>>, vector<16xi32>,
        tpu.vector_store %arg8[%swap3A_538], %select_n3A_535 {strides = array<i32>} : memref<512xi32, #tpu.memory_space<vmem>>, vector<16xi32>,
        %select_n3A_540 = arith.select %le3A, %get3A_526, %get3A_518 : vector<16xi1>, vector<16xi32>
        %mul3A_541 = arith.constant 16 : i32
        %mul3A_542 = arith.muli %add3A_510, %mul3A_541 : i32
        %swap3A_543 = arith.index_cast %mul3A_542 : i32 to index
        %swap3A_544 = tpu.vector_load %arg8[%swap3A_543] {strides = array<i32>} : memref<512xi32, #tpu.memory_space<vmem>>, vector<16xi32>,
        tpu.vector_store %arg8[%swap3A_543], %select_n3A_540 {strides = array<i32>} : memref<512xi32, #tpu.memory_space<vmem>>, vector<16xi32>,
        %scan3A_545 = arith.constant 0 : i32
        scf.yield %scan3A_545 : i32
      }
      %scan3A_197 = arith.constant 16 : i32
      %scan3A_198 = arith.constant 0 : i32
      %scan3A_199 = arith.constant 0 : i32
      %scan3A_200 = arith.constant 16 : i32
      %scan3A_201 = arith.addi %scan3A_199, %scan3A_200 : i32
      %scan3A_202 = arith.constant 1 : i32
      %scan3A_203 = scf.for %scan3A_424 = %scan3A_199 to %scan3A_201 step %scan3A_202 iter_args(%scan3A_425 = %scan3A_198) -> (i32)  : i32 {
        %jit3A = arith.constant 16 : i32
        %div3A = arith.divsi %scan3A_424, %jit3A : i32
        %sign3A = arith.constant 0 : i32
        %sign3A_426 = arith.cmpi sgt, %scan3A_424, %sign3A : i32
        %sign3A_427 = arith.extui %sign3A_426 : i1 to i32
        %sign3A_428 = arith.constant 0 : i32
        %sign3A_429 = arith.cmpi slt, %scan3A_424, %sign3A_428 : i32
        %sign3A_430 = arith.extui %sign3A_429 : i1 to i32
        %sign3A_431 = arith.subi %sign3A_427, %sign3A_430 : i32
        %sign3A_432 = arith.constant 0 : i32
        %sign3A_433 = arith.cmpi sgt, %jit3A, %sign3A_432 : i32
        %sign3A_434 = arith.extui %sign3A_433 : i1 to i32
        %sign3A_435 = arith.constant 0 : i32
        %sign3A_436 = arith.cmpi slt, %jit3A, %sign3A_435 : i32
        %sign3A_437 = arith.extui %sign3A_436 : i1 to i32
        %sign3A_438 = arith.subi %sign3A_434, %sign3A_437 : i32
        %ne3A = arith.cmpi ne, %sign3A_431, %sign3A_438 : i32
        %rem3A = arith.remsi %scan3A_424, %jit3A : i32
        %ne3A_439 = arith.constant 0 : i32
        %ne3A_440 = arith.cmpi ne, %rem3A, %ne3A_439 : i32
        %and3A = arith.andi %ne3A, %ne3A_440 : i1
        %sub3A = arith.constant 1 : i32
        %sub3A_441 = arith.subi %div3A, %sub3A : i32
        %select_n3A_442 = arith.select %and3A, %sub3A_441, %div3A : i32
        %jit3A_443 = arith.constant 16 : i32
        %eq3A = arith.constant 0 : i32
        %eq3A_444 = arith.cmpi eq, %jit3A_443, %eq3A : i32
        %jit3A_445 = arith.constant 1 : i32
        %select_n3A_446 = arith.select %eq3A_444, %jit3A_445, %jit3A_443 : i32
        %rem3A_447 = arith.remsi %scan3A_424, %select_n3A_446 : i32
        %ne3A_448 = arith.constant 0 : i32
        %ne3A_449 = arith.cmpi ne, %rem3A_447, %ne3A_448 : i32
        %lt3A_450 = arith.constant 0 : i32
        %lt3A_451 = arith.cmpi slt, %rem3A_447, %lt3A_450 : i32
        %lt3A_452 = arith.constant 0 : i32
        %lt3A_453 = arith.cmpi slt, %select_n3A_446, %lt3A_452 : i32
        %ne3A_454 = arith.xori %lt3A_451, %lt3A_453 : i1
        %and3A_455 = arith.andi %ne3A_454, %ne3A_449 : i1
        %add3A_456 = arith.addi %rem3A_447, %select_n3A_446 : i32
        %select_n3A_457 = arith.select %and3A_455, %add3A_456, %rem3A_447 : i32
        %jit3A_458 = arith.constant 4 : i32
        %div3A_459 = arith.divsi %select_n3A_457, %jit3A_458 : i32
        %sign3A_460 = arith.constant 0 : i32
        %sign3A_461 = arith.cmpi sgt, %select_n3A_457, %sign3A_460 : i32
        %sign3A_462 = arith.extui %sign3A_461 : i1 to i32
        %sign3A_463 = arith.constant 0 : i32
        %sign3A_464 = arith.cmpi slt, %select_n3A_457, %sign3A_463 : i32
        %sign3A_465 = arith.extui %sign3A_464 : i1 to i32
        %sign3A_466 = arith.subi %sign3A_462, %sign3A_465 : i32
        %sign3A_467 = arith.constant 0 : i32
        %sign3A_468 = arith.cmpi sgt, %jit3A_458, %sign3A_467 : i32
        %sign3A_469 = arith.extui %sign3A_468 : i1 to i32
        %sign3A_470 = arith.constant 0 : i32
        %sign3A_471 = arith.cmpi slt, %jit3A_458, %sign3A_470 : i32
        %sign3A_472 = arith.extui %sign3A_471 : i1 to i32
        %sign3A_473 = arith.subi %sign3A_469, %sign3A_472 : i32
        %ne3A_474 = arith.cmpi ne, %sign3A_466, %sign3A_473 : i32
        %rem3A_475 = arith.remsi %select_n3A_457, %jit3A_458 : i32
        %ne3A_476 = arith.constant 0 : i32
        %ne3A_477 = arith.cmpi ne, %rem3A_475, %ne3A_476 : i32
        %and3A_478 = arith.andi %ne3A_474, %ne3A_477 : i1
        %sub3A_479 = arith.constant 1 : i32
        %sub3A_480 = arith.subi %div3A_459, %sub3A_479 : i32
        %select_n3A_481 = arith.select %and3A_478, %sub3A_480, %div3A_459 : i32
        %mul3A_482 = arith.constant 2 : i32
        %mul3A_483 = arith.muli %select_n3A_481, %mul3A_482 : i32
        %mul3A_484 = arith.constant 4 : i32
        %mul3A_485 = arith.muli %mul3A_483, %mul3A_484 : i32
        %jit3A_486 = arith.constant 4 : i32
        %eq3A_487 = arith.constant 0 : i32
        %eq3A_488 = arith.cmpi eq, %jit3A_486, %eq3A_487 : i32
        %jit3A_489 = arith.constant 1 : i32
        %select_n3A_490 = arith.select %eq3A_488, %jit3A_489, %jit3A_486 : i32
        %rem3A_491 = arith.remsi %select_n3A_457, %select_n3A_490 : i32
        %ne3A_492 = arith.constant 0 : i32
        %ne3A_493 = arith.cmpi ne, %rem3A_491, %ne3A_492 : i32
        %lt3A_494 = arith.constant 0 : i32
        %lt3A_495 = arith.cmpi slt, %rem3A_491, %lt3A_494 : i32
        %lt3A_496 = arith.constant 0 : i32
        %lt3A_497 = arith.cmpi slt, %select_n3A_490, %lt3A_496 : i32
        %ne3A_498 = arith.xori %lt3A_495, %lt3A_497 : i1
        %and3A_499 = arith.andi %ne3A_498, %ne3A_493 : i1
        %add3A_500 = arith.addi %rem3A_491, %select_n3A_490 : i32
        %select_n3A_501 = arith.select %and3A_499, %add3A_500, %rem3A_491 : i32
        %add3A_502 = arith.addi %mul3A_485, %select_n3A_501 : i32
        %mul3A_503 = arith.constant 2 : i32
        %mul3A_504 = arith.muli %select_n3A_442, %mul3A_503 : i32
        %mul3A_505 = arith.constant 16 : i32
        %mul3A_506 = arith.muli %mul3A_504, %mul3A_505 : i32
        %add3A_507 = arith.addi %mul3A_506, %add3A_502 : i32
        %add3A_508 = arith.addi %mul3A_506, %add3A_502 : i32
        %add3A_509 = arith.constant 4 : i32
        %add3A_510 = arith.addi %add3A_508, %add3A_509 : i32
        %mul3A_511 = arith.constant 16 : i32
        %mul3A_512 = arith.muli %add3A_507, %mul3A_511 : i32
        %get3A_513 = arith.index_cast %mul3A_512 : i32 to index
        %get3A_514 = tpu.vector_load %arg7[%get3A_513] {strides = array<i32>} : memref<512xf32, #tpu.memory_space<vmem>>, vector<16xf32>,
        %mul3A_515 = arith.constant 16 : i32
        %mul3A_516 = arith.muli %add3A_507, %mul3A_515 : i32
        %get3A_517 = arith.index_cast %mul3A_516 : i32 to index
        %get3A_518 = tpu.vector_load %arg8[%get3A_517] {strides = array<i32>} : memref<512xi32, #tpu.memory_space<vmem>>, vector<16xi32>,
        %mul3A_519 = arith.constant 16 : i32
        %mul3A_520 = arith.muli %add3A_510, %mul3A_519 : i32
        %get3A_521 = arith.index_cast %mul3A_520 : i32 to index
        %get3A_522 = tpu.vector_load %arg7[%get3A_521] {strides = array<i32>} : memref<512xf32, #tpu.memory_space<vmem>>, vector<16xf32>,
        %mul3A_523 = arith.constant 16 : i32
        %mul3A_524 = arith.muli %add3A_510, %mul3A_523 : i32
        %get3A_525 = arith.index_cast %mul3A_524 : i32 to index
        %get3A_526 = tpu.vector_load %arg8[%get3A_525] {strides = array<i32>} : memref<512xi32, #tpu.memory_space<vmem>>, vector<16xi32>,
        %le3A = arith.cmpf ole, %get3A_514, %get3A_522 : vector<16xf32>
        %min3A = arith.minimumf %get3A_514, %get3A_522 : vector<16xf32>
        %mul3A_527 = arith.constant 16 : i32
        %mul3A_528 = arith.muli %add3A_507, %mul3A_527 : i32
        %swap3A_529 = arith.index_cast %mul3A_528 : i32 to index
        %swap3A_530 = tpu.vector_load %arg7[%swap3A_529] {strides = array<i32>} : memref<512xf32, #tpu.memory_space<vmem>>, vector<16xf32>,
        tpu.vector_store %arg7[%swap3A_529], %min3A {strides = array<i32>} : memref<512xf32, #tpu.memory_space<vmem>>, vector<16xf32>,
        %max3A = arith.maximumf %get3A_514, %get3A_522 : vector<16xf32>
        %mul3A_531 = arith.constant 16 : i32
        %mul3A_532 = arith.muli %add3A_510, %mul3A_531 : i32
        %swap3A_533 = arith.index_cast %mul3A_532 : i32 to index
        %swap3A_534 = tpu.vector_load %arg7[%swap3A_533] {strides = array<i32>} : memref<512xf32, #tpu.memory_space<vmem>>, vector<16xf32>,
        tpu.vector_store %arg7[%swap3A_533], %max3A {strides = array<i32>} : memref<512xf32, #tpu.memory_space<vmem>>, vector<16xf32>,
        %select_n3A_535 = arith.select %le3A, %get3A_518, %get3A_526 : vector<16xi1>, vector<16xi32>
        %mul3A_536 = arith.constant 16 : i32
        %mul3A_537 = arith.muli %add3A_507, %mul3A_536 : i32
        %swap3A_538 = arith.index_cast %mul3A_537 : i32 to index
        %swap3A_539 = tpu.vector_load %arg8[%swap3A_538] {strides = array<i32>} : memref<512xi32, #tpu.memory_space<vmem>>, vector<16xi32>,
        tpu.vector_store %arg8[%swap3A_538], %select_n3A_535 {strides = array<i32>} : memref<512xi32, #tpu.memory_space<vmem>>, vector<16xi32>,
        %select_n3A_540 = arith.select %le3A, %get3A_526, %get3A_518 : vector<16xi1>, vector<16xi32>
        %mul3A_541 = arith.constant 16 : i32
        %mul3A_542 = arith.muli %add3A_510, %mul3A_541 : i32
        %swap3A_543 = arith.index_cast %mul3A_542 : i32 to index
        %swap3A_544 = tpu.vector_load %arg8[%swap3A_543] {strides = array<i32>} : memref<512xi32, #tpu.memory_space<vmem>>, vector<16xi32>,
        tpu.vector_store %arg8[%swap3A_543], %select_n3A_540 {strides = array<i32>} : memref<512xi32, #tpu.memory_space<vmem>>, vector<16xi32>,
        %scan3A_545 = arith.constant 0 : i32
        scf.yield %scan3A_545 : i32
      }
      %scan3A_204 = arith.constant 16 : i32
      %scan3A_205 = arith.constant 0 : i32
      %scan3A_206 = arith.constant 0 : i32
      %scan3A_207 = arith.constant 16 : i32
      %scan3A_208 = arith.addi %scan3A_206, %scan3A_207 : i32
      %scan3A_209 = arith.constant 1 : i32
      %scan3A_210 = scf.for %scan3A_424 = %scan3A_206 to %scan3A_208 step %scan3A_209 iter_args(%scan3A_425 = %scan3A_205) -> (i32)  : i32 {
        %jit3A = arith.constant 16 : i32
        %div3A = arith.divsi %scan3A_424, %jit3A : i32
        %sign3A = arith.constant 0 : i32
        %sign3A_426 = arith.cmpi sgt, %scan3A_424, %sign3A : i32
        %sign3A_427 = arith.extui %sign3A_426 : i1 to i32
        %sign3A_428 = arith.constant 0 : i32
        %sign3A_429 = arith.cmpi slt, %scan3A_424, %sign3A_428 : i32
        %sign3A_430 = arith.extui %sign3A_429 : i1 to i32
        %sign3A_431 = arith.subi %sign3A_427, %sign3A_430 : i32
        %sign3A_432 = arith.constant 0 : i32
        %sign3A_433 = arith.cmpi sgt, %jit3A, %sign3A_432 : i32
        %sign3A_434 = arith.extui %sign3A_433 : i1 to i32
        %sign3A_435 = arith.constant 0 : i32
        %sign3A_436 = arith.cmpi slt, %jit3A, %sign3A_435 : i32
        %sign3A_437 = arith.extui %sign3A_436 : i1 to i32
        %sign3A_438 = arith.subi %sign3A_434, %sign3A_437 : i32
        %ne3A = arith.cmpi ne, %sign3A_431, %sign3A_438 : i32
        %rem3A = arith.remsi %scan3A_424, %jit3A : i32
        %ne3A_439 = arith.constant 0 : i32
        %ne3A_440 = arith.cmpi ne, %rem3A, %ne3A_439 : i32
        %and3A = arith.andi %ne3A, %ne3A_440 : i1
        %sub3A = arith.constant 1 : i32
        %sub3A_441 = arith.subi %div3A, %sub3A : i32
        %select_n3A_442 = arith.select %and3A, %sub3A_441, %div3A : i32
        %jit3A_443 = arith.constant 16 : i32
        %eq3A = arith.constant 0 : i32
        %eq3A_444 = arith.cmpi eq, %jit3A_443, %eq3A : i32
        %jit3A_445 = arith.constant 1 : i32
        %select_n3A_446 = arith.select %eq3A_444, %jit3A_445, %jit3A_443 : i32
        %rem3A_447 = arith.remsi %scan3A_424, %select_n3A_446 : i32
        %ne3A_448 = arith.constant 0 : i32
        %ne3A_449 = arith.cmpi ne, %rem3A_447, %ne3A_448 : i32
        %lt3A_450 = arith.constant 0 : i32
        %lt3A_451 = arith.cmpi slt, %rem3A_447, %lt3A_450 : i32
        %lt3A_452 = arith.constant 0 : i32
        %lt3A_453 = arith.cmpi slt, %select_n3A_446, %lt3A_452 : i32
        %ne3A_454 = arith.xori %lt3A_451, %lt3A_453 : i1
        %and3A_455 = arith.andi %ne3A_454, %ne3A_449 : i1
        %add3A_456 = arith.addi %rem3A_447, %select_n3A_446 : i32
        %select_n3A_457 = arith.select %and3A_455, %add3A_456, %rem3A_447 : i32
        %jit3A_458 = arith.constant 2 : i32
        %div3A_459 = arith.divsi %select_n3A_457, %jit3A_458 : i32
        %sign3A_460 = arith.constant 0 : i32
        %sign3A_461 = arith.cmpi sgt, %select_n3A_457, %sign3A_460 : i32
        %sign3A_462 = arith.extui %sign3A_461 : i1 to i32
        %sign3A_463 = arith.constant 0 : i32
        %sign3A_464 = arith.cmpi slt, %select_n3A_457, %sign3A_463 : i32
        %sign3A_465 = arith.extui %sign3A_464 : i1 to i32
        %sign3A_466 = arith.subi %sign3A_462, %sign3A_465 : i32
        %sign3A_467 = arith.constant 0 : i32
        %sign3A_468 = arith.cmpi sgt, %jit3A_458, %sign3A_467 : i32
        %sign3A_469 = arith.extui %sign3A_468 : i1 to i32
        %sign3A_470 = arith.constant 0 : i32
        %sign3A_471 = arith.cmpi slt, %jit3A_458, %sign3A_470 : i32
        %sign3A_472 = arith.extui %sign3A_471 : i1 to i32
        %sign3A_473 = arith.subi %sign3A_469, %sign3A_472 : i32
        %ne3A_474 = arith.cmpi ne, %sign3A_466, %sign3A_473 : i32
        %rem3A_475 = arith.remsi %select_n3A_457, %jit3A_458 : i32
        %ne3A_476 = arith.constant 0 : i32
        %ne3A_477 = arith.cmpi ne, %rem3A_475, %ne3A_476 : i32
        %and3A_478 = arith.andi %ne3A_474, %ne3A_477 : i1
        %sub3A_479 = arith.constant 1 : i32
        %sub3A_480 = arith.subi %div3A_459, %sub3A_479 : i32
        %select_n3A_481 = arith.select %and3A_478, %sub3A_480, %div3A_459 : i32
        %mul3A_482 = arith.constant 2 : i32
        %mul3A_483 = arith.muli %select_n3A_481, %mul3A_482 : i32
        %mul3A_484 = arith.constant 2 : i32
        %mul3A_485 = arith.muli %mul3A_483, %mul3A_484 : i32
        %jit3A_486 = arith.constant 2 : i32
        %eq3A_487 = arith.constant 0 : i32
        %eq3A_488 = arith.cmpi eq, %jit3A_486, %eq3A_487 : i32
        %jit3A_489 = arith.constant 1 : i32
        %select_n3A_490 = arith.select %eq3A_488, %jit3A_489, %jit3A_486 : i32
        %rem3A_491 = arith.remsi %select_n3A_457, %select_n3A_490 : i32
        %ne3A_492 = arith.constant 0 : i32
        %ne3A_493 = arith.cmpi ne, %rem3A_491, %ne3A_492 : i32
        %lt3A_494 = arith.constant 0 : i32
        %lt3A_495 = arith.cmpi slt, %rem3A_491, %lt3A_494 : i32
        %lt3A_496 = arith.constant 0 : i32
        %lt3A_497 = arith.cmpi slt, %select_n3A_490, %lt3A_496 : i32
        %ne3A_498 = arith.xori %lt3A_495, %lt3A_497 : i1
        %and3A_499 = arith.andi %ne3A_498, %ne3A_493 : i1
        %add3A_500 = arith.addi %rem3A_491, %select_n3A_490 : i32
        %select_n3A_501 = arith.select %and3A_499, %add3A_500, %rem3A_491 : i32
        %add3A_502 = arith.addi %mul3A_485, %select_n3A_501 : i32
        %mul3A_503 = arith.constant 2 : i32
        %mul3A_504 = arith.muli %select_n3A_442, %mul3A_503 : i32
        %mul3A_505 = arith.constant 16 : i32
        %mul3A_506 = arith.muli %mul3A_504, %mul3A_505 : i32
        %add3A_507 = arith.addi %mul3A_506, %add3A_502 : i32
        %add3A_508 = arith.addi %mul3A_506, %add3A_502 : i32
        %add3A_509 = arith.constant 2 : i32
        %add3A_510 = arith.addi %add3A_508, %add3A_509 : i32
        %mul3A_511 = arith.constant 16 : i32
        %mul3A_512 = arith.muli %add3A_507, %mul3A_511 : i32
        %get3A_513 = arith.index_cast %mul3A_512 : i32 to index
        %get3A_514 = tpu.vector_load %arg7[%get3A_513] {strides = array<i32>} : memref<512xf32, #tpu.memory_space<vmem>>, vector<16xf32>,
        %mul3A_515 = arith.constant 16 : i32
        %mul3A_516 = arith.muli %add3A_507, %mul3A_515 : i32
        %get3A_517 = arith.index_cast %mul3A_516 : i32 to index
        %get3A_518 = tpu.vector_load %arg8[%get3A_517] {strides = array<i32>} : memref<512xi32, #tpu.memory_space<vmem>>, vector<16xi32>,
        %mul3A_519 = arith.constant 16 : i32
        %mul3A_520 = arith.muli %add3A_510, %mul3A_519 : i32
        %get3A_521 = arith.index_cast %mul3A_520 : i32 to index
        %get3A_522 = tpu.vector_load %arg7[%get3A_521] {strides = array<i32>} : memref<512xf32, #tpu.memory_space<vmem>>, vector<16xf32>,
        %mul3A_523 = arith.constant 16 : i32
        %mul3A_524 = arith.muli %add3A_510, %mul3A_523 : i32
        %get3A_525 = arith.index_cast %mul3A_524 : i32 to index
        %get3A_526 = tpu.vector_load %arg8[%get3A_525] {strides = array<i32>} : memref<512xi32, #tpu.memory_space<vmem>>, vector<16xi32>,
        %le3A = arith.cmpf ole, %get3A_514, %get3A_522 : vector<16xf32>
        %min3A = arith.minimumf %get3A_514, %get3A_522 : vector<16xf32>
        %mul3A_527 = arith.constant 16 : i32
        %mul3A_528 = arith.muli %add3A_507, %mul3A_527 : i32
        %swap3A_529 = arith.index_cast %mul3A_528 : i32 to index
        %swap3A_530 = tpu.vector_load %arg7[%swap3A_529] {strides = array<i32>} : memref<512xf32, #tpu.memory_space<vmem>>, vector<16xf32>,
        tpu.vector_store %arg7[%swap3A_529], %min3A {strides = array<i32>} : memref<512xf32, #tpu.memory_space<vmem>>, vector<16xf32>,
        %max3A = arith.maximumf %get3A_514, %get3A_522 : vector<16xf32>
        %mul3A_531 = arith.constant 16 : i32
        %mul3A_532 = arith.muli %add3A_510, %mul3A_531 : i32
        %swap3A_533 = arith.index_cast %mul3A_532 : i32 to index
        %swap3A_534 = tpu.vector_load %arg7[%swap3A_533] {strides = array<i32>} : memref<512xf32, #tpu.memory_space<vmem>>, vector<16xf32>,
        tpu.vector_store %arg7[%swap3A_533], %max3A {strides = array<i32>} : memref<512xf32, #tpu.memory_space<vmem>>, vector<16xf32>,
        %select_n3A_535 = arith.select %le3A, %get3A_518, %get3A_526 : vector<16xi1>, vector<16xi32>
        %mul3A_536 = arith.constant 16 : i32
        %mul3A_537 = arith.muli %add3A_507, %mul3A_536 : i32
        %swap3A_538 = arith.index_cast %mul3A_537 : i32 to index
        %swap3A_539 = tpu.vector_load %arg8[%swap3A_538] {strides = array<i32>} : memref<512xi32, #tpu.memory_space<vmem>>, vector<16xi32>,
        tpu.vector_store %arg8[%swap3A_538], %select_n3A_535 {strides = array<i32>} : memref<512xi32, #tpu.memory_space<vmem>>, vector<16xi32>,
        %select_n3A_540 = arith.select %le3A, %get3A_526, %get3A_518 : vector<16xi1>, vector<16xi32>
        %mul3A_541 = arith.constant 16 : i32
        %mul3A_542 = arith.muli %add3A_510, %mul3A_541 : i32
        %swap3A_543 = arith.index_cast %mul3A_542 : i32 to index
        %swap3A_544 = tpu.vector_load %arg8[%swap3A_543] {strides = array<i32>} : memref<512xi32, #tpu.memory_space<vmem>>, vector<16xi32>,
        tpu.vector_store %arg8[%swap3A_543], %select_n3A_540 {strides = array<i32>} : memref<512xi32, #tpu.memory_space<vmem>>, vector<16xi32>,
        %scan3A_545 = arith.constant 0 : i32
        scf.yield %scan3A_545 : i32
      }
      %scan3A_211 = arith.constant 16 : i32
      %scan3A_212 = arith.constant 0 : i32
      %scan3A_213 = arith.constant 0 : i32
      %scan3A_214 = arith.constant 16 : i32
      %scan3A_215 = arith.addi %scan3A_213, %scan3A_214 : i32
      %scan3A_216 = arith.constant 1 : i32
      %scan3A_217 = scf.for %scan3A_424 = %scan3A_213 to %scan3A_215 step %scan3A_216 iter_args(%scan3A_425 = %scan3A_212) -> (i32)  : i32 {
        %jit3A = arith.constant 16 : i32
        %div3A = arith.divsi %scan3A_424, %jit3A : i32
        %sign3A = arith.constant 0 : i32
        %sign3A_426 = arith.cmpi sgt, %scan3A_424, %sign3A : i32
        %sign3A_427 = arith.extui %sign3A_426 : i1 to i32
        %sign3A_428 = arith.constant 0 : i32
        %sign3A_429 = arith.cmpi slt, %scan3A_424, %sign3A_428 : i32
        %sign3A_430 = arith.extui %sign3A_429 : i1 to i32
        %sign3A_431 = arith.subi %sign3A_427, %sign3A_430 : i32
        %sign3A_432 = arith.constant 0 : i32
        %sign3A_433 = arith.cmpi sgt, %jit3A, %sign3A_432 : i32
        %sign3A_434 = arith.extui %sign3A_433 : i1 to i32
        %sign3A_435 = arith.constant 0 : i32
        %sign3A_436 = arith.cmpi slt, %jit3A, %sign3A_435 : i32
        %sign3A_437 = arith.extui %sign3A_436 : i1 to i32
        %sign3A_438 = arith.subi %sign3A_434, %sign3A_437 : i32
        %ne3A = arith.cmpi ne, %sign3A_431, %sign3A_438 : i32
        %rem3A = arith.remsi %scan3A_424, %jit3A : i32
        %ne3A_439 = arith.constant 0 : i32
        %ne3A_440 = arith.cmpi ne, %rem3A, %ne3A_439 : i32
        %and3A = arith.andi %ne3A, %ne3A_440 : i1
        %sub3A = arith.constant 1 : i32
        %sub3A_441 = arith.subi %div3A, %sub3A : i32
        %select_n3A_442 = arith.select %and3A, %sub3A_441, %div3A : i32
        %jit3A_443 = arith.constant 16 : i32
        %eq3A = arith.constant 0 : i32
        %eq3A_444 = arith.cmpi eq, %jit3A_443, %eq3A : i32
        %jit3A_445 = arith.constant 1 : i32
        %select_n3A_446 = arith.select %eq3A_444, %jit3A_445, %jit3A_443 : i32
        %rem3A_447 = arith.remsi %scan3A_424, %select_n3A_446 : i32
        %ne3A_448 = arith.constant 0 : i32
        %ne3A_449 = arith.cmpi ne, %rem3A_447, %ne3A_448 : i32
        %lt3A_450 = arith.constant 0 : i32
        %lt3A_451 = arith.cmpi slt, %rem3A_447, %lt3A_450 : i32
        %lt3A_452 = arith.constant 0 : i32
        %lt3A_453 = arith.cmpi slt, %select_n3A_446, %lt3A_452 : i32
        %ne3A_454 = arith.xori %lt3A_451, %lt3A_453 : i1
        %and3A_455 = arith.andi %ne3A_454, %ne3A_449 : i1
        %add3A_456 = arith.addi %rem3A_447, %select_n3A_446 : i32
        %select_n3A_457 = arith.select %and3A_455, %add3A_456, %rem3A_447 : i32
        %jit3A_458 = arith.constant 1 : i32
        %div3A_459 = arith.divsi %select_n3A_457, %jit3A_458 : i32
        %sign3A_460 = arith.constant 0 : i32
        %sign3A_461 = arith.cmpi sgt, %select_n3A_457, %sign3A_460 : i32
        %sign3A_462 = arith.extui %sign3A_461 : i1 to i32
        %sign3A_463 = arith.constant 0 : i32
        %sign3A_464 = arith.cmpi slt, %select_n3A_457, %sign3A_463 : i32
        %sign3A_465 = arith.extui %sign3A_464 : i1 to i32
        %sign3A_466 = arith.subi %sign3A_462, %sign3A_465 : i32
        %sign3A_467 = arith.constant 0 : i32
        %sign3A_468 = arith.cmpi sgt, %jit3A_458, %sign3A_467 : i32
        %sign3A_469 = arith.extui %sign3A_468 : i1 to i32
        %sign3A_470 = arith.constant 0 : i32
        %sign3A_471 = arith.cmpi slt, %jit3A_458, %sign3A_470 : i32
        %sign3A_472 = arith.extui %sign3A_471 : i1 to i32
        %sign3A_473 = arith.subi %sign3A_469, %sign3A_472 : i32
        %ne3A_474 = arith.cmpi ne, %sign3A_466, %sign3A_473 : i32
        %rem3A_475 = arith.remsi %select_n3A_457, %jit3A_458 : i32
        %ne3A_476 = arith.constant 0 : i32
        %ne3A_477 = arith.cmpi ne, %rem3A_475, %ne3A_476 : i32
        %and3A_478 = arith.andi %ne3A_474, %ne3A_477 : i1
        %sub3A_479 = arith.constant 1 : i32
        %sub3A_480 = arith.subi %div3A_459, %sub3A_479 : i32
        %select_n3A_481 = arith.select %and3A_478, %sub3A_480, %div3A_459 : i32
        %mul3A_482 = arith.constant 2 : i32
        %mul3A_483 = arith.muli %select_n3A_481, %mul3A_482 : i32
        %mul3A_484 = arith.constant 1 : i32
        %mul3A_485 = arith.muli %mul3A_483, %mul3A_484 : i32
        %jit3A_486 = arith.constant 1 : i32
        %eq3A_487 = arith.constant 0 : i32
        %eq3A_488 = arith.cmpi eq, %jit3A_486, %eq3A_487 : i32
        %jit3A_489 = arith.constant 1 : i32
        %select_n3A_490 = arith.select %eq3A_488, %jit3A_489, %jit3A_486 : i32
        %rem3A_491 = arith.remsi %select_n3A_457, %select_n3A_490 : i32
        %ne3A_492 = arith.constant 0 : i32
        %ne3A_493 = arith.cmpi ne, %rem3A_491, %ne3A_492 : i32
        %lt3A_494 = arith.constant 0 : i32
        %lt3A_495 = arith.cmpi slt, %rem3A_491, %lt3A_494 : i32
        %lt3A_496 = arith.constant 0 : i32
        %lt3A_497 = arith.cmpi slt, %select_n3A_490, %lt3A_496 : i32
        %ne3A_498 = arith.xori %lt3A_495, %lt3A_497 : i1
        %and3A_499 = arith.andi %ne3A_498, %ne3A_493 : i1
        %add3A_500 = arith.addi %rem3A_491, %select_n3A_490 : i32
        %select_n3A_501 = arith.select %and3A_499, %add3A_500, %rem3A_491 : i32
        %add3A_502 = arith.addi %mul3A_485, %select_n3A_501 : i32
        %mul3A_503 = arith.constant 2 : i32
        %mul3A_504 = arith.muli %select_n3A_442, %mul3A_503 : i32
        %mul3A_505 = arith.constant 16 : i32
        %mul3A_506 = arith.muli %mul3A_504, %mul3A_505 : i32
        %add3A_507 = arith.addi %mul3A_506, %add3A_502 : i32
        %add3A_508 = arith.addi %mul3A_506, %add3A_502 : i32
        %add3A_509 = arith.constant 1 : i32
        %add3A_510 = arith.addi %add3A_508, %add3A_509 : i32
        %mul3A_511 = arith.constant 16 : i32
        %mul3A_512 = arith.muli %add3A_507, %mul3A_511 : i32
        %get3A_513 = arith.index_cast %mul3A_512 : i32 to index
        %get3A_514 = tpu.vector_load %arg7[%get3A_513] {strides = array<i32>} : memref<512xf32, #tpu.memory_space<vmem>>, vector<16xf32>,
        %mul3A_515 = arith.constant 16 : i32
        %mul3A_516 = arith.muli %add3A_507, %mul3A_515 : i32
        %get3A_517 = arith.index_cast %mul3A_516 : i32 to index
        %get3A_518 = tpu.vector_load %arg8[%get3A_517] {strides = array<i32>} : memref<512xi32, #tpu.memory_space<vmem>>, vector<16xi32>,
        %mul3A_519 = arith.constant 16 : i32
        %mul3A_520 = arith.muli %add3A_510, %mul3A_519 : i32
        %get3A_521 = arith.index_cast %mul3A_520 : i32 to index
        %get3A_522 = tpu.vector_load %arg7[%get3A_521] {strides = array<i32>} : memref<512xf32, #tpu.memory_space<vmem>>, vector<16xf32>,
        %mul3A_523 = arith.constant 16 : i32
        %mul3A_524 = arith.muli %add3A_510, %mul3A_523 : i32
        %get3A_525 = arith.index_cast %mul3A_524 : i32 to index
        %get3A_526 = tpu.vector_load %arg8[%get3A_525] {strides = array<i32>} : memref<512xi32, #tpu.memory_space<vmem>>, vector<16xi32>,
        %le3A = arith.cmpf ole, %get3A_514, %get3A_522 : vector<16xf32>
        %min3A = arith.minimumf %get3A_514, %get3A_522 : vector<16xf32>
        %mul3A_527 = arith.constant 16 : i32
        %mul3A_528 = arith.muli %add3A_507, %mul3A_527 : i32
        %swap3A_529 = arith.index_cast %mul3A_528 : i32 to index
        %swap3A_530 = tpu.vector_load %arg7[%swap3A_529] {strides = array<i32>} : memref<512xf32, #tpu.memory_space<vmem>>, vector<16xf32>,
        tpu.vector_store %arg7[%swap3A_529], %min3A {strides = array<i32>} : memref<512xf32, #tpu.memory_space<vmem>>, vector<16xf32>,
        %max3A = arith.maximumf %get3A_514, %get3A_522 : vector<16xf32>
        %mul3A_531 = arith.constant 16 : i32
        %mul3A_532 = arith.muli %add3A_510, %mul3A_531 : i32
        %swap3A_533 = arith.index_cast %mul3A_532 : i32 to index
        %swap3A_534 = tpu.vector_load %arg7[%swap3A_533] {strides = array<i32>} : memref<512xf32, #tpu.memory_space<vmem>>, vector<16xf32>,
        tpu.vector_store %arg7[%swap3A_533], %max3A {strides = array<i32>} : memref<512xf32, #tpu.memory_space<vmem>>, vector<16xf32>,
        %select_n3A_535 = arith.select %le3A, %get3A_518, %get3A_526 : vector<16xi1>, vector<16xi32>
        %mul3A_536 = arith.constant 16 : i32
        %mul3A_537 = arith.muli %add3A_507, %mul3A_536 : i32
        %swap3A_538 = arith.index_cast %mul3A_537 : i32 to index
        %swap3A_539 = tpu.vector_load %arg8[%swap3A_538] {strides = array<i32>} : memref<512xi32, #tpu.memory_space<vmem>>, vector<16xi32>,
        tpu.vector_store %arg8[%swap3A_538], %select_n3A_535 {strides = array<i32>} : memref<512xi32, #tpu.memory_space<vmem>>, vector<16xi32>,
        %select_n3A_540 = arith.select %le3A, %get3A_526, %get3A_518 : vector<16xi1>, vector<16xi32>
        %mul3A_541 = arith.constant 16 : i32
        %mul3A_542 = arith.muli %add3A_510, %mul3A_541 : i32
        %swap3A_543 = arith.index_cast %mul3A_542 : i32 to index
        %swap3A_544 = tpu.vector_load %arg8[%swap3A_543] {strides = array<i32>} : memref<512xi32, #tpu.memory_space<vmem>>, vector<16xi32>,
        tpu.vector_store %arg8[%swap3A_543], %select_n3A_540 {strides = array<i32>} : memref<512xi32, #tpu.memory_space<vmem>>, vector<16xi32>,
        %scan3A_545 = arith.constant 0 : i32
        scf.yield %scan3A_545 : i32
      }
      %scan3A_218 = arith.constant 16 : i32
      %scan3A_219 = arith.constant 0 : i32
      %scan3A_220 = arith.constant 0 : i32
      %scan3A_221 = arith.constant 32 : i32
      %scan3A_222 = arith.addi %scan3A_220, %scan3A_221 : i32
      %scan3A_223 = arith.constant 1 : i32
      %scan3A_224 = scf.for %scan3A_424 = %scan3A_220 to %scan3A_222 step %scan3A_223 iter_args(%scan3A_425 = %scan3A_219) -> (i32)  : i32 {
        %mul3A_426 = arith.constant 16 : i32
        %mul3A_427 = arith.muli %scan3A_424, %mul3A_426 : i32
        %get3A_428 = arith.index_cast %mul3A_427 : i32 to index
        %get3A_429 = tpu.vector_load %arg7[%get3A_428] {strides = array<i32>} : memref<512xf32, #tpu.memory_space<vmem>>, vector<16xf32>,
        %mul3A_430 = arith.constant 16 : i32
        %mul3A_431 = arith.muli %scan3A_424, %mul3A_430 : i32
        %get3A_432 = arith.index_cast %mul3A_431 : i32 to index
        %get3A_433 = tpu.vector_load %arg8[%get3A_432] {strides = array<i32>} : memref<512xi32, #tpu.memory_space<vmem>>, vector<16xi32>,
        %masked_sort3A = arith.constant dense<true> : vector<16xi1>
        %masked_sort3A_434, %masked_sort3A_435, %masked_sort3A_436 = tpu.sort %get3A_429, %get3A_433 masked %masked_sort3A : (vector<16xf32>, vector<16xi32>, vector<16xi1>) -> (vector<16xi1>, vector<16xf32>, vector<16xi32>)
        %mul3A_437 = arith.constant 16 : i32
        %mul3A_438 = arith.muli %scan3A_424, %mul3A_437 : i32
        %swap3A_439 = arith.index_cast %mul3A_438 : i32 to index
        %swap3A_440 = tpu.vector_load %arg7[%swap3A_439] {strides = array<i32>} : memref<512xf32, #tpu.memory_space<vmem>>, vector<16xf32>,
        tpu.vector_store %arg7[%swap3A_439], %masked_sort3A_435 {strides = array<i32>} : memref<512xf32, #tpu.memory_space<vmem>>, vector<16xf32>,
        %mul3A_441 = arith.constant 16 : i32
        %mul3A_442 = arith.muli %scan3A_424, %mul3A_441 : i32
        %swap3A_443 = arith.index_cast %mul3A_442 : i32 to index
        %swap3A_444 = tpu.vector_load %arg8[%swap3A_443] {strides = array<i32>} : memref<512xi32, #tpu.memory_space<vmem>>, vector<16xi32>,
        tpu.vector_store %arg8[%swap3A_443], %masked_sort3A_436 {strides = array<i32>} : memref<512xi32, #tpu.memory_space<vmem>>, vector<16xi32>,
        %scan3A_445 = arith.constant 0 : i32
        scf.yield %scan3A_445 : i32
      }
      %scan3A_225 = arith.constant 32 : i32
      %get3A = arith.constant 0 : index
      %get3A_226 = tpu.vector_load %arg8[%get3A] {strides = array<i32>} : memref<512xi32, #tpu.memory_space<vmem>>, vector<16xi32>,
      %swap3A = arith.constant 0 : index
      %swap3A_227 = tpu.vector_load %arg9[%swap3A] {strides = array<i32>} : memref<288xi32, #tpu.memory_space<vmem>>, vector<16xi32>,
      tpu.vector_store %arg9[%swap3A], %get3A_226 {strides = array<i32>} : memref<288xi32, #tpu.memory_space<vmem>>, vector<16xi32>,
      %get3A_228 = arith.constant 16 : index
      %get3A_229 = tpu.vector_load %arg8[%get3A_228] {strides = array<i32>} : memref<512xi32, #tpu.memory_space<vmem>>, vector<16xi32>,
      %swap3A_230 = arith.constant 16 : index
      %swap3A_231 = tpu.vector_load %arg9[%swap3A_230] {strides = array<i32>} : memref<288xi32, #tpu.memory_space<vmem>>, vector<16xi32>,
      tpu.vector_store %arg9[%swap3A_230], %get3A_229 {strides = array<i32>} : memref<288xi32, #tpu.memory_space<vmem>>, vector<16xi32>,
      %get3A_232 = arith.constant 32 : index
      %get3A_233 = tpu.vector_load %arg8[%get3A_232] {strides = array<i32>} : memref<512xi32, #tpu.memory_space<vmem>>, vector<16xi32>,
      %swap3A_234 = arith.constant 32 : index
      %swap3A_235 = tpu.vector_load %arg9[%swap3A_234] {strides = array<i32>} : memref<288xi32, #tpu.memory_space<vmem>>, vector<16xi32>,
      tpu.vector_store %arg9[%swap3A_234], %get3A_233 {strides = array<i32>} : memref<288xi32, #tpu.memory_space<vmem>>, vector<16xi32>,
      %get3A_236 = arith.constant 48 : index
      %get3A_237 = tpu.vector_load %arg8[%get3A_236] {strides = array<i32>} : memref<512xi32, #tpu.memory_space<vmem>>, vector<16xi32>,
      %swap3A_238 = arith.constant 48 : index
      %swap3A_239 = tpu.vector_load %arg9[%swap3A_238] {strides = array<i32>} : memref<288xi32, #tpu.memory_space<vmem>>, vector<16xi32>,
      tpu.vector_store %arg9[%swap3A_238], %get3A_237 {strides = array<i32>} : memref<288xi32, #tpu.memory_space<vmem>>, vector<16xi32>,
      %get3A_240 = arith.constant 64 : index
      %get3A_241 = tpu.vector_load %arg8[%get3A_240] {strides = array<i32>} : memref<512xi32, #tpu.memory_space<vmem>>, vector<16xi32>,
      %swap3A_242 = arith.constant 64 : index
      %swap3A_243 = tpu.vector_load %arg9[%swap3A_242] {strides = array<i32>} : memref<288xi32, #tpu.memory_space<vmem>>, vector<16xi32>,
      tpu.vector_store %arg9[%swap3A_242], %get3A_241 {strides = array<i32>} : memref<288xi32, #tpu.memory_space<vmem>>, vector<16xi32>,
      %get3A_244 = arith.constant 80 : index
      %get3A_245 = tpu.vector_load %arg8[%get3A_244] {strides = array<i32>} : memref<512xi32, #tpu.memory_space<vmem>>, vector<16xi32>,
      %swap3A_246 = arith.constant 80 : index
      %swap3A_247 = tpu.vector_load %arg9[%swap3A_246] {strides = array<i32>} : memref<288xi32, #tpu.memory_space<vmem>>, vector<16xi32>,
      tpu.vector_store %arg9[%swap3A_246], %get3A_245 {strides = array<i32>} : memref<288xi32, #tpu.memory_space<vmem>>, vector<16xi32>,
      %get3A_248 = arith.constant 96 : index
      %get3A_249 = tpu.vector_load %arg8[%get3A_248] {strides = array<i32>} : memref<512xi32, #tpu.memory_space<vmem>>, vector<16xi32>,
      %swap3A_250 = arith.constant 96 : index
      %swap3A_251 = tpu.vector_load %arg9[%swap3A_250] {strides = array<i32>} : memref<288xi32, #tpu.memory_space<vmem>>, vector<16xi32>,
      tpu.vector_store %arg9[%swap3A_250], %get3A_249 {strides = array<i32>} : memref<288xi32, #tpu.memory_space<vmem>>, vector<16xi32>,
      %get3A_252 = arith.constant 112 : index
      %get3A_253 = tpu.vector_load %arg8[%get3A_252] {strides = array<i32>} : memref<512xi32, #tpu.memory_space<vmem>>, vector<16xi32>,
      %swap3A_254 = arith.constant 112 : index
      %swap3A_255 = tpu.vector_load %arg9[%swap3A_254] {strides = array<i32>} : memref<288xi32, #tpu.memory_space<vmem>>, vector<16xi32>,
      tpu.vector_store %arg9[%swap3A_254], %get3A_253 {strides = array<i32>} : memref<288xi32, #tpu.memory_space<vmem>>, vector<16xi32>,
      %get3A_256 = arith.constant 128 : index
      %get3A_257 = tpu.vector_load %arg8[%get3A_256] {strides = array<i32>} : memref<512xi32, #tpu.memory_space<vmem>>, vector<16xi32>,
      %swap3A_258 = arith.constant 128 : index
      %swap3A_259 = tpu.vector_load %arg9[%swap3A_258] {strides = array<i32>} : memref<288xi32, #tpu.memory_space<vmem>>, vector<16xi32>,
      tpu.vector_store %arg9[%swap3A_258], %get3A_257 {strides = array<i32>} : memref<288xi32, #tpu.memory_space<vmem>>, vector<16xi32>,
      %get3A_260 = arith.constant 144 : index
      %get3A_261 = tpu.vector_load %arg8[%get3A_260] {strides = array<i32>} : memref<512xi32, #tpu.memory_space<vmem>>, vector<16xi32>,
      %swap3A_262 = arith.constant 144 : index
      %swap3A_263 = tpu.vector_load %arg9[%swap3A_262] {strides = array<i32>} : memref<288xi32, #tpu.memory_space<vmem>>, vector<16xi32>,
      tpu.vector_store %arg9[%swap3A_262], %get3A_261 {strides = array<i32>} : memref<288xi32, #tpu.memory_space<vmem>>, vector<16xi32>,
      %get3A_264 = arith.constant 160 : index
      %get3A_265 = tpu.vector_load %arg8[%get3A_264] {strides = array<i32>} : memref<512xi32, #tpu.memory_space<vmem>>, vector<16xi32>,
      %swap3A_266 = arith.constant 160 : index
      %swap3A_267 = tpu.vector_load %arg9[%swap3A_266] {strides = array<i32>} : memref<288xi32, #tpu.memory_space<vmem>>, vector<16xi32>,
      tpu.vector_store %arg9[%swap3A_266], %get3A_265 {strides = array<i32>} : memref<288xi32, #tpu.memory_space<vmem>>, vector<16xi32>,
      %get3A_268 = arith.constant 176 : index
      %get3A_269 = tpu.vector_load %arg8[%get3A_268] {strides = array<i32>} : memref<512xi32, #tpu.memory_space<vmem>>, vector<16xi32>,
      %swap3A_270 = arith.constant 176 : index
      %swap3A_271 = tpu.vector_load %arg9[%swap3A_270] {strides = array<i32>} : memref<288xi32, #tpu.memory_space<vmem>>, vector<16xi32>,
      tpu.vector_store %arg9[%swap3A_270], %get3A_269 {strides = array<i32>} : memref<288xi32, #tpu.memory_space<vmem>>, vector<16xi32>,
      %get3A_272 = arith.constant 192 : index
      %get3A_273 = tpu.vector_load %arg8[%get3A_272] {strides = array<i32>} : memref<512xi32, #tpu.memory_space<vmem>>, vector<16xi32>,
      %swap3A_274 = arith.constant 192 : index
      %swap3A_275 = tpu.vector_load %arg9[%swap3A_274] {strides = array<i32>} : memref<288xi32, #tpu.memory_space<vmem>>, vector<16xi32>,
      tpu.vector_store %arg9[%swap3A_274], %get3A_273 {strides = array<i32>} : memref<288xi32, #tpu.memory_space<vmem>>, vector<16xi32>,
      %get3A_276 = arith.constant 208 : index
      %get3A_277 = tpu.vector_load %arg8[%get3A_276] {strides = array<i32>} : memref<512xi32, #tpu.memory_space<vmem>>, vector<16xi32>,
      %swap3A_278 = arith.constant 208 : index
      %swap3A_279 = tpu.vector_load %arg9[%swap3A_278] {strides = array<i32>} : memref<288xi32, #tpu.memory_space<vmem>>, vector<16xi32>,
      tpu.vector_store %arg9[%swap3A_278], %get3A_277 {strides = array<i32>} : memref<288xi32, #tpu.memory_space<vmem>>, vector<16xi32>,
      %get3A_280 = arith.constant 224 : index
      %get3A_281 = tpu.vector_load %arg8[%get3A_280] {strides = array<i32>} : memref<512xi32, #tpu.memory_space<vmem>>, vector<16xi32>,
      %swap3A_282 = arith.constant 224 : index
      %swap3A_283 = tpu.vector_load %arg9[%swap3A_282] {strides = array<i32>} : memref<288xi32, #tpu.memory_space<vmem>>, vector<16xi32>,
      tpu.vector_store %arg9[%swap3A_282], %get3A_281 {strides = array<i32>} : memref<288xi32, #tpu.memory_space<vmem>>, vector<16xi32>,
      %get3A_284 = arith.constant 240 : index
      %get3A_285 = tpu.vector_load %arg8[%get3A_284] {strides = array<i32>} : memref<512xi32, #tpu.memory_space<vmem>>, vector<16xi32>,
      %swap3A_286 = arith.constant 240 : index
      %swap3A_287 = tpu.vector_load %arg9[%swap3A_286] {strides = array<i32>} : memref<288xi32, #tpu.memory_space<vmem>>, vector<16xi32>,
      tpu.vector_store %arg9[%swap3A_286], %get3A_285 {strides = array<i32>} : memref<288xi32, #tpu.memory_space<vmem>>, vector<16xi32>,
      %get3A_288 = arith.constant 256 : index
      %get3A_289 = tpu.vector_load %arg8[%get3A_288] {strides = array<i32>} : memref<512xi32, #tpu.memory_space<vmem>>, vector<16xi32>,
      %swap3A_290 = arith.constant 256 : index
      %swap3A_291 = tpu.vector_load %arg9[%swap3A_290] {strides = array<i32>} : memref<288xi32, #tpu.memory_space<vmem>>, vector<16xi32>,
      tpu.vector_store %arg9[%swap3A_290], %get3A_289 {strides = array<i32>} : memref<288xi32, #tpu.memory_space<vmem>>, vector<16xi32>,
      %get3A_292 = arith.constant 272 : index
      %get3A_293 = tpu.vector_load %arg8[%get3A_292] {strides = array<i32>} : memref<512xi32, #tpu.memory_space<vmem>>, vector<16xi32>,
      %swap3A_294 = arith.constant 272 : index
      %swap3A_295 = tpu.vector_load %arg9[%swap3A_294] {strides = array<i32>} : memref<288xi32, #tpu.memory_space<vmem>>, vector<16xi32>,
      tpu.vector_store %arg9[%swap3A_294], %get3A_293 {strides = array<i32>} : memref<288xi32, #tpu.memory_space<vmem>>, vector<16xi32>,
      %mul3A_296 = arith.constant 8192 : i32
      %mul3A_297 = arith.muli %add3A, %mul3A_296 : i32
      %iota3A_298 = tpu.iota {dimensions = array<i32: 0>} : vector<16xi32>
      %get3A_299 = arith.constant 272 : index
      %get3A_300 = tpu.vector_load %arg8[%get3A_299] {strides = array<i32>} : memref<512xi32, #tpu.memory_space<vmem>>, vector<16xi32>,
      %slice3A = vector.extract_strided_slice %get3A_300 {offsets = [10], sizes = [1], strides = [1]} : vector<16xi32> to vector<1xi32>
      %squeeze3A = vector.extract %slice3A[0] : i32 from vector<1xi32>
      %add3A_301 = arith.addi %squeeze3A, %mul3A_297 : i32
      %get3A_302 = arith.constant 0 : index
      %get3A_303 = tpu.vector_load %arg8[%get3A_302] {strides = array<i32>} : memref<512xi32, #tpu.memory_space<vmem>>, vector<16xi32>,
      %add3A_304 = vector.broadcast %mul3A_297 : i32 to vector<16xi32>
      %add3A_305 = arith.addi %get3A_303, %add3A_304 : vector<16xi32>
      %swap3A_306 = arith.constant 0 : index
      %swap3A_307 = tpu.vector_load %arg10[%swap3A_306] {strides = array<i32>} : memref<320xi32, #tpu.memory_space<vmem>>, vector<16xi32>,
      tpu.vector_store %arg10[%swap3A_306], %add3A_305 {strides = array<i32>} : memref<320xi32, #tpu.memory_space<vmem>>, vector<16xi32>,
      %get3A_308 = arith.constant 16 : index
      %get3A_309 = tpu.vector_load %arg8[%get3A_308] {strides = array<i32>} : memref<512xi32, #tpu.memory_space<vmem>>, vector<16xi32>,
      %add3A_310 = vector.broadcast %mul3A_297 : i32 to vector<16xi32>
      %add3A_311 = arith.addi %get3A_309, %add3A_310 : vector<16xi32>
      %swap3A_312 = arith.constant 16 : index
      %swap3A_313 = tpu.vector_load %arg10[%swap3A_312] {strides = array<i32>} : memref<320xi32, #tpu.memory_space<vmem>>, vector<16xi32>,
      tpu.vector_store %arg10[%swap3A_312], %add3A_311 {strides = array<i32>} : memref<320xi32, #tpu.memory_space<vmem>>, vector<16xi32>,
      %get3A_314 = arith.constant 32 : index
      %get3A_315 = tpu.vector_load %arg8[%get3A_314] {strides = array<i32>} : memref<512xi32, #tpu.memory_space<vmem>>, vector<16xi32>,
      %add3A_316 = vector.broadcast %mul3A_297 : i32 to vector<16xi32>
      %add3A_317 = arith.addi %get3A_315, %add3A_316 : vector<16xi32>
      %swap3A_318 = arith.constant 32 : index
      %swap3A_319 = tpu.vector_load %arg10[%swap3A_318] {strides = array<i32>} : memref<320xi32, #tpu.memory_space<vmem>>, vector<16xi32>,
      tpu.vector_store %arg10[%swap3A_318], %add3A_317 {strides = array<i32>} : memref<320xi32, #tpu.memory_space<vmem>>, vector<16xi32>,
      %get3A_320 = arith.constant 48 : index
      %get3A_321 = tpu.vector_load %arg8[%get3A_320] {strides = array<i32>} : memref<512xi32, #tpu.memory_space<vmem>>, vector<16xi32>,
      %add3A_322 = vector.broadcast %mul3A_297 : i32 to vector<16xi32>
      %add3A_323 = arith.addi %get3A_321, %add3A_322 : vector<16xi32>
      %swap3A_324 = arith.constant 48 : index
      %swap3A_325 = tpu.vector_load %arg10[%swap3A_324] {strides = array<i32>} : memref<320xi32, #tpu.memory_space<vmem>>, vector<16xi32>,
      tpu.vector_store %arg10[%swap3A_324], %add3A_323 {strides = array<i32>} : memref<320xi32, #tpu.memory_space<vmem>>, vector<16xi32>,
      %get3A_326 = arith.constant 64 : index
      %get3A_327 = tpu.vector_load %arg8[%get3A_326] {strides = array<i32>} : memref<512xi32, #tpu.memory_space<vmem>>, vector<16xi32>,
      %add3A_328 = vector.broadcast %mul3A_297 : i32 to vector<16xi32>
      %add3A_329 = arith.addi %get3A_327, %add3A_328 : vector<16xi32>
      %swap3A_330 = arith.constant 64 : index
      %swap3A_331 = tpu.vector_load %arg10[%swap3A_330] {strides = array<i32>} : memref<320xi32, #tpu.memory_space<vmem>>, vector<16xi32>,
      tpu.vector_store %arg10[%swap3A_330], %add3A_329 {strides = array<i32>} : memref<320xi32, #tpu.memory_space<vmem>>, vector<16xi32>,
      %get3A_332 = arith.constant 80 : index
      %get3A_333 = tpu.vector_load %arg8[%get3A_332] {strides = array<i32>} : memref<512xi32, #tpu.memory_space<vmem>>, vector<16xi32>,
      %add3A_334 = vector.broadcast %mul3A_297 : i32 to vector<16xi32>
      %add3A_335 = arith.addi %get3A_333, %add3A_334 : vector<16xi32>
      %swap3A_336 = arith.constant 80 : index
      %swap3A_337 = tpu.vector_load %arg10[%swap3A_336] {strides = array<i32>} : memref<320xi32, #tpu.memory_space<vmem>>, vector<16xi32>,
      tpu.vector_store %arg10[%swap3A_336], %add3A_335 {strides = array<i32>} : memref<320xi32, #tpu.memory_space<vmem>>, vector<16xi32>,
      %get3A_338 = arith.constant 96 : index
      %get3A_339 = tpu.vector_load %arg8[%get3A_338] {strides = array<i32>} : memref<512xi32, #tpu.memory_space<vmem>>, vector<16xi32>,
      %add3A_340 = vector.broadcast %mul3A_297 : i32 to vector<16xi32>
      %add3A_341 = arith.addi %get3A_339, %add3A_340 : vector<16xi32>
      %swap3A_342 = arith.constant 96 : index
      %swap3A_343 = tpu.vector_load %arg10[%swap3A_342] {strides = array<i32>} : memref<320xi32, #tpu.memory_space<vmem>>, vector<16xi32>,
      tpu.vector_store %arg10[%swap3A_342], %add3A_341 {strides = array<i32>} : memref<320xi32, #tpu.memory_space<vmem>>, vector<16xi32>,
      %get3A_344 = arith.constant 112 : index
      %get3A_345 = tpu.vector_load %arg8[%get3A_344] {strides = array<i32>} : memref<512xi32, #tpu.memory_space<vmem>>, vector<16xi32>,
      %add3A_346 = vector.broadcast %mul3A_297 : i32 to vector<16xi32>
      %add3A_347 = arith.addi %get3A_345, %add3A_346 : vector<16xi32>
      %swap3A_348 = arith.constant 112 : index
      %swap3A_349 = tpu.vector_load %arg10[%swap3A_348] {strides = array<i32>} : memref<320xi32, #tpu.memory_space<vmem>>, vector<16xi32>,
      tpu.vector_store %arg10[%swap3A_348], %add3A_347 {strides = array<i32>} : memref<320xi32, #tpu.memory_space<vmem>>, vector<16xi32>,
      %get3A_350 = arith.constant 128 : index
      %get3A_351 = tpu.vector_load %arg8[%get3A_350] {strides = array<i32>} : memref<512xi32, #tpu.memory_space<vmem>>, vector<16xi32>,
      %add3A_352 = vector.broadcast %mul3A_297 : i32 to vector<16xi32>
      %add3A_353 = arith.addi %get3A_351, %add3A_352 : vector<16xi32>
      %swap3A_354 = arith.constant 128 : index
      %swap3A_355 = tpu.vector_load %arg10[%swap3A_354] {strides = array<i32>} : memref<320xi32, #tpu.memory_space<vmem>>, vector<16xi32>,
      tpu.vector_store %arg10[%swap3A_354], %add3A_353 {strides = array<i32>} : memref<320xi32, #tpu.memory_space<vmem>>, vector<16xi32>,
      %get3A_356 = arith.constant 144 : index
      %get3A_357 = tpu.vector_load %arg8[%get3A_356] {strides = array<i32>} : memref<512xi32, #tpu.memory_space<vmem>>, vector<16xi32>,
      %add3A_358 = vector.broadcast %mul3A_297 : i32 to vector<16xi32>
      %add3A_359 = arith.addi %get3A_357, %add3A_358 : vector<16xi32>
      %swap3A_360 = arith.constant 144 : index
      %swap3A_361 = tpu.vector_load %arg10[%swap3A_360] {strides = array<i32>} : memref<320xi32, #tpu.memory_space<vmem>>, vector<16xi32>,
      tpu.vector_store %arg10[%swap3A_360], %add3A_359 {strides = array<i32>} : memref<320xi32, #tpu.memory_space<vmem>>, vector<16xi32>,
      %get3A_362 = arith.constant 160 : index
      %get3A_363 = tpu.vector_load %arg8[%get3A_362] {strides = array<i32>} : memref<512xi32, #tpu.memory_space<vmem>>, vector<16xi32>,
      %add3A_364 = vector.broadcast %mul3A_297 : i32 to vector<16xi32>
      %add3A_365 = arith.addi %get3A_363, %add3A_364 : vector<16xi32>
      %swap3A_366 = arith.constant 160 : index
      %swap3A_367 = tpu.vector_load %arg10[%swap3A_366] {strides = array<i32>} : memref<320xi32, #tpu.memory_space<vmem>>, vector<16xi32>,
      tpu.vector_store %arg10[%swap3A_366], %add3A_365 {strides = array<i32>} : memref<320xi32, #tpu.memory_space<vmem>>, vector<16xi32>,
      %get3A_368 = arith.constant 176 : index
      %get3A_369 = tpu.vector_load %arg8[%get3A_368] {strides = array<i32>} : memref<512xi32, #tpu.memory_space<vmem>>, vector<16xi32>,
      %add3A_370 = vector.broadcast %mul3A_297 : i32 to vector<16xi32>
      %add3A_371 = arith.addi %get3A_369, %add3A_370 : vector<16xi32>
      %swap3A_372 = arith.constant 176 : index
      %swap3A_373 = tpu.vector_load %arg10[%swap3A_372] {strides = array<i32>} : memref<320xi32, #tpu.memory_space<vmem>>, vector<16xi32>,
      tpu.vector_store %arg10[%swap3A_372], %add3A_371 {strides = array<i32>} : memref<320xi32, #tpu.memory_space<vmem>>, vector<16xi32>,
      %get3A_374 = arith.constant 192 : index
      %get3A_375 = tpu.vector_load %arg8[%get3A_374] {strides = array<i32>} : memref<512xi32, #tpu.memory_space<vmem>>, vector<16xi32>,
      %add3A_376 = vector.broadcast %mul3A_297 : i32 to vector<16xi32>
      %add3A_377 = arith.addi %get3A_375, %add3A_376 : vector<16xi32>
      %swap3A_378 = arith.constant 192 : index
      %swap3A_379 = tpu.vector_load %arg10[%swap3A_378] {strides = array<i32>} : memref<320xi32, #tpu.memory_space<vmem>>, vector<16xi32>,
      tpu.vector_store %arg10[%swap3A_378], %add3A_377 {strides = array<i32>} : memref<320xi32, #tpu.memory_space<vmem>>, vector<16xi32>,
      %get3A_380 = arith.constant 208 : index
      %get3A_381 = tpu.vector_load %arg8[%get3A_380] {strides = array<i32>} : memref<512xi32, #tpu.memory_space<vmem>>, vector<16xi32>,
      %add3A_382 = vector.broadcast %mul3A_297 : i32 to vector<16xi32>
      %add3A_383 = arith.addi %get3A_381, %add3A_382 : vector<16xi32>
      %swap3A_384 = arith.constant 208 : index
      %swap3A_385 = tpu.vector_load %arg10[%swap3A_384] {strides = array<i32>} : memref<320xi32, #tpu.memory_space<vmem>>, vector<16xi32>,
      tpu.vector_store %arg10[%swap3A_384], %add3A_383 {strides = array<i32>} : memref<320xi32, #tpu.memory_space<vmem>>, vector<16xi32>,
      %get3A_386 = arith.constant 224 : index
      %get3A_387 = tpu.vector_load %arg8[%get3A_386] {strides = array<i32>} : memref<512xi32, #tpu.memory_space<vmem>>, vector<16xi32>,
      %add3A_388 = vector.broadcast %mul3A_297 : i32 to vector<16xi32>
      %add3A_389 = arith.addi %get3A_387, %add3A_388 : vector<16xi32>
      %swap3A_390 = arith.constant 224 : index
      %swap3A_391 = tpu.vector_load %arg10[%swap3A_390] {strides = array<i32>} : memref<320xi32, #tpu.memory_space<vmem>>, vector<16xi32>,
      tpu.vector_store %arg10[%swap3A_390], %add3A_389 {strides = array<i32>} : memref<320xi32, #tpu.memory_space<vmem>>, vector<16xi32>,
      %get3A_392 = arith.constant 240 : index
      %get3A_393 = tpu.vector_load %arg8[%get3A_392] {strides = array<i32>} : memref<512xi32, #tpu.memory_space<vmem>>, vector<16xi32>,
      %add3A_394 = vector.broadcast %mul3A_297 : i32 to vector<16xi32>
      %add3A_395 = arith.addi %get3A_393, %add3A_394 : vector<16xi32>
      %swap3A_396 = arith.constant 240 : index
      %swap3A_397 = tpu.vector_load %arg10[%swap3A_396] {strides = array<i32>} : memref<320xi32, #tpu.memory_space<vmem>>, vector<16xi32>,
      tpu.vector_store %arg10[%swap3A_396], %add3A_395 {strides = array<i32>} : memref<320xi32, #tpu.memory_space<vmem>>, vector<16xi32>,
      %get3A_398 = arith.constant 256 : index
      %get3A_399 = tpu.vector_load %arg8[%get3A_398] {strides = array<i32>} : memref<512xi32, #tpu.memory_space<vmem>>, vector<16xi32>,
      %add3A_400 = vector.broadcast %mul3A_297 : i32 to vector<16xi32>
      %add3A_401 = arith.addi %get3A_399, %add3A_400 : vector<16xi32>
      %swap3A_402 = arith.constant 256 : index
      %swap3A_403 = tpu.vector_load %arg10[%swap3A_402] {strides = array<i32>} : memref<320xi32, #tpu.memory_space<vmem>>, vector<16xi32>,
      tpu.vector_store %arg10[%swap3A_402], %add3A_401 {strides = array<i32>} : memref<320xi32, #tpu.memory_space<vmem>>, vector<16xi32>,
      %get3A_404 = arith.constant 272 : index
      %get3A_405 = tpu.vector_load %arg8[%get3A_404] {strides = array<i32>} : memref<512xi32, #tpu.memory_space<vmem>>, vector<16xi32>,
      %add3A_406 = vector.broadcast %mul3A_297 : i32 to vector<16xi32>
      %add3A_407 = arith.addi %get3A_405, %add3A_406 : vector<16xi32>
      %lt3A_408 = arith.constant 11 : i32
      %lt3A_409 = vector.broadcast %lt3A_408 : i32 to vector<16xi32>
      %lt3A_410 = arith.cmpi slt, %iota3A_298, %lt3A_409 : vector<16xi32>
      %broadcast_in_dim3A_411 = vector.broadcast %add3A_301 : i32 to vector<16xi32>
      %select_n3A = arith.select %lt3A_410, %add3A_407, %broadcast_in_dim3A_411 : vector<16xi1>, vector<16xi32>
      %swap3A_412 = arith.constant 272 : index
      %swap3A_413 = tpu.vector_load %arg10[%swap3A_412] {strides = array<i32>} : memref<320xi32, #tpu.memory_space<vmem>>, vector<16xi32>,
      tpu.vector_store %arg10[%swap3A_412], %select_n3A {strides = array<i32>} : memref<320xi32, #tpu.memory_space<vmem>>, vector<16xi32>,
      %broadcast_in_dim3A_414 = arith.constant 0 : i32
      %broadcast_in_dim3A_415 = vector.broadcast %broadcast_in_dim3A_414 : i32 to vector<16xi32>
      %add3A_416 = vector.broadcast %add3A_301 : i32 to vector<16xi32>
      %add3A_417 = arith.addi %broadcast_in_dim3A_415, %add3A_416 : vector<16xi32>
      %swap3A_418 = arith.constant 288 : index
      %swap3A_419 = tpu.vector_load %arg10[%swap3A_418] {strides = array<i32>} : memref<320xi32, #tpu.memory_space<vmem>>, vector<16xi32>,
      tpu.vector_store %arg10[%swap3A_418], %add3A_417 {strides = array<i32>} : memref<320xi32, #tpu.memory_space<vmem>>, vector<16xi32>,
      %swap3A_420 = arith.constant 304 : index
      %swap3A_421 = tpu.vector_load %arg10[%swap3A_420] {strides = array<i32>} : memref<320xi32, #tpu.memory_space<vmem>>, vector<16xi32>,
      tpu.vector_store %arg10[%swap3A_420], %add3A_417 {strides = array<i32>} : memref<320xi32, #tpu.memory_space<vmem>>, vector<16xi32>,
      "tpu.region"() ({
        %run_scoped3A = tpu.sem_alloc : memref<!tpu.dma_semaphore, #tpu.memory_space<semaphore_mem>>
        %dma_start3A = arith.constant 0 : i32
        %dma_start3A_424 = tpu.memref_slice %arg3[%add3A, %dma_start3A] : memref<4x288xi32, #tpu.memory_space<hbm>> -> memref<1x288xi32, #tpu.memory_space<hbm>>
        %dma_start3A_425 = tpu.memref_squeeze %dma_start3A_424 : memref<1x288xi32, #tpu.memory_space<hbm>> -> memref<288xi32, #tpu.memory_space<hbm>>
        %dma_start3A_426 = arith.constant 0 : i32
        %dma_start3A_427 = tpu.memref_slice %arg3[%add3A, %dma_start3A_426] : memref<4x288xi32, #tpu.memory_space<hbm>> -> memref<1x288xi32, #tpu.memory_space<hbm>>
        %dma_start3A_428 = tpu.memref_squeeze %dma_start3A_427 : memref<1x288xi32, #tpu.memory_space<hbm>> -> memref<288xi32, #tpu.memory_space<hbm>>
        tpu.enqueue_dma source(%arg9 : memref<288xi32, #tpu.memory_space<vmem>>) target(%dma_start3A_428 : memref<288xi32, #tpu.memory_space<hbm>>) target_semaphore(%run_scoped3A : memref<!tpu.dma_semaphore, #tpu.memory_space<semaphore_mem>>)
        %dma_wait3A = arith.constant 0 : i32
        %dma_wait3A_429 = tpu.memref_slice %arg3[%add3A, %dma_wait3A] : memref<4x288xi32, #tpu.memory_space<hbm>> -> memref<1x288xi32, #tpu.memory_space<hbm>>
        %dma_wait3A_430 = tpu.memref_squeeze %dma_wait3A_429 : memref<1x288xi32, #tpu.memory_space<hbm>> -> memref<288xi32, #tpu.memory_space<hbm>>
        %dma_wait3A_431 = arith.constant 0 : i32
        %dma_wait3A_432 = tpu.memref_slice %arg3[%add3A, %dma_wait3A_431] : memref<4x288xi32, #tpu.memory_space<hbm>> -> memref<1x288xi32, #tpu.memory_space<hbm>>
        %dma_wait3A_433 = tpu.memref_squeeze %dma_wait3A_432 : memref<1x288xi32, #tpu.memory_space<hbm>> -> memref<288xi32, #tpu.memory_space<hbm>>
        tpu.wait_dma2 semaphore(%run_scoped3A : memref<!tpu.dma_semaphore, #tpu.memory_space<semaphore_mem>>) src(%arg9 : memref<288xi32, #tpu.memory_space<vmem>>) dst(%dma_wait3A_433 : memref<288xi32, #tpu.memory_space<hbm>>)
        tpu.yield
      }) : () -> ()
      %mul3A_422 = arith.constant 320 : i32
      %mul3A_423 = arith.muli %add3A, %mul3A_422 : i32
      "tpu.region"() ({
        %run_scoped3A = tpu.sem_alloc : memref<!tpu.dma_semaphore, #tpu.memory_space<semaphore_mem>>
        %dma_start3A = tpu.memref_slice %arg4[%mul3A_423] : memref<1280xi32, #tpu.memory_space<hbm>> -> memref<320xi32, #tpu.memory_space<hbm>>
        %dma_start3A_424 = tpu.memref_slice %arg4[%mul3A_423] : memref<1280xi32, #tpu.memory_space<hbm>> -> memref<320xi32, #tpu.memory_space<hbm>>
        tpu.enqueue_dma source(%arg10 : memref<320xi32, #tpu.memory_space<vmem>>) target(%dma_start3A_424 : memref<320xi32, #tpu.memory_space<hbm>>) target_semaphore(%run_scoped3A : memref<!tpu.dma_semaphore, #tpu.memory_space<semaphore_mem>>)
        %dma_wait3A = tpu.memref_slice %arg4[%mul3A_423] : memref<1280xi32, #tpu.memory_space<hbm>> -> memref<320xi32, #tpu.memory_space<hbm>>
        %dma_wait3A_425 = tpu.memref_slice %arg4[%mul3A_423] : memref<1280xi32, #tpu.memory_space<hbm>> -> memref<320xi32, #tpu.memory_space<hbm>>
        tpu.wait_dma2 semaphore(%run_scoped3A : memref<!tpu.dma_semaphore, #tpu.memory_space<semaphore_mem>>) src(%arg10 : memref<320xi32, #tpu.memory_space<vmem>>) dst(%dma_wait3A_425 : memref<320xi32, #tpu.memory_space<hbm>>)
        tpu.yield
      }) : () -> ()
    } else {
    }
    return
  }
}

module attributes {stable_mosaic.version = 14 : i64} {
  func.func @_fill_body(%arg0: i32, %arg1: i32, %arg2: memref<1x768xf32, #tpu.memory_space<vmem>>, %arg3: memref<1x1024x768xf32, #tpu.memory_space<vmem>>) attributes {dimension_semantics = [#tpu.dimension_semantics<arbitrary>, #tpu.dimension_semantics<arbitrary>], iteration_bounds = array<i64: 4, 8>, scalar_prefetch = 0 : i64, scratch_operands = 0 : i64, tpu.core_type = #tpu.core_type<tc>, window_params = [{pipeline_mode = #tpu.pipeline_mode<synchronous>, transform_indices = @transform_0, window_bounds = array<i64: 1, 768>}, {transform_indices = @transform_1, window_bounds = array<i64: 1, 1024, 768>}]} {
    %get3A = arith.constant 0 : index
    %get3A_0 = arith.constant 0 : index
    %get3A_1 = vector.load %arg2[%get3A, %get3A_0] : memref<1x768xf32, #tpu.memory_space<vmem>>, vector<1x768xf32>
    %broadcast_in_dim3A = vector.shape_cast %get3A_1 : vector<1x768xf32> to vector<1x1x768xf32>
    %broadcast_in_dim3A_2 = vector.shape_cast %broadcast_in_dim3A : vector<1x1x768xf32> to vector<1x1x768xf32>
    %broadcast_in_dim3A_3 = vector.broadcast %broadcast_in_dim3A_2 : vector<1x1x768xf32> to vector<1x1024x768xf32>
    %swap3A = arith.constant 0 : index
    %swap3A_4 = arith.constant 0 : index
    %swap3A_5 = arith.constant 0 : index
    %swap3A_6 = vector.load %arg3[%swap3A, %swap3A_4, %swap3A_5] : memref<1x1024x768xf32, #tpu.memory_space<vmem>>, vector<1x1024x768xf32>
    tpu.vector_store %arg3[%swap3A, %swap3A_4, %swap3A_5], %broadcast_in_dim3A_3 {strides = array<i32>} : memref<1x1024x768xf32, #tpu.memory_space<vmem>>, vector<1x1024x768xf32>,
    return
  }
  func.func @transform_0(%arg0: i32, %arg1: i32) -> (i32, i32) {
    %c0_i32 = arith.constant 0 : i32
    %c0_i32_0 = arith.constant 0 : i32
    %c0_i32_1 = arith.constant 0 : i32
    return %c0_i32, %c0_i32_0 : i32, i32
  }
  func.func @transform_1(%arg0: i32, %arg1: i32) -> (i32, i32, i32) {
    %c0_i32 = arith.constant 0 : i32
    %c0_i32_0 = arith.constant 0 : i32
    return %arg0, %arg1, %c0_i32 : i32, i32, i32
  }
}

</mosaic_0001>

<sc_bundles>
// kernel: kernel.5.cloned.1.call-start
scs
__scs_entry_jumppad:
0x0: {  	(pc) =	sbr.rel $0x88, $3  }
0x1: {  	(tag) =	ssettag $0x0;
	lr =	simm.s32 $0x1  }
0x2: {  	[smem:$0x3F9F] =	sst lr;
	_ =	strace $0xD0000000  }
0x3: {  	_ = 	snop  }
0x4: {  	_ = 	snop  }
0x5: {  	_ = 	snop  }
0x6: {  	_ = 	snop  }
0x7: {  	_ = 	snop  }
__scs_overlays_trampoline_lowered:
0x8: {  	[smem:$0x3FAE] =	sst s0  }
0x9: {  	[smem:$0x3FAF] =	sst s1  }
0xa: {  	[smem:$0x3FB0] =	sst s2  }
0xb: {  	[smem:$0x3FB1] =	sst s3  }
0xc: {  	[smem:$0x3FB2] =	sst s4  }
0xd: {  	[smem:$0x3FB3] =	sst s5  }
0xe: {  	[smem:$0x3FB4] =	sst s6  }
0xf: {  	[smem:$0x3FB5] =	sst s7  }
0x10: {  	[smem:$0x3FB6] =	sst s8  }
0x11: {  	[smem:$0x3FB7] =	sst s9;
	s0 =	simm.s32 @!p0 $0x0  }
0x12: {  	s1 =	sld [smem:$0x3F9D];
	s0 =	simm.s32 @p0 $0x1  }
0x13: {  	[smem:$0x3FB8] =	sst s0;
	s0 =	simm.s32 @!p1 $0x0  }
0x14: {  	s2 =	sld [smem:$0x3F9C];
	s0 =	simm.s32 @p1 $0x1  }
0x15: {  	[smem:$0x3FB9] =	sst s0;
	s0 =	simm.s32 @!p2 $0x0  }
0x16: {  	s3 =	sld [smem:$0x3FDB];
	s0 =	simm.s32 @p2 $0x1  }
0x17: {  	s4 =	simm.s32 $0x1BF5;
	[smem:$0x3FBB] =	sst s0  }
0x18: {  	s0 =	sld [smem:$0x3F9E];
	_ =	swait.ge [sflag:s4], $0x0  }
0x19: {  	s7 =	sld [smem:$0x3F9F]  }
0x1a: {  	s8 =	sadd.s32 $0xFFFFE003, lr  }
0x1b: {  	s9 =	sadd.s32 $0xFFFFFEF7, lr;
	s5 =	simm.s32 $0xFFFFFFFF;
	p2 =	slt.u32 s8, $0xFFFFF086  }
0x1c: {  	p1 =	slt.u32 s9, $0xF7A;
	s5 =	simm.s32 @!p2 $0x0  }
0x1d: {  	s5 =	simm.s32 @p1 $0x1;
	p0 =	seq.s32 s7, s2  }
0x1e: {  	s7 =	smul.u32 @!p0 $0xF7A, s2;
	p2 =	seq.s32 @!p0 s5, $0x0  }
0x1f: {  	s9 =	smul.u32 $0xF7A, s1;
	s8 =	simm.s32 @!p0 $0x1BF5;
	p2 =	por !p2, p0  }
0x20: {  	[sflag:s8] =	ssyncset.s32 @!p0 $0xFFFFF086;
	s6 =	sadd.s32 @!p0 s3, s7;
	s7 =	simm.s32 @!p0 $0x108  }
0x21: {  	s3 =	sadd.s32 s3, s9;
	s6 =	sadd.s32 @!p0 $0x88, s6;
	s7 =	simm.s32 @p2 $0x1082  }
0x22: {  	[simem:s7], [sflag:s8] =	dma.local @!p0 [hbm:s6], $0xF7A  }
0x23: {  	s9 =	sor.u32 $0xD0000000, s2;
	s6 =	simm.s32 $0x108;
	_ =	swait.ge @!p0 [sflag:s8], $0x0  }
0x24: {  	s3 =	sadd.s32 $0x88, s3;
	s6 =	simm.s32 @!p1 $0x1082;
	[sflag:s4] =	ssyncset.s32 $0xFFFFF086  }
0x25: {  	[simem:s6], [sflag:s4] =	dma.local [hbm:s3], $0xF7A  }
0x26: {  	[smem:$0x3F9F] =	sst s1;
	(tag) =	ssettag s2;
	_ =	strace s9  }
0x27: {  	s1 =	sld [smem:$0x3FAF]  }
0x28: {  	s2 =	sld [smem:$0x3FB0]  }
0x29: {  	s4 =	sld [smem:$0x3FB2]  }
0x2a: {  	p0 =	seq.s32 s5, $0x0;
	s5 =	sld [smem:$0x3FB3]  }
0x2b: {  	s6 =	sld [smem:$0x3FB4]  }
0x2c: {  	s7 =	sld [smem:$0x3FB5]  }
0x2d: {  	s3 =	simm.s32 $0x108;
	s8 =	sld [smem:$0x3FB6]  }
0x2e: {  	s3 =	simm.s32 @!p0 $0x1082;
	s9 =	sld [smem:$0x3FB7]  }
0x2f: {  	lr =	sadd.s32 s0, s3;
	s0 =	sld [smem:$0x3FAE]  }
0x30: {  	s3 =	sld [smem:$0x3FB1]  }
0x31: {  	[smem:$0x3FBA] =	sst s10  }
0x32: {  	s10 =	sld [smem:$0x3FB8];
	_ =	sdelay $0x3  }
0x33: {  	p0 =	seq.s32 s10, $0x1;
	s10 =	sld [smem:$0x3FBA];
	_ =	sdelay $0x3  }
0x34: {  	[smem:$0x3FBA] =	sst s10  }
0x35: {  	s10 =	sld [smem:$0x3FB9];
	_ =	sdelay $0x3  }
0x36: {  	p1 =	seq.s32 s10, $0x1;
	s10 =	sld [smem:$0x3FBA];
	_ =	sdelay $0x3  }
0x37: {  	[smem:$0x3FBA] =	sst s10  }
0x38: {  	s10 =	sld [smem:$0x3FBB]  }
0x39: {  	_ = 	snop;
	(pc) =	sbr.ind lr, $3  }
0x3a: {  	_ = 	snop  }
0x3b: {  	_ = 	snop  }
0x3c: {  	p2 =	seq.s32 s10, $0x1;
	s10 =	sld [smem:$0x3FBA]  }
0x3d: {  	_ =	shalt  }
0x3e: {  	_ =	shalt  }
0x3f: {  	_ =	shalt  }
0x40: {  	_ =	shalt  }
0x41: {  	_ =	shalt  }
0x42: {  	_ =	shalt  }
0x43: {  	_ =	shalt  }
0x44: {  	_ =	shalt  }
0x45: {  	_ =	shalt  }
0x46: {  	_ =	shalt  }
0x47: {  	_ =	shalt  }
0x48: {  	_ =	shalt  }
0x49: {  	_ =	shalt  }
0x4a: {  	_ =	shalt  }
0x4b: {  	_ =	shalt  }
0x4c: {  	_ =	shalt  }
0x4d: {  	_ =	shalt  }
0x4e: {  	_ =	shalt  }
0x4f: {  	_ =	shalt  }
0x50: {  	_ =	shalt  }
0x51: {  	_ =	shalt  }
0x52: {  	_ =	shalt  }
0x53: {  	_ =	shalt  }
0x54: {  	_ =	shalt  }
0x55: {  	_ =	shalt  }
0x56: {  	_ =	shalt  }
0x57: {  	_ =	shalt  }
0x58: {  	_ =	shalt  }
0x59: {  	_ =	shalt  }
0x5a: {  	_ =	shalt  }
0x5b: {  	_ =	shalt  }
0x5c: {  	_ =	shalt  }
0x5d: {  	_ =	shalt  }
0x5e: {  	_ =	shalt  }
0x5f: {  	_ =	shalt  }
0x60: {  	_ =	shalt  }
0x61: {  	_ =	shalt  }
0x62: {  	_ =	shalt  }
0x63: {  	_ =	shalt  }
0x64: {  	_ =	shalt  }
0x65: {  	_ =	shalt  }
0x66: {  	_ =	shalt  }
0x67: {  	_ =	shalt  }
0x68: {  	_ =	shalt  }
0x69: {  	_ =	shalt  }
0x6a: {  	_ =	shalt  }
0x6b: {  	_ =	shalt  }
0x6c: {  	_ =	shalt  }
0x6d: {  	_ =	shalt  }
0x6e: {  	_ =	shalt  }
0x6f: {  	_ =	shalt  }
0x70: {  	_ =	shalt  }
0x71: {  	_ =	shalt  }
0x72: {  	_ =	shalt  }
0x73: {  	_ =	shalt  }
0x74: {  	_ =	shalt  }
0x75: {  	_ =	shalt  }
0x76: {  	_ =	shalt  }
0x77: {  	_ =	shalt  }
0x78: {  	_ =	shalt  }
0x79: {  	_ =	shalt  }
0x7a: {  	_ =	shalt  }
0x7b: {  	_ =	shalt  }
0x7c: {  	_ =	shalt  }
0x7d: {  	_ =	shalt  }
0x7e: {  	_ =	shalt  }
0x7f: {  	_ =	shalt  }
0x80: {  	_ =	shalt  }
0x81: {  	_ =	shalt  }
0x82: {  	_ =	shalt  }
0x83: {  	_ =	shalt  }
0x84: {  	_ =	shalt  }
0x85: {  	_ =	shalt  }
0x86: {  	_ =	shalt  }
0x87: {  	_ =	shalt  }
.Lfunc_end0:
.L_simem_size_0:
called_computation_lowered:
.L_overlay_start_0:
0x88: {  	s2 =	sld [smem:$0x3FD9]  }
0x89: {  	s3 =	sld [smem:$0x3FFE];
	_ =	sdelay $0x1  }
0x8a: {  	s1 =	srdreg.scid  }
0x8b: {  	s0 =	sand.u32 $0x1, s1  }
0x8c: {  	s14 =	sshll.u32 s0, $0xA;
	s2 =	sadd.s32 s3, s2  }
0x8d: {  	s2 =	sadd.s32 s2, s14  }
0x8e: {  	[smem:$0x3FC6] =	sst s2  }
0x8f: {  	_ = 	snop  }
0x90: {  	s2 =	sld [smem:$0x3FD0];
	_ =	sdelay $0x2  }
0x91: {  	s15 =	simm.s32 $0xA;
	s4 =	simm.s32 $0x10  }
0x92: {  	[smem:s4], [sflag:s15] =	dma.local [hbm:s2], $0x1  }
0x93: {  	_ =	swait.eq [sflag:s15], $0x1  }
0x94: {  	[sflag:s15] =	ssyncset.done $0x0  }
0x95: {  	[sflag:s15] =	ssyncadd.s32 $0xFFFFFFFF  }
0x96: {  	s16 =	sld [smem:$0x11];
	(tm) =	ssettm $0x1  }
0x97: {  	s17 =	sld [smem:$0x3FFB];
	_ =	sdelay $0x3  }
0x98: {  	_ =	strace s17  }
0x99: {  	s3 =	sld [smem:$0x3FFC];
	_ =	sdelay $0x3  }
0x9a: {  	_ =	strace s3  }
0x9b: {  	s3 =	sld [smem:$0x3FFD];
	_ =	sdelay $0x3  }
0x9c: {  	_ =	strace s3  }
0x9d: {  	_ =	strace $0x8FFFFFFF  }
0x9e: {  	s18 =	sld [smem:$0x3FDB];
	_ =	sdelay $0x1  }
0x9f: {  	s19 =	simm.s32 $_scs_section_size  }
0xa0: {  	s5 =	simm.s32 $_size__tile_overlayer_lowered;
	s6 =	simm.s32 $_tile_overlayer_lowered  }
0xa1: {  	s22 =	simm.s32 $0x1BFF;
	s21 =	sshll.u32 s6, $0x1;
	s3 =	sadd.s32 s19, s18  }
0xa2: {  	s7 =	simm.s32 $0x0;
	s20 =	sshll.u32 s5, $0x1;
	s5 =	sadd.s32 s21, s3  }
0xa3: {  	[timem:s7], [sflag:s22] =	dma.local [hbm:s5], s20  }
0xa4: {  	_ =	swait.ge [sflag:s22], s20  }
0xa5: {  	s4 =	ssub.s32 $0x0, s20;
	[sflag:s22] =	ssyncset.done $0x0  }
0xa6: {  	[sflag:s22] =	ssyncadd.s32 s4;
	_ =	sdelay $0x1  }
0xa7: {  	s23 =	simm.s32 $0x1B8B  }
0xa8: {  	_ =	swait.ge [sflag:s23], $0x1  }
0xa9: {  	[sflag:s23] =	ssyncset.done $0x0  }
0xaa: {  	s25 =	simm.s32 $0x1B8E;
	s24 =	sld [smem:$0x3FFE];
	[sflag:s23] =	ssyncadd.s32 $0xFFFFFFFF  }
0xab: {  	s26 =	simm.s32 $execute0_lowered;
	[smem:$0x3FD2] =	sst s25  }
0xac: {  	s5 =	sshll.u32 s26, $0x1;
	_ =	strace $0x80000046;
	[dreg:$0x1] =	wrdreg $0xFFFFFFFF  }
0xad: {  	s28 =	simm.s32 $_size_execute0_lowered;
	s3 =	sadd.s32 s3, s5;
	[dreg:$0x0] =	wrdreg $0x0  }
0xae: {  	s5 =	sshll.u32 s28, $0x1;
	[dreg:$0x2] =	wrdreg s3  }
0xaf: {  	[dreg:$0x3] =	wrdreg s5  }
0xb0: {  	[dreg:$0x4] =	wrdreg $0xC0  }
0xb1: {  	_ =	task [dreg:s7], $0x5FFFF  }
0xb2: {  	[dreg:$0x1] =	wrdreg $0xFFFFFFFF  }
0xb3: {  	[dreg:$0x0] =	wrdreg $0x60  }
0xb4: {  	[dreg:$0x2] =	wrdreg s24  }
0xb5: {  	[dreg:$0x3] =	wrdreg s16  }
0xb6: {  	[dreg:$0x4] =	wrdreg $0x9  }
0xb7: {  	_ =	task.clear_ibuf [dreg:s7], $0x5FFFF;
	_ =	strace $0x90000046  }
0xb8: {  	s29 =	simm.s32 $0x9;
	_ =	strace $0x80000048  }
0xb9: {  	_ =	swait.ge [sflag:s29], $0x1  }
0xba: {  	[sflag:s29] =	ssyncadd.s32 $0xFFFFFFFF  }
0xbb: {  	_ =	strace $0x90000048  }
0xbc: {  	_ =	sfence  }
0xbd: {  	s30 =	sld [smem:$0x0];
	_ =	sdelay $0x2  }
0xbe: {  	s31 =	sshll.u32 s1, $0xD;
	s1 =	sshrl.u32 s1, $0x2  }
0xbf: {  	s3 =	sand.u32 $0x4000, s31;
	s1 =	sadd.s32 s1, s30  }
0xc0: {  	s0 =	sor.u32 s3, s0;
	s1 =	sshll.u32 s1, $0x11  }
0xc1: {  	s0 =	sor.u32 s1, s0  }
0xc2: {  	s0 =	sadd.s32 $0x8F2B, s0  }
0xc3: {  	[sflag:s0] =	ssyncadd.remote.s32 $0x1  }
0xc4: {  	_ =	sfence.sel $0xFFFF  }
0xc5: {  	[dreg:$0x0] =	wrdreg $0xFFFFFFFF;
	(pc) =	sbr.abs _section_cstart, $3  }
0xc6: {  	[dreg:$0x1] =	wrdreg $0xFFFFFFFF  }
0xc7: {  	_ =	task.clear_ibuf [dreg:s7], $0x2FFFF;
	_ =	strace $0x9FFFFFFF  }
0xc8: {  	(tm) =	ssettm $0x7FFFFFFF  }
0xc9: {  	_ =	shalt  }
tec
execute0_lowered:
.L_overlay_start_1:
0x0: {  	(tag) =	ssettag $0x1  }
0x1: {  	s1 =	stileid.u32  }
0x2: {  	p0 =	sgt.u32 s1, $0x1  }
.Ltmp0:
0x3: {  	_ = 	snop;
	(pc) =	sbr.rel @p0 .LBB2_72-.Ltmp0, $4  }
0x4: {  	s3 =	rddreg [dreg:$0x0]  }
0x5: {  	s4 =	rddreg [dreg:$0x1];
	s2 =	simm.s32 $0x0  }
0x6: {  	[smem:$0x7FF] =	sst s2  }
0x7: {  	s0 =	rddreg [dreg:$0x2];
	_ =	strace $0x80000047  }
0x8: {  	s5 =	srdreg.scid  }
0x9: {  	s8 =	sadd.s32 $0x1200, s3;
	s11 =	simm.s32 $0x2000;
	s5 =	sand.u32 $0x1, s5  }
0xa: {  	s12 =	simm.s32 $0x4000;
	s13 =	simm.s32 $0x4200;
	s6 =	sshll.u32 s5, $0x1  }
0xb: {  	s14 =	simm.s32 $0x4400;
	s5 =	ssub.s32 $0x2, s5;
	s6 =	sadd.s32 s1, s6  }
0xc: {  	s15 =	simm.s32 $0x4580;
	s10 =	sshrl.u32 s5, $0x1;
	s7 =	smul.u32 $0x28, s6  }
0xd: {  	v0 =	vlaneseq.u32;
	s16 =	simm.s32 $0x0;
	s9 =	sshll.u32 s6, $0x4;
	s10 =	ssub.s32 s5, s10  }
0xe: {  	v2 =	vimm.s32 $0x0;
	v6 =	vmul.u32 $0xFFFFFFFF, v0;
	s4 =	sadd.s32 s4, s9;
	s7 =	sadd.s32 s7, s3;
	s3 =	sshll.u32 s6, $0xD  }
0xf: {  	v4 =	vimm.s32 $0x1;
	v5 =	vimm.f32 $+Inf;
	vm0 =	vcmask $0x3F2C;
	s6 =	sadd.s32 s8, s9;
	s8 =	simm.s32 $0x80;
	s9 =	simm.s32 $0x200  }
0x10: {  	v3 =	vmul.u32 $0x200, v0;
	v6 =	vadd.s32 $0xF, v6;
	s5 =	sadd.s32 $0x2200, s7;
	s7 =	smax.u32 s10, $0x1;
	v1 =	vmov s3;
	s10 =	simm.s32 $0x1  }
.LBB2_2:
0x11: {  	s17 =	simm.s32 $0x0  }
0x12: {  	[tilespmem:s17], [sflag:$0x1] =	stream.strided.gather [hbm4b:s6+s8], $0x2000, s9, s8, $0x38;
	[tilespmem:$0x4700] =	vst v63  }
0x13: {  	_ =	swait.ge [sflag:s10], $0x2000  }
0x14: {  	[sflag:s10] =	ssyncset.done $0x0  }
0x15: {  	s18 =	simm.s32 $0x0;
	s17 =	simm.s32 $0x40;
	[sflag:s10] =	ssyncadd.s32 $0xFFFFE000  }
.LBB2_3:
0x16: {  	p0 =	sne.s32 s17, $0x7FC0;
	[tilespmem:s18+$0x2000] =	vst v2;
	s18 =	smov.u32 s17;
	s17 =	sadd.s32 $0x40, s17  }
.Ltmp1:
0x17: {  	(pc) =	sbr.rel @p0 .LBB2_3-.Ltmp1, $2  }
0x18: {  	_ =	sdelay $0x2  }
0x19: {  	s18 =	sshra.s32 s18, $0x2  }
0x1a: {  	[tilespmem:s18+$0x2000] =	vst v2;
	s18 =	simm.s32 $0x0;
	s17 =	simm.s32 $0x40  }
.LBB2_5:
0x1b: {  	p0 =	sne.s32 s17, $0x7FC0;
	v7 =	vld [tilespmem:s18+$0x0];
	_ =	sdelay $0x4  }
0x1c: {  	v7 =	vshrl.u32 v7, $0x15  }
0x1d: {  	v8 =	vadd.s32 v3, v7  }
0x1e: {  	v7 =	vand.u32 $0x7F, v7;
	v8 =	vand.u32 $0x3F80, v8  }
0x1f: {  	v7 =	vor.u32 v7, v8  }
.Ltmp2:
0x20: {  	(pc) =	sbr.rel @p0 .LBB2_5-.Ltmp2, $2  }
0x21: {  	_ =	sdelay $0x2  }
0x22: {  	s18 =	sshra.s32 s17, $0x2;
	s17 =	sadd.s32 $0x40, s17;
	[tilespmem:v7+s11+$0x0] =	vst.idx.add.s32.msk $0xffff, v4  }
0x23: {  	v7 =	vld [tilespmem:s18+$0x0];
	_ =	sdelay $0x4  }
0x24: {  	v7 =	vshrl.u32 v7, $0x15  }
0x25: {  	v8 =	vadd.s32 v3, v7  }
0x26: {  	v7 =	vand.u32 $0x7F, v7;
	v8 =	vand.u32 $0x3F80, v8  }
0x27: {  	v7 =	vor.u32 v7, v8;
	_ =	sdelay $0x3  }
0x28: {  	s17 =	simm.s32 $0x0  }
0x29: {  	s29 =	sand.u32 $0x1F0, s17;
	[tilespmem:v7+s11+$0x0] =	vst.idx.add.s32.msk $0xffff, v4  }
0x2a: {  	v7 =	vld [tilespmem:s29+$0x2000]  }
0x2b: {  	v8 =	vld [tilespmem:s29+$0x2200]  }
0x2c: {  	v9 =	vld [tilespmem:s29+$0x2400]  }
0x2d: {  	v10 =	vld [tilespmem:s29+$0x2600]  }
0x2e: {  	v11 =	vld [tilespmem:s29+$0x2800]  }
0x2f: {  	v12 =	vld [tilespmem:s29+$0x2A00]  }
0x30: {  	v13 =	vld [tilespmem:s29+$0x2C00]  }
0x31: {  	s19 =	simm.s32 $0x10;
	v14 =	vld [tilespmem:s29+$0x2E00]  }
0x32: {  	s30 =	sand.u32 $0x1F0, s19;
	v15 =	vld [tilespmem:s29+$0x3000];
	v7 =	vadd.s32 v7, v8  }
0x33: {  	v16 =	vld [tilespmem:s30+$0x3200];
	v7 =	vadd.s32 v7, v9  }
0x34: {  	v17 =	vld [tilespmem:s30+$0x3C00];
	v7 =	vadd.s32 v7, v10  }
0x35: {  	v8 =	vld [tilespmem:s29+$0x3200];
	v7 =	vadd.s32 v7, v11  }
0x36: {  	v9 =	vld [tilespmem:s29+$0x3400];
	v7 =	vadd.s32 v7, v12  }
0x37: {  	v10 =	vld [tilespmem:s29+$0x3600];
	v7 =	vadd.s32 v7, v13  }
0x38: {  	v11 =	vld [tilespmem:s29+$0x3800];
	v7 =	vadd.s32 v7, v14  }
0x39: {  	v12 =	vld [tilespmem:s29+$0x3A00];
	v7 =	vadd.s32 v7, v15  }
0x3a: {  	s31 =	simm.s32 $0x20;
	v13 =	vld [tilespmem:s29+$0x3C00];
	v7 =	vadd.s32 v7, v8  }
0x3b: {  	s19 =	sand.u32 $0x1F0, s31;
	v14 =	vld [tilespmem:s29+$0x3E00];
	v7 =	vadd.s32 v7, v9  }
0x3c: {  	v18 =	vld [tilespmem:s19+$0x2200];
	v7 =	vadd.s32 v7, v10  }
0x3d: {  	v15 =	vld [tilespmem:s30+$0x2000];
	v7 =	vadd.s32 v7, v11  }
0x3e: {  	v8 =	vld [tilespmem:s30+$0x2200];
	v7 =	vadd.s32 v7, v12  }
0x3f: {  	v9 =	vld [tilespmem:s30+$0x2400];
	v7 =	vadd.s32 v7, v13  }
0x40: {  	v10 =	vld [tilespmem:s30+$0x2600];
	v7 =	vadd.s32 v7, v14  }
0x41: {  	v11 =	vld [tilespmem:s30+$0x2800];
	(xrf0) =	vadd.scan.msk.s32 $0xffff, v7  }
0x42: {  	v12 =	vld [tilespmem:s30+$0x2A00]  }
0x43: {  	v13 =	vld [tilespmem:s30+$0x2C00];
	v8 =	vadd.s32 v15, v8  }
0x44: {  	v14 =	vld [tilespmem:s30+$0x2E00];
	v8 =	vadd.s32 v8, v9  }
0x45: {  	v7 =	vld [tilespmem:s30+$0x3000];
	v8 =	vadd.s32 v8, v10  }
0x46: {  	v15 =	vld [tilespmem:s30+$0x3400];
	v8 =	vadd.s32 v8, v11  }
0x47: {  	v9 =	vld [tilespmem:s30+$0x3600];
	v8 =	vadd.s32 v8, v12;
	v12, _, _ =	vpop (xrf0)  }
0x48: {  	v10 =	vld [tilespmem:s30+$0x3800];
	v8 =	vadd.s32 v8, v13;
	v12 =	vadd.s32 s17, v12  }
0x49: {  	v11 =	vld [tilespmem:s30+$0x3A00];
	v8 =	vadd.s32 v8, v14;
	vm1 =	vlt.s32 v12, $0x11B;
	(v2sf) =	vpush v12, $0xF  }
0x4a: {  	v13 =	vld [tilespmem:s30+$0x3E00];
	v7 =	vadd.s32 v8, v7;
	v8 =	vsel vm1, $0x1, v2  }
0x4b: {  	v14 =	vld [tilespmem:s19+$0x2000];
	v7 =	vadd.s32 v7, v16;
	(xrf0) =	vadd.scan.msk.s32 $0xffff, v8  }
0x4c: {  	v7 =	vadd.s32 v7, v15;
	v8 =	vld [tilespmem:s19+$0x2400]  }
0x4d: {  	v7 =	vadd.s32 v7, v9  }
0x4e: {  	v7 =	vadd.s32 v7, v10  }
0x4f: {  	v7 =	vadd.s32 v7, v11  }
0x50: {  	v11 =	vadd.s32 v14, v18;
	v14 =	vadd.s32 v7, v17  }
0x51: {  	v15 =	vld [tilespmem:s19+$0x2600];
	v8 =	vadd.s32 v11, v8;
	v11 =	vadd.s32 v14, v13;
	v12, _, _ =	vpop (xrf0)  }
0x52: {  	v63 =	vld [tilespmem:s19+$0x2800];
	(xrf0) =	vadd.scan.msk.s32 $0xffff, v11;
	(v2sf) =	vpush v12, $0xF  }
0x53: {  	v10 =	vld [tilespmem:s19+$0x2A00]  }
0x54: {  	v9 =	vld [tilespmem:s19+$0x2C00]  }
0x55: {  	v7 =	vld [tilespmem:s19+$0x2E00]  }
0x56: {  	v13 =	vadd.s32 v8, v15;
	v8 =	vld [tilespmem:s19+$0x3000]  }
0x57: {  	s20 =	simm.s32 $0x30;
	s18 =	simm.s32 $0x40;
	s21 =	simm.s32 $0x50;
	v11 =	vld [tilespmem:s19+$0x3200];
	v12 =	vadd.s32 v13, v63  }
.LBB2_7:
0x58: {  	p0 =	seq.s32 s21, $0x1F0;
	v10 =	vadd.s32 v12, v10;
	v12 =	vld [tilespmem:s19+$0x3400];
	v13, _, _ =	vpop (xrf0);
	s22 =	spop (v2sf)  }
0x59: {  	v9 =	vadd.s32 v10, v9;
	v10 =	vld [tilespmem:s19+$0x3600];
	v13 =	vadd.s32 s22, v13  }
0x5a: {  	v7 =	vadd.s32 v9, v7;
	v9 =	vld [tilespmem:s19+$0x3800];
	vm1 =	vlt.s32 v13, $0x11B;
	(v2sf) =	vpush v13, $0xF  }
0x5b: {  	v7 =	vadd.s32 v7, v8;
	v8 =	vld [tilespmem:s19+$0x3A00];
	v13 =	vsel vm1, $0x1, v2  }
0x5c: {  	v7 =	vadd.s32 v7, v11;
	v11 =	vld [tilespmem:s19+$0x3C00];
	(xrf0) =	vadd.scan.msk.s32 $0xffff, v13  }
0x5d: {  	v7 =	vadd.s32 v7, v12;
	v12 =	vld [tilespmem:s19+$0x3E00]  }
0x5e: {  	s19 =	sand.u32 $0x1F0, s20;
	s20 =	smov.u32 s18;
	s18 =	smov.u32 s21;
	v7 =	vadd.s32 v7, v10  }
0x5f: {  	v13 =	vld [tilespmem:s19+$0x2000];
	v7 =	vadd.s32 v7, v9  }
0x60: {  	v9 =	vld [tilespmem:s19+$0x2200];
	v7 =	vadd.s32 v7, v8  }
0x61: {  	v8 =	vld [tilespmem:s19+$0x2400];
	v7 =	vadd.s32 v7, v11;
	s22 =	spop (v2sf)  }
0x62: {  	v11 =	vld [tilespmem:s19+$0x2600];
	v7 =	vadd.s32 v7, v12;
	v10, _, _ =	vpop (xrf0);
	s17 =	sadd.s32 s17, s22  }
0x63: {  	v12 =	vld [tilespmem:s19+$0x2800];
	(xrf0) =	vadd.scan.msk.s32 $0xffff, v7;
	(v2sf) =	vpush v10, $0xF  }
.Ltmp3:
0x64: {  	v10 =	vld [tilespmem:s19+$0x2A00];
	(pc) =	sbr.rel @!p0 .LBB2_7-.Ltmp3, $4  }
0x65: {  	v7 =	vadd.s32 v13, v9;
	v9 =	vld [tilespmem:s19+$0x2C00]  }
0x66: {  	v8 =	vadd.s32 v7, v8;
	v7 =	vld [tilespmem:s19+$0x2E00]  }
0x67: {  	v11 =	vadd.s32 v8, v11;
	v8 =	vld [tilespmem:s19+$0x3000]  }
0x68: {  	s21 =	sadd.s32 $0x10, s21;
	v12 =	vadd.s32 v11, v12;
	v11 =	vld [tilespmem:s19+$0x3200]  }
0x69: {  	v10 =	vadd.s32 v12, v10;
	v27 =	vld [tilespmem:s19+$0x3400];
	v13, _, _ =	vpop (xrf0);
	s21 =	spop (v2sf)  }
0x6a: {  	v28 =	vld [tilespmem:s19+$0x3600];
	v9 =	vadd.s32 v10, v9;
	v13 =	vadd.s32 s21, v13  }
0x6b: {  	v29 =	vld [tilespmem:s19+$0x3800];
	v7 =	vadd.s32 v9, v7;
	(v2sf) =	vpush v13, $0xF  }
0x6c: {  	v7 =	vadd.s32 v7, v8;
	v8 =	vld [tilespmem:s19+$0x3A00]  }
0x6d: {  	v30 =	vld [tilespmem:s19+$0x3C00];
	v7 =	vadd.s32 v7, v11  }
0x6e: {  	v31 =	vld [tilespmem:s19+$0x3E00];
	v7 =	vadd.s32 v7, v27  }
0x6f: {  	s20 =	sand.u32 $0x1F0, s20;
	v7 =	vadd.s32 v7, v28  }
0x70: {  	v32 =	vld [tilespmem:s20+$0x2000];
	v7 =	vadd.s32 v7, v29  }
0x71: {  	v33 =	vld [tilespmem:s20+$0x2200];
	vm1 =	vlt.s32 v13, $0x11B;
	v7 =	vadd.s32 v7, v8  }
0x72: {  	v34 =	vld [tilespmem:s20+$0x2400];
	v8 =	vsel vm1, $0x1, v2;
	v7 =	vadd.s32 v7, v30  }
0x73: {  	(xrf0) =	vadd.scan.msk.s32 $0xffff, v8;
	v8 =	vld [tilespmem:s20+$0x2600];
	v7 =	vadd.s32 v7, v31  }
0x74: {  	v35 =	vld [tilespmem:s20+$0x2800];
	(xrf0) =	vadd.scan.msk.s32 $0xffff, v7  }
0x75: {  	v7 =	vld [tilespmem:s20+$0x2A00]  }
0x76: {  	v36 =	vld [tilespmem:s20+$0x2C00];
	v9 =	vadd.s32 v32, v33  }
0x77: {  	v37 =	vld [tilespmem:s20+$0x2E00];
	v9 =	vadd.s32 v9, v34  }
0x78: {  	v38 =	vld [tilespmem:s20+$0x3000];
	v8 =	vadd.s32 v9, v8  }
0x79: {  	v40 =	vld [tilespmem:s20+$0x3200];
	s23 =	spop (v2sf);
	v39, _, _ =	vpop (xrf0);
	v8 =	vadd.s32 v8, v35  }
0x7a: {  	v7 =	vadd.s32 v8, v7;
	v8 =	vld [tilespmem:s20+$0x3400];
	v14, _, _ =	vpop (xrf0);
	s24 =	spop (v2sf)  }
0x7b: {  	v41 =	vld [tilespmem:s20+$0x3600];
	(v2sf) =	vpush v39, $0xF;
	v7 =	vadd.s32 v7, v36;
	v42 =	vadd.s32 s24, v14  }
0x7c: {  	v43 =	vld [tilespmem:s20+$0x3800];
	v7 =	vadd.s32 v7, v37;
	(v2sf) =	vpush v42, $0xF  }
0x7d: {  	v44 =	vld [tilespmem:s20+$0x3A00];
	v7 =	vadd.s32 v7, v38  }
0x7e: {  	v45 =	vld [tilespmem:s20+$0x3C00];
	v7 =	vadd.s32 v7, v40  }
0x7f: {  	v7 =	vadd.s32 v7, v8;
	v8 =	vld [tilespmem:s20+$0x3E00]  }
0x80: {  	s18 =	sand.u32 $0x1F0, s18;
	v7 =	vadd.s32 v7, v41  }
0x81: {  	v46 =	vld [tilespmem:s18+$0x2000];
	v7 =	vadd.s32 v7, v43  }
0x82: {  	v47 =	vld [tilespmem:s18+$0x2200];
	vm1 =	vlt.s32 v42, $0x11B;
	v7 =	vadd.s32 v7, v44  }
0x83: {  	v49 =	vld [tilespmem:s18+$0x2400];
	v48 =	vsel vm1, $0x1, v2;
	v7 =	vadd.s32 v7, v45  }
0x84: {  	v50 =	vld [tilespmem:s18+$0x2600];
	(xrf0) =	vadd.scan.msk.s32 $0xffff, v48;
	v7 =	vadd.s32 v7, v8  }
0x85: {  	v8 =	vld [tilespmem:s18+$0x2800];
	(xrf0) =	vadd.scan.msk.s32 $0xffff, v7  }
0x86: {  	v7 =	vld [tilespmem:s18+$0x2A00]  }
0x87: {  	v51 =	vld [tilespmem:s18+$0x2C00];
	v10 =	vadd.s32 v46, v47  }
0x88: {  	v52 =	vld [tilespmem:s18+$0x2E00];
	v10 =	vadd.s32 v10, v49  }
0x89: {  	v53 =	vld [tilespmem:s18+$0x3000];
	v9 =	vadd.s32 v10, v50  }
0x8a: {  	v55 =	vld [tilespmem:s18+$0x3200];
	v54, _, _ =	vpop (xrf0);
	s25 =	spop (v2sf);
	v8 =	vadd.s32 v9, v8  }
0x8b: {  	v7 =	vadd.s32 v8, v7;
	v8 =	vld [tilespmem:s18+$0x3400];
	v56, _, _ =	vpop (xrf0);
	s26 =	spop (v2sf)  }
0x8c: {  	v57 =	vld [tilespmem:s18+$0x3600];
	(v2sf) =	vpush v54, $0xF;
	v7 =	vadd.s32 v7, v51;
	v58 =	vadd.s32 s26, v56  }
0x8d: {  	v59 =	vld [tilespmem:s18+$0x3800];
	v7 =	vadd.s32 v7, v52;
	(v2sf) =	vpush v58, $0xF  }
0x8e: {  	v60 =	vld [tilespmem:s18+$0x3A00];
	v7 =	vadd.s32 v7, v53  }
0x8f: {  	v61 =	vld [tilespmem:s18+$0x3C00];
	v7 =	vadd.s32 v7, v55  }
0x90: {  	v7 =	vadd.s32 v7, v8;
	v8 =	vld [tilespmem:s18+$0x3E00]  }
0x91: {  	v7 =	vadd.s32 v7, v57  }
0x92: {  	v7 =	vadd.s32 v7, v59  }
0x93: {  	vm1 =	vlt.s32 v58, $0x11B;
	v7 =	vadd.s32 v7, v60  }
0x94: {  	v62 =	vsel vm1, $0x1, v2;
	v7 =	vadd.s32 v7, v61  }
0x95: {  	(xrf0) =	vadd.scan.msk.s32 $0xffff, v62;
	v7 =	vadd.s32 v7, v8  }
0x96: {  	(xrf0) =	vadd.scan.msk.s32 $0xffff, v7;
	_ =	sdelay $0x4  }
0x97: {  	v7, _, _ =	vpop (xrf0);
	s28 =	spop (v2sf)  }
0x98: {  	v8, _, _ =	vpop (xrf0);
	s29 =	spop (v2sf)  }
0x99: {  	v8 =	vadd.s32 s29, v8  }
0x9a: {  	vm1 =	vlt.s32 v8, $0x11B  }
0x9b: {  	v63 =	vsel vm1, $0x1, v2  }
0x9c: {  	(xrf0) =	vadd.scan.msk.s32 $0xffff, v63;
	_ =	sdelay $0x4  }
0x9d: {  	(v2sf) =	vpush v7, $0xF  }
0x9e: {  	(v2sf) =	vpush v8, $0xF;
	v7, _, _ =	vpop (xrf0)  }
0x9f: {  	(v2sf) =	vpush v7, $0xF;
	_ =	sdelay $0xb  }
0xa0: {  	s17 =	sadd.s32 s17, s23  }
0xa1: {  	s17 =	sadd.s32 s17, s25;
	s30 =	spop (v2sf)  }
0xa2: {  	s17 =	sadd.s32 s17, s28;
	s31 =	spop (v2sf)  }
0xa3: {  	s17 =	sadd.s32 s17, s30;
	s18 =	spop (v2sf)  }
0xa4: {  	s19 =	simm.s32 $0x0;
	s17 =	sadd.s32 s17, s18;
	s18 =	simm.s32 $0x40  }
.LBB2_9:
0xa5: {  	p0 =	seq.s32 s18, $0x7C0;
	[tilespmem:s19+$0x4000] =	vst v5;
	s20 =	smov.u32 s18;
	s18 =	sadd.s32 $0x40, s18  }
.Ltmp4:
0xa6: {  	[tilespmem:s19+$0x4200] =	vst v2;
	(pc) =	sbr.rel @!p0 .LBB2_9-.Ltmp4, $2  }
0xa7: {  	_ =	sdelay $0x2  }
0xa8: {  	s19 =	sshra.s32 s20, $0x2  }
0xa9: {  	[tilespmem:s19+$0x4000] =	vst v5  }
0xaa: {  	[tilespmem:s19+$0x4200] =	vst v2;
	v7 =	vmov s17;
	s17 =	simm.s32 $0x0  }
0xab: {  	v8 =	vld [tilespmem:s17+$0x0];
	_ =	sdelay $0x4  }
0xac: {  	v9 =	vshrl.u32 v8, $0x15  }
0xad: {  	vm1 =	vle.s32 v9, v7  }
0xae: {  	v9 =	vmpcnt.ones.xlane vm1  }
0xaf: {  	v10 =	vsel vm1, $0x1, v2  }
0xb0: {  	(xrf0) =	vadd.scan.msk.s32 $0xffff, v10;
	(v2sf) =	vpush v9, $0x0;
	_ =	sdelay $0x2  }
0xb1: {  	v9 =	vmov s17  }
0xb2: {  	v9 =	vadd.s32 $0xFFFFFFFF, v9  }
0xb3: {  	v9 =	vbroadcast v9, $0x0  }
0xb4: {  	v10, _, _ =	vpop (xrf0)  }
0xb5: {  	v9 =	vadd.s32 v10, v9;
	_ =	sdelay $0x4  }
0xb6: {  	[tilespmem:v9+s12+$0x0] =	vst.idx.msk vm1, v8;
	v8 =	vor.u32 s17, v0  }
0xb7: {  	s18 =	simm.s32 $0x10;
	[tilespmem:v9+s13+$0x0] =	vst.idx.msk vm1, v8  }
0xb8: {  	v8 =	vld [tilespmem:s18+$0x0]  }
0xb9: {  	s19 =	simm.s32 $0x20;
	s20 =	simm.s32 $0x10;
	s21 =	spop (v2sf)  }
.LBB2_11:
0xba: {  	p0 =	sne.s32 s19, $0x1FF0  }
0xbb: {  	s17 =	sadd.s32 s17, s21;
	s21 =	smov.u32 s19;
	s19 =	sadd.s32 $0x10, s19  }
0xbc: {  	v9 =	vmov s17  }
0xbd: {  	v10 =	vshrl.u32 v8, $0x15;
	v9 =	vadd.s32 $0xFFFFFFFF, v9  }
0xbe: {  	vm1 =	vle.s32 v10, v7  }
0xbf: {  	v10 =	vsel vm1, $0x1, v2;
	v11 =	vmpcnt.ones.xlane vm1  }
0xc0: {  	(xrf0) =	vadd.scan.msk.s32 $0xffff, v10  }
0xc1: {  	(v2sf) =	vpush v11, $0x0;
	_ =	sdelay $0x3  }
0xc2: {  	v9 =	vbroadcast v9, $0x0  }
0xc3: {  	v10, _, _ =	vpop (xrf0)  }
0xc4: {  	v9 =	vadd.s32 v10, v9;
	_ =	sdelay $0x4  }
.Ltmp5:
0xc5: {  	[tilespmem:v9+s12+$0x0] =	vst.idx.msk vm1, v8;
	v8 =	vor.u32 s18, v0;
	s18 =	smov.u32 s21;
	(pc) =	sbr.rel @p0 .LBB2_11-.Ltmp5, $3  }
0xc6: {  	s20 =	sadd.s32 $0x10, s20;
	[tilespmem:v9+s13+$0x0] =	vst.idx.msk vm1, v8  }
0xc7: {  	v8 =	vld [tilespmem:s20+$0x0];
	_ =	sdelay $0x1  }
0xc8: {  	s21 =	spop (v2sf)  }
0xc9: {  	_ =	sdelay $0x1  }
0xca: {  	v9 =	vshrl.u32 v8, $0x15  }
0xcb: {  	vm1 =	vle.s32 v9, v7  }
0xcc: {  	v7 =	vsel vm1, $0x1, v2  }
0xcd: {  	(xrf0) =	vadd.scan.msk.s32 $0xffff, v7;
	_ =	sdelay $0x1  }
0xce: {  	s17 =	sadd.s32 s17, s21  }
0xcf: {  	v9 =	vmpcnt.ones.xlane vm1;
	v7 =	vmov s17  }
0xd0: {  	v7 =	vadd.s32 $0xFFFFFFFF, v7  }
0xd1: {  	(v2sf) =	vpush v9, $0x0;
	v7 =	vbroadcast v7, $0x0  }
0xd2: {  	v63, _, _ =	vpop (xrf0)  }
0xd3: {  	v7 =	vadd.s32 v63, v7;
	_ =	sdelay $0x4  }
0xd4: {  	[tilespmem:v7+s12+$0x0] =	vst.idx.msk vm1, v8;
	v8 =	vor.u32 s18, v0  }
0xd5: {  	s17 =	simm.s32 $0x0;
	[tilespmem:v7+s13+$0x0] =	vst.idx.msk vm1, v8  }
0xd6: {  	v7 =	vld [tilespmem:s17+$0x4000]  }
0xd7: {  	v8 =	vld [tilespmem:s17+$0x4200];
	_ =	sdelay $0x4  }
0xd8: {  	s18 =	simm.s32 $0x40;
	s31 =	spop (v2sf);
	(xrf1) =	vsort.ascd.msk.f32 $0xffff, v7, v8  }
.LBB2_13:
0xd9: {  	_ =	sdelay $0xc  }
0xda: {  	p0 =	sne.s32 s18, $0x7C0;
	s19 =	smov.u32 s18;
	s18 =	sadd.s32 $0x40, s18;
	v7, v8, _ =	vpop (xrf1)  }
0xdb: {  	s19 =	sshra.s32 s19, $0x2;
	[tilespmem:s17+$0x4000] =	vst v7  }
0xdc: {  	v7 =	vld [tilespmem:s19+$0x4000];
	[tilespmem:s17+$0x4200] =	vst v8;
	s17 =	smov.u32 s19  }
0xdd: {  	v8 =	vld [tilespmem:s17+$0x4200]  }
.Ltmp6:
0xde: {  	(pc) =	sbr.rel @p0 .LBB2_13-.Ltmp6, $2  }
0xdf: {  	_ =	sdelay $0x2  }
0xe0: {  	(xrf1) =	vsort.ascd.msk.f32 $0xffff, v7, v8  }
0xe1: {  	_ =	sdelay $0xc  }
0xe2: {  	v7, v8, _ =	vpop (xrf1)  }
0xe3: {  	[tilespmem:s17+$0x4000] =	vst v7  }
0xe4: {  	[tilespmem:s17+$0x4200] =	vst v8;
	s17 =	simm.s32 $0x0  }
0xe5: {  	s18 =	simm.s32 $0x80;
	v7 =	vld [tilespmem:s17+$0x4010]  }
.LBB2_15:
0xe6: {  	p0 =	sne.s32 s18, $0x780;
	v8 =	vld [tilespmem:s17+$0x4210];
	_ =	sdelay $0x2  }
.Ltmp7:
0xe7: {  	(pc) =	sbr.rel @p0 .LBB2_15-.Ltmp7, $4  }
0xe8: {  	v7 =	vperm.xlane v7, v6  }
0xe9: {  	v8 =	vperm.xlane v8, v6  }
0xea: {  	s19 =	sshra.s32 s18, $0x2;
	[tilespmem:s17+$0x4010] =	vst v7  }
0xeb: {  	s18 =	sadd.s32 $0x80, s18;
	v7 =	vld [tilespmem:s19+$0x4010];
	[tilespmem:s17+$0x4210] =	vst v8;
	s17 =	smov.u32 s19  }
0xec: {  	v8 =	vld [tilespmem:s17+$0x4210];
	_ =	sdelay $0x3  }
0xed: {  	v7 =	vperm.xlane v7, v6  }
0xee: {  	v8 =	vperm.xlane v8, v6  }
0xef: {  	[tilespmem:s17+$0x4010] =	vst v7  }
0xf0: {  	[tilespmem:s17+$0x4210] =	vst v8;
	s17 =	simm.s32 $0x0  }
0xf1: {  	v10 =	vld [tilespmem:s17+$0x4010]  }
0xf2: {  	v11 =	vld [tilespmem:s17+$0x4000];
	_ =	sdelay $0x1  }
0xf3: {  	v7 =	vld [tilespmem:s17+$0x4210]  }
0xf4: {  	v8 =	vld [tilespmem:s17+$0x4200];
	_ =	sdelay $0x1  }
0xf5: {  	s18 =	simm.s32 $0x80;
	s19 =	simm.s32 $0x100;
	vm1 =	vle.f32 v11, v10;
	v9 =	vmin.f32 v11, v10;
	v10 =	vmax.f32 v11, v10  }
.LBB2_17:
0xf6: {  	p0 =	sne.s32 s19, $0x780  }
0xf7: {  	s20 =	sshra.s32 s18, $0x2;
	[tilespmem:s17+$0x4010] =	vst v10;
	s18 =	smov.u32 s19;
	s19 =	sadd.s32 $0x80, s19  }
0xf8: {  	v10 =	vld [tilespmem:s20+$0x4010];
	[tilespmem:s17+$0x4000] =	vst v9;
	v9 =	vsel vm1, v8, v7;
	v7 =	vsel vm1, v7, v8  }
0xf9: {  	v11 =	vld [tilespmem:s20+$0x4000];
	[tilespmem:s17+$0x4210] =	vst v7  }
.Ltmp8:
0xfa: {  	v7 =	vld [tilespmem:s20+$0x4210];
	[tilespmem:s17+$0x4200] =	vst v9;
	s17 =	smov.u32 s20;
	(pc) =	sbr.rel @p0 .LBB2_17-.Ltmp8, $2  }
0xfb: {  	v8 =	vld [tilespmem:s17+$0x4200];
	_ =	sdelay $0x2  }
0xfc: {  	vm1 =	vle.f32 v11, v10;
	v9 =	vmin.f32 v11, v10;
	v10 =	vmax.f32 v11, v10  }
0xfd: {  	s18 =	sshra.s32 s18, $0x2;
	[tilespmem:s17+$0x4010] =	vst v10  }
0xfe: {  	v10 =	vld [tilespmem:s18+$0x4010];
	[tilespmem:s17+$0x4000] =	vst v9;
	v61 =	vsel vm1, v7, v8  }
0xff: {  	v7 =	vsel vm1, v8, v7;
	v11 =	vld [tilespmem:s18+$0x4000];
	[tilespmem:s17+$0x4210] =	vst v61  }
0x100: {  	v8 =	vld [tilespmem:s18+$0x4210];
	[tilespmem:s17+$0x4200] =	vst v7  }
0x101: {  	v7 =	vld [tilespmem:s18+$0x4200];
	_ =	sdelay $0x2  }
0x102: {  	v62 =	vmax.f32 v11, v10  }
0x103: {  	vm1 =	vle.f32 v11, v10;
	v10 =	vmin.f32 v11, v10;
	[tilespmem:s18+$0x4010] =	vst v62  }
0x104: {  	[tilespmem:s18+$0x4000] =	vst v10;
	v63 =	vsel vm1, v8, v7  }
0x105: {  	v7 =	vsel vm1, v7, v8;
	[tilespmem:s18+$0x4210] =	vst v63  }
0x106: {  	s17 =	simm.s32 $0x0;
	[tilespmem:s18+$0x4200] =	vst v7  }
0x107: {  	v7 =	vld [tilespmem:s17+$0x4000]  }
0x108: {  	v8 =	vld [tilespmem:s17+$0x4200];
	_ =	sdelay $0x4  }
0x109: {  	s18 =	simm.s32 $0x40;
	(xrf1) =	vsort.ascd.msk.f32 $0xffff, v7, v8  }
.LBB2_19:
0x10a: {  	_ =	sdelay $0xc  }
0x10b: {  	p0 =	sne.s32 s18, $0x7C0;
	s19 =	smov.u32 s18;
	s18 =	sadd.s32 $0x40, s18;
	v7, v8, _ =	vpop (xrf1)  }
0x10c: {  	s19 =	sshra.s32 s19, $0x2;
	[tilespmem:s17+$0x4000] =	vst v7  }
0x10d: {  	v7 =	vld [tilespmem:s19+$0x4000];
	[tilespmem:s17+$0x4200] =	vst v8;
	s17 =	smov.u32 s19  }
0x10e: {  	v8 =	vld [tilespmem:s17+$0x4200]  }
.Ltmp9:
0x10f: {  	(pc) =	sbr.rel @p0 .LBB2_19-.Ltmp9, $2  }
0x110: {  	_ =	sdelay $0x2  }
0x111: {  	(xrf1) =	vsort.ascd.msk.f32 $0xffff, v7, v8  }
0x112: {  	_ =	sdelay $0xc  }
0x113: {  	v7, v8, _ =	vpop (xrf1)  }
0x114: {  	[tilespmem:s17+$0x4000] =	vst v7  }
0x115: {  	[tilespmem:s17+$0x4200] =	vst v8  }
0x116: {  	v7 =	vld [tilespmem:$0x4030]  }
0x117: {  	v8 =	vld [tilespmem:$0x4230]  }
0x118: {  	v9 =	vld [tilespmem:$0x4020]  }
0x119: {  	v10 =	vld [tilespmem:$0x4220]  }
0x11a: {  	v11 =	vld [tilespmem:$0x4070]  }
0x11b: {  	v12 =	vld [tilespmem:$0x4270];
	v7 =	vperm.xlane v7, v6  }
0x11c: {  	v13 =	vld [tilespmem:$0x4060];
	v8 =	vperm.xlane v8, v6  }
0x11d: {  	[tilespmem:$0x4020] =	vst v7;
	v7 =	vperm.xlane v9, v6;
	v9 =	vld [tilespmem:$0x4260]  }
0x11e: {  	[tilespmem:$0x4220] =	vst v8;
	v8 =	vperm.xlane v10, v6;
	v10 =	vld [tilespmem:$0x40B0]  }
0x11f: {  	[tilespmem:$0x4030] =	vst v7;
	v7 =	vperm.xlane v11, v6;
	v11 =	vld [tilespmem:$0x42B0]  }
0x120: {  	v54 =	vld [tilespmem:$0x40A0];
	[tilespmem:$0x4230] =	vst v8;
	v8 =	vperm.xlane v12, v6  }
0x121: {  	v55 =	vld [tilespmem:$0x42A0];
	[tilespmem:$0x4060] =	vst v7;
	v7 =	vperm.xlane v13, v6  }
0x122: {  	[tilespmem:$0x4260] =	vst v8;
	v8 =	vperm.xlane v9, v6;
	v9 =	vld [tilespmem:$0x40F0]  }
0x123: {  	[tilespmem:$0x4070] =	vst v7;
	v7 =	vperm.xlane v10, v6;
	v10 =	vld [tilespmem:$0x42F0]  }
0x124: {  	[tilespmem:$0x4270] =	vst v8;
	v8 =	vperm.xlane v11, v6;
	v11 =	vld [tilespmem:$0x40E0]  }
0x125: {  	v56 =	vld [tilespmem:$0x42E0];
	[tilespmem:$0x40A0] =	vst v7;
	v7 =	vperm.xlane v54, v6  }
0x126: {  	v57 =	vld [tilespmem:$0x4130];
	[tilespmem:$0x42A0] =	vst v8;
	v8 =	vperm.xlane v55, v6  }
0x127: {  	[tilespmem:$0x40B0] =	vst v7;
	v7 =	vperm.xlane v9, v6;
	v9 =	vld [tilespmem:$0x4330]  }
0x128: {  	[tilespmem:$0x42B0] =	vst v8;
	v8 =	vperm.xlane v10, v6;
	v10 =	vld [tilespmem:$0x4120]  }
0x129: {  	[tilespmem:$0x40E0] =	vst v7;
	v7 =	vperm.xlane v11, v6;
	v11 =	vld [tilespmem:$0x4320]  }
0x12a: {  	v58 =	vld [tilespmem:$0x4170];
	[tilespmem:$0x42E0] =	vst v8;
	v8 =	vperm.xlane v56, v6  }
0x12b: {  	v59 =	vld [tilespmem:$0x4370];
	[tilespmem:$0x40F0] =	vst v7;
	v7 =	vperm.xlane v57, v6  }
0x12c: {  	[tilespmem:$0x42F0] =	vst v8;
	v8 =	vperm.xlane v9, v6;
	v9 =	vld [tilespmem:$0x4160]  }
0x12d: {  	[tilespmem:$0x4120] =	vst v7;
	v7 =	vperm.xlane v10, v6;
	v10 =	vld [tilespmem:$0x4360]  }
0x12e: {  	[tilespmem:$0x4320] =	vst v8;
	v8 =	vperm.xlane v11, v6;
	v11 =	vld [tilespmem:$0x41B0]  }
0x12f: {  	v60 =	vld [tilespmem:$0x43B0];
	[tilespmem:$0x4130] =	vst v7;
	v7 =	vperm.xlane v58, v6  }
0x130: {  	v61 =	vld [tilespmem:$0x41A0];
	[tilespmem:$0x4330] =	vst v8;
	v8 =	vperm.xlane v59, v6  }
0x131: {  	[tilespmem:$0x4160] =	vst v7;
	v7 =	vperm.xlane v9, v6;
	v9 =	vld [tilespmem:$0x43A0]  }
0x132: {  	[tilespmem:$0x4360] =	vst v8;
	v8 =	vperm.xlane v10, v6;
	v10 =	vld [tilespmem:$0x41F0]  }
0x133: {  	[tilespmem:$0x4170] =	vst v7;
	v7 =	vperm.xlane v11, v6;
	v11 =	vld [tilespmem:$0x43F0]  }
0x134: {  	v62 =	vld [tilespmem:$0x41E0];
	[tilespmem:$0x4370] =	vst v8;
	v8 =	vperm.xlane v60, v6  }
0x135: {  	v63 =	vld [tilespmem:$0x43E0];
	[tilespmem:$0x41A0] =	vst v7;
	v7 =	vperm.xlane v61, v6  }
0x136: {  	[tilespmem:$0x43A0] =	vst v8;
	v8 =	vperm.xlane v9, v6  }
0x137: {  	[tilespmem:$0x41B0] =	vst v7;
	v7 =	vperm.xlane v10, v6  }
0x138: {  	[tilespmem:$0x43B0] =	vst v8;
	v8 =	vperm.xlane v11, v6  }
0x139: {  	s31 =	simm.s32 $0x0;
	[tilespmem:$0x41E0] =	vst v7;
	v7 =	vperm.xlane v62, v6  }
0x13a: {  	s18 =	sand.u32 $0x1, s31;
	s17 =	sand.u32 $0x1C, s31;
	[tilespmem:$0x43E0] =	vst v8;
	v8 =	vperm.xlane v63, v6  }
0x13b: {  	s17 =	sor.u32 s18, s17;
	[tilespmem:$0x41F0] =	vst v7  }
0x13c: {  	s17 =	sshll.u32 s17, $0x4;
	[tilespmem:$0x43F0] =	vst v8  }
0x13d: {  	v9 =	vld [tilespmem:s17+$0x4000]  }
0x13e: {  	v11 =	vld [tilespmem:s17+$0x4020];
	_ =	sdelay $0x1  }
0x13f: {  	v7 =	vld [tilespmem:s17+$0x4200]  }
0x140: {  	s19 =	simm.s32 $0x1;
	s18 =	simm.s32 $0x2;
	v8 =	vld [tilespmem:s17+$0x4220]  }
0x141: {  	s20 =	sand.u32 $0x1, s19;
	s21 =	sand.u32 $0x1C, s18  }
0x142: {  	s19 =	simm.s32 $0x2;
	s20 =	sor.u32 s20, s21;
	vm1 =	vle.f32 v9, v11;
	v10 =	vmin.f32 v9, v11;
	v9 =	vmax.f32 v9, v11  }
.LBB2_21:
0x143: {  	p0 =	sne.s32 s19, $0xF  }
0x144: {  	s20 =	sshll.u32 s20, $0x4;
	[tilespmem:s17+$0x4000] =	vst v10;
	s21 =	smov.u32 s19;
	s19 =	sadd.s32 $0x1, s19  }
0x145: {  	v11 =	vld [tilespmem:s20+$0x4000];
	[tilespmem:s17+$0x4020] =	vst v9;
	v9 =	vsel vm1, v7, v8;
	v8 =	vsel vm1, v8, v7  }
0x146: {  	v12 =	vld [tilespmem:s20+$0x4020];
	[tilespmem:s17+$0x4200] =	vst v9  }
.Ltmp10:
0x147: {  	v7 =	vld [tilespmem:s20+$0x4200];
	[tilespmem:s17+$0x4220] =	vst v8;
	s17 =	smov.u32 s20;
	(pc) =	sbr.rel @p0 .LBB2_21-.Ltmp10, $4  }
0x148: {  	v8 =	vld [tilespmem:s17+$0x4220]  }
0x149: {  	s18 =	sadd.s32 $0x2, s18  }
0x14a: {  	s20 =	sand.u32 $0x1, s21;
	s21 =	sand.u32 $0x1C, s18  }
0x14b: {  	s20 =	sor.u32 s20, s21;
	vm1 =	vle.f32 v11, v12;
	v10 =	vmin.f32 v11, v12;
	v9 =	vmax.f32 v11, v12  }
0x14c: {  	s18 =	sshll.u32 s20, $0x4;
	[tilespmem:s17+$0x4000] =	vst v10  }
0x14d: {  	v10 =	vld [tilespmem:s18+$0x4000];
	[tilespmem:s17+$0x4020] =	vst v9;
	v9 =	vsel vm1, v7, v8  }
0x14e: {  	v7 =	vsel vm1, v8, v7;
	v11 =	vld [tilespmem:s18+$0x4020];
	[tilespmem:s17+$0x4200] =	vst v9  }
0x14f: {  	v8 =	vld [tilespmem:s18+$0x4200];
	[tilespmem:s17+$0x4220] =	vst v7  }
0x150: {  	v7 =	vld [tilespmem:s18+$0x4220];
	_ =	sdelay $0x2  }
0x151: {  	v9 =	vmin.f32 v10, v11  }
0x152: {  	vm1 =	vle.f32 v10, v11;
	v10 =	vmax.f32 v10, v11;
	[tilespmem:s18+$0x4000] =	vst v9  }
0x153: {  	[tilespmem:s18+$0x4020] =	vst v10;
	v9 =	vsel vm1, v8, v7  }
0x154: {  	v7 =	vsel vm1, v7, v8;
	[tilespmem:s18+$0x4200] =	vst v9  }
0x155: {  	s17 =	simm.s32 $0x0;
	[tilespmem:s18+$0x4220] =	vst v7  }
0x156: {  	v10 =	vld [tilespmem:s17+$0x4010]  }
0x157: {  	v11 =	vld [tilespmem:s17+$0x4000];
	_ =	sdelay $0x1  }
0x158: {  	v7 =	vld [tilespmem:s17+$0x4210]  }
0x159: {  	v8 =	vld [tilespmem:s17+$0x4200];
	_ =	sdelay $0x1  }
0x15a: {  	s19 =	simm.s32 $0x100;
	s18 =	simm.s32 $0x80;
	vm1 =	vle.f32 v11, v10;
	v9 =	vmin.f32 v11, v10;
	v10 =	vmax.f32 v11, v10  }
.LBB2_23:
0x15b: {  	p0 =	sne.s32 s19, $0x780  }
0x15c: {  	s20 =	sshra.s32 s18, $0x2;
	[tilespmem:s17+$0x4010] =	vst v10;
	s18 =	smov.u32 s19;
	s19 =	sadd.s32 $0x80, s19  }
0x15d: {  	v10 =	vld [tilespmem:s20+$0x4010];
	[tilespmem:s17+$0x4000] =	vst v9;
	v9 =	vsel vm1, v8, v7;
	v7 =	vsel vm1, v7, v8  }
0x15e: {  	v11 =	vld [tilespmem:s20+$0x4000];
	[tilespmem:s17+$0x4210] =	vst v7  }
.Ltmp11:
0x15f: {  	v7 =	vld [tilespmem:s20+$0x4210];
	[tilespmem:s17+$0x4200] =	vst v9;
	s17 =	smov.u32 s20;
	(pc) =	sbr.rel @p0 .LBB2_23-.Ltmp11, $2  }
0x160: {  	v8 =	vld [tilespmem:s17+$0x4200];
	_ =	sdelay $0x2  }
0x161: {  	vm1 =	vle.f32 v11, v10;
	v9 =	vmin.f32 v11, v10;
	v10 =	vmax.f32 v11, v10  }
0x162: {  	s18 =	sshra.s32 s18, $0x2;
	[tilespmem:s17+$0x4010] =	vst v10  }
0x163: {  	v10 =	vld [tilespmem:s18+$0x4010];
	[tilespmem:s17+$0x4000] =	vst v9;
	v61 =	vsel vm1, v7, v8  }
0x164: {  	v7 =	vsel vm1, v8, v7;
	v11 =	vld [tilespmem:s18+$0x4000];
	[tilespmem:s17+$0x4210] =	vst v61  }
0x165: {  	v8 =	vld [tilespmem:s18+$0x4210];
	[tilespmem:s17+$0x4200] =	vst v7  }
0x166: {  	v7 =	vld [tilespmem:s18+$0x4200];
	_ =	sdelay $0x2  }
0x167: {  	v62 =	vmax.f32 v11, v10  }
0x168: {  	vm1 =	vle.f32 v11, v10;
	v10 =	vmin.f32 v11, v10;
	[tilespmem:s18+$0x4010] =	vst v62  }
0x169: {  	[tilespmem:s18+$0x4000] =	vst v10;
	v63 =	vsel vm1, v8, v7  }
0x16a: {  	v7 =	vsel vm1, v7, v8;
	[tilespmem:s18+$0x4210] =	vst v63  }
0x16b: {  	s17 =	simm.s32 $0x0;
	[tilespmem:s18+$0x4200] =	vst v7  }
0x16c: {  	v7 =	vld [tilespmem:s17+$0x4000]  }
0x16d: {  	v8 =	vld [tilespmem:s17+$0x4200];
	_ =	sdelay $0x4  }
0x16e: {  	s18 =	simm.s32 $0x40;
	(xrf1) =	vsort.ascd.msk.f32 $0xffff, v7, v8  }
.LBB2_25:
0x16f: {  	_ =	sdelay $0xc  }
0x170: {  	p0 =	sne.s32 s18, $0x7C0;
	s19 =	smov.u32 s18;
	s18 =	sadd.s32 $0x40, s18;
	v7, v8, _ =	vpop (xrf1)  }
0x171: {  	s19 =	sshra.s32 s19, $0x2;
	[tilespmem:s17+$0x4000] =	vst v7  }
0x172: {  	v7 =	vld [tilespmem:s19+$0x4000];
	[tilespmem:s17+$0x4200] =	vst v8;
	s17 =	smov.u32 s19  }
0x173: {  	v8 =	vld [tilespmem:s17+$0x4200]  }
.Ltmp12:
0x174: {  	(pc) =	sbr.rel @p0 .LBB2_25-.Ltmp12, $2  }
0x175: {  	_ =	sdelay $0x2  }
0x176: {  	(xrf1) =	vsort.ascd.msk.f32 $0xffff, v7, v8  }
0x177: {  	_ =	sdelay $0xc  }
0x178: {  	v7, v8, _ =	vpop (xrf1)  }
0x179: {  	[tilespmem:s17+$0x4000] =	vst v7  }
0x17a: {  	[tilespmem:s17+$0x4200] =	vst v8  }
0x17b: {  	v8 =	vld [tilespmem:$0x4070]  }
0x17c: {  	v9 =	vld [tilespmem:$0x4270]  }
0x17d: {  	v7 =	vld [tilespmem:$0x4040]  }
0x17e: {  	v10 =	vld [tilespmem:$0x4240]  }
0x17f: {  	v12 =	vld [tilespmem:$0x4060]  }
0x180: {  	v13 =	vld [tilespmem:$0x4260];
	v8 =	vperm.xlane v8, v6  }
0x181: {  	v11 =	vld [tilespmem:$0x4050];
	v9 =	vperm.xlane v9, v6  }
0x182: {  	v14 =	vld [tilespmem:$0x4250];
	v7 =	vperm.xlane v7, v6;
	[tilespmem:$0x4040] =	vst v8  }
0x183: {  	[tilespmem:$0x4240] =	vst v9;
	v9 =	vperm.xlane v10, v6;
	v10 =	vld [tilespmem:$0x40F0]  }
0x184: {  	v51 =	vld [tilespmem:$0x42F0];
	[tilespmem:$0x4070] =	vst v7;
	v7 =	vperm.xlane v12, v6  }
0x185: {  	v8 =	vld [tilespmem:$0x40C0];
	[tilespmem:$0x4270] =	vst v9;
	v9 =	vperm.xlane v13, v6  }
0x186: {  	v52 =	vld [tilespmem:$0x42C0];
	[tilespmem:$0x4050] =	vst v7;
	v7 =	vperm.xlane v11, v6  }
0x187: {  	v53 =	vld [tilespmem:$0x40E0];
	[tilespmem:$0x4250] =	vst v9;
	v9 =	vperm.xlane v14, v6  }
0x188: {  	[tilespmem:$0x4060] =	vst v7;
	v7 =	vperm.xlane v10, v6;
	v10 =	vld [tilespmem:$0x42E0]  }
0x189: {  	v11 =	vld [tilespmem:$0x40D0];
	[tilespmem:$0x4260] =	vst v9;
	v9 =	vperm.xlane v51, v6  }
0x18a: {  	v54 =	vld [tilespmem:$0x42D0];
	[tilespmem:$0x40C0] =	vst v7;
	v7 =	vperm.xlane v8, v6  }
0x18b: {  	v55 =	vld [tilespmem:$0x4170];
	[tilespmem:$0x42C0] =	vst v9;
	v9 =	vperm.xlane v52, v6  }
0x18c: {  	v56 =	vld [tilespmem:$0x4370];
	[tilespmem:$0x40F0] =	vst v7;
	v7 =	vperm.xlane v53, v6  }
0x18d: {  	v8 =	vld [tilespmem:$0x4140];
	[tilespmem:$0x42F0] =	vst v9;
	v9 =	vperm.xlane v10, v6  }
0x18e: {  	v10 =	vld [tilespmem:$0x4340];
	[tilespmem:$0x40D0] =	vst v7;
	v7 =	vperm.xlane v11, v6  }
0x18f: {  	v57 =	vld [tilespmem:$0x4160];
	[tilespmem:$0x42D0] =	vst v9;
	v9 =	vperm.xlane v54, v6  }
0x190: {  	v58 =	vld [tilespmem:$0x4360];
	[tilespmem:$0x40E0] =	vst v7;
	v7 =	vperm.xlane v55, v6  }
0x191: {  	v11 =	vld [tilespmem:$0x4150];
	[tilespmem:$0x42E0] =	vst v9;
	v9 =	vperm.xlane v56, v6  }
0x192: {  	v59 =	vld [tilespmem:$0x4350];
	[tilespmem:$0x4140] =	vst v7;
	v7 =	vperm.xlane v8, v6  }
0x193: {  	[tilespmem:$0x4340] =	vst v9;
	v9 =	vperm.xlane v10, v6;
	v10 =	vld [tilespmem:$0x41F0]  }
0x194: {  	v60 =	vld [tilespmem:$0x43F0];
	[tilespmem:$0x4170] =	vst v7;
	v7 =	vperm.xlane v57, v6  }
0x195: {  	v61 =	vld [tilespmem:$0x43C0];
	[tilespmem:$0x4370] =	vst v9;
	v9 =	vperm.xlane v58, v6  }
0x196: {  	[tilespmem:$0x4150] =	vst v7;
	v7 =	vperm.xlane v11, v6;
	v11 =	vld [tilespmem:$0x41E0]  }
0x197: {  	v62 =	vld [tilespmem:$0x43E0];
	[tilespmem:$0x4350] =	vst v9;
	v9 =	vperm.xlane v59, v6  }
0x198: {  	[tilespmem:$0x4160] =	vst v7;
	v7 =	vperm.xlane v10, v6;
	v10 =	vld [tilespmem:$0x41D0]  }
0x199: {  	v63 =	vld [tilespmem:$0x43D0];
	[tilespmem:$0x4360] =	vst v9;
	v9 =	vperm.xlane v60, v6  }
0x19a: {  	v8 =	vld [tilespmem:$0x41C0];
	[tilespmem:$0x41C0] =	vst v7;
	v7 =	vperm.xlane v61, v6  }
0x19b: {  	[tilespmem:$0x43C0] =	vst v9;
	v9 =	vperm.xlane v11, v6  }
0x19c: {  	[tilespmem:$0x43F0] =	vst v7;
	v7 =	vperm.xlane v62, v6  }
0x19d: {  	s17 =	simm.s32 $0x0;
	[tilespmem:$0x41D0] =	vst v9;
	v9 =	vperm.xlane v10, v6  }
0x19e: {  	s18 =	sand.u32 $0x3, s17;
	s19 =	sand.u32 $0x18, s17;
	[tilespmem:$0x43D0] =	vst v7;
	v7 =	vperm.xlane v63, v6  }
0x19f: {  	s18 =	sor.u32 s18, s19;
	v8 =	vperm.xlane v8, v6;
	[tilespmem:$0x41E0] =	vst v9  }
0x1a0: {  	s19 =	sshll.u32 s18, $0x4;
	[tilespmem:$0x43E0] =	vst v7  }
0x1a1: {  	[tilespmem:$0x41F0] =	vst v8;
	v9 =	vld [tilespmem:s19+$0x4000]  }
0x1a2: {  	v11 =	vld [tilespmem:s19+$0x4040];
	_ =	sdelay $0x1  }
0x1a3: {  	v7 =	vld [tilespmem:s19+$0x4200]  }
0x1a4: {  	s20 =	simm.s32 $0x2;
	s18 =	simm.s32 $0x1;
	v8 =	vld [tilespmem:s19+$0x4240]  }
0x1a5: {  	s23 =	sand.u32 $0x18, s20;
	s22 =	sand.u32 $0x3, s18  }
0x1a6: {  	s21 =	simm.s32 $0x2;
	s22 =	sor.u32 s22, s23;
	vm1 =	vle.f32 v9, v11;
	v10 =	vmin.f32 v9, v11;
	v9 =	vmax.f32 v9, v11  }
.LBB2_27:
0x1a7: {  	p0 =	sne.s32 s21, $0xF  }
0x1a8: {  	s22 =	sshll.u32 s22, $0x4;
	[tilespmem:s19+$0x4000] =	vst v10;
	s23 =	smov.u32 s21;
	s21 =	sadd.s32 $0x1, s21  }
0x1a9: {  	v11 =	vld [tilespmem:s22+$0x4000];
	[tilespmem:s19+$0x4040] =	vst v9;
	v9 =	vsel vm1, v7, v8;
	v8 =	vsel vm1, v8, v7  }
0x1aa: {  	v12 =	vld [tilespmem:s22+$0x4040];
	[tilespmem:s19+$0x4200] =	vst v9  }
.Ltmp13:
0x1ab: {  	v7 =	vld [tilespmem:s22+$0x4200];
	[tilespmem:s19+$0x4240] =	vst v8;
	s19 =	smov.u32 s22;
	(pc) =	sbr.rel @p0 .LBB2_27-.Ltmp13, $4  }
0x1ac: {  	v8 =	vld [tilespmem:s19+$0x4240]  }
0x1ad: {  	s20 =	sadd.s32 $0x2, s20  }
0x1ae: {  	s22 =	sand.u32 $0x3, s23;
	s23 =	sand.u32 $0x18, s20  }
0x1af: {  	s22 =	sor.u32 s22, s23;
	vm1 =	vle.f32 v11, v12;
	v10 =	vmin.f32 v11, v12;
	v9 =	vmax.f32 v11, v12  }
0x1b0: {  	s20 =	sshll.u32 s22, $0x4;
	[tilespmem:s19+$0x4000] =	vst v10  }
0x1b1: {  	[tilespmem:s19+$0x4040] =	vst v9;
	v10 =	vld [tilespmem:s20+$0x4000];
	v9 =	vsel vm1, v7, v8  }
0x1b2: {  	v11 =	vld [tilespmem:s20+$0x4040];
	v7 =	vsel vm1, v8, v7;
	[tilespmem:s19+$0x4200] =	vst v9  }
0x1b3: {  	[tilespmem:s19+$0x4240] =	vst v7;
	v8 =	vld [tilespmem:s20+$0x4200]  }
0x1b4: {  	v7 =	vld [tilespmem:s20+$0x4240];
	_ =	sdelay $0x2  }
0x1b5: {  	v9 =	vmin.f32 v10, v11  }
0x1b6: {  	vm1 =	vle.f32 v10, v11;
	v10 =	vmax.f32 v10, v11;
	[tilespmem:s20+$0x4000] =	vst v9  }
0x1b7: {  	s29 =	sand.u32 $0x1, s17;
	s30 =	sand.u32 $0x1C, s17;
	[tilespmem:s20+$0x4040] =	vst v10;
	v9 =	vsel vm1, v8, v7  }
0x1b8: {  	s17 =	sor.u32 s29, s30;
	v7 =	vsel vm1, v7, v8;
	[tilespmem:s20+$0x4200] =	vst v9  }
0x1b9: {  	s17 =	sshll.u32 s17, $0x4;
	[tilespmem:s20+$0x4240] =	vst v7  }
0x1ba: {  	v9 =	vld [tilespmem:s17+$0x4000]  }
0x1bb: {  	v11 =	vld [tilespmem:s17+$0x4020];
	_ =	sdelay $0x1  }
0x1bc: {  	v7 =	vld [tilespmem:s17+$0x4200]  }
0x1bd: {  	s19 =	simm.s32 $0x2;
	v8 =	vld [tilespmem:s17+$0x4220]  }
0x1be: {  	s31 =	sand.u32 $0x1, s18;
	s21 =	sand.u32 $0x1C, s19  }
0x1bf: {  	s18 =	simm.s32 $0x2;
	s20 =	sor.u32 s31, s21;
	vm1 =	vle.f32 v9, v11;
	v10 =	vmin.f32 v9, v11;
	v9 =	vmax.f32 v9, v11  }
.LBB2_29:
0x1c0: {  	p0 =	sne.s32 s18, $0xF  }
0x1c1: {  	s20 =	sshll.u32 s20, $0x4;
	[tilespmem:s17+$0x4000] =	vst v10;
	s21 =	smov.u32 s18;
	s18 =	sadd.s32 $0x1, s18  }
0x1c2: {  	v11 =	vld [tilespmem:s20+$0x4000];
	[tilespmem:s17+$0x4020] =	vst v9;
	v9 =	vsel vm1, v7, v8;
	v8 =	vsel vm1, v8, v7  }
0x1c3: {  	v12 =	vld [tilespmem:s20+$0x4020];
	[tilespmem:s17+$0x4200] =	vst v9  }
.Ltmp14:
0x1c4: {  	v7 =	vld [tilespmem:s20+$0x4200];
	[tilespmem:s17+$0x4220] =	vst v8;
	s17 =	smov.u32 s20;
	(pc) =	sbr.rel @p0 .LBB2_29-.Ltmp14, $4  }
0x1c5: {  	v8 =	vld [tilespmem:s17+$0x4220]  }
0x1c6: {  	s19 =	sadd.s32 $0x2, s19  }
0x1c7: {  	s20 =	sand.u32 $0x1, s21;
	s21 =	sand.u32 $0x1C, s19  }
0x1c8: {  	s20 =	sor.u32 s20, s21;
	vm1 =	vle.f32 v11, v12;
	v10 =	vmin.f32 v11, v12;
	v9 =	vmax.f32 v11, v12  }
0x1c9: {  	s18 =	sshll.u32 s20, $0x4;
	[tilespmem:s17+$0x4000] =	vst v10  }
0x1ca: {  	v10 =	vld [tilespmem:s18+$0x4000];
	[tilespmem:s17+$0x4020] =	vst v9;
	v9 =	vsel vm1, v7, v8  }
0x1cb: {  	v7 =	vsel vm1, v8, v7;
	v11 =	vld [tilespmem:s18+$0x4020];
	[tilespmem:s17+$0x4200] =	vst v9  }
0x1cc: {  	v8 =	vld [tilespmem:s18+$0x4200];
	[tilespmem:s17+$0x4220] =	vst v7  }
0x1cd: {  	v7 =	vld [tilespmem:s18+$0x4220];
	_ =	sdelay $0x1  }
0x1ce: {  	p1 =	por $0x1, $0x1  }
.Ltmp15:
0x1cf: {  	v9 =	vmin.f32 v10, v11;
	(pc) =	sbr.rel @!p1 .LBB2_35-.Ltmp15, $4  }
0x1d0: {  	vm1 =	vle.f32 v10, v11;
	v10 =	vmax.f32 v10, v11;
	[tilespmem:s18+$0x4000] =	vst v9  }
0x1d1: {  	[tilespmem:s18+$0x4020] =	vst v10;
	v9 =	vsel vm1, v8, v7  }
0x1d2: {  	v7 =	vsel vm1, v7, v8;
	[tilespmem:s18+$0x4200] =	vst v9  }
0x1d3: {  	s19 =	simm.s32 $0x0;
	p0 =	por $0x0, $0x0;
	[tilespmem:s18+$0x4220] =	vst v7;
	s18 =	simm.s32 $0x80  }
0x1d4: {  	s17 =	simm.s32 $0x0  }
0x1d5: {  	v10 =	vld [tilespmem:s17+$0x4010]  }
0x1d6: {  	p1 =	por $0x1, $0x1;
	v11 =	vld [tilespmem:s17+$0x4000]  }
.Ltmp16:
0x1d7: {  	_ = 	snop;
	(pc) =	sbr.rel @!p1 .LBB2_32-.Ltmp16, $3  }
0x1d8: {  	v7 =	vld [tilespmem:s17+$0x4210]  }
0x1d9: {  	v8 =	vld [tilespmem:s17+$0x4200];
	_ =	sdelay $0x1  }
0x1da: {  	s19 =	simm.s32 $0x100;
	p0 =	por $0x1, $0x1;
	vm1 =	vle.f32 v11, v10;
	v9 =	vmin.f32 v11, v10;
	v10 =	vmax.f32 v11, v10  }
.LBB2_33:
0x1db: {  	p1 =	sne.s32 s19, $0x780  }
0x1dc: {  	s20 =	sshra.s32 s18, $0x2;
	[tilespmem:s17+$0x4010] =	vst v10;
	s18 =	smov.u32 s19;
	s19 =	sadd.s32 $0x80, s19  }
0x1dd: {  	v10 =	vld [tilespmem:s20+$0x4010];
	[tilespmem:s17+$0x4000] =	vst v9;
	v9 =	vsel vm1, v8, v7;
	v7 =	vsel vm1, v7, v8  }
0x1de: {  	v11 =	vld [tilespmem:s20+$0x4000];
	[tilespmem:s17+$0x4210] =	vst v7  }
.Ltmp17:
0x1df: {  	v7 =	vld [tilespmem:s20+$0x4210];
	[tilespmem:s17+$0x4200] =	vst v9;
	s17 =	smov.u32 s20;
	(pc) =	sbr.rel @p1 .LBB2_33-.Ltmp17, $2  }
0x1e0: {  	v8 =	vld [tilespmem:s17+$0x4200];
	_ =	sdelay $0x2  }
0x1e1: {  	vm1 =	vle.f32 v11, v10;
	v9 =	vmin.f32 v11, v10;
	v10 =	vmax.f32 v11, v10  }
0x1e2: {  	s19 =	smov.u32 s18  }
.LBB2_35:
0x1e3: {  	s18 =	sshra.s32 s19, $0x2;
	[tilespmem:s17+$0x4010] =	vst @p0 v10  }
0x1e4: {  	v10 =	vld [tilespmem:s18+$0x4010];
	[tilespmem:s17+$0x4000] =	vst @p0 v9;
	v9 =	vsel @p0 vm1, v7, v8  }
0x1e5: {  	v7 =	vsel @p0 vm1, v8, v7;
	v11 =	vld [tilespmem:s18+$0x4000];
	[tilespmem:s17+$0x4210] =	vst @p0 v9  }
0x1e6: {  	v8 =	vld [tilespmem:s18+$0x4210];
	[tilespmem:s17+$0x4200] =	vst @p0 v7  }
0x1e7: {  	v7 =	vld [tilespmem:s18+$0x4200];
	_ =	sdelay $0x2  }
0x1e8: {  	v62 =	vmax.f32 v11, v10  }
0x1e9: {  	vm1 =	vle.f32 v11, v10;
	v10 =	vmin.f32 v11, v10;
	[tilespmem:s18+$0x4010] =	vst v62  }
0x1ea: {  	[tilespmem:s18+$0x4000] =	vst v10;
	v63 =	vsel vm1, v8, v7  }
0x1eb: {  	v7 =	vsel vm1, v7, v8;
	[tilespmem:s18+$0x4210] =	vst v63  }
0x1ec: {  	s17 =	simm.s32 $0x0;
	[tilespmem:s18+$0x4200] =	vst v7  }
0x1ed: {  	v7 =	vld [tilespmem:s17+$0x4000]  }
0x1ee: {  	p0 =	por $0x1, $0x1;
	v8 =	vld [tilespmem:s17+$0x4200]  }
.Ltmp18:
0x1ef: {  	_ = 	snop;
	(pc) =	sbr.rel @!p0 .LBB2_37-.Ltmp18, $2  }
0x1f0: {  	_ =	sdelay $0x2  }
0x1f1: {  	s18 =	simm.s32 $0x40;
	(xrf1) =	vsort.ascd.msk.f32 $0xffff, v7, v8  }
.LBB2_36:
0x1f2: {  	_ =	sdelay $0xc  }
0x1f3: {  	p0 =	sne.s32 s18, $0x7C0;
	s19 =	smov.u32 s18;
	s18 =	sadd.s32 $0x40, s18;
	v7, v8, _ =	vpop (xrf1)  }
0x1f4: {  	s19 =	sshra.s32 s19, $0x2;
	[tilespmem:s17+$0x4000] =	vst v7  }
0x1f5: {  	v7 =	vld [tilespmem:s19+$0x4000];
	[tilespmem:s17+$0x4200] =	vst v8;
	s17 =	smov.u32 s19  }
0x1f6: {  	v8 =	vld [tilespmem:s17+$0x4200]  }
.Ltmp19:
0x1f7: {  	(pc) =	sbr.rel @p0 .LBB2_36-.Ltmp19, $2  }
0x1f8: {  	_ =	sdelay $0x2  }
0x1f9: {  	(xrf1) =	vsort.ascd.msk.f32 $0xffff, v7, v8  }
.LBB2_37:
0x1fa: {  	_ =	sdelay $0xc  }
0x1fb: {  	v7, v8, _ =	vpop (xrf1)  }
0x1fc: {  	[tilespmem:s17+$0x4000] =	vst v7  }
0x1fd: {  	[tilespmem:s17+$0x4200] =	vst v8  }
0x1fe: {  	v7 =	vld [tilespmem:$0x40F0]  }
0x1ff: {  	v8 =	vld [tilespmem:$0x42F0]  }
0x200: {  	v9 =	vld [tilespmem:$0x4080]  }
0x201: {  	v10 =	vld [tilespmem:$0x4280]  }
0x202: {  	v11 =	vld [tilespmem:$0x40E0]  }
0x203: {  	v12 =	vld [tilespmem:$0x42E0];
	v7 =	vperm.xlane v7, v6  }
0x204: {  	v13 =	vld [tilespmem:$0x4090];
	v8 =	vperm.xlane v8, v6  }
0x205: {  	[tilespmem:$0x4080] =	vst v7;
	v7 =	vperm.xlane v9, v6;
	v9 =	vld [tilespmem:$0x4290]  }
0x206: {  	[tilespmem:$0x4280] =	vst v8;
	v8 =	vperm.xlane v10, v6;
	v10 =	vld [tilespmem:$0x40D0]  }
0x207: {  	[tilespmem:$0x40F0] =	vst v7;
	v7 =	vperm.xlane v11, v6;
	v11 =	vld [tilespmem:$0x42D0]  }
0x208: {  	v54 =	vld [tilespmem:$0x40A0];
	[tilespmem:$0x42F0] =	vst v8;
	v8 =	vperm.xlane v12, v6  }
0x209: {  	v55 =	vld [tilespmem:$0x42A0];
	[tilespmem:$0x4090] =	vst v7;
	v7 =	vperm.xlane v13, v6  }
0x20a: {  	[tilespmem:$0x4290] =	vst v8;
	v8 =	vperm.xlane v9, v6;
	v9 =	vld [tilespmem:$0x40C0]  }
0x20b: {  	[tilespmem:$0x40E0] =	vst v7;
	v7 =	vperm.xlane v10, v6;
	v10 =	vld [tilespmem:$0x42C0]  }
0x20c: {  	[tilespmem:$0x42E0] =	vst v8;
	v8 =	vperm.xlane v11, v6;
	v11 =	vld [tilespmem:$0x40B0]  }
0x20d: {  	v56 =	vld [tilespmem:$0x42B0];
	[tilespmem:$0x40A0] =	vst v7;
	v7 =	vperm.xlane v54, v6  }
0x20e: {  	v57 =	vld [tilespmem:$0x41F0];
	[tilespmem:$0x42A0] =	vst v8;
	v8 =	vperm.xlane v55, v6  }
0x20f: {  	[tilespmem:$0x40D0] =	vst v7;
	v7 =	vperm.xlane v9, v6;
	v9 =	vld [tilespmem:$0x43F0]  }
0x210: {  	[tilespmem:$0x42D0] =	vst v8;
	v8 =	vperm.xlane v10, v6;
	v10 =	vld [tilespmem:$0x4180]  }
0x211: {  	[tilespmem:$0x40B0] =	vst v7;
	v7 =	vperm.xlane v11, v6;
	v11 =	vld [tilespmem:$0x4380]  }
0x212: {  	v58 =	vld [tilespmem:$0x41E0];
	[tilespmem:$0x42B0] =	vst v8;
	v8 =	vperm.xlane v56, v6  }
0x213: {  	v59 =	vld [tilespmem:$0x43E0];
	[tilespmem:$0x40C0] =	vst v7;
	v7 =	vperm.xlane v57, v6  }
0x214: {  	[tilespmem:$0x42C0] =	vst v8;
	v8 =	vperm.xlane v9, v6;
	v9 =	vld [tilespmem:$0x4190]  }
0x215: {  	[tilespmem:$0x4180] =	vst v7;
	v7 =	vperm.xlane v10, v6;
	v10 =	vld [tilespmem:$0x4390]  }
0x216: {  	[tilespmem:$0x4380] =	vst v8;
	v8 =	vperm.xlane v11, v6;
	v11 =	vld [tilespmem:$0x41D0]  }
0x217: {  	v60 =	vld [tilespmem:$0x43D0];
	[tilespmem:$0x41F0] =	vst v7;
	v7 =	vperm.xlane v58, v6  }
0x218: {  	v61 =	vld [tilespmem:$0x41A0];
	[tilespmem:$0x43F0] =	vst v8;
	v8 =	vperm.xlane v59, v6  }
0x219: {  	[tilespmem:$0x4190] =	vst v7;
	v7 =	vperm.xlane v9, v6;
	v9 =	vld [tilespmem:$0x43A0]  }
0x21a: {  	[tilespmem:$0x4390] =	vst v8;
	v8 =	vperm.xlane v10, v6;
	v10 =	vld [tilespmem:$0x41C0]  }
0x21b: {  	[tilespmem:$0x41E0] =	vst v7;
	v7 =	vperm.xlane v11, v6;
	v11 =	vld [tilespmem:$0x43C0]  }
0x21c: {  	v62 =	vld [tilespmem:$0x43B0];
	[tilespmem:$0x43E0] =	vst v8;
	v8 =	vperm.xlane v60, v6  }
0x21d: {  	v63 =	vld [tilespmem:$0x41B0];
	[tilespmem:$0x41A0] =	vst v7;
	v7 =	vperm.xlane v61, v6  }
0x21e: {  	[tilespmem:$0x43A0] =	vst v8;
	v8 =	vperm.xlane v9, v6  }
0x21f: {  	[tilespmem:$0x41D0] =	vst v7;
	v7 =	vperm.xlane v10, v6  }
0x220: {  	s17 =	simm.s32 $0x0;
	[tilespmem:$0x43D0] =	vst v8;
	v8 =	vperm.xlane v11, v6  }
0x221: {  	s18 =	sand.u32 $0x7, s17;
	s19 =	sand.u32 $0x10, s17;
	[tilespmem:$0x41B0] =	vst v7;
	v7 =	vperm.xlane v62, v6  }
0x222: {  	s18 =	sor.u32 s18, s19;
	[tilespmem:$0x43B0] =	vst v8;
	v8 =	vperm.xlane v63, v6  }
0x223: {  	s19 =	sshll.u32 s18, $0x4;
	[tilespmem:$0x43C0] =	vst v7  }
0x224: {  	[tilespmem:$0x41C0] =	vst v8;
	v9 =	vld [tilespmem:s19+$0x4000]  }
0x225: {  	v11 =	vld [tilespmem:s19+$0x4080];
	_ =	sdelay $0x1  }
0x226: {  	v7 =	vld [tilespmem:s19+$0x4200]  }
0x227: {  	s20 =	simm.s32 $0x2;
	s18 =	simm.s32 $0x1;
	v8 =	vld [tilespmem:s19+$0x4280]  }
0x228: {  	s23 =	sand.u32 $0x10, s20;
	s22 =	sand.u32 $0x7, s18  }
0x229: {  	s21 =	simm.s32 $0x2;
	s22 =	sor.u32 s22, s23;
	vm1 =	vle.f32 v9, v11;
	v10 =	vmin.f32 v9, v11;
	v9 =	vmax.f32 v9, v11  }
.LBB2_38:
0x22a: {  	p0 =	sne.s32 s21, $0xF  }
0x22b: {  	s22 =	sshll.u32 s22, $0x4;
	[tilespmem:s19+$0x4000] =	vst v10;
	s23 =	smov.u32 s21;
	s21 =	sadd.s32 $0x1, s21  }
0x22c: {  	v11 =	vld [tilespmem:s22+$0x4000];
	[tilespmem:s19+$0x4080] =	vst v9;
	v9 =	vsel vm1, v7, v8;
	v8 =	vsel vm1, v8, v7  }
0x22d: {  	v12 =	vld [tilespmem:s22+$0x4080];
	[tilespmem:s19+$0x4200] =	vst v9  }
.Ltmp20:
0x22e: {  	v7 =	vld [tilespmem:s22+$0x4200];
	[tilespmem:s19+$0x4280] =	vst v8;
	s19 =	smov.u32 s22;
	(pc) =	sbr.rel @p0 .LBB2_38-.Ltmp20, $4  }
0x22f: {  	v8 =	vld [tilespmem:s19+$0x4280]  }
0x230: {  	s20 =	sadd.s32 $0x2, s20  }
0x231: {  	s22 =	sand.u32 $0x7, s23;
	s23 =	sand.u32 $0x10, s20  }
0x232: {  	s22 =	sor.u32 s22, s23;
	vm1 =	vle.f32 v11, v12;
	v10 =	vmin.f32 v11, v12;
	v9 =	vmax.f32 v11, v12  }
0x233: {  	s20 =	sshll.u32 s22, $0x4;
	[tilespmem:s19+$0x4000] =	vst v10  }
0x234: {  	[tilespmem:s19+$0x4080] =	vst v9;
	v10 =	vld [tilespmem:s20+$0x4000];
	v9 =	vsel vm1, v7, v8  }
0x235: {  	v11 =	vld [tilespmem:s20+$0x4080];
	v7 =	vsel vm1, v8, v7;
	[tilespmem:s19+$0x4200] =	vst v9  }
0x236: {  	[tilespmem:s19+$0x4280] =	vst v7;
	v8 =	vld [tilespmem:s20+$0x4200]  }
0x237: {  	v7 =	vld [tilespmem:s20+$0x4280];
	_ =	sdelay $0x2  }
0x238: {  	v9 =	vmin.f32 v10, v11  }
0x239: {  	vm1 =	vle.f32 v10, v11;
	v10 =	vmax.f32 v10, v11;
	[tilespmem:s20+$0x4000] =	vst v9  }
0x23a: {  	s29 =	sand.u32 $0x3, s17;
	s30 =	sand.u32 $0x18, s17;
	[tilespmem:s20+$0x4080] =	vst v10;
	v9 =	vsel vm1, v8, v7  }
0x23b: {  	s17 =	sor.u32 s29, s30;
	v7 =	vsel vm1, v7, v8;
	[tilespmem:s20+$0x4200] =	vst v9  }
0x23c: {  	s17 =	sshll.u32 s17, $0x4;
	[tilespmem:s20+$0x4280] =	vst v7  }
0x23d: {  	v9 =	vld [tilespmem:s17+$0x4000]  }
0x23e: {  	v11 =	vld [tilespmem:s17+$0x4040];
	_ =	sdelay $0x1  }
0x23f: {  	v7 =	vld [tilespmem:s17+$0x4200]  }
0x240: {  	s19 =	simm.s32 $0x2;
	v8 =	vld [tilespmem:s17+$0x4240]  }
0x241: {  	s31 =	sand.u32 $0x3, s18;
	s21 =	sand.u32 $0x18, s19  }
0x242: {  	s18 =	simm.s32 $0x2;
	s20 =	sor.u32 s31, s21;
	vm1 =	vle.f32 v9, v11;
	v10 =	vmin.f32 v9, v11;
	v9 =	vmax.f32 v9, v11  }
.LBB2_40:
0x243: {  	p0 =	sne.s32 s18, $0xF  }
0x244: {  	s20 =	sshll.u32 s20, $0x4;
	[tilespmem:s17+$0x4000] =	vst v10;
	s21 =	smov.u32 s18;
	s18 =	sadd.s32 $0x1, s18  }
0x245: {  	v11 =	vld [tilespmem:s20+$0x4000];
	[tilespmem:s17+$0x4040] =	vst v9;
	v9 =	vsel vm1, v7, v8;
	v8 =	vsel vm1, v8, v7  }
0x246: {  	v12 =	vld [tilespmem:s20+$0x4040];
	[tilespmem:s17+$0x4200] =	vst v9  }
.Ltmp21:
0x247: {  	v7 =	vld [tilespmem:s20+$0x4200];
	[tilespmem:s17+$0x4240] =	vst v8;
	s17 =	smov.u32 s20;
	(pc) =	sbr.rel @p0 .LBB2_40-.Ltmp21, $4  }
0x248: {  	v8 =	vld [tilespmem:s17+$0x4240]  }
0x249: {  	s19 =	sadd.s32 $0x2, s19  }
0x24a: {  	s20 =	sand.u32 $0x3, s21;
	s21 =	sand.u32 $0x18, s19  }
0x24b: {  	s20 =	sor.u32 s20, s21;
	vm1 =	vle.f32 v11, v12;
	v10 =	vmin.f32 v11, v12;
	v9 =	vmax.f32 v11, v12  }
0x24c: {  	s18 =	sshll.u32 s20, $0x4;
	[tilespmem:s17+$0x4000] =	vst v10  }
0x24d: {  	[tilespmem:s17+$0x4040] =	vst v9;
	v10 =	vld [tilespmem:s18+$0x4000];
	v61 =	vsel vm1, v7, v8  }
0x24e: {  	v11 =	vld [tilespmem:s18+$0x4040];
	v7 =	vsel vm1, v8, v7;
	[tilespmem:s17+$0x4200] =	vst v61  }
0x24f: {  	[tilespmem:s17+$0x4240] =	vst v7;
	v8 =	vld [tilespmem:s18+$0x4200]  }
0x250: {  	v7 =	vld [tilespmem:s18+$0x4240];
	_ =	sdelay $0x1  }
0x251: {  	p1 =	por $0x1, $0x1  }
.Ltmp22:
0x252: {  	v62 =	vmin.f32 v10, v11;
	(pc) =	sbr.rel @!p1 .LBB2_42-.Ltmp22, $4  }
0x253: {  	vm1 =	vle.f32 v10, v11;
	v10 =	vmax.f32 v10, v11;
	[tilespmem:s18+$0x4000] =	vst v62  }
0x254: {  	s17 =	simm.s32 $0x0;
	[tilespmem:s18+$0x4040] =	vst v10;
	v63 =	vsel vm1, v8, v7  }
0x255: {  	s19 =	sand.u32 $0x1, s17;
	s21 =	sand.u32 $0x1C, s17;
	v7 =	vsel vm1, v7, v8;
	[tilespmem:s18+$0x4200] =	vst v63  }
0x256: {  	s20 =	simm.s32 $0x1;
	p0 =	por $0x0, $0x0;
	s21 =	sor.u32 s19, s21;
	[tilespmem:s18+$0x4240] =	vst v7  }
0x257: {  	s18 =	sshll.u32 s21, $0x4  }
0x258: {  	v9 =	vld [tilespmem:s18+$0x4000]  }
0x259: {  	p2 =	por $0x1, $0x1;
	v11 =	vld [tilespmem:s18+$0x4020]  }
.Ltmp23:
0x25a: {  	_ = 	snop;
	(pc) =	sbr.rel @!p2 .LBB2_45-.Ltmp23, $4  }
0x25b: {  	v7 =	vld [tilespmem:s18+$0x4200]  }
0x25c: {  	s19 =	simm.s32 $0x2;
	v8 =	vld [tilespmem:s18+$0x4220]  }
0x25d: {  	s31 =	sand.u32 $0x1, s20;
	s22 =	sand.u32 $0x1C, s19  }
0x25e: {  	s20 =	simm.s32 $0x2;
	p1 =	por $0x1, $0x1;
	s21 =	sor.u32 s31, s22;
	vm1 =	vle.f32 v9, v11;
	v10 =	vmin.f32 v9, v11;
	v9 =	vmax.f32 v9, v11  }
.LBB2_44:
0x25f: {  	p2 =	sne.s32 s20, $0xF  }
0x260: {  	s21 =	sshll.u32 s21, $0x4;
	[tilespmem:s18+$0x4000] =	vst v10;
	s22 =	smov.u32 s20;
	s20 =	sadd.s32 $0x1, s20  }
0x261: {  	v11 =	vld [tilespmem:s21+$0x4000];
	[tilespmem:s18+$0x4020] =	vst v9;
	v9 =	vsel vm1, v7, v8;
	v8 =	vsel vm1, v8, v7  }
0x262: {  	v12 =	vld [tilespmem:s21+$0x4020];
	[tilespmem:s18+$0x4200] =	vst v9  }
.Ltmp24:
0x263: {  	v7 =	vld [tilespmem:s21+$0x4200];
	[tilespmem:s18+$0x4220] =	vst v8;
	s18 =	smov.u32 s21;
	(pc) =	sbr.rel @p2 .LBB2_44-.Ltmp24, $4  }
0x264: {  	v8 =	vld [tilespmem:s18+$0x4220]  }
0x265: {  	s19 =	sadd.s32 $0x2, s19  }
0x266: {  	s21 =	sand.u32 $0x1, s22;
	s22 =	sand.u32 $0x1C, s19  }
0x267: {  	s21 =	sor.u32 s21, s22;
	vm1 =	vle.f32 v11, v12;
	v10 =	vmin.f32 v11, v12;
	v9 =	vmax.f32 v11, v12  }
.LBB2_45:
0x268: {  	_ = 	snop  }
0x269: {  	s19 =	sshll.u32 s21, $0x4;
	[tilespmem:s18+$0x4000] =	vst @p1 v10  }
0x26a: {  	v10 =	vld [tilespmem:s19+$0x4000];
	[tilespmem:s18+$0x4020] =	vst @p1 v9;
	v9 =	vsel @p1 vm1, v7, v8  }
0x26b: {  	v11 =	vld [tilespmem:s19+$0x4020];
	v7 =	vsel @p1 vm1, v8, v7;
	[tilespmem:s18+$0x4200] =	vst @p1 v9  }
0x26c: {  	v8 =	vld [tilespmem:s19+$0x4200];
	[tilespmem:s18+$0x4220] =	vst @p1 v7  }
0x26d: {  	v7 =	vld [tilespmem:s19+$0x4220];
	_ =	sdelay $0x1  }
0x26e: {  	p1 =	por $0x1, $0x1  }
.Ltmp25:
0x26f: {  	v9 =	vmin.f32 v10, v11;
	(pc) =	sbr.rel @!p1 .LBB2_50-.Ltmp25, $4  }
0x270: {  	vm1 =	vle.f32 v10, v11;
	v10 =	vmax.f32 v10, v11;
	[tilespmem:s19+$0x4000] =	vst v9  }
0x271: {  	[tilespmem:s19+$0x4020] =	vst v10;
	v9 =	vsel vm1, v8, v7  }
0x272: {  	v7 =	vsel vm1, v7, v8;
	[tilespmem:s19+$0x4200] =	vst v9  }
0x273: {  	[tilespmem:s19+$0x4220] =	vst v7;
	s19 =	simm.s32 $0x80  }
0x274: {  	s18 =	simm.s32 $0x0  }
0x275: {  	v10 =	vld [tilespmem:s18+$0x4010]  }
0x276: {  	p1 =	por $0x1, $0x1;
	v11 =	vld [tilespmem:s18+$0x4000]  }
.Ltmp26:
0x277: {  	_ = 	snop;
	(pc) =	sbr.rel @!p1 .LBB2_47-.Ltmp26, $3  }
0x278: {  	v7 =	vld [tilespmem:s18+$0x4210]  }
0x279: {  	v8 =	vld [tilespmem:s18+$0x4200];
	_ =	sdelay $0x1  }
0x27a: {  	s17 =	simm.s32 $0x100;
	p0 =	por $0x1, $0x1;
	vm1 =	vle.f32 v11, v10;
	v9 =	vmin.f32 v11, v10;
	v10 =	vmax.f32 v11, v10  }
.LBB2_48:
0x27b: {  	p1 =	sne.s32 s17, $0x780  }
0x27c: {  	s20 =	sshra.s32 s19, $0x2;
	[tilespmem:s18+$0x4010] =	vst v10;
	s19 =	smov.u32 s17;
	s17 =	sadd.s32 $0x80, s17  }
0x27d: {  	v10 =	vld [tilespmem:s20+$0x4010];
	[tilespmem:s18+$0x4000] =	vst v9;
	v9 =	vsel vm1, v8, v7;
	v7 =	vsel vm1, v7, v8  }
0x27e: {  	v11 =	vld [tilespmem:s20+$0x4000];
	[tilespmem:s18+$0x4210] =	vst v7  }
.Ltmp27:
0x27f: {  	v7 =	vld [tilespmem:s20+$0x4210];
	[tilespmem:s18+$0x4200] =	vst v9;
	s18 =	smov.u32 s20;
	(pc) =	sbr.rel @p1 .LBB2_48-.Ltmp27, $2  }
0x280: {  	v8 =	vld [tilespmem:s18+$0x4200];
	_ =	sdelay $0x2  }
0x281: {  	vm1 =	vle.f32 v11, v10;
	v9 =	vmin.f32 v11, v10;
	v10 =	vmax.f32 v11, v10  }
0x282: {  	s17 =	smov.u32 s19  }
.LBB2_50:
0x283: {  	s17 =	sshra.s32 s17, $0x2;
	[tilespmem:s18+$0x4010] =	vst @p0 v10  }
0x284: {  	v10 =	vld [tilespmem:s17+$0x4010];
	[tilespmem:s18+$0x4000] =	vst @p0 v9;
	v9 =	vsel @p0 vm1, v7, v8  }
0x285: {  	v7 =	vsel @p0 vm1, v8, v7;
	v11 =	vld [tilespmem:s17+$0x4000];
	[tilespmem:s18+$0x4210] =	vst @p0 v9  }
0x286: {  	v8 =	vld [tilespmem:s17+$0x4210];
	[tilespmem:s18+$0x4200] =	vst @p0 v7  }
0x287: {  	v7 =	vld [tilespmem:s17+$0x4200];
	_ =	sdelay $0x2  }
0x288: {  	v62 =	vmax.f32 v11, v10  }
0x289: {  	vm1 =	vle.f32 v11, v10;
	v10 =	vmin.f32 v11, v10;
	[tilespmem:s17+$0x4010] =	vst v62  }
0x28a: {  	[tilespmem:s17+$0x4000] =	vst v10;
	v63 =	vsel vm1, v8, v7  }
0x28b: {  	v7 =	vsel vm1, v7, v8;
	[tilespmem:s17+$0x4210] =	vst v63  }
0x28c: {  	[tilespmem:s17+$0x4200] =	vst v7;
	s17 =	simm.s32 $0x0  }
0x28d: {  	v7 =	vld [tilespmem:s17+$0x4000]  }
0x28e: {  	v8 =	vld [tilespmem:s17+$0x4200];
	_ =	sdelay $0x4  }
0x28f: {  	s18 =	simm.s32 $0x40;
	(xrf1) =	vsort.ascd.msk.f32 $0xffff, v7, v8  }
.LBB2_51:
0x290: {  	_ =	sdelay $0xc  }
0x291: {  	p0 =	sne.s32 s18, $0x7C0;
	s19 =	smov.u32 s18;
	s18 =	sadd.s32 $0x40, s18;
	v7, v8, _ =	vpop (xrf1)  }
0x292: {  	s19 =	sshra.s32 s19, $0x2;
	[tilespmem:s17+$0x4000] =	vst v7  }
0x293: {  	v7 =	vld [tilespmem:s19+$0x4000];
	[tilespmem:s17+$0x4200] =	vst v8;
	s17 =	smov.u32 s19  }
0x294: {  	v8 =	vld [tilespmem:s17+$0x4200]  }
.Ltmp28:
0x295: {  	(pc) =	sbr.rel @p0 .LBB2_51-.Ltmp28, $2  }
0x296: {  	_ =	sdelay $0x2  }
0x297: {  	(xrf1) =	vsort.ascd.msk.f32 $0xffff, v7, v8  }
0x298: {  	_ =	sdelay $0xc  }
0x299: {  	v7, v8, _ =	vpop (xrf1)  }
0x29a: {  	[tilespmem:s17+$0x4000] =	vst v7  }
0x29b: {  	[tilespmem:s17+$0x4200] =	vst v8  }
0x29c: {  	v7 =	vld [tilespmem:$0x41F0]  }
0x29d: {  	v8 =	vld [tilespmem:$0x43F0]  }
0x29e: {  	v9 =	vld [tilespmem:$0x4100]  }
0x29f: {  	v10 =	vld [tilespmem:$0x4300]  }
0x2a0: {  	v11 =	vld [tilespmem:$0x41E0]  }
0x2a1: {  	v12 =	vld [tilespmem:$0x43E0];
	v7 =	vperm.xlane v7, v6  }
0x2a2: {  	v13 =	vld [tilespmem:$0x4110];
	v8 =	vperm.xlane v8, v6  }
0x2a3: {  	[tilespmem:$0x4100] =	vst v7;
	v7 =	vperm.xlane v9, v6;
	v9 =	vld [tilespmem:$0x4310]  }
0x2a4: {  	[tilespmem:$0x4300] =	vst v8;
	v8 =	vperm.xlane v10, v6;
	v10 =	vld [tilespmem:$0x41D0]  }
0x2a5: {  	[tilespmem:$0x41F0] =	vst v7;
	v7 =	vperm.xlane v11, v6;
	v11 =	vld [tilespmem:$0x43D0]  }
0x2a6: {  	v54 =	vld [tilespmem:$0x4120];
	[tilespmem:$0x43F0] =	vst v8;
	v8 =	vperm.xlane v12, v6  }
0x2a7: {  	v55 =	vld [tilespmem:$0x4320];
	[tilespmem:$0x4110] =	vst v7;
	v7 =	vperm.xlane v13, v6  }
0x2a8: {  	[tilespmem:$0x4310] =	vst v8;
	v8 =	vperm.xlane v9, v6;
	v9 =	vld [tilespmem:$0x41C0]  }
0x2a9: {  	[tilespmem:$0x41E0] =	vst v7;
	v7 =	vperm.xlane v10, v6;
	v10 =	vld [tilespmem:$0x43C0]  }
0x2aa: {  	[tilespmem:$0x43E0] =	vst v8;
	v8 =	vperm.xlane v11, v6;
	v11 =	vld [tilespmem:$0x4130]  }
0x2ab: {  	v56 =	vld [tilespmem:$0x4330];
	[tilespmem:$0x4120] =	vst v7;
	v7 =	vperm.xlane v54, v6  }
0x2ac: {  	v57 =	vld [tilespmem:$0x41B0];
	[tilespmem:$0x4320] =	vst v8;
	v8 =	vperm.xlane v55, v6  }
0x2ad: {  	[tilespmem:$0x41D0] =	vst v7;
	v7 =	vperm.xlane v9, v6;
	v9 =	vld [tilespmem:$0x43B0]  }
0x2ae: {  	[tilespmem:$0x43D0] =	vst v8;
	v8 =	vperm.xlane v10, v6;
	v10 =	vld [tilespmem:$0x4140]  }
0x2af: {  	[tilespmem:$0x4130] =	vst v7;
	v7 =	vperm.xlane v11, v6;
	v11 =	vld [tilespmem:$0x4340]  }
0x2b0: {  	v58 =	vld [tilespmem:$0x41A0];
	[tilespmem:$0x4330] =	vst v8;
	v8 =	vperm.xlane v56, v6  }
0x2b1: {  	v59 =	vld [tilespmem:$0x43A0];
	[tilespmem:$0x41C0] =	vst v7;
	v7 =	vperm.xlane v57, v6  }
0x2b2: {  	[tilespmem:$0x43C0] =	vst v8;
	v8 =	vperm.xlane v9, v6;
	v9 =	vld [tilespmem:$0x4150]  }
0x2b3: {  	[tilespmem:$0x4140] =	vst v7;
	v7 =	vperm.xlane v10, v6;
	v10 =	vld [tilespmem:$0x4350]  }
0x2b4: {  	[tilespmem:$0x4340] =	vst v8;
	v8 =	vperm.xlane v11, v6;
	v11 =	vld [tilespmem:$0x4190]  }
0x2b5: {  	v60 =	vld [tilespmem:$0x4390];
	[tilespmem:$0x41B0] =	vst v7;
	v7 =	vperm.xlane v58, v6  }
0x2b6: {  	v61 =	vld [tilespmem:$0x4160];
	[tilespmem:$0x43B0] =	vst v8;
	v8 =	vperm.xlane v59, v6  }
0x2b7: {  	[tilespmem:$0x4150] =	vst v7;
	v7 =	vperm.xlane v9, v6;
	v9 =	vld [tilespmem:$0x4360]  }
0x2b8: {  	[tilespmem:$0x4350] =	vst v8;
	v8 =	vperm.xlane v10, v6;
	v10 =	vld [tilespmem:$0x4180]  }
0x2b9: {  	[tilespmem:$0x41A0] =	vst v7;
	v7 =	vperm.xlane v11, v6;
	v11 =	vld [tilespmem:$0x4380]  }
0x2ba: {  	v62 =	vld [tilespmem:$0x4170];
	[tilespmem:$0x43A0] =	vst v8;
	v8 =	vperm.xlane v60, v6  }
0x2bb: {  	v63 =	vld [tilespmem:$0x4370];
	[tilespmem:$0x4160] =	vst v7;
	v7 =	vperm.xlane v61, v6  }
0x2bc: {  	[tilespmem:$0x4360] =	vst v8;
	v8 =	vperm.xlane v9, v6  }
0x2bd: {  	[tilespmem:$0x4190] =	vst v7;
	v7 =	vperm.xlane v10, v6  }
0x2be: {  	[tilespmem:$0x4390] =	vst v8;
	v8 =	vperm.xlane v11, v6  }
0x2bf: {  	[tilespmem:$0x4170] =	vst v7;
	v7 =	vperm.xlane v62, v6  }
0x2c0: {  	[tilespmem:$0x4370] =	vst v8;
	v8 =	vperm.xlane v63, v6  }
0x2c1: {  	[tilespmem:$0x4180] =	vst v7  }
0x2c2: {  	s18 =	simm.s32 $0x0;
	[tilespmem:$0x4380] =	vst v8  }
0x2c3: {  	v10 =	vld [tilespmem:s18+$0x4100]  }
0x2c4: {  	v11 =	vld [tilespmem:s18+$0x4000];
	_ =	sdelay $0x1  }
0x2c5: {  	v7 =	vld [tilespmem:s18+$0x4300]  }
0x2c6: {  	v8 =	vld [tilespmem:s18+$0x4200];
	_ =	sdelay $0x1  }
0x2c7: {  	s19 =	simm.s32 $0x40;
	s20 =	simm.s32 $0x80;
	s17 =	simm.s32 $0x0;
	vm1 =	vle.f32 v11, v10;
	v9 =	vmin.f32 v11, v10;
	v10 =	vmax.f32 v11, v10  }
.LBB2_53:
0x2c8: {  	p0 =	sne.s32 s20, $0x3C0  }
0x2c9: {  	s21 =	sshra.s32 s19, $0x2;
	[tilespmem:s18+$0x4100] =	vst v10;
	s19 =	smov.u32 s20;
	s20 =	sadd.s32 $0x40, s20  }
0x2ca: {  	v10 =	vld [tilespmem:s21+$0x4100];
	[tilespmem:s18+$0x4000] =	vst v9;
	v9 =	vsel vm1, v8, v7;
	v7 =	vsel vm1, v7, v8  }
0x2cb: {  	v11 =	vld [tilespmem:s21+$0x4000];
	[tilespmem:s18+$0x4300] =	vst v7  }
.Ltmp29:
0x2cc: {  	v7 =	vld [tilespmem:s21+$0x4300];
	[tilespmem:s18+$0x4200] =	vst v9;
	s18 =	smov.u32 s21;
	(pc) =	sbr.rel @p0 .LBB2_53-.Ltmp29, $2  }
0x2cd: {  	v8 =	vld [tilespmem:s18+$0x4200];
	_ =	sdelay $0x2  }
0x2ce: {  	vm1 =	vle.f32 v11, v10;
	v9 =	vmin.f32 v11, v10;
	v10 =	vmax.f32 v11, v10  }
0x2cf: {  	s19 =	sshra.s32 s19, $0x2;
	[tilespmem:s18+$0x4100] =	vst v10  }
0x2d0: {  	v10 =	vld [tilespmem:s19+$0x4100];
	[tilespmem:s18+$0x4000] =	vst v9;
	v9 =	vsel vm1, v7, v8  }
0x2d1: {  	v7 =	vsel vm1, v8, v7;
	v11 =	vld [tilespmem:s19+$0x4000];
	[tilespmem:s18+$0x4300] =	vst v9  }
0x2d2: {  	v8 =	vld [tilespmem:s19+$0x4300];
	[tilespmem:s18+$0x4200] =	vst v7  }
0x2d3: {  	v7 =	vld [tilespmem:s19+$0x4200];
	_ =	sdelay $0x2  }
0x2d4: {  	v9 =	vmax.f32 v11, v10  }
0x2d5: {  	vm1 =	vle.f32 v11, v10;
	v10 =	vmin.f32 v11, v10;
	[tilespmem:s19+$0x4100] =	vst v9  }
0x2d6: {  	s29 =	sand.u32 $0x7, s17;
	s30 =	sand.u32 $0x10, s17;
	[tilespmem:s19+$0x4000] =	vst v10;
	v9 =	vsel vm1, v8, v7  }
0x2d7: {  	s17 =	sor.u32 s29, s30;
	v7 =	vsel vm1, v7, v8;
	[tilespmem:s19+$0x4300] =	vst v9  }
0x2d8: {  	s17 =	sshll.u32 s17, $0x4;
	[tilespmem:s19+$0x4200] =	vst v7  }
0x2d9: {  	v9 =	vld [tilespmem:s17+$0x4000]  }
0x2da: {  	v11 =	vld [tilespmem:s17+$0x4080];
	_ =	sdelay $0x1  }
0x2db: {  	v7 =	vld [tilespmem:s17+$0x4200]  }
0x2dc: {  	s31 =	simm.s32 $0x1;
	s18 =	simm.s32 $0x2;
	v8 =	vld [tilespmem:s17+$0x4280]  }
0x2dd: {  	s20 =	sand.u32 $0x7, s31;
	s21 =	sand.u32 $0x10, s18  }
0x2de: {  	s20 =	sor.u32 s20, s21;
	s19 =	simm.s32 $0x2;
	vm1 =	vle.f32 v9, v11;
	v10 =	vmin.f32 v9, v11;
	v9 =	vmax.f32 v9, v11  }
.LBB2_55:
0x2df: {  	p0 =	sne.s32 s19, $0xF  }
0x2e0: {  	s20 =	sshll.u32 s20, $0x4;
	[tilespmem:s17+$0x4000] =	vst v10;
	s21 =	smov.u32 s19;
	s19 =	sadd.s32 $0x1, s19  }
0x2e1: {  	v11 =	vld [tilespmem:s20+$0x4000];
	[tilespmem:s17+$0x4080] =	vst v9;
	v9 =	vsel vm1, v7, v8;
	v8 =	vsel vm1, v8, v7  }
0x2e2: {  	v12 =	vld [tilespmem:s20+$0x4080];
	[tilespmem:s17+$0x4200] =	vst v9  }
.Ltmp30:
0x2e3: {  	v7 =	vld [tilespmem:s20+$0x4200];
	[tilespmem:s17+$0x4280] =	vst v8;
	s17 =	smov.u32 s20;
	(pc) =	sbr.rel @p0 .LBB2_55-.Ltmp30, $4  }
0x2e4: {  	v8 =	vld [tilespmem:s17+$0x4280]  }
0x2e5: {  	s18 =	sadd.s32 $0x2, s18  }
0x2e6: {  	s20 =	sand.u32 $0x7, s21;
	s21 =	sand.u32 $0x10, s18  }
0x2e7: {  	s20 =	sor.u32 s20, s21;
	vm1 =	vle.f32 v11, v12;
	v10 =	vmin.f32 v11, v12;
	v9 =	vmax.f32 v11, v12  }
0x2e8: {  	s19 =	sshll.u32 s20, $0x4;
	[tilespmem:s17+$0x4000] =	vst v10  }
0x2e9: {  	[tilespmem:s17+$0x4080] =	vst v9;
	v10 =	vld [tilespmem:s19+$0x4000];
	v61 =	vsel vm1, v7, v8  }
0x2ea: {  	v11 =	vld [tilespmem:s19+$0x4080];
	v7 =	vsel vm1, v8, v7;
	[tilespmem:s17+$0x4200] =	vst v61  }
0x2eb: {  	[tilespmem:s17+$0x4280] =	vst v7;
	v8 =	vld [tilespmem:s19+$0x4200]  }
0x2ec: {  	v7 =	vld [tilespmem:s19+$0x4280];
	_ =	sdelay $0x1  }
0x2ed: {  	p1 =	por $0x1, $0x1  }
.Ltmp31:
0x2ee: {  	v62 =	vmin.f32 v10, v11;
	(pc) =	sbr.rel @!p1 .LBB2_57-.Ltmp31, $4  }
0x2ef: {  	vm1 =	vle.f32 v10, v11;
	v10 =	vmax.f32 v10, v11;
	[tilespmem:s19+$0x4000] =	vst v62  }
0x2f0: {  	s18 =	simm.s32 $0x0;
	[tilespmem:s19+$0x4080] =	vst v10;
	v63 =	vsel vm1, v8, v7  }
0x2f1: {  	s31 =	sand.u32 $0x3, s18;
	s21 =	sand.u32 $0x18, s18;
	v7 =	vsel vm1, v7, v8;
	[tilespmem:s19+$0x4200] =	vst v63  }
0x2f2: {  	p0 =	por $0x0, $0x0;
	s17 =	simm.s32 $0x1;
	s22 =	sor.u32 s31, s21;
	[tilespmem:s19+$0x4280] =	vst v7  }
0x2f3: {  	s19 =	sshll.u32 s22, $0x4  }
0x2f4: {  	v9 =	vld [tilespmem:s19+$0x4000]  }
0x2f5: {  	p3 =	por $0x1, $0x1;
	v11 =	vld [tilespmem:s19+$0x4040]  }
.Ltmp32:
0x2f6: {  	_ = 	snop;
	(pc) =	sbr.rel @!p3 .LBB2_60-.Ltmp32, $4  }
0x2f7: {  	v7 =	vld [tilespmem:s19+$0x4200]  }
0x2f8: {  	s20 =	simm.s32 $0x2;
	v8 =	vld [tilespmem:s19+$0x4240]  }
0x2f9: {  	s31 =	sand.u32 $0x3, s17;
	s23 =	sand.u32 $0x18, s20  }
0x2fa: {  	s21 =	simm.s32 $0x2;
	p2 =	por $0x1, $0x1;
	s22 =	sor.u32 s31, s23;
	vm1 =	vle.f32 v9, v11;
	v10 =	vmin.f32 v9, v11;
	v9 =	vmax.f32 v9, v11  }
.LBB2_59:
0x2fb: {  	p3 =	sne.s32 s21, $0xF  }
0x2fc: {  	s22 =	sshll.u32 s22, $0x4;
	[tilespmem:s19+$0x4000] =	vst v10;
	s23 =	smov.u32 s21;
	s21 =	sadd.s32 $0x1, s21  }
0x2fd: {  	v11 =	vld [tilespmem:s22+$0x4000];
	[tilespmem:s19+$0x4040] =	vst v9;
	v9 =	vsel vm1, v7, v8;
	v8 =	vsel vm1, v8, v7  }
0x2fe: {  	v12 =	vld [tilespmem:s22+$0x4040];
	[tilespmem:s19+$0x4200] =	vst v9  }
.Ltmp33:
0x2ff: {  	v7 =	vld [tilespmem:s22+$0x4200];
	[tilespmem:s19+$0x4240] =	vst v8;
	s19 =	smov.u32 s22;
	(pc) =	sbr.rel @p3 .LBB2_59-.Ltmp33, $4  }
0x300: {  	v8 =	vld [tilespmem:s19+$0x4240]  }
0x301: {  	s20 =	sadd.s32 $0x2, s20  }
0x302: {  	s22 =	sand.u32 $0x3, s23;
	s23 =	sand.u32 $0x18, s20  }
0x303: {  	s22 =	sor.u32 s22, s23;
	vm1 =	vle.f32 v11, v12;
	v10 =	vmin.f32 v11, v12;
	v9 =	vmax.f32 v11, v12  }
.LBB2_60:
0x304: {  	_ = 	snop  }
0x305: {  	s20 =	sshll.u32 s22, $0x4;
	[tilespmem:s19+$0x4000] =	vst @p2 v10  }
0x306: {  	[tilespmem:s19+$0x4040] =	vst @p2 v9;
	v10 =	vld [tilespmem:s20+$0x4000];
	v9 =	vsel @p2 vm1, v7, v8  }
0x307: {  	v11 =	vld [tilespmem:s20+$0x4040];
	v7 =	vsel @p2 vm1, v8, v7;
	[tilespmem:s19+$0x4200] =	vst @p2 v9  }
0x308: {  	[tilespmem:s19+$0x4240] =	vst @p2 v7;
	v8 =	vld [tilespmem:s20+$0x4200]  }
0x309: {  	v7 =	vld [tilespmem:s20+$0x4240];
	_ =	sdelay $0x2  }
.Ltmp34:
0x30a: {  	v62 =	vmin.f32 v10, v11;
	(pc) =	sbr.rel @!p1 .LBB2_61-.Ltmp34, $4  }
0x30b: {  	vm1 =	vle.f32 v10, v11;
	v10 =	vmax.f32 v10, v11;
	[tilespmem:s20+$0x4000] =	vst v62  }
0x30c: {  	[tilespmem:s20+$0x4040] =	vst v10;
	v63 =	vsel vm1, v8, v7  }
0x30d: {  	s30 =	sand.u32 $0x1, s18;
	s31 =	sand.u32 $0x1C, s18;
	v7 =	vsel vm1, v7, v8;
	[tilespmem:s20+$0x4200] =	vst v63  }
0x30e: {  	[tilespmem:s20+$0x4240] =	vst v7;
	s20 =	sor.u32 s30, s31  }
0x30f: {  	s18 =	sshll.u32 s20, $0x4  }
0x310: {  	v9 =	vld [tilespmem:s18+$0x4000]  }
0x311: {  	p1 =	por $0x1, $0x1;
	v11 =	vld [tilespmem:s18+$0x4020]  }
.Ltmp35:
0x312: {  	_ = 	snop;
	(pc) =	sbr.rel @!p1 .LBB2_64-.Ltmp35, $4  }
0x313: {  	v7 =	vld [tilespmem:s18+$0x4200]  }
0x314: {  	s19 =	simm.s32 $0x2;
	v8 =	vld [tilespmem:s18+$0x4220]  }
0x315: {  	s31 =	sand.u32 $0x1, s17;
	s21 =	sand.u32 $0x1C, s19  }
0x316: {  	s17 =	simm.s32 $0x2;
	p0 =	por $0x1, $0x1;
	s20 =	sor.u32 s31, s21;
	vm1 =	vle.f32 v9, v11;
	v10 =	vmin.f32 v9, v11;
	v9 =	vmax.f32 v9, v11  }
.LBB2_63:
0x317: {  	p1 =	sne.s32 s17, $0xF  }
0x318: {  	s20 =	sshll.u32 s20, $0x4;
	[tilespmem:s18+$0x4000] =	vst v10;
	s21 =	smov.u32 s17;
	s17 =	sadd.s32 $0x1, s17  }
0x319: {  	v11 =	vld [tilespmem:s20+$0x4000];
	[tilespmem:s18+$0x4020] =	vst v9;
	v9 =	vsel vm1, v7, v8;
	v8 =	vsel vm1, v8, v7  }
0x31a: {  	v12 =	vld [tilespmem:s20+$0x4020];
	[tilespmem:s18+$0x4200] =	vst v9  }
.Ltmp36:
0x31b: {  	v7 =	vld [tilespmem:s20+$0x4200];
	[tilespmem:s18+$0x4220] =	vst v8;
	s18 =	smov.u32 s20;
	(pc) =	sbr.rel @p1 .LBB2_63-.Ltmp36, $4  }
0x31c: {  	v8 =	vld [tilespmem:s18+$0x4220]  }
0x31d: {  	s19 =	sadd.s32 $0x2, s19  }
0x31e: {  	s20 =	sand.u32 $0x1, s21;
	s21 =	sand.u32 $0x1C, s19  }
0x31f: {  	s20 =	sor.u32 s20, s21;
	vm1 =	vle.f32 v11, v12;
	v10 =	vmin.f32 v11, v12;
	v9 =	vmax.f32 v11, v12  }
.LBB2_64:
0x320: {  	_ = 	snop  }
0x321: {  	s17 =	sshll.u32 s20, $0x4;
	[tilespmem:s18+$0x4000] =	vst @p0 v10  }
0x322: {  	v10 =	vld [tilespmem:s17+$0x4000];
	[tilespmem:s18+$0x4020] =	vst @p0 v9;
	v9 =	vsel @p0 vm1, v7, v8  }
0x323: {  	v11 =	vld [tilespmem:s17+$0x4020];
	v7 =	vsel @p0 vm1, v8, v7;
	[tilespmem:s18+$0x4200] =	vst @p0 v9  }
0x324: {  	v8 =	vld [tilespmem:s17+$0x4200];
	[tilespmem:s18+$0x4220] =	vst @p0 v7  }
0x325: {  	v7 =	vld [tilespmem:s17+$0x4220];
	_ =	sdelay $0x1  }
0x326: {  	p1 =	por $0x1, $0x1  }
.Ltmp37:
0x327: {  	v9 =	vmin.f32 v10, v11;
	(pc) =	sbr.rel @!p1 .LBB2_69-.Ltmp37, $4  }
0x328: {  	vm1 =	vle.f32 v10, v11;
	v10 =	vmax.f32 v10, v11;
	[tilespmem:s17+$0x4000] =	vst v9  }
0x329: {  	[tilespmem:s17+$0x4020] =	vst v10;
	v9 =	vsel vm1, v8, v7  }
0x32a: {  	v7 =	vsel vm1, v7, v8;
	[tilespmem:s17+$0x4200] =	vst v9  }
0x32b: {  	s19 =	simm.s32 $0x0;
	s18 =	simm.s32 $0x80;
	p0 =	por $0x0, $0x0;
	[tilespmem:s17+$0x4220] =	vst v7  }
0x32c: {  	s17 =	simm.s32 $0x0  }
0x32d: {  	v10 =	vld [tilespmem:s17+$0x4010]  }
0x32e: {  	p1 =	por $0x1, $0x1;
	v11 =	vld [tilespmem:s17+$0x4000]  }
.Ltmp38:
0x32f: {  	_ = 	snop;
	(pc) =	sbr.rel @!p1 .LBB2_66-.Ltmp38, $3  }
0x330: {  	v7 =	vld [tilespmem:s17+$0x4210]  }
0x331: {  	v8 =	vld [tilespmem:s17+$0x4200];
	_ =	sdelay $0x1  }
0x332: {  	s19 =	simm.s32 $0x100;
	p0 =	por $0x1, $0x1;
	vm1 =	vle.f32 v11, v10;
	v9 =	vmin.f32 v11, v10;
	v10 =	vmax.f32 v11, v10  }
.LBB2_67:
0x333: {  	p1 =	sne.s32 s19, $0x780  }
0x334: {  	s20 =	sshra.s32 s18, $0x2;
	[tilespmem:s17+$0x4010] =	vst v10;
	s18 =	smov.u32 s19;
	s19 =	sadd.s32 $0x80, s19  }
0x335: {  	v10 =	vld [tilespmem:s20+$0x4010];
	[tilespmem:s17+$0x4000] =	vst v9;
	v9 =	vsel vm1, v8, v7;
	v7 =	vsel vm1, v7, v8  }
0x336: {  	v11 =	vld [tilespmem:s20+$0x4000];
	[tilespmem:s17+$0x4210] =	vst v7  }
.Ltmp39:
0x337: {  	v7 =	vld [tilespmem:s20+$0x4210];
	[tilespmem:s17+$0x4200] =	vst v9;
	s17 =	smov.u32 s20;
	(pc) =	sbr.rel @p1 .LBB2_67-.Ltmp39, $2  }
0x338: {  	v8 =	vld [tilespmem:s17+$0x4200];
	_ =	sdelay $0x2  }
0x339: {  	vm1 =	vle.f32 v11, v10;
	v9 =	vmin.f32 v11, v10;
	v10 =	vmax.f32 v11, v10  }
0x33a: {  	s19 =	smov.u32 s18  }
.LBB2_69:
0x33b: {  	s18 =	sshra.s32 s19, $0x2;
	[tilespmem:s17+$0x4010] =	vst @p0 v10  }
0x33c: {  	v10 =	vld [tilespmem:s18+$0x4010];
	[tilespmem:s17+$0x4000] =	vst @p0 v9;
	v9 =	vsel @p0 vm1, v7, v8  }
0x33d: {  	v7 =	vsel @p0 vm1, v8, v7;
	v11 =	vld [tilespmem:s18+$0x4000];
	[tilespmem:s17+$0x4210] =	vst @p0 v9  }
0x33e: {  	v8 =	vld [tilespmem:s18+$0x4210];
	[tilespmem:s17+$0x4200] =	vst @p0 v7  }
0x33f: {  	v7 =	vld [tilespmem:s18+$0x4200];
	_ =	sdelay $0x2  }
0x340: {  	v62 =	vmax.f32 v11, v10  }
0x341: {  	vm1 =	vle.f32 v11, v10;
	v10 =	vmin.f32 v11, v10;
	[tilespmem:s18+$0x4010] =	vst v62  }
0x342: {  	[tilespmem:s18+$0x4000] =	vst v10;
	v63 =	vsel vm1, v8, v7  }
0x343: {  	v7 =	vsel vm1, v7, v8;
	[tilespmem:s18+$0x4210] =	vst v63  }
0x344: {  	s17 =	simm.s32 $0x0;
	[tilespmem:s18+$0x4200] =	vst v7  }
0x345: {  	v7 =	vld [tilespmem:s17+$0x4000]  }
0x346: {  	p0 =	por $0x1, $0x1;
	v8 =	vld [tilespmem:s17+$0x4200]  }
.Ltmp40:
0x347: {  	_ = 	snop;
	(pc) =	sbr.rel @!p0 .LBB2_71-.Ltmp40, $2  }
0x348: {  	_ =	sdelay $0x2  }
0x349: {  	s18 =	simm.s32 $0x40;
	(xrf1) =	vsort.ascd.msk.f32 $0xffff, v7, v8  }
.LBB2_70:
0x34a: {  	_ =	sdelay $0xc  }
0x34b: {  	p0 =	sne.s32 s18, $0x7C0;
	s19 =	smov.u32 s18;
	s18 =	sadd.s32 $0x40, s18;
	v7, v8, _ =	vpop (xrf1)  }
0x34c: {  	s19 =	sshra.s32 s19, $0x2;
	[tilespmem:s17+$0x4000] =	vst v7  }
0x34d: {  	v7 =	vld [tilespmem:s19+$0x4000];
	[tilespmem:s17+$0x4200] =	vst v8;
	s17 =	smov.u32 s19  }
0x34e: {  	v8 =	vld [tilespmem:s17+$0x4200]  }
.Ltmp41:
0x34f: {  	(pc) =	sbr.rel @p0 .LBB2_70-.Ltmp41, $2  }
0x350: {  	_ =	sdelay $0x2  }
0x351: {  	(xrf1) =	vsort.ascd.msk.f32 $0xffff, v7, v8  }
.LBB2_71:
0x352: {  	_ =	sdelay $0xc  }
0x353: {  	v7, v8, _ =	vpop (xrf1)  }
0x354: {  	[tilespmem:s17+$0x4000] =	vst v7  }
0x355: {  	[tilespmem:s17+$0x4200] =	vst v8  }
0x356: {  	v7 =	vld [tilespmem:$0x4200]  }
0x357: {  	v8 =	vld [tilespmem:$0x4210]  }
0x358: {  	v9 =	vld [tilespmem:$0x4220]  }
0x359: {  	v10 =	vld [tilespmem:$0x4230]  }
0x35a: {  	v11 =	vld [tilespmem:$0x4240]  }
0x35b: {  	v12 =	vld [tilespmem:$0x4250]  }
0x35c: {  	v13 =	vld [tilespmem:$0x4260]  }
0x35d: {  	v40 =	vld [tilespmem:$0x4290];
	[tilespmem:$0x4400] =	vst v7  }
0x35e: {  	v41 =	vld [tilespmem:$0x42A0];
	[tilespmem:$0x4410] =	vst v8  }
0x35f: {  	v42 =	vld [tilespmem:$0x42B0];
	[tilespmem:$0x4420] =	vst v9  }
0x360: {  	v43 =	vld [tilespmem:$0x42C0];
	[tilespmem:$0x4430] =	vst v10  }
0x361: {  	v44 =	vld [tilespmem:$0x42D0];
	[tilespmem:$0x4440] =	vst v11  }
0x362: {  	v7 =	vld [tilespmem:$0x4270];
	[tilespmem:$0x4450] =	vst v12  }
0x363: {  	v8 =	vld [tilespmem:$0x4280];
	[tilespmem:$0x4460] =	vst v13  }
0x364: {  	v45 =	vld [tilespmem:$0x4300];
	[tilespmem:$0x4490] =	vst v40  }
0x365: {  	v46 =	vld [tilespmem:$0x4310];
	[tilespmem:$0x44A0] =	vst v41  }
0x366: {  	v47 =	vld [tilespmem:$0x4200];
	[tilespmem:$0x44B0] =	vst v42  }
0x367: {  	[tilespmem:$0x4470] =	vst v7;
	v7 =	vld [tilespmem:$0x42E0]  }
0x368: {  	[tilespmem:$0x4480] =	vst v8;
	v8 =	vld [tilespmem:$0x42F0]  }
0x369: {  	v48 =	vld [tilespmem:$0x4210];
	[tilespmem:$0x44C0] =	vst v43  }
0x36a: {  	v49 =	vld [tilespmem:$0x4220];
	[tilespmem:$0x44D0] =	vst v44  }
0x36b: {  	v50 =	vld [tilespmem:$0x4250];
	[tilespmem:$0x4500] =	vst v45  }
0x36c: {  	[tilespmem:$0x44E0] =	vst v7;
	v7 =	vld [tilespmem:$0x4230]  }
0x36d: {  	[tilespmem:$0x44F0] =	vst v8;
	v8 =	vld [tilespmem:$0x4240]  }
0x36e: {  	v52 =	vld [tilespmem:$0x4260];
	[tilespmem:$0x4510] =	vst v46;
	(v2sf) =	vpush v46, $0xA;
	v51 =	vadd.s32 v1, v47  }
0x36f: {  	v54 =	vld [tilespmem:$0x4270];
	v53 =	vadd.s32 v1, v48;
	[tilespmem:$0x4580] =	vst v51  }
0x370: {  	v56 =	vld [tilespmem:$0x4280];
	v55 =	vadd.s32 v1, v49;
	[tilespmem:$0x4590] =	vst v53  }
0x371: {  	v57 =	vld [tilespmem:$0x4290];
	[tilespmem:$0x45A0] =	vst v55;
	v7 =	vadd.s32 v1, v7  }
0x372: {  	v58 =	vld [tilespmem:$0x42B0];
	[tilespmem:$0x45B0] =	vst v7;
	v7 =	vadd.s32 v1, v8  }
0x373: {  	v8 =	vld [tilespmem:$0x42A0];
	[tilespmem:$0x45C0] =	vst v7;
	v7 =	vadd.s32 v1, v50  }
0x374: {  	v59 =	vld [tilespmem:$0x42C0];
	[tilespmem:$0x45D0] =	vst v7;
	v7 =	vadd.s32 v1, v52  }
0x375: {  	v60 =	vld [tilespmem:$0x42D0];
	[tilespmem:$0x45E0] =	vst v7;
	v7 =	vadd.s32 v1, v54  }
0x376: {  	v61 =	vld [tilespmem:$0x42E0];
	[tilespmem:$0x45F0] =	vst v7;
	v7 =	vadd.s32 v1, v56  }
0x377: {  	v62 =	vld [tilespmem:$0x42F0];
	[tilespmem:$0x4600] =	vst v7;
	v7 =	vadd.s32 v1, v57  }
0x378: {  	v63 =	vld [tilespmem:$0x4310];
	[tilespmem:$0x4610] =	vst v7;
	v7 =	vadd.s32 v1, v8  }
0x379: {  	v8 =	vld [tilespmem:$0x4300];
	[tilespmem:$0x4620] =	vst v7;
	v7 =	vadd.s32 v1, v58  }
0x37a: {  	[tilespmem:$0x4630] =	vst v7;
	v7 =	vadd.s32 v1, v59  }
0x37b: {  	[tilespmem:$0x4640] =	vst v7;
	v7 =	vadd.s32 v1, v60  }
0x37c: {  	[tilespmem:$0x4650] =	vst v7;
	v7 =	vadd.s32 v1, v61  }
0x37d: {  	s31 =	spop (v2sf);
	[tilespmem:$0x4660] =	vst v7;
	v7 =	vadd.s32 v1, v62  }
0x37e: {  	s17 =	sadd.s32 s3, s31;
	[tilespmem:$0x4670] =	vst v7;
	v7 =	vadd.s32 v1, v8;
	v8 =	vadd.s32 v1, v63  }
0x37f: {  	[tilespmem:$0x4680] =	vst v7;
	v7 =	vsel vm0, s17, v8  }
0x380: {  	v8 =	vmov s17;
	[tilespmem:$0x4690] =	vst v7  }
0x381: {  	[tilespmem:$0x46A0] =	vst v8  }
0x382: {  	[tilespmem:$0x46B0] =	vst v8  }
0x383: {  	[hbm4b:s4+s8] =	stream.strided.scatter [tilespmem:s14], [sflag:$0x1], $0x180, s9, s8, $0x38;
	[tilespmem:$0x4700] =	vst v63  }
0x384: {  	_ =	swait.ge [sflag:s10], $0x180  }
0x385: {  	s16 =	sadd.s32 $0x1, s16;
	[sflag:s10] =	ssyncset.done $0x0  }
0x386: {  	p0 =	sne.s32 s16, s7;
	[sflag:s10] =	ssyncadd.s32 $0xFFFFFE80  }
0x387: {  	[hbm4b:s5+s2] =	stream.linear.scatter [tilespmem:s15], [sflag:$0x1], $0x140, $0x38;
	[tilespmem:$0x4700] =	vst v63  }
.Ltmp42:
0x388: {  	_ = 	snop;
	(pc) =	sbr.rel @p0 .LBB2_2-.Ltmp42, $4  }
.Ltmp43:
0x389: {  	_ = 	snop;
	(pc) =	sbr.rel @!p0 .LBB2_72-.Ltmp43, $4  }
0x38a: {  	_ =	swait.ge [sflag:s10], $0x140  }
0x38b: {  	[sflag:s10] =	ssyncset.done $0x0  }
0x38c: {  	[sflag:s10] =	ssyncadd.s32 $0xFFFFFEC0  }
0x38d: {  	_ = 	snop  }
.LBB2_42:
.Ltmp44:
0x38e: {  	(pc) =	sbr.rel .LBB2_45-.Ltmp44, $2  }
0x38f: {  	_ =	sdelay $0x2  }
0x390: {  	p1 =	por $0x0, $0x0  }
.LBB2_57:
.Ltmp45:
0x391: {  	(pc) =	sbr.rel .LBB2_60-.Ltmp45, $2  }
0x392: {  	_ =	sdelay $0x2  }
0x393: {  	p2 =	por $0x0, $0x0  }
.LBB2_61:
.Ltmp46:
0x394: {  	(pc) =	sbr.rel .LBB2_64-.Ltmp46, $2  }
0x395: {  	_ =	sdelay $0x2  }
0x396: {  	_ = 	snop  }
.LBB2_32:
.Ltmp47:
0x397: {  	(pc) =	sbr.rel .LBB2_35-.Ltmp47, $2  }
0x398: {  	_ =	sdelay $0x2  }
0x399: {  	s19 =	simm.s32 $0x80  }
.LBB2_47:
.Ltmp48:
0x39a: {  	(pc) =	sbr.rel .LBB2_50-.Ltmp48, $2  }
0x39b: {  	_ =	sdelay $0x2  }
0x39c: {  	s17 =	simm.s32 $0x80  }
.LBB2_66:
.Ltmp49:
0x39d: {  	(pc) =	sbr.rel .LBB2_69-.Ltmp49, $2  }
0x39e: {  	_ =	sdelay $0x2  }
0x39f: {  	s19 =	simm.s32 $0x80  }
.LBB2_72:
0x3a0: {  	_ =	sfence.sel $0x180000  }
0x3a1: {  	[bflag:$0x0] =	sbarrier.arrive $0xFFFF  }
0x3a2: {  	p0 =	sne.s32 s1, $0x0;
	_ =	strace $0x90000047  }
0x3a3: {  	s0 =	sadd.s32 @!p0 $0x100000, s0;
	[bflag:$0x2] =	sbarrier.arrive $0xFFFF  }
0x3a4: {  	[sflag:s0] =	ssyncadd.tile.s32 @!p0 $0x1;
	_ =	shalt  }
.Lfunc_end2:
_tile_overlayer_lowered:
.L_overlay_start_2:
0x3a5: {  	(tag) =	ssettag $0x2  }
0x3a6: {  	s0 =	rddreg [dreg:$0x0];
	s2 =	stileid.u32  }
0x3a7: {  	s1 =	rddreg [dreg:$0x1];
	p0 =	sne.s32 s2, $0x0  }
0x3a8: {  	s3 =	rddreg [dreg:$0x2];
	[bflag:$0x3] =	sbarrier.arrive $0xFFFF;
	s2 =	simm.s32 @!p0 $0x1C01  }
0x3a9: {  	[timem:s3], [sflag:s2] =	dma.local @!p0 [hbm:s0], s1  }
0x3aa: {  	s0 =	simm.s32 @!p0 $0x1  }
0x3ab: {  	_ =	swait.ge @!p0 [sflag:s0], s1  }
0x3ac: {  	s1 =	ssub.s32 @!p0 $0x0, s1;
	[sflag:s0] =	ssyncset.done @!p0 $0x0  }
0x3ad: {  	[sflag:s0] =	ssyncadd.s32 @!p0 s1  }
0x3ae: {  	[bflag:$0x3] =	sbarrier.arrive $0xFFFF  }
0x3af: {  	_ =	shalt  }

// kernel: kernel.8.cloned.1.call-start
scs
__scs_entry_jumppad:
0x0: {  	(pc) =	sbr.rel $0x88, $3  }
0x1: {  	(tag) =	ssettag $0x0;
	lr =	simm.s32 $0x1  }
0x2: {  	[smem:$0x3F9F] =	sst lr;
	_ =	strace $0xD0000000  }
0x3: {  	_ = 	snop  }
0x4: {  	_ = 	snop  }
0x5: {  	_ = 	snop  }
0x6: {  	_ = 	snop  }
0x7: {  	_ = 	snop  }
__scs_overlays_trampoline_lowered:
0x8: {  	[smem:$0x3FAE] =	sst s0  }
0x9: {  	[smem:$0x3FAF] =	sst s1  }
0xa: {  	[smem:$0x3FB0] =	sst s2  }
0xb: {  	[smem:$0x3FB1] =	sst s3  }
0xc: {  	[smem:$0x3FB2] =	sst s4  }
0xd: {  	[smem:$0x3FB3] =	sst s5  }
0xe: {  	[smem:$0x3FB4] =	sst s6  }
0xf: {  	[smem:$0x3FB5] =	sst s7  }
0x10: {  	[smem:$0x3FB6] =	sst s8  }
0x11: {  	[smem:$0x3FB7] =	sst s9;
	s0 =	simm.s32 @!p0 $0x0  }
0x12: {  	s1 =	sld [smem:$0x3F9D];
	s0 =	simm.s32 @p0 $0x1  }
0x13: {  	[smem:$0x3FB8] =	sst s0;
	s0 =	simm.s32 @!p1 $0x0  }
0x14: {  	s2 =	sld [smem:$0x3F9C];
	s0 =	simm.s32 @p1 $0x1  }
0x15: {  	[smem:$0x3FB9] =	sst s0;
	s0 =	simm.s32 @!p2 $0x0  }
0x16: {  	s3 =	sld [smem:$0x3FDB];
	s0 =	simm.s32 @p2 $0x1  }
0x17: {  	s4 =	simm.s32 $0x1BF5;
	[smem:$0x3FBB] =	sst s0  }
0x18: {  	s0 =	sld [smem:$0x3F9E];
	_ =	swait.ge [sflag:s4], $0x0  }
0x19: {  	s7 =	sld [smem:$0x3F9F]  }
0x1a: {  	s8 =	sadd.s32 $0xFFFFE003, lr  }
0x1b: {  	s9 =	sadd.s32 $0xFFFFFEF7, lr;
	s5 =	simm.s32 $0xFFFFFFFF;
	p2 =	slt.u32 s8, $0xFFFFF086  }
0x1c: {  	p1 =	slt.u32 s9, $0xF7A;
	s5 =	simm.s32 @!p2 $0x0  }
0x1d: {  	s5 =	simm.s32 @p1 $0x1;
	p0 =	seq.s32 s7, s2  }
0x1e: {  	s7 =	smul.u32 @!p0 $0xF7A, s2;
	p2 =	seq.s32 @!p0 s5, $0x0  }
0x1f: {  	s9 =	smul.u32 $0xF7A, s1;
	s8 =	simm.s32 @!p0 $0x1BF5;
	p2 =	por !p2, p0  }
0x20: {  	[sflag:s8] =	ssyncset.s32 @!p0 $0xFFFFF086;
	s6 =	sadd.s32 @!p0 s3, s7;
	s7 =	simm.s32 @!p0 $0x108  }
0x21: {  	s3 =	sadd.s32 s3, s9;
	s6 =	sadd.s32 @!p0 $0x88, s6;
	s7 =	simm.s32 @p2 $0x1082  }
0x22: {  	[simem:s7], [sflag:s8] =	dma.local @!p0 [hbm:s6], $0xF7A  }
0x23: {  	s9 =	sor.u32 $0xD0000000, s2;
	s6 =	simm.s32 $0x108;
	_ =	swait.ge @!p0 [sflag:s8], $0x0  }
0x24: {  	s3 =	sadd.s32 $0x88, s3;
	s6 =	simm.s32 @!p1 $0x1082;
	[sflag:s4] =	ssyncset.s32 $0xFFFFF086  }
0x25: {  	[simem:s6], [sflag:s4] =	dma.local [hbm:s3], $0xF7A  }
0x26: {  	[smem:$0x3F9F] =	sst s1;
	(tag) =	ssettag s2;
	_ =	strace s9  }
0x27: {  	s1 =	sld [smem:$0x3FAF]  }
0x28: {  	s2 =	sld [smem:$0x3FB0]  }
0x29: {  	s4 =	sld [smem:$0x3FB2]  }
0x2a: {  	p0 =	seq.s32 s5, $0x0;
	s5 =	sld [smem:$0x3FB3]  }
0x2b: {  	s6 =	sld [smem:$0x3FB4]  }
0x2c: {  	s7 =	sld [smem:$0x3FB5]  }
0x2d: {  	s3 =	simm.s32 $0x108;
	s8 =	sld [smem:$0x3FB6]  }
0x2e: {  	s3 =	simm.s32 @!p0 $0x1082;
	s9 =	sld [smem:$0x3FB7]  }
0x2f: {  	lr =	sadd.s32 s0, s3;
	s0 =	sld [smem:$0x3FAE]  }
0x30: {  	s3 =	sld [smem:$0x3FB1]  }
0x31: {  	[smem:$0x3FBA] =	sst s10  }
0x32: {  	s10 =	sld [smem:$0x3FB8];
	_ =	sdelay $0x3  }
0x33: {  	p0 =	seq.s32 s10, $0x1;
	s10 =	sld [smem:$0x3FBA];
	_ =	sdelay $0x3  }
0x34: {  	[smem:$0x3FBA] =	sst s10  }
0x35: {  	s10 =	sld [smem:$0x3FB9];
	_ =	sdelay $0x3  }
0x36: {  	p1 =	seq.s32 s10, $0x1;
	s10 =	sld [smem:$0x3FBA];
	_ =	sdelay $0x3  }
0x37: {  	[smem:$0x3FBA] =	sst s10  }
0x38: {  	s10 =	sld [smem:$0x3FBB]  }
0x39: {  	_ = 	snop;
	(pc) =	sbr.ind lr, $3  }
0x3a: {  	_ = 	snop  }
0x3b: {  	_ = 	snop  }
0x3c: {  	p2 =	seq.s32 s10, $0x1;
	s10 =	sld [smem:$0x3FBA]  }
0x3d: {  	_ =	shalt  }
0x3e: {  	_ =	shalt  }
0x3f: {  	_ =	shalt  }
0x40: {  	_ =	shalt  }
0x41: {  	_ =	shalt  }
0x42: {  	_ =	shalt  }
0x43: {  	_ =	shalt  }
0x44: {  	_ =	shalt  }
0x45: {  	_ =	shalt  }
0x46: {  	_ =	shalt  }
0x47: {  	_ =	shalt  }
0x48: {  	_ =	shalt  }
0x49: {  	_ =	shalt  }
0x4a: {  	_ =	shalt  }
0x4b: {  	_ =	shalt  }
0x4c: {  	_ =	shalt  }
0x4d: {  	_ =	shalt  }
0x4e: {  	_ =	shalt  }
0x4f: {  	_ =	shalt  }
0x50: {  	_ =	shalt  }
0x51: {  	_ =	shalt  }
0x52: {  	_ =	shalt  }
0x53: {  	_ =	shalt  }
0x54: {  	_ =	shalt  }
0x55: {  	_ =	shalt  }
0x56: {  	_ =	shalt  }
0x57: {  	_ =	shalt  }
0x58: {  	_ =	shalt  }
0x59: {  	_ =	shalt  }
0x5a: {  	_ =	shalt  }
0x5b: {  	_ =	shalt  }
0x5c: {  	_ =	shalt  }
0x5d: {  	_ =	shalt  }
0x5e: {  	_ =	shalt  }
0x5f: {  	_ =	shalt  }
0x60: {  	_ =	shalt  }
0x61: {  	_ =	shalt  }
0x62: {  	_ =	shalt  }
0x63: {  	_ =	shalt  }
0x64: {  	_ =	shalt  }
0x65: {  	_ =	shalt  }
0x66: {  	_ =	shalt  }
0x67: {  	_ =	shalt  }
0x68: {  	_ =	shalt  }
0x69: {  	_ =	shalt  }
0x6a: {  	_ =	shalt  }
0x6b: {  	_ =	shalt  }
0x6c: {  	_ =	shalt  }
0x6d: {  	_ =	shalt  }
0x6e: {  	_ =	shalt  }
0x6f: {  	_ =	shalt  }
0x70: {  	_ =	shalt  }
0x71: {  	_ =	shalt  }
0x72: {  	_ =	shalt  }
0x73: {  	_ =	shalt  }
0x74: {  	_ =	shalt  }
0x75: {  	_ =	shalt  }
0x76: {  	_ =	shalt  }
0x77: {  	_ =	shalt  }
0x78: {  	_ =	shalt  }
0x79: {  	_ =	shalt  }
0x7a: {  	_ =	shalt  }
0x7b: {  	_ =	shalt  }
0x7c: {  	_ =	shalt  }
0x7d: {  	_ =	shalt  }
0x7e: {  	_ =	shalt  }
0x7f: {  	_ =	shalt  }
0x80: {  	_ =	shalt  }
0x81: {  	_ =	shalt  }
0x82: {  	_ =	shalt  }
0x83: {  	_ =	shalt  }
0x84: {  	_ =	shalt  }
0x85: {  	_ =	shalt  }
0x86: {  	_ =	shalt  }
0x87: {  	_ =	shalt  }
.Lfunc_end0:
.L_simem_size_0:
called_computation.1_lowered:
.L_overlay_start_0:
0x88: {  	s2 =	sld [smem:$0x3FD9]  }
0x89: {  	s3 =	sld [smem:$0x3FFE];
	_ =	sdelay $0x1  }
0x8a: {  	s1 =	srdreg.scid  }
0x8b: {  	s0 =	sand.u32 $0x1, s1  }
0x8c: {  	s14 =	sshll.u32 s0, $0xA;
	s2 =	sadd.s32 s3, s2  }
0x8d: {  	s2 =	sadd.s32 s2, s14  }
0x8e: {  	[smem:$0x3FC6] =	sst s2  }
0x8f: {  	_ = 	snop  }
0x90: {  	s2 =	sld [smem:$0x3FD0];
	_ =	sdelay $0x2  }
0x91: {  	s4 =	simm.s32 $0xA;
	s5 =	simm.s32 $0x10;
	s15 =	sld [smem:$0x3FC9]  }
0x92: {  	[smem:s5], [sflag:s4] =	dma.local [hbm:s2], $0x1  }
0x93: {  	_ =	swait.eq [sflag:s4], $0x1  }
0x94: {  	[sflag:s4] =	ssyncset.done $0x0  }
0x95: {  	[sflag:s4] =	ssyncadd.s32 $0xFFFFFFFF  }
0x96: {  	s16 =	sld [smem:$0x10];
	(tm) =	ssettm $0x1  }
0x97: {  	s17 =	sld [smem:$0x3FFB];
	_ =	sdelay $0x3  }
0x98: {  	_ =	strace s17  }
0x99: {  	s4 =	sld [smem:$0x3FFC];
	_ =	sdelay $0x3  }
0x9a: {  	_ =	strace s4  }
0x9b: {  	s4 =	sld [smem:$0x3FFD];
	_ =	sdelay $0x3  }
0x9c: {  	_ =	strace s4  }
0x9d: {  	_ =	strace $0x8FFFFFFF  }
0x9e: {  	s18 =	sld [smem:$0x3FDB];
	_ =	sdelay $0x1  }
0x9f: {  	s19 =	simm.s32 $_scs_section_size  }
0xa0: {  	s6 =	simm.s32 $_size__tile_overlayer_lowered;
	s7 =	simm.s32 $_tile_overlayer_lowered  }
0xa1: {  	s22 =	simm.s32 $0x1BFF;
	s21 =	sshll.u32 s7, $0x1;
	s4 =	sadd.s32 s19, s18  }
0xa2: {  	s8 =	simm.s32 $0x0;
	s20 =	sshll.u32 s6, $0x1;
	s6 =	sadd.s32 s21, s4  }
0xa3: {  	[timem:s8], [sflag:s22] =	dma.local [hbm:s6], s20  }
0xa4: {  	_ =	swait.ge [sflag:s22], s20  }
0xa5: {  	s5 =	ssub.s32 $0x0, s20;
	[sflag:s22] =	ssyncset.done $0x0  }
0xa6: {  	[sflag:s22] =	ssyncadd.s32 s5;
	_ =	sdelay $0x1  }
0xa7: {  	s23 =	simm.s32 $0x1B8B  }
0xa8: {  	_ =	swait.ge [sflag:s23], $0x1  }
0xa9: {  	[sflag:s23] =	ssyncset.done $0x0  }
0xaa: {  	s25 =	simm.s32 $0x1B8E;
	s24 =	sld [smem:$0x3FFE];
	[sflag:s23] =	ssyncadd.s32 $0xFFFFFFFF  }
0xab: {  	s26 =	simm.s32 $execute0_lowered;
	[smem:$0x3FD2] =	sst s25  }
0xac: {  	s6 =	sshll.u32 s26, $0x1;
	_ =	strace $0x80000049;
	[dreg:$0x1] =	wrdreg $0xFFFFFFFF  }
0xad: {  	s28 =	simm.s32 $_size_execute0_lowered;
	s4 =	sadd.s32 s4, s6;
	[dreg:$0x0] =	wrdreg $0x0  }
0xae: {  	s6 =	sshll.u32 s28, $0x1;
	[dreg:$0x2] =	wrdreg s4  }
0xaf: {  	[dreg:$0x3] =	wrdreg s6  }
0xb0: {  	[dreg:$0x4] =	wrdreg $0xC0  }
0xb1: {  	_ =	task [dreg:s8], $0x5FFFF  }
0xb2: {  	[dreg:$0x1] =	wrdreg $0xFFFFFFFF  }
0xb3: {  	[dreg:$0x0] =	wrdreg $0x60  }
0xb4: {  	[dreg:$0x2] =	wrdreg s24  }
0xb5: {  	[dreg:$0x3] =	wrdreg s15  }
0xb6: {  	[dreg:$0x4] =	wrdreg s16  }
0xb7: {  	[dreg:$0x5] =	wrdreg $0x9  }
0xb8: {  	_ =	task.clear_ibuf [dreg:s8], $0x6FFFF;
	_ =	strace $0x90000049  }
0xb9: {  	s29 =	simm.s32 $0x9;
	_ =	strace $0x8000004B  }
0xba: {  	_ =	swait.ge [sflag:s29], $0x1  }
0xbb: {  	[sflag:s29] =	ssyncadd.s32 $0xFFFFFFFF  }
0xbc: {  	_ =	strace $0x9000004B  }
0xbd: {  	_ =	sfence  }
0xbe: {  	s30 =	sld [smem:$0x0];
	_ =	sdelay $0x2  }
0xbf: {  	s31 =	sshll.u32 s1, $0xD;
	s1 =	sshrl.u32 s1, $0x2  }
0xc0: {  	s3 =	sand.u32 $0x4000, s31;
	s1 =	sadd.s32 s1, s30  }
0xc1: {  	s0 =	sor.u32 s3, s0;
	s1 =	sshll.u32 s1, $0x11  }
0xc2: {  	s0 =	sor.u32 s1, s0  }
0xc3: {  	s0 =	sadd.s32 $0x8F2B, s0  }
0xc4: {  	[sflag:s0] =	ssyncadd.remote.s32 $0x1  }
0xc5: {  	_ =	sfence.sel $0xFFFF  }
0xc6: {  	[dreg:$0x0] =	wrdreg $0xFFFFFFFF;
	(pc) =	sbr.abs _section_cstart, $3  }
0xc7: {  	[dreg:$0x1] =	wrdreg $0xFFFFFFFF  }
0xc8: {  	_ =	task.clear_ibuf [dreg:s8], $0x2FFFF;
	_ =	strace $0x9FFFFFFF  }
0xc9: {  	(tm) =	ssettm $0x7FFFFFFF  }
tec
execute0_lowered:
.L_overlay_start_1:
0x0: {  	(tag) =	ssettag $0x1  }
0x1: {  	s5 =	rddreg [dreg:$0x0]  }
0x2: {  	s2 =	rddreg [dreg:$0x1]  }
0x3: {  	s0 =	srdreg.scid;
	s3 =	rddreg [dreg:$0x2]  }
0x4: {  	s4 =	simm.s32 $0x0;
	s11 =	simm.s32 $0x2;
	s12 =	simm.s32 $0x80  }
0x5: {  	s13 =	simm.s32 $0x880;
	s14 =	simm.s32 $0x1080;
	s15 =	simm.s32 $0x1880  }
0x6: {  	s16 =	simm.s32 $0x2080;
	s17 =	simm.s32 $0x2880;
	s18 =	simm.s32 $0x3080  }
0x7: {  	s19 =	simm.s32 $0x3880;
	s20 =	simm.s32 $0x4080;
	s21 =	simm.s32 $0x4880  }
0x8: {  	s22 =	simm.s32 $0x5080;
	s23 =	simm.s32 $0x5880;
	s24 =	simm.s32 $0x6080  }
0x9: {  	s25 =	simm.s32 $0x6880;
	s26 =	simm.s32 $0x7080;
	s6 =	sand.u32 $0x1, s0  }
0xa: {  	s28 =	simm.s32 $0x1;
	s0 =	stileid.u32;
	s1 =	sshll.u32 s6, $0x4  }
0xb: {  	[smem:$0x7FF] =	sst s4;
	s8 =	sadd.s32 $0x100, s3;
	s7 =	sor.u32 s0, s1  }
0xc: {  	s9 =	sadd.s32 $0x200, s3;
	s6 =	ssub.s32 $0x2, s6;
	s7 =	smul.u32 $0x5, s7  }
0xd: {  	v2 =	vlaneseq.u32;
	s1 =	rddreg [dreg:$0x3];
	_ =	strace $0x8000004A;
	s31 =	sshrl.u32 s6, $0x1  }
0xe: {  	vm0 =	vmmov $0xffff;
	v1 =	vshrl.u32 v2, $0x3;
	s10 =	ssub.s32 s6, s31;
	s6 =	sadd.s32 $0x100, s2;
	s5 =	sadd.s32 s7, s5  }
0xf: {  	v0 =	vand.u32 $0x7, v2;
	v2 =	vor.u32 $0x8, v2;
	v1 =	vmul.u32 $0x8, v1;
	s10 =	smax.u32 s10, $0x1;
	s7 =	sadd.s32 $0x200, s2;
	s5 =	sadd.s32 $0x2200, s5  }
.LBB2_1:
0x10: {  	[tilespmem:s4], [sflag:$0x2] =	stream.linear.gather [hbm4b:s5+s4], $0x28, $0x38;
	[tilespmem:$0x7880] =	vst v63  }
0x11: {  	_ =	swait.ge [sflag:s11], $0x28  }
0x12: {  	[sflag:s11] =	ssyncset.done $0x0  }
0x13: {  	[sflag:s11] =	ssyncadd.s32 $0xFFFFFFD8  }
0x14: {  	v3 =	vld [tilespmem:$0x0];
	_ =	sdelay $0x4  }
0x15: {  	v4 =	vshrl.u32 v3, $0x3  }
0x16: {  	v4 =	vmul.u32 $0x30, v4  }
0x17: {  	v3 =	vand.u32 $0x7, v3  }
0x18: {  	v3 =	vor.u32 v3, v4  }
0x19: {  	v4 =	vperm.xlane v3, v0;
	_ =	sdelay $0x1  }
0x1a: {  	v4 =	vadd.s32 v1, v4;
	_ =	sdelay $0x3  }
0x1b: {  	v3 =	vperm.xlane v3, v2  }
0x1c: {  	[tilespmem:s12], [sflag:$0x1] =	stream.indirect_vreg.gather [hbm4b:s2+s4], $0x80, v4, vm0, $0xb8;
	[tilespmem:$0x7880] =	vst v63  }
0x1d: {  	v3 =	vadd.s32 v1, v3  }
0x1e: {  	[tilespmem:s13], [sflag:$0x1] =	stream.indirect_vreg.gather [hbm4b:s6+s4], $0x80, v4, vm0, $0xb8;
	[tilespmem:$0x7880] =	vst v63  }
0x1f: {  	_ = 	snop  }
0x20: {  	[tilespmem:s14], [sflag:$0x1] =	stream.indirect_vreg.gather [hbm4b:s7+s4], $0x80, v4, vm0, $0xb8;
	[tilespmem:$0x7880] =	vst v63  }
0x21: {  	_ = 	snop  }
0x22: {  	[tilespmem:s15], [sflag:$0x1] =	stream.indirect_vreg.gather [hbm4b:s2+s4], $0x80, v3, vm0, $0xb8;
	[tilespmem:$0x7880] =	vst v63  }
0x23: {  	_ = 	snop  }
0x24: {  	[tilespmem:s16], [sflag:$0x1] =	stream.indirect_vreg.gather [hbm4b:s6+s4], $0x80, v3, vm0, $0xb8;
	[tilespmem:$0x7880] =	vst v63  }
0x25: {  	_ = 	snop  }
0x26: {  	[tilespmem:s17], [sflag:$0x1] =	stream.indirect_vreg.gather [hbm4b:s7+s4], $0x80, v3, vm0, $0xb8;
	[tilespmem:$0x7880] =	vst v63  }
0x27: {  	v3 =	vld [tilespmem:$0x10];
	_ =	sdelay $0x4  }
0x28: {  	v59 =	vshrl.u32 v3, $0x3  }
0x29: {  	v4 =	vmul.u32 $0x30, v59  }
0x2a: {  	v3 =	vand.u32 $0x7, v3  }
0x2b: {  	v3 =	vor.u32 v3, v4  }
0x2c: {  	v4 =	vperm.xlane v3, v0;
	_ =	sdelay $0x1  }
0x2d: {  	v4 =	vadd.s32 v1, v4;
	_ =	sdelay $0x3  }
0x2e: {  	v3 =	vperm.xlane v3, v2  }
0x2f: {  	[tilespmem:s18], [sflag:$0x1] =	stream.indirect_vreg.gather [hbm4b:s2+s4], $0x80, v4, vm0, $0xb8;
	[tilespmem:$0x7880] =	vst v63  }
0x30: {  	v3 =	vadd.s32 v1, v3  }
0x31: {  	[tilespmem:s19], [sflag:$0x1] =	stream.indirect_vreg.gather [hbm4b:s6+s4], $0x80, v4, vm0, $0xb8;
	[tilespmem:$0x7880] =	vst v63  }
0x32: {  	_ = 	snop  }
0x33: {  	[tilespmem:s20], [sflag:$0x1] =	stream.indirect_vreg.gather [hbm4b:s7+s4], $0x80, v4, vm0, $0xb8;
	[tilespmem:$0x7880] =	vst v63  }
0x34: {  	_ = 	snop  }
0x35: {  	[tilespmem:s21], [sflag:$0x1] =	stream.indirect_vreg.gather [hbm4b:s2+s4], $0x80, v3, vm0, $0xb8;
	[tilespmem:$0x7880] =	vst v63  }
0x36: {  	_ = 	snop  }
0x37: {  	[tilespmem:s22], [sflag:$0x1] =	stream.indirect_vreg.gather [hbm4b:s6+s4], $0x80, v3, vm0, $0xb8;
	[tilespmem:$0x7880] =	vst v63  }
0x38: {  	_ = 	snop  }
0x39: {  	[tilespmem:s23], [sflag:$0x1] =	stream.indirect_vreg.gather [hbm4b:s7+s4], $0x80, v3, vm0, $0xb8;
	[tilespmem:$0x7880] =	vst v63  }
0x3a: {  	v3 =	vld.msk [tilespmem:$0x20], $0xff;
	_ =	sdelay $0x4  }
0x3b: {  	v60 =	vshrl.u32 v3, $0x3  }
0x3c: {  	v4 =	vmul.u32 $0x30, v60  }
0x3d: {  	v3 =	vand.u32 $0x7, v3  }
0x3e: {  	v3 =	vor.u32 v3, v4  }
0x3f: {  	v3 =	vperm.xlane v3, v0;
	_ =	sdelay $0x1  }
0x40: {  	v3 =	vadd.s32 v1, v3;
	_ =	sdelay $0x4  }
0x41: {  	[tilespmem:s24], [sflag:$0x1] =	stream.indirect_vreg.gather [hbm4b:s2+s4], $0x80, v3, vm0, $0xb8;
	[tilespmem:$0x7880] =	vst v63  }
0x42: {  	_ = 	snop  }
0x43: {  	[tilespmem:s25], [sflag:$0x1] =	stream.indirect_vreg.gather [hbm4b:s6+s4], $0x80, v3, vm0, $0xb8;
	[tilespmem:$0x7880] =	vst v63  }
0x44: {  	_ = 	snop  }
0x45: {  	[tilespmem:s26], [sflag:$0x1] =	stream.indirect_vreg.gather [hbm4b:s7+s4], $0x80, v3, vm0, $0xb8;
	[tilespmem:$0x7880] =	vst v63  }
0x46: {  	_ =	swait.ge [sflag:s28], $0x7800  }
0x47: {  	[sflag:s28] =	ssyncset.done $0x0  }
0x48: {  	[sflag:s28] =	ssyncadd.s32 $0xFFFF8800  }
0x49: {  	v3 =	vld [tilespmem:$0x0];
	_ =	sdelay $0x4  }
0x4a: {  	v61 =	vshrl.u32 v3, $0x3  }
0x4b: {  	v4 =	vmul.u32 $0x30, v61  }
0x4c: {  	v3 =	vand.u32 $0x7, v3  }
0x4d: {  	v3 =	vor.u32 v3, v4  }
0x4e: {  	v4 =	vperm.xlane v3, v0;
	_ =	sdelay $0x1  }
0x4f: {  	v4 =	vadd.s32 v1, v4;
	_ =	sdelay $0x3  }
0x50: {  	v3 =	vperm.xlane v3, v2  }
0x51: {  	[hbm4b:s3+s4] =	stream.indirect_vreg.scatter [tilespmem:s12], [sflag:$0x2], $0x80, v4, vm0, $0xb8;
	[tilespmem:$0x7880] =	vst v63  }
0x52: {  	v3 =	vadd.s32 v1, v3  }
0x53: {  	[hbm4b:s8+s4] =	stream.indirect_vreg.scatter [tilespmem:s13], [sflag:$0x2], $0x80, v4, vm0, $0xb8;
	[tilespmem:$0x7880] =	vst v63  }
0x54: {  	_ = 	snop  }
0x55: {  	[hbm4b:s9+s4] =	stream.indirect_vreg.scatter [tilespmem:s14], [sflag:$0x2], $0x80, v4, vm0, $0xb8;
	[tilespmem:$0x7880] =	vst v63  }
0x56: {  	_ = 	snop  }
0x57: {  	[hbm4b:s3+s4] =	stream.indirect_vreg.scatter [tilespmem:s15], [sflag:$0x2], $0x80, v3, vm0, $0xb8;
	[tilespmem:$0x7880] =	vst v63  }
0x58: {  	_ = 	snop  }
0x59: {  	[hbm4b:s8+s4] =	stream.indirect_vreg.scatter [tilespmem:s16], [sflag:$0x2], $0x80, v3, vm0, $0xb8;
	[tilespmem:$0x7880] =	vst v63  }
0x5a: {  	_ = 	snop  }
0x5b: {  	[hbm4b:s9+s4] =	stream.indirect_vreg.scatter [tilespmem:s17], [sflag:$0x2], $0x80, v3, vm0, $0xb8;
	[tilespmem:$0x7880] =	vst v63  }
0x5c: {  	v3 =	vld [tilespmem:$0x10];
	_ =	sdelay $0x4  }
0x5d: {  	v62 =	vshrl.u32 v3, $0x3  }
0x5e: {  	v4 =	vmul.u32 $0x30, v62  }
0x5f: {  	v3 =	vand.u32 $0x7, v3  }
0x60: {  	v3 =	vor.u32 v3, v4  }
0x61: {  	v4 =	vperm.xlane v3, v0;
	_ =	sdelay $0x1  }
0x62: {  	v4 =	vadd.s32 v1, v4;
	_ =	sdelay $0x3  }
0x63: {  	v3 =	vperm.xlane v3, v2  }
0x64: {  	[hbm4b:s3+s4] =	stream.indirect_vreg.scatter [tilespmem:s18], [sflag:$0x2], $0x80, v4, vm0, $0xb8;
	[tilespmem:$0x7880] =	vst v63  }
0x65: {  	v3 =	vadd.s32 v1, v3  }
0x66: {  	[hbm4b:s8+s4] =	stream.indirect_vreg.scatter [tilespmem:s19], [sflag:$0x2], $0x80, v4, vm0, $0xb8;
	[tilespmem:$0x7880] =	vst v63  }
0x67: {  	_ = 	snop  }
0x68: {  	[hbm4b:s9+s4] =	stream.indirect_vreg.scatter [tilespmem:s20], [sflag:$0x2], $0x80, v4, vm0, $0xb8;
	[tilespmem:$0x7880] =	vst v63  }
0x69: {  	_ = 	snop  }
0x6a: {  	[hbm4b:s3+s4] =	stream.indirect_vreg.scatter [tilespmem:s21], [sflag:$0x2], $0x80, v3, vm0, $0xb8;
	[tilespmem:$0x7880] =	vst v63  }
0x6b: {  	_ = 	snop  }
0x6c: {  	[hbm4b:s8+s4] =	stream.indirect_vreg.scatter [tilespmem:s22], [sflag:$0x2], $0x80, v3, vm0, $0xb8;
	[tilespmem:$0x7880] =	vst v63  }
0x6d: {  	_ = 	snop  }
0x6e: {  	[hbm4b:s9+s4] =	stream.indirect_vreg.scatter [tilespmem:s23], [sflag:$0x2], $0x80, v3, vm0, $0xb8;
	[tilespmem:$0x7880] =	vst v63  }
0x6f: {  	v3 =	vld.msk [tilespmem:$0x20], $0xff;
	_ =	sdelay $0x4  }
0x70: {  	v63 =	vshrl.u32 v3, $0x3  }
0x71: {  	v4 =	vmul.u32 $0x30, v63  }
0x72: {  	v3 =	vand.u32 $0x7, v3  }
0x73: {  	v3 =	vor.u32 v3, v4  }
0x74: {  	v3 =	vperm.xlane v3, v0;
	_ =	sdelay $0x1  }
0x75: {  	v3 =	vadd.s32 v1, v3;
	_ =	sdelay $0x4  }
0x76: {  	[hbm4b:s3+s4] =	stream.indirect_vreg.scatter [tilespmem:s24], [sflag:$0x2], $0x80, v3, vm0, $0xb8;
	[tilespmem:$0x7880] =	vst v63  }
0x77: {  	p0 =	sne.s32 s10, $0x1  }
0x78: {  	[hbm4b:s8+s4] =	stream.indirect_vreg.scatter [tilespmem:s25], [sflag:$0x2], $0x80, v3, vm0, $0xb8;
	[tilespmem:$0x7880] =	vst v63  }
.Ltmp0:
0x79: {  	_ = 	snop;
	(pc) =	sbr.rel @p0 .LBB2_1-.Ltmp0, $4  }
0x7a: {  	[hbm4b:s9+s4] =	stream.indirect_vreg.scatter [tilespmem:s26], [sflag:$0x2], $0x80, v3, vm0, $0xb8;
	[tilespmem:$0x7880] =	vst v63  }
0x7b: {  	_ =	swait.ge [sflag:s11], $0x7800  }
0x7c: {  	[sflag:s11] =	ssyncset.done $0x0  }
0x7d: {  	s10 =	sadd.s32 $0xFFFFFFFF, s10;
	[sflag:s11] =	ssyncadd.s32 $0xFFFF8800  }
0x7e: {  	_ =	sfence.sel $0x180000  }
0x7f: {  	[bflag:$0x0] =	sbarrier.arrive $0xFFFF  }
0x80: {  	p0 =	sne.s32 s0, $0x0;
	_ =	strace $0x9000004A  }
0x81: {  	s0 =	sadd.s32 @!p0 $0x100000, s1;
	[bflag:$0x2] =	sbarrier.arrive $0xFFFF  }
0x82: {  	[sflag:s0] =	ssyncadd.tile.s32 @!p0 $0x1;
	_ =	shalt  }
.Lfunc_end2:
_tile_overlayer_lowered:
.L_overlay_start_2:
0x83: {  	(tag) =	ssettag $0x2  }
0x84: {  	s0 =	rddreg [dreg:$0x0];
	s2 =	stileid.u32  }
0x85: {  	s1 =	rddreg [dreg:$0x1];
	p0 =	sne.s32 s2, $0x0  }
0x86: {  	s3 =	rddreg [dreg:$0x2];
	[bflag:$0x3] =	sbarrier.arrive $0xFFFF;
	s2 =	simm.s32 @!p0 $0x1C02  }
0x87: {  	[timem:s3], [sflag:s2] =	dma.local @!p0 [hbm:s0], s1  }
0x88: {  	s0 =	simm.s32 @!p0 $0x2  }
0x89: {  	_ =	swait.ge @!p0 [sflag:s0], s1  }
0x8a: {  	s1 =	ssub.s32 @!p0 $0x0, s1;
	[sflag:s0] =	ssyncset.done @!p0 $0x0  }
0x8b: {  	[sflag:s0] =	ssyncadd.s32 @!p0 s1  }
0x8c: {  	[bflag:$0x3] =	sbarrier.arrive $0xFFFF  }
0x8d: {  	_ =	shalt  }

</sc_bundles>
